<compile_context>
chip_gen: v7x
topology: tpu7x:2x2x1
jax: 0.10.2.dev20260603
libtpu: 0.0.44.dev20260713+nightly
codegen_flags: <defaults>
</compile_context>

<pallas_src>
import functools

import jax
import jax.numpy as jnp
from jax import lax
from jax.experimental import pallas as pl
from jax.experimental.pallas import tpu as pltpu
from jax.experimental.pallas import tpu_sc as plsc

N = 10000
D = 128
E = 320000
B = 1024
HID = 256
OUT = 64

NC = 2
NS = 16
NW = NC * NS

RW = 80
ROWS = E // RW
NR = ROWS // NW
NP = 10240
NPS = NP // NS
ZR = 128

XH = 64
NRS = ROWS // NS
SE = 80

@functools.lru_cache(maxsize=None)
def _mesh():
    return plsc.VectorSubcoreMesh(core_axis_name="c", subcore_axis_name="s",
                                  num_cores=NC, num_subcores=NS)


def _zero_shared(zbuf, shared, s, width):
    z16 = jnp.zeros((16,), jnp.float32)

    def zrow(i, carry):
        for k in range(width // 16):
            zbuf[i, pl.ds(k * 16, 16)] = z16
        return carry

    lax.fori_loop(0, ZR, zrow, 0)
    for k in range(NPS // ZR):
        pltpu.sync_copy(zbuf, shared.at[pl.ds(s * NPS + k * ZR, ZR)])


_PD = 3
_NBUF = 2 * _PD


def _edge_pipeline(table_hbm, sidx, didx, shared, bufs, gsems, ssems, n,
                   extra=None):
    assert n >= 2 * _NBUF

    def startG(r, k):
        pltpu.async_copy(table_hbm.at[sidx.at[r]], bufs[k], gsems[k])

    def waitG(r, k):
        pltpu.make_async_copy(table_hbm.at[sidx.at[r]], bufs[k],
                              gsems[k]).wait()

    def startS(r, k):
        pltpu.async_copy(bufs[k], shared.at[didx.at[r]], ssems[k], add=True)

    def waitS(r, k):
        pltpu.make_async_copy(bufs[k], shared.at[didx.at[r]],
                              ssems[k]).wait()

    def slot(r, k, has_prev, has_next):
        waitG(r, k)
        startS(r, k)
        if has_prev:
            waitS(r - _PD, (k - _PD) % _NBUF)
        if has_next:
            startG(r + _PD, (k + _PD) % _NBUF)
        if extra is not None:
            extra(r)

    for r in range(_PD):
        startG(r, r)
    for r in range(_NBUF):
        slot(r, r, r >= _PD, r + _PD < n)

    M = (n - 2 * _NBUF) // _NBUF

    def body(m, carry):
        base = _NBUF + _NBUF * m
        for k in range(_NBUF):
            slot(base + k, k, True, True)
        return carry

    lax.fori_loop(0, M, body, 0)
    for r in range(_NBUF + _NBUF * M, n):
        slot(r, r % _NBUF, True, r + _PD < n)
    for r in range(n - _PD, n):
        waitS(r, r % _NBUF)


def _sc_agg1_body(xcat_hbm, src_hbm, dst_hbm, out_hbm, degp_hbm,
                  sidx, didx, b0, b1, b2, b3, b4, b5, b6, b7, zbuf, deg,
                  shared, g0, g1, g2, g3, g4, g5, g6, g7,
                  s0, s1, s2, s3, s4, s5, s6, s7):
    c = lax.axis_index("c")
    s = lax.axis_index("s")
    wid = s * NC + c

    pltpu.sync_copy(src_hbm.at[s], sidx)
    pltpu.sync_copy(dst_hbm.at[s], didx)

    off = c * NP

    def adj(i, carry):
        for k in range(RW // 16):
            sidx[i, pl.ds(k * 16, 16)] = sidx[i, pl.ds(k * 16, 16)] + off
        return carry

    lax.fori_loop(0, NRS, adj, 0)

    z16 = jnp.zeros((16,), jnp.float32)

    def dz(i, carry):
        deg[pl.ds(i * 16, 16)] = z16
        return carry

    lax.fori_loop(0, NP // 16, dz, 0)

    one16 = jnp.ones((16,), jnp.float32)

    def count_deg(j):
        for k in range(RW // 16):
            plsc.addupdate_scatter(deg, [didx[j, pl.ds(k * 16, 16)]], one16)

    _zero_shared(zbuf, shared, s, XH)
    plsc.subcore_barrier()
    _edge_pipeline(xcat_hbm, sidx, didx, shared,
                   (b0, b1, b2, b3, b4, b5, b6, b7),
                   (g0, g1, g2, g3, g4, g5, g6, g7),
                   (s0, s1, s2, s3, s4, s5, s6, s7), NRS,
                   extra=count_deg)
    plsc.subcore_barrier()
    pltpu.sync_copy(shared.at[pl.ds(s * NPS, NPS)],
                    out_hbm.at[c, pl.ds(s * NPS, NPS), :])
    pltpu.sync_copy(deg, degp_hbm.at[wid])


@functools.lru_cache(maxsize=None)
def _sc_agg1():
    return pl.kernel(
        _sc_agg1_body,
        out_type=[
            jax.ShapeDtypeStruct((NC, NP, XH), jnp.float32),
            jax.ShapeDtypeStruct((NW, NP), jnp.float32),
        ],
        mesh=_mesh(),
        compiler_params=pltpu.CompilerParams(use_tc_tiling_on_sc=False,
                                             needs_layout_passes=False),
        scratch_types=[
            pltpu.VMEM((NRS, RW), jnp.int32),
            pltpu.VMEM((NRS, RW), jnp.int32),
        ] + [pltpu.VMEM((RW, XH), jnp.float32)] * 8 + [
            pltpu.VMEM((ZR, XH), jnp.float32),
            pltpu.VMEM((NP,), jnp.float32),
            pltpu.VMEM_SHARED((NP, XH), jnp.float32),
        ] + [pltpu.SemaphoreType.DMA] * 16,
    )


def _sc_layer2_body(g1_hbm, se_hbm, src_hbm, dst_hbm, ids_hbm,
                    ap_hbm, sg_hbm,
                    sidx, didx, b0, b1, b2, b3, b4, b5, b6, b7, zbuf, idv,
                    serows, idv2, aggrows, shared, g0, g1s, g2, g3, g4, g5,
                    g6, g7, s0, s1, s2, s3, s4, s5, s6, s7):
    c = lax.axis_index("c")
    s = lax.axis_index("s")
    wid = s * NC + c

    pltpu.sync_copy(src_hbm.at[wid], sidx)
    pltpu.sync_copy(dst_hbm.at[wid], didx)
    _zero_shared(zbuf, shared, s, OUT)
    plsc.subcore_barrier()
    _edge_pipeline(g1_hbm, sidx, didx, shared,
                   (b0, b1, b2, b3, b4, b5, b6, b7),
                   (g0, g1s, g2, g3, g4, g5, g6, g7),
                   (s0, s1, s2, s3, s4, s5, s6, s7), NR)

    nid = (2 * B) // NW
    pltpu.sync_copy(ids_hbm.at[pl.ds(wid * nid, nid)], idv)
    pltpu.async_copy(se_hbm.at[idv], serows, g0).wait()
    pltpu.sync_copy(serows, sg_hbm.at[pl.ds(wid * nid, nid)])

    plsc.subcore_barrier()

    nid2 = (2 * B) // NS
    pltpu.sync_copy(ids_hbm.at[pl.ds(s * nid2, nid2)], idv2)
    pltpu.async_copy(shared.at[idv2], aggrows, g0).wait()
    pltpu.sync_copy(aggrows, ap_hbm.at[c, pl.ds(s * nid2, nid2), :])


@functools.lru_cache(maxsize=None)
def _sc_layer2():
    return pl.kernel(
        _sc_layer2_body,
        out_type=[
            jax.ShapeDtypeStruct((NC, 2 * B, OUT), jnp.float32),
            jax.ShapeDtypeStruct((2 * B, SE), jnp.float32),
        ],
        mesh=_mesh(),
        compiler_params=pltpu.CompilerParams(use_tc_tiling_on_sc=False,
                                             needs_layout_passes=False),
        scratch_types=[
            pltpu.VMEM((NR, RW), jnp.int32),
            pltpu.VMEM((NR, RW), jnp.int32),
        ] + [pltpu.VMEM((RW, OUT), jnp.float32)] * 8 + [
            pltpu.VMEM((ZR, OUT), jnp.float32),
            pltpu.VMEM(((2 * B) // NW,), jnp.int32),
            pltpu.VMEM(((2 * B) // NW, SE), jnp.float32),
            pltpu.VMEM(((2 * B) // NS,), jnp.int32),
            pltpu.VMEM(((2 * B) // NS, OUT), jnp.float32),
            pltpu.VMEM_SHARED((NP, OUT), jnp.float32),
        ] + [pltpu.SemaphoreType.DMA] * 16,
    )


_RB = 1024


def _tc_b_kernel(aggp_ref, degp_ref, x_ref, ws1_ref, wn1_ref, b1_ref,
                 ws2_ref, wn2_ref, b2_ref, g1_ref, se_ref):
    a0 = aggp_ref[0]
    a1 = aggp_ref[1]
    deg = jnp.maximum(0.5 * jnp.sum(degp_ref[...], axis=0), 1.0)
    invdeg = 1.0 / deg
    mean = jnp.concatenate([a0, a1], axis=1) * invdeg[:, None]
    h1 = jnp.maximum(
        jnp.dot(x_ref[...], ws1_ref[...], preferred_element_type=jnp.float32)
        + jnp.dot(mean, wn1_ref[...], preferred_element_type=jnp.float32)
        + b1_ref[...][None, :], 0.0)
    g1_ref[...] = jnp.dot(h1, wn2_ref[...], preferred_element_type=jnp.float32)
    sf = jnp.dot(h1, ws2_ref[...], preferred_element_type=jnp.float32) \
        + b2_ref[...][None, :]
    se_ref[...] = jnp.concatenate(
        [sf, invdeg[:, None], jnp.zeros((_RB, SE - OUT - 1), jnp.float32)],
        axis=1)


def _tc_b(aggp, degp, x, ws1, wn1, b1, ws2, wn2, b2):
    return pl.pallas_call(
        _tc_b_kernel,
        grid=(NP // _RB,),
        in_specs=[
            pl.BlockSpec((NC, _RB, XH), lambda i: (0, i, 0)),
            pl.BlockSpec((NW, _RB), lambda i: (0, i)),
            pl.BlockSpec((_RB, D), lambda i: (i, 0)),
            pl.BlockSpec((D, HID), lambda i: (0, 0)),
            pl.BlockSpec((D, HID), lambda i: (0, 0)),
            pl.BlockSpec((HID,), lambda i: (0,)),
            pl.BlockSpec((HID, OUT), lambda i: (0, 0)),
            pl.BlockSpec((HID, OUT), lambda i: (0, 0)),
            pl.BlockSpec((OUT,), lambda i: (0,)),
        ],
        out_specs=[
            pl.BlockSpec((_RB, OUT), lambda i: (i, 0)),
            pl.BlockSpec((_RB, SE), lambda i: (i, 0)),
        ],
        out_shape=[
            jax.ShapeDtypeStruct((NP, OUT), jnp.float32),
            jax.ShapeDtypeStruct((NP, SE), jnp.float32),
        ],
    )(aggp, degp, x, ws1, wn1, b1, ws2, wn2, b2)


def _tc_d_kernel(sg_ref, ap_ref, fcw_ref, fcb_ref, g1_ref, be1_ref,
                 f1w_ref, f1b_ref, g2_ref, be2_ref, f2w_ref, f2b_ref,
                 out_ref):
    agg2 = ap_ref[0] + ap_ref[1]
    slg = sg_ref[:, :OUT] + sg_ref[:, OUT:OUT + 1] * agg2
    fused = jnp.concatenate([slg[:B], slg[B:]], axis=1)

    def bn_relu(h, g, beta):
        mu = jnp.mean(h, axis=0, keepdims=True)
        var = jnp.mean((h - mu) * (h - mu), axis=0, keepdims=True)
        return jnp.maximum(g[None, :] * (h - mu) / jnp.sqrt(var + 1e-5)
                           + beta[None, :], 0.0)

    h = jnp.dot(fused, fcw_ref[...], preferred_element_type=jnp.float32) \
        + fcb_ref[...][None, :]
    h = bn_relu(h, g1_ref[...], be1_ref[...])
    h = jnp.dot(h, f1w_ref[...], preferred_element_type=jnp.float32) \
        + f1b_ref[...][None, :]
    h = bn_relu(h, g2_ref[...], be2_ref[...])
    out_ref[...] = jnp.dot(h, f2w_ref[...],
                           preferred_element_type=jnp.float32) \
        + f2b_ref[...][None, :]


def _tc_d(sg, ap, fc_W, fc_b, bn1_g, bn1_b, fc1_W, fc1_b, bn2_g, bn2_b,
          fc2_W, fc2_b):
    return pl.pallas_call(
        _tc_d_kernel,
        out_shape=jax.ShapeDtypeStruct((B, 1), jnp.float32),
    )(sg, ap, fc_W, fc_b, bn1_g, bn1_b, fc1_W, fc1_b, bn2_g, bn2_b,
      fc2_W, fc2_b)


def kernel(x, edge_index, head_ids, tail_ids,
           W_self1, W_neigh1, b1, W_self2, W_neigh2, b2,
           fc_W, fc_b, bn1_g, bn1_b, fc1_W, fc1_b, bn2_g, bn2_b,
           fc2_W, fc2_b):
    srcf = edge_index[0].astype(jnp.int32)
    dstf = edge_index[1].astype(jnp.int32)
    src = srcf.reshape(NW, NR, RW)
    dst = dstf.reshape(NW, NR, RW)
    src16 = srcf.reshape(NS, NRS, RW)
    dst16 = dstf.reshape(NS, NRS, RW)
    xp = jnp.pad(x, ((0, NP - N), (0, 0)))
    xcat = jnp.concatenate([xp[:, :XH], xp[:, XH:]], axis=0)
    ids2 = jnp.concatenate([head_ids, tail_ids]).astype(jnp.int32)

    aggp, degp = _sc_agg1()(xcat, src16, dst16)
    g1, se = _tc_b(aggp, degp, xp, W_self1, W_neigh1, b1, W_self2, W_neigh2,
                   b2)
    ap, sg = _sc_layer2()(g1, se, src, dst, ids2)
    return _tc_d(sg, ap, fc_W, fc_b, bn1_g, bn1_b, fc1_W, fc1_b,
                 bn2_g, bn2_b, fc2_W, fc2_b)

# --- scband reference (transcript-rebuilt; emitter-appended) ---
"""Pipeline reference for scband-sub-slgraph-model-2061584302283 (READ-ONLY COPY).

The authoritative reference and input builder live on the scoring server;
editing this copy changes nothing except your own understanding.
"""

import jax, jax.numpy as jnp
import numpy as np

N_NODES = 10000
D_FEAT = 128
N_EDGES = 320000
B = 1024
HID = 256
OUT = 64


def _init(key, shape, fan_in):
    return jax.random.normal(key, shape, jnp.float32) / np.sqrt(fan_in)


def setup_inputs(seed: int = 0) -> dict:
    key = jax.random.key(seed)
    ks = jax.random.split(key, 16)
    x = jax.random.normal(ks[0], (N_NODES, D_FEAT), jnp.float32)
    edge_index = jax.random.randint(ks[1], (2, N_EDGES), 0, N_NODES)
    head_ids = jax.random.randint(ks[2], (B,), 0, N_NODES)
    tail_ids = jax.random.randint(ks[3], (B,), 0, N_NODES)
    return {
        "x": x,
        "edge_index": edge_index,
        "head_ids": head_ids,
        "tail_ids": tail_ids,
        # SLGraphGNN layer 1 (SAGE-style: self + mean-neighbor transforms)
        "W_self1": _init(ks[4], (D_FEAT, HID), D_FEAT),
        "W_neigh1": _init(ks[5], (D_FEAT, HID), D_FEAT),
        "b1": jnp.zeros((HID,), jnp.float32),
        # SLGraphGNN layer 2
        "W_self2": _init(ks[6], (HID, OUT), HID),
        "W_neigh2": _init(ks[7], (HID, OUT), HID),
        "b2": jnp.zeros((OUT,), jnp.float32),
        # fc_layer: gene_dim*2 = 128 -> 256
        "fc_W": _init(ks[8], (2 * OUT, 256), 2 * OUT),
        "fc_b": jnp.zeros((256,), jnp.float32),
        "bn1_g": jnp.ones((256,), jnp.float32),
        "bn1_b": jnp.zeros((256,), jnp.float32),
        # fc_layer_1: 256 -> 128
        "fc1_W": _init(ks[9], (256, 128), 256),
        "fc1_b": jnp.zeros((128,), jnp.float32),
        "bn2_g": jnp.ones((128,), jnp.float32),
        "bn2_b": jnp.zeros((128,), jnp.float32),
        # fc_layer_2: 128 -> 1
        "fc2_W": _init(ks[10], (128, 1), 128),
        "fc2_b": jnp.zeros((1,), jnp.float32),
    }


def reference(x, edge_index, head_ids, tail_ids,
              W_self1, W_neigh1, b1, W_self2, W_neigh2, b2,
              fc_W, fc_b, bn1_g, bn1_b, fc1_W, fc1_b, bn2_g, bn2_b,
              fc2_W, fc2_b):
    N = x.shape[0]
    src = edge_index[0]
    dst = edge_index[1]

    def sage(h, Ws, Wn, b):
        msgs = h[src]                                   # gather (SparseCore)
        agg = jax.ops.segment_sum(msgs, dst, num_segments=N)   # scatter-add
        deg = jax.ops.segment_sum(jnp.ones((src.shape[0], 1), h.dtype), dst, num_segments=N)
        mean = agg / jnp.clip(deg, 1.0)
        return h @ Ws + mean @ Wn + b

    h1 = jax.nn.relu(sage(x, W_self1, W_neigh1, b1))
    slg = sage(h1, W_self2, W_neigh2, b2)               # [N, 64] graph_out_mat

    head_feat = slg[head_ids]                            # _get_sl_gene_graph_feat
    tail_feat = slg[tail_ids]
    fused = jnp.concatenate([head_feat, tail_feat], axis=1)  # [B, 128]

    def bn(h, g, beta):
        mu = h.mean(axis=0)
        var = h.var(axis=0)
        return g * (h - mu) / jnp.sqrt(var + 1e-5) + beta

    # dropout is identity at inference
    h = fused @ fc_W + fc_b
    h = jax.nn.relu(bn(h, bn1_g, bn1_b))
    h = h @ fc1_W + fc1_b
    h = jax.nn.relu(bn(h, bn2_g, bn2_b))
    predict_out = h @ fc2_W + fc2_b                      # [B, 1]
    return predict_out

if __name__ == "__main__":
    import jax
    _d = setup_inputs()
    print(jax.jit(kernel)(*tuple(_d.values())))

</pallas_src>

<mosaic_0001>
#map = affine_map<(d0, d1) -> (0, 0)>
#map1 = affine_map<(d0, d1) -> (0, 0, 0)>
module attributes {stable_mosaic.version = 14 : i64} {
  func.func @_sc_agg1_body(%arg0: i32, %arg1: i32, %arg2: memref<20480x64xf32, #tpu.memory_space<hbm>>, %arg3: memref<16x250x80xi32, #tpu.memory_space<hbm>>, %arg4: memref<16x250x80xi32, #tpu.memory_space<hbm>>, %arg5: memref<2x10240x64xf32, #tpu.memory_space<hbm>>, %arg6: memref<32x10240xf32, #tpu.memory_space<hbm>>, %arg7: memref<250x80xi32, #tpu.memory_space<vmem>>, %arg8: memref<250x80xi32, #tpu.memory_space<vmem>>, %arg9: memref<80x64xf32, #tpu.memory_space<vmem>>, %arg10: memref<80x64xf32, #tpu.memory_space<vmem>>, %arg11: memref<80x64xf32, #tpu.memory_space<vmem>>, %arg12: memref<80x64xf32, #tpu.memory_space<vmem>>, %arg13: memref<80x64xf32, #tpu.memory_space<vmem>>, %arg14: memref<80x64xf32, #tpu.memory_space<vmem>>, %arg15: memref<80x64xf32, #tpu.memory_space<vmem>>, %arg16: memref<80x64xf32, #tpu.memory_space<vmem>>, %arg17: memref<128x64xf32, #tpu.memory_space<vmem>>, %arg18: memref<10240xf32, #tpu.memory_space<vmem>>, %arg19: memref<10240x64xf32, #tpu.memory_space<vmem_shared>>, %arg20: memref<!tpu.dma_semaphore, #tpu.memory_space<semaphore_mem>>, %arg21: memref<!tpu.dma_semaphore, #tpu.memory_space<semaphore_mem>>, %arg22: memref<!tpu.dma_semaphore, #tpu.memory_space<semaphore_mem>>, %arg23: memref<!tpu.dma_semaphore, #tpu.memory_space<semaphore_mem>>, %arg24: memref<!tpu.dma_semaphore, #tpu.memory_space<semaphore_mem>>, %arg25: memref<!tpu.dma_semaphore, #tpu.memory_space<semaphore_mem>>, %arg26: memref<!tpu.dma_semaphore, #tpu.memory_space<semaphore_mem>>, %arg27: memref<!tpu.dma_semaphore, #tpu.memory_space<semaphore_mem>>, %arg28: memref<!tpu.dma_semaphore, #tpu.memory_space<semaphore_mem>>, %arg29: memref<!tpu.dma_semaphore, #tpu.memory_space<semaphore_mem>>, %arg30: memref<!tpu.dma_semaphore, #tpu.memory_space<semaphore_mem>>, %arg31: memref<!tpu.dma_semaphore, #tpu.memory_space<semaphore_mem>>, %arg32: memref<!tpu.dma_semaphore, #tpu.memory_space<semaphore_mem>>, %arg33: memref<!tpu.dma_semaphore, #tpu.memory_space<semaphore_mem>>, %arg34: memref<!tpu.dma_semaphore, #tpu.memory_space<semaphore_mem>>, %arg35: memref<!tpu.dma_semaphore, #tpu.memory_space<semaphore_mem>>) attributes {dimension_semantics = [#tpu.dimension_semantics<core_parallel>, #tpu.dimension_semantics<subcore_parallel>], iteration_bounds = array<i64: 2, 16>, scalar_prefetch = 0 : i64, scratch_operands = 29 : i64, tpu.core_type = #tpu.core_type<sc_vector_subcore>, window_params = [{transform_indices = #map}, {transform_indices = #map1}, {transform_indices = #map1}, {transform_indices = #map1}, {transform_indices = #map}]} {
    %mul3A = arith.constant 2 : i32
    %mul3A_0 = arith.muli %arg1, %mul3A : i32
    %add3A = arith.addi %mul3A_0, %arg0 : i32
    "tpu.region"() ({
      %run_scoped3A = tpu.sem_alloc : memref<!tpu.dma_semaphore, #tpu.memory_space<semaphore_mem>>
      %dma_start3A_821 = arith.constant 0 : i32
      %dma_start3A_822 = arith.constant 0 : i32
      %dma_start3A_823 = tpu.memref_slice %arg3[%arg1, %dma_start3A_821, %dma_start3A_822] : memref<16x250x80xi32, #tpu.memory_space<hbm>> -> memref<1x250x80xi32, #tpu.memory_space<hbm>>
      %dma_start3A_824 = tpu.memref_squeeze %dma_start3A_823 : memref<1x250x80xi32, #tpu.memory_space<hbm>> -> memref<250x80xi32, #tpu.memory_space<hbm>>
      %dma_start3A_825 = arith.constant 0 : i32
      %dma_start3A_826 = arith.constant 0 : i32
      %dma_start3A_827 = tpu.memref_slice %arg3[%arg1, %dma_start3A_825, %dma_start3A_826] : memref<16x250x80xi32, #tpu.memory_space<hbm>> -> memref<1x250x80xi32, #tpu.memory_space<hbm>>
      %dma_start3A_828 = tpu.memref_squeeze %dma_start3A_827 : memref<1x250x80xi32, #tpu.memory_space<hbm>> -> memref<250x80xi32, #tpu.memory_space<hbm>>
      tpu.enqueue_dma source(%dma_start3A_828 : memref<250x80xi32, #tpu.memory_space<hbm>>) target(%arg7 : memref<250x80xi32, #tpu.memory_space<vmem>>) target_semaphore(%run_scoped3A : memref<!tpu.dma_semaphore, #tpu.memory_space<semaphore_mem>>)
      %dma_wait3A_829 = arith.constant 0 : i32
      %dma_wait3A_830 = arith.constant 0 : i32
      %dma_wait3A_831 = tpu.memref_slice %arg3[%arg1, %dma_wait3A_829, %dma_wait3A_830] : memref<16x250x80xi32, #tpu.memory_space<hbm>> -> memref<1x250x80xi32, #tpu.memory_space<hbm>>
      %dma_wait3A_832 = tpu.memref_squeeze %dma_wait3A_831 : memref<1x250x80xi32, #tpu.memory_space<hbm>> -> memref<250x80xi32, #tpu.memory_space<hbm>>
      %dma_wait3A_833 = arith.constant 0 : i32
      %dma_wait3A_834 = arith.constant 0 : i32
      %dma_wait3A_835 = tpu.memref_slice %arg3[%arg1, %dma_wait3A_833, %dma_wait3A_834] : memref<16x250x80xi32, #tpu.memory_space<hbm>> -> memref<1x250x80xi32, #tpu.memory_space<hbm>>
      %dma_wait3A_836 = tpu.memref_squeeze %dma_wait3A_835 : memref<1x250x80xi32, #tpu.memory_space<hbm>> -> memref<250x80xi32, #tpu.memory_space<hbm>>
      tpu.wait_dma2 semaphore(%run_scoped3A : memref<!tpu.dma_semaphore, #tpu.memory_space<semaphore_mem>>) src(%dma_wait3A_836 : memref<250x80xi32, #tpu.memory_space<hbm>>) dst(%arg7 : memref<250x80xi32, #tpu.memory_space<vmem>>)
      tpu.yield
    }) : () -> ()
    "tpu.region"() ({
      %run_scoped3A = tpu.sem_alloc : memref<!tpu.dma_semaphore, #tpu.memory_space<semaphore_mem>>
      %dma_start3A_821 = arith.constant 0 : i32
      %dma_start3A_822 = arith.constant 0 : i32
      %dma_start3A_823 = tpu.memref_slice %arg4[%arg1, %dma_start3A_821, %dma_start3A_822] : memref<16x250x80xi32, #tpu.memory_space<hbm>> -> memref<1x250x80xi32, #tpu.memory_space<hbm>>
      %dma_start3A_824 = tpu.memref_squeeze %dma_start3A_823 : memref<1x250x80xi32, #tpu.memory_space<hbm>> -> memref<250x80xi32, #tpu.memory_space<hbm>>
      %dma_start3A_825 = arith.constant 0 : i32
      %dma_start3A_826 = arith.constant 0 : i32
      %dma_start3A_827 = tpu.memref_slice %arg4[%arg1, %dma_start3A_825, %dma_start3A_826] : memref<16x250x80xi32, #tpu.memory_space<hbm>> -> memref<1x250x80xi32, #tpu.memory_space<hbm>>
      %dma_start3A_828 = tpu.memref_squeeze %dma_start3A_827 : memref<1x250x80xi32, #tpu.memory_space<hbm>> -> memref<250x80xi32, #tpu.memory_space<hbm>>
      tpu.enqueue_dma source(%dma_start3A_828 : memref<250x80xi32, #tpu.memory_space<hbm>>) target(%arg8 : memref<250x80xi32, #tpu.memory_space<vmem>>) target_semaphore(%run_scoped3A : memref<!tpu.dma_semaphore, #tpu.memory_space<semaphore_mem>>)
      %dma_wait3A_829 = arith.constant 0 : i32
      %dma_wait3A_830 = arith.constant 0 : i32
      %dma_wait3A_831 = tpu.memref_slice %arg4[%arg1, %dma_wait3A_829, %dma_wait3A_830] : memref<16x250x80xi32, #tpu.memory_space<hbm>> -> memref<1x250x80xi32, #tpu.memory_space<hbm>>
      %dma_wait3A_832 = tpu.memref_squeeze %dma_wait3A_831 : memref<1x250x80xi32, #tpu.memory_space<hbm>> -> memref<250x80xi32, #tpu.memory_space<hbm>>
      %dma_wait3A_833 = arith.constant 0 : i32
      %dma_wait3A_834 = arith.constant 0 : i32
      %dma_wait3A_835 = tpu.memref_slice %arg4[%arg1, %dma_wait3A_833, %dma_wait3A_834] : memref<16x250x80xi32, #tpu.memory_space<hbm>> -> memref<1x250x80xi32, #tpu.memory_space<hbm>>
      %dma_wait3A_836 = tpu.memref_squeeze %dma_wait3A_835 : memref<1x250x80xi32, #tpu.memory_space<hbm>> -> memref<250x80xi32, #tpu.memory_space<hbm>>
      tpu.wait_dma2 semaphore(%run_scoped3A : memref<!tpu.dma_semaphore, #tpu.memory_space<semaphore_mem>>) src(%dma_wait3A_836 : memref<250x80xi32, #tpu.memory_space<hbm>>) dst(%arg8 : memref<250x80xi32, #tpu.memory_space<vmem>>)
      tpu.yield
    }) : () -> ()
    %mul3A_1 = arith.constant 10240 : i32
    %mul3A_2 = arith.muli %arg0, %mul3A_1 : i32
    %scan3A = arith.constant 0 : i32
    %scan3A_3 = arith.constant 0 : i32
    %scan3A_4 = arith.constant 250 : i32
    %scan3A_5 = arith.addi %scan3A_3, %scan3A_4 : i32
    %scan3A_6 = arith.constant 1 : i32
    scf.for %scan3A_821 = %scan3A_3 to %scan3A_5 step %scan3A_6  : i32 {
      %get3A_822 = arith.index_cast %scan3A_821 : i32 to index
      %get3A_823 = arith.constant 0 : index
      %get3A_824 = tpu.vector_load %arg7[%get3A_822, %get3A_823] {strides = array<i32>} : memref<250x80xi32, #tpu.memory_space<vmem>>, vector<16xi32>,
      %add3A_825 = vector.broadcast %mul3A_2 : i32 to vector<16xi32>
      %add3A_826 = arith.addi %get3A_824, %add3A_825 : vector<16xi32>
      %swap3A = arith.index_cast %scan3A_821 : i32 to index
      %swap3A_827 = arith.constant 0 : index
      %swap3A_828 = tpu.vector_load %arg7[%swap3A, %swap3A_827] {strides = array<i32>} : memref<250x80xi32, #tpu.memory_space<vmem>>, vector<16xi32>,
      tpu.vector_store %arg7[%swap3A, %swap3A_827], %add3A_826 {strides = array<i32>} : memref<250x80xi32, #tpu.memory_space<vmem>>, vector<16xi32>,
      %get3A_829 = arith.index_cast %scan3A_821 : i32 to index
      %get3A_830 = arith.constant 16 : index
      %get3A_831 = tpu.vector_load %arg7[%get3A_829, %get3A_830] {strides = array<i32>} : memref<250x80xi32, #tpu.memory_space<vmem>>, vector<16xi32>,
      %add3A_832 = vector.broadcast %mul3A_2 : i32 to vector<16xi32>
      %add3A_833 = arith.addi %get3A_831, %add3A_832 : vector<16xi32>
      %swap3A_834 = arith.index_cast %scan3A_821 : i32 to index
      %swap3A_835 = arith.constant 16 : index
      %swap3A_836 = tpu.vector_load %arg7[%swap3A_834, %swap3A_835] {strides = array<i32>} : memref<250x80xi32, #tpu.memory_space<vmem>>, vector<16xi32>,
      tpu.vector_store %arg7[%swap3A_834, %swap3A_835], %add3A_833 {strides = array<i32>} : memref<250x80xi32, #tpu.memory_space<vmem>>, vector<16xi32>,
      %get3A_837 = arith.index_cast %scan3A_821 : i32 to index
      %get3A_838 = arith.constant 32 : index
      %get3A_839 = tpu.vector_load %arg7[%get3A_837, %get3A_838] {strides = array<i32>} : memref<250x80xi32, #tpu.memory_space<vmem>>, vector<16xi32>,
      %add3A_840 = vector.broadcast %mul3A_2 : i32 to vector<16xi32>
      %add3A_841 = arith.addi %get3A_839, %add3A_840 : vector<16xi32>
      %swap3A_842 = arith.index_cast %scan3A_821 : i32 to index
      %swap3A_843 = arith.constant 32 : index
      %swap3A_844 = tpu.vector_load %arg7[%swap3A_842, %swap3A_843] {strides = array<i32>} : memref<250x80xi32, #tpu.memory_space<vmem>>, vector<16xi32>,
      tpu.vector_store %arg7[%swap3A_842, %swap3A_843], %add3A_841 {strides = array<i32>} : memref<250x80xi32, #tpu.memory_space<vmem>>, vector<16xi32>,
      %get3A_845 = arith.index_cast %scan3A_821 : i32 to index
      %get3A_846 = arith.constant 48 : index
      %get3A_847 = tpu.vector_load %arg7[%get3A_845, %get3A_846] {strides = array<i32>} : memref<250x80xi32, #tpu.memory_space<vmem>>, vector<16xi32>,
      %add3A_848 = vector.broadcast %mul3A_2 : i32 to vector<16xi32>
      %add3A_849 = arith.addi %get3A_847, %add3A_848 : vector<16xi32>
      %swap3A_850 = arith.index_cast %scan3A_821 : i32 to index
      %swap3A_851 = arith.constant 48 : index
      %swap3A_852 = tpu.vector_load %arg7[%swap3A_850, %swap3A_851] {strides = array<i32>} : memref<250x80xi32, #tpu.memory_space<vmem>>, vector<16xi32>,
      tpu.vector_store %arg7[%swap3A_850, %swap3A_851], %add3A_849 {strides = array<i32>} : memref<250x80xi32, #tpu.memory_space<vmem>>, vector<16xi32>,
      %get3A_853 = arith.index_cast %scan3A_821 : i32 to index
      %get3A_854 = arith.constant 64 : index
      %get3A_855 = tpu.vector_load %arg7[%get3A_853, %get3A_854] {strides = array<i32>} : memref<250x80xi32, #tpu.memory_space<vmem>>, vector<16xi32>,
      %add3A_856 = vector.broadcast %mul3A_2 : i32 to vector<16xi32>
      %add3A_857 = arith.addi %get3A_855, %add3A_856 : vector<16xi32>
      %swap3A_858 = arith.index_cast %scan3A_821 : i32 to index
      %swap3A_859 = arith.constant 64 : index
      %swap3A_860 = tpu.vector_load %arg7[%swap3A_858, %swap3A_859] {strides = array<i32>} : memref<250x80xi32, #tpu.memory_space<vmem>>, vector<16xi32>,
      tpu.vector_store %arg7[%swap3A_858, %swap3A_859], %add3A_857 {strides = array<i32>} : memref<250x80xi32, #tpu.memory_space<vmem>>, vector<16xi32>,
    }
    %scan3A_7 = arith.constant 250 : i32
    %broadcast_in_dim3A = arith.constant 0.000000e+00 : f32
    %broadcast_in_dim3A_8 = vector.broadcast %broadcast_in_dim3A : f32 to vector<16xf32>
    %scan3A_9 = arith.constant 0 : i32
    %scan3A_10 = arith.constant 0 : i32
    %scan3A_11 = arith.constant 640 : i32
    %scan3A_12 = arith.addi %scan3A_10, %scan3A_11 : i32
    %scan3A_13 = arith.constant 1 : i32
    scf.for %scan3A_821 = %scan3A_10 to %scan3A_12 step %scan3A_13  : i32 {
      %mul3A_822 = arith.constant 16 : i32
      %mul3A_823 = arith.muli %scan3A_821, %mul3A_822 : i32
      %swap3A = arith.index_cast %mul3A_823 : i32 to index
      %swap3A_824 = tpu.vector_load %arg18[%swap3A] {strides = array<i32>} : memref<10240xf32, #tpu.memory_space<vmem>>, vector<16xf32>,
      tpu.vector_store %arg18[%swap3A], %broadcast_in_dim3A_8 {strides = array<i32>} : memref<10240xf32, #tpu.memory_space<vmem>>, vector<16xf32>,
    }
    %scan3A_14 = arith.constant 640 : i32
    %broadcast_in_dim3A_15 = arith.constant 1.000000e+00 : f32
    %broadcast_in_dim3A_16 = vector.broadcast %broadcast_in_dim3A_15 : f32 to vector<16xf32>
    %broadcast_in_dim3A_17 = arith.constant 0.000000e+00 : f32
    %broadcast_in_dim3A_18 = vector.broadcast %broadcast_in_dim3A_17 : f32 to vector<16xf32>
    %scan3A_19 = arith.constant 0 : i32
    %scan3A_20 = arith.constant 0 : i32
    %scan3A_21 = arith.constant 128 : i32
    %scan3A_22 = arith.addi %scan3A_20, %scan3A_21 : i32
    %scan3A_23 = arith.constant 1 : i32
    scf.for %scan3A_821 = %scan3A_20 to %scan3A_22 step %scan3A_23  : i32 {
      %swap3A = arith.index_cast %scan3A_821 : i32 to index
      %swap3A_822 = arith.constant 0 : index
      %swap3A_823 = tpu.vector_load %arg17[%swap3A, %swap3A_822] {strides = array<i32>} : memref<128x64xf32, #tpu.memory_space<vmem>>, vector<16xf32>,
      tpu.vector_store %arg17[%swap3A, %swap3A_822], %broadcast_in_dim3A_18 {strides = array<i32>} : memref<128x64xf32, #tpu.memory_space<vmem>>, vector<16xf32>,
      %swap3A_824 = arith.index_cast %scan3A_821 : i32 to index
      %swap3A_825 = arith.constant 16 : index
      %swap3A_826 = tpu.vector_load %arg17[%swap3A_824, %swap3A_825] {strides = array<i32>} : memref<128x64xf32, #tpu.memory_space<vmem>>, vector<16xf32>,
      tpu.vector_store %arg17[%swap3A_824, %swap3A_825], %broadcast_in_dim3A_18 {strides = array<i32>} : memref<128x64xf32, #tpu.memory_space<vmem>>, vector<16xf32>,
      %swap3A_827 = arith.index_cast %scan3A_821 : i32 to index
      %swap3A_828 = arith.constant 32 : index
      %swap3A_829 = tpu.vector_load %arg17[%swap3A_827, %swap3A_828] {strides = array<i32>} : memref<128x64xf32, #tpu.memory_space<vmem>>, vector<16xf32>,
      tpu.vector_store %arg17[%swap3A_827, %swap3A_828], %broadcast_in_dim3A_18 {strides = array<i32>} : memref<128x64xf32, #tpu.memory_space<vmem>>, vector<16xf32>,
      %swap3A_830 = arith.index_cast %scan3A_821 : i32 to index
      %swap3A_831 = arith.constant 48 : index
      %swap3A_832 = tpu.vector_load %arg17[%swap3A_830, %swap3A_831] {strides = array<i32>} : memref<128x64xf32, #tpu.memory_space<vmem>>, vector<16xf32>,
      tpu.vector_store %arg17[%swap3A_830, %swap3A_831], %broadcast_in_dim3A_18 {strides = array<i32>} : memref<128x64xf32, #tpu.memory_space<vmem>>, vector<16xf32>,
    }
    %scan3A_24 = arith.constant 128 : i32
    %mul3A_25 = arith.constant 640 : i32
    %mul3A_26 = arith.muli %arg1, %mul3A_25 : i32
    %add3A_27 = arith.constant 0 : i32
    %add3A_28 = arith.addi %mul3A_26, %add3A_27 : i32
    "tpu.region"() ({
      %run_scoped3A = tpu.sem_alloc : memref<!tpu.dma_semaphore, #tpu.memory_space<semaphore_mem>>
      %dma_start3A_821 = arith.constant 0 : i32
      %dma_start3A_822 = tpu.memref_slice %arg19[%add3A_28, %dma_start3A_821] : memref<10240x64xf32, #tpu.memory_space<vmem_shared>> -> memref<128x64xf32, #tpu.memory_space<vmem_shared>>
      %dma_start3A_823 = arith.constant 0 : i32
      %dma_start3A_824 = tpu.memref_slice %arg19[%add3A_28, %dma_start3A_823] : memref<10240x64xf32, #tpu.memory_space<vmem_shared>> -> memref<128x64xf32, #tpu.memory_space<vmem_shared>>
      tpu.enqueue_dma source(%arg17 : memref<128x64xf32, #tpu.memory_space<vmem>>) target(%dma_start3A_824 : memref<128x64xf32, #tpu.memory_space<vmem_shared>>) target_semaphore(%run_scoped3A : memref<!tpu.dma_semaphore, #tpu.memory_space<semaphore_mem>>)
      %dma_wait3A_825 = arith.constant 0 : i32
      %dma_wait3A_826 = tpu.memref_slice %arg19[%add3A_28, %dma_wait3A_825] : memref<10240x64xf32, #tpu.memory_space<vmem_shared>> -> memref<128x64xf32, #tpu.memory_space<vmem_shared>>
      %dma_wait3A_827 = arith.constant 0 : i32
      %dma_wait3A_828 = tpu.memref_slice %arg19[%add3A_28, %dma_wait3A_827] : memref<10240x64xf32, #tpu.memory_space<vmem_shared>> -> memref<128x64xf32, #tpu.memory_space<vmem_shared>>
      tpu.wait_dma2 semaphore(%run_scoped3A : memref<!tpu.dma_semaphore, #tpu.memory_space<semaphore_mem>>) src(%arg17 : memref<128x64xf32, #tpu.memory_space<vmem>>) dst(%dma_wait3A_828 : memref<128x64xf32, #tpu.memory_space<vmem_shared>>)
      tpu.yield
    }) : () -> ()
    %mul3A_29 = arith.constant 640 : i32
    %mul3A_30 = arith.muli %arg1, %mul3A_29 : i32
    %add3A_31 = arith.constant 128 : i32
    %add3A_32 = arith.addi %mul3A_30, %add3A_31 : i32
    "tpu.region"() ({
      %run_scoped3A = tpu.sem_alloc : memref<!tpu.dma_semaphore, #tpu.memory_space<semaphore_mem>>
      %dma_start3A_821 = arith.constant 0 : i32
      %dma_start3A_822 = tpu.memref_slice %arg19[%add3A_32, %dma_start3A_821] : memref<10240x64xf32, #tpu.memory_space<vmem_shared>> -> memref<128x64xf32, #tpu.memory_space<vmem_shared>>
      %dma_start3A_823 = arith.constant 0 : i32
      %dma_start3A_824 = tpu.memref_slice %arg19[%add3A_32, %dma_start3A_823] : memref<10240x64xf32, #tpu.memory_space<vmem_shared>> -> memref<128x64xf32, #tpu.memory_space<vmem_shared>>
      tpu.enqueue_dma source(%arg17 : memref<128x64xf32, #tpu.memory_space<vmem>>) target(%dma_start3A_824 : memref<128x64xf32, #tpu.memory_space<vmem_shared>>) target_semaphore(%run_scoped3A : memref<!tpu.dma_semaphore, #tpu.memory_space<semaphore_mem>>)
      %dma_wait3A_825 = arith.constant 0 : i32
      %dma_wait3A_826 = tpu.memref_slice %arg19[%add3A_32, %dma_wait3A_825] : memref<10240x64xf32, #tpu.memory_space<vmem_shared>> -> memref<128x64xf32, #tpu.memory_space<vmem_shared>>
      %dma_wait3A_827 = arith.constant 0 : i32
      %dma_wait3A_828 = tpu.memref_slice %arg19[%add3A_32, %dma_wait3A_827] : memref<10240x64xf32, #tpu.memory_space<vmem_shared>> -> memref<128x64xf32, #tpu.memory_space<vmem_shared>>
      tpu.wait_dma2 semaphore(%run_scoped3A : memref<!tpu.dma_semaphore, #tpu.memory_space<semaphore_mem>>) src(%arg17 : memref<128x64xf32, #tpu.memory_space<vmem>>) dst(%dma_wait3A_828 : memref<128x64xf32, #tpu.memory_space<vmem_shared>>)
      tpu.yield
    }) : () -> ()
    %mul3A_33 = arith.constant 640 : i32
    %mul3A_34 = arith.muli %arg1, %mul3A_33 : i32
    %add3A_35 = arith.constant 256 : i32
    %add3A_36 = arith.addi %mul3A_34, %add3A_35 : i32
    "tpu.region"() ({
      %run_scoped3A = tpu.sem_alloc : memref<!tpu.dma_semaphore, #tpu.memory_space<semaphore_mem>>
      %dma_start3A_821 = arith.constant 0 : i32
      %dma_start3A_822 = tpu.memref_slice %arg19[%add3A_36, %dma_start3A_821] : memref<10240x64xf32, #tpu.memory_space<vmem_shared>> -> memref<128x64xf32, #tpu.memory_space<vmem_shared>>
      %dma_start3A_823 = arith.constant 0 : i32
      %dma_start3A_824 = tpu.memref_slice %arg19[%add3A_36, %dma_start3A_823] : memref<10240x64xf32, #tpu.memory_space<vmem_shared>> -> memref<128x64xf32, #tpu.memory_space<vmem_shared>>
      tpu.enqueue_dma source(%arg17 : memref<128x64xf32, #tpu.memory_space<vmem>>) target(%dma_start3A_824 : memref<128x64xf32, #tpu.memory_space<vmem_shared>>) target_semaphore(%run_scoped3A : memref<!tpu.dma_semaphore, #tpu.memory_space<semaphore_mem>>)
      %dma_wait3A_825 = arith.constant 0 : i32
      %dma_wait3A_826 = tpu.memref_slice %arg19[%add3A_36, %dma_wait3A_825] : memref<10240x64xf32, #tpu.memory_space<vmem_shared>> -> memref<128x64xf32, #tpu.memory_space<vmem_shared>>
      %dma_wait3A_827 = arith.constant 0 : i32
      %dma_wait3A_828 = tpu.memref_slice %arg19[%add3A_36, %dma_wait3A_827] : memref<10240x64xf32, #tpu.memory_space<vmem_shared>> -> memref<128x64xf32, #tpu.memory_space<vmem_shared>>
      tpu.wait_dma2 semaphore(%run_scoped3A : memref<!tpu.dma_semaphore, #tpu.memory_space<semaphore_mem>>) src(%arg17 : memref<128x64xf32, #tpu.memory_space<vmem>>) dst(%dma_wait3A_828 : memref<128x64xf32, #tpu.memory_space<vmem_shared>>)
      tpu.yield
    }) : () -> ()
    %mul3A_37 = arith.constant 640 : i32
    %mul3A_38 = arith.muli %arg1, %mul3A_37 : i32
    %add3A_39 = arith.constant 384 : i32
    %add3A_40 = arith.addi %mul3A_38, %add3A_39 : i32
    "tpu.region"() ({
      %run_scoped3A = tpu.sem_alloc : memref<!tpu.dma_semaphore, #tpu.memory_space<semaphore_mem>>
      %dma_start3A_821 = arith.constant 0 : i32
      %dma_start3A_822 = tpu.memref_slice %arg19[%add3A_40, %dma_start3A_821] : memref<10240x64xf32, #tpu.memory_space<vmem_shared>> -> memref<128x64xf32, #tpu.memory_space<vmem_shared>>
      %dma_start3A_823 = arith.constant 0 : i32
      %dma_start3A_824 = tpu.memref_slice %arg19[%add3A_40, %dma_start3A_823] : memref<10240x64xf32, #tpu.memory_space<vmem_shared>> -> memref<128x64xf32, #tpu.memory_space<vmem_shared>>
      tpu.enqueue_dma source(%arg17 : memref<128x64xf32, #tpu.memory_space<vmem>>) target(%dma_start3A_824 : memref<128x64xf32, #tpu.memory_space<vmem_shared>>) target_semaphore(%run_scoped3A : memref<!tpu.dma_semaphore, #tpu.memory_space<semaphore_mem>>)
      %dma_wait3A_825 = arith.constant 0 : i32
      %dma_wait3A_826 = tpu.memref_slice %arg19[%add3A_40, %dma_wait3A_825] : memref<10240x64xf32, #tpu.memory_space<vmem_shared>> -> memref<128x64xf32, #tpu.memory_space<vmem_shared>>
      %dma_wait3A_827 = arith.constant 0 : i32
      %dma_wait3A_828 = tpu.memref_slice %arg19[%add3A_40, %dma_wait3A_827] : memref<10240x64xf32, #tpu.memory_space<vmem_shared>> -> memref<128x64xf32, #tpu.memory_space<vmem_shared>>
      tpu.wait_dma2 semaphore(%run_scoped3A : memref<!tpu.dma_semaphore, #tpu.memory_space<semaphore_mem>>) src(%arg17 : memref<128x64xf32, #tpu.memory_space<vmem>>) dst(%dma_wait3A_828 : memref<128x64xf32, #tpu.memory_space<vmem_shared>>)
      tpu.yield
    }) : () -> ()
    %mul3A_41 = arith.constant 640 : i32
    %mul3A_42 = arith.muli %arg1, %mul3A_41 : i32
    %add3A_43 = arith.constant 512 : i32
    %add3A_44 = arith.addi %mul3A_42, %add3A_43 : i32
    "tpu.region"() ({
      %run_scoped3A = tpu.sem_alloc : memref<!tpu.dma_semaphore, #tpu.memory_space<semaphore_mem>>
      %dma_start3A_821 = arith.constant 0 : i32
      %dma_start3A_822 = tpu.memref_slice %arg19[%add3A_44, %dma_start3A_821] : memref<10240x64xf32, #tpu.memory_space<vmem_shared>> -> memref<128x64xf32, #tpu.memory_space<vmem_shared>>
      %dma_start3A_823 = arith.constant 0 : i32
      %dma_start3A_824 = tpu.memref_slice %arg19[%add3A_44, %dma_start3A_823] : memref<10240x64xf32, #tpu.memory_space<vmem_shared>> -> memref<128x64xf32, #tpu.memory_space<vmem_shared>>
      tpu.enqueue_dma source(%arg17 : memref<128x64xf32, #tpu.memory_space<vmem>>) target(%dma_start3A_824 : memref<128x64xf32, #tpu.memory_space<vmem_shared>>) target_semaphore(%run_scoped3A : memref<!tpu.dma_semaphore, #tpu.memory_space<semaphore_mem>>)
      %dma_wait3A_825 = arith.constant 0 : i32
      %dma_wait3A_826 = tpu.memref_slice %arg19[%add3A_44, %dma_wait3A_825] : memref<10240x64xf32, #tpu.memory_space<vmem_shared>> -> memref<128x64xf32, #tpu.memory_space<vmem_shared>>
      %dma_wait3A_827 = arith.constant 0 : i32
      %dma_wait3A_828 = tpu.memref_slice %arg19[%add3A_44, %dma_wait3A_827] : memref<10240x64xf32, #tpu.memory_space<vmem_shared>> -> memref<128x64xf32, #tpu.memory_space<vmem_shared>>
      tpu.wait_dma2 semaphore(%run_scoped3A : memref<!tpu.dma_semaphore, #tpu.memory_space<semaphore_mem>>) src(%arg17 : memref<128x64xf32, #tpu.memory_space<vmem>>) dst(%dma_wait3A_828 : memref<128x64xf32, #tpu.memory_space<vmem_shared>>)
      tpu.yield
    }) : () -> ()
    %barrier3A = arith.constant 0 : index
    tpu.barrier barrier_id(%barrier3A)
    %dma_start3A = arith.constant 0 : i32
    %dma_start3A_45 = arith.constant 0 : i32
    %dma_start3A_46 = tpu.memref_slice %arg7[%dma_start3A, %dma_start3A_45] : memref<250x80xi32, #tpu.memory_space<vmem>> -> memref<1x80xi32, #tpu.memory_space<vmem>>
    %dma_start3A_47 = tpu.memref_squeeze %dma_start3A_46 : memref<1x80xi32, #tpu.memory_space<vmem>> -> memref<80xi32, #tpu.memory_space<vmem>>
    %dma_start3A_48 = arith.constant 0 : i32
    %dma_start3A_49 = arith.constant 0 : i32
    %dma_start3A_50 = tpu.memref_slice %arg2[%dma_start3A_48, %dma_start3A_49] : memref<20480x64xf32, #tpu.memory_space<hbm>> -> memref<20480x64xf32, #tpu.memory_space<hbm>>
    tpu.enqueue_indirect_dma source(%dma_start3A_50 : memref<20480x64xf32, #tpu.memory_space<hbm>>) target(%arg9 : memref<80x64xf32, #tpu.memory_space<vmem>>) offsets(%dma_start3A_47 : memref<80xi32, #tpu.memory_space<vmem>>) semaphore(%arg20 : memref<!tpu.dma_semaphore, #tpu.memory_space<semaphore_mem>>)
    %dma_start3A_51 = arith.constant 1 : i32
    %dma_start3A_52 = arith.constant 0 : i32
    %dma_start3A_53 = tpu.memref_slice %arg7[%dma_start3A_51, %dma_start3A_52] : memref<250x80xi32, #tpu.memory_space<vmem>> -> memref<1x80xi32, #tpu.memory_space<vmem>>
    %dma_start3A_54 = tpu.memref_squeeze %dma_start3A_53 : memref<1x80xi32, #tpu.memory_space<vmem>> -> memref<80xi32, #tpu.memory_space<vmem>>
    %dma_start3A_55 = arith.constant 0 : i32
    %dma_start3A_56 = arith.constant 0 : i32
    %dma_start3A_57 = tpu.memref_slice %arg2[%dma_start3A_55, %dma_start3A_56] : memref<20480x64xf32, #tpu.memory_space<hbm>> -> memref<20480x64xf32, #tpu.memory_space<hbm>>
    tpu.enqueue_indirect_dma source(%dma_start3A_57 : memref<20480x64xf32, #tpu.memory_space<hbm>>) target(%arg10 : memref<80x64xf32, #tpu.memory_space<vmem>>) offsets(%dma_start3A_54 : memref<80xi32, #tpu.memory_space<vmem>>) semaphore(%arg21 : memref<!tpu.dma_semaphore, #tpu.memory_space<semaphore_mem>>)
    %dma_start3A_58 = arith.constant 2 : i32
    %dma_start3A_59 = arith.constant 0 : i32
    %dma_start3A_60 = tpu.memref_slice %arg7[%dma_start3A_58, %dma_start3A_59] : memref<250x80xi32, #tpu.memory_space<vmem>> -> memref<1x80xi32, #tpu.memory_space<vmem>>
    %dma_start3A_61 = tpu.memref_squeeze %dma_start3A_60 : memref<1x80xi32, #tpu.memory_space<vmem>> -> memref<80xi32, #tpu.memory_space<vmem>>
    %dma_start3A_62 = arith.constant 0 : i32
    %dma_start3A_63 = arith.constant 0 : i32
    %dma_start3A_64 = tpu.memref_slice %arg2[%dma_start3A_62, %dma_start3A_63] : memref<20480x64xf32, #tpu.memory_space<hbm>> -> memref<20480x64xf32, #tpu.memory_space<hbm>>
    tpu.enqueue_indirect_dma source(%dma_start3A_64 : memref<20480x64xf32, #tpu.memory_space<hbm>>) target(%arg11 : memref<80x64xf32, #tpu.memory_space<vmem>>) offsets(%dma_start3A_61 : memref<80xi32, #tpu.memory_space<vmem>>) semaphore(%arg22 : memref<!tpu.dma_semaphore, #tpu.memory_space<semaphore_mem>>)
    %dma_wait3A = arith.constant 0 : i32
    %dma_wait3A_65 = arith.constant 0 : i32
    %dma_wait3A_66 = tpu.memref_slice %arg7[%dma_wait3A, %dma_wait3A_65] : memref<250x80xi32, #tpu.memory_space<vmem>> -> memref<1x80xi32, #tpu.memory_space<vmem>>
    %dma_wait3A_67 = tpu.memref_squeeze %dma_wait3A_66 : memref<1x80xi32, #tpu.memory_space<vmem>> -> memref<80xi32, #tpu.memory_space<vmem>>
    %dma_wait3A_68 = arith.constant 0 : i32
    %dma_wait3A_69 = arith.constant 0 : i32
    %dma_wait3A_70 = tpu.memref_slice %arg2[%dma_wait3A_68, %dma_wait3A_69] : memref<20480x64xf32, #tpu.memory_space<hbm>> -> memref<20480x64xf32, #tpu.memory_space<hbm>>
    tpu.wait_indirect_dma semaphore(%arg20 : memref<!tpu.dma_semaphore, #tpu.memory_space<semaphore_mem>>) src(%dma_wait3A_70 : memref<20480x64xf32, #tpu.memory_space<hbm>>) dst(%arg9 : memref<80x64xf32, #tpu.memory_space<vmem>>)
    %dma_start3A_71 = arith.constant 0 : i32
    %dma_start3A_72 = arith.constant 0 : i32
    %dma_start3A_73 = tpu.memref_slice %arg8[%dma_start3A_71, %dma_start3A_72] : memref<250x80xi32, #tpu.memory_space<vmem>> -> memref<1x80xi32, #tpu.memory_space<vmem>>
    %dma_start3A_74 = tpu.memref_squeeze %dma_start3A_73 : memref<1x80xi32, #tpu.memory_space<vmem>> -> memref<80xi32, #tpu.memory_space<vmem>>
    %dma_start3A_75 = arith.constant 0 : i32
    %dma_start3A_76 = arith.constant 0 : i32
    %dma_start3A_77 = tpu.memref_slice %arg19[%dma_start3A_75, %dma_start3A_76] : memref<10240x64xf32, #tpu.memory_space<vmem_shared>> -> memref<10240x64xf32, #tpu.memory_space<vmem_shared>>
    tpu.enqueue_indirect_dma source(%arg9 : memref<80x64xf32, #tpu.memory_space<vmem>>) target(%dma_start3A_77 : memref<10240x64xf32, #tpu.memory_space<vmem_shared>>) offsets(%dma_start3A_74 : memref<80xi32, #tpu.memory_space<vmem>>) semaphore(%arg28 : memref<!tpu.dma_semaphore, #tpu.memory_space<semaphore_mem>>) {add = true}
    %dma_start3A_78 = arith.constant 3 : i32
    %dma_start3A_79 = arith.constant 0 : i32
    %dma_start3A_80 = tpu.memref_slice %arg7[%dma_start3A_78, %dma_start3A_79] : memref<250x80xi32, #tpu.memory_space<vmem>> -> memref<1x80xi32, #tpu.memory_space<vmem>>
    %dma_start3A_81 = tpu.memref_squeeze %dma_start3A_80 : memref<1x80xi32, #tpu.memory_space<vmem>> -> memref<80xi32, #tpu.memory_space<vmem>>
    %dma_start3A_82 = arith.constant 0 : i32
    %dma_start3A_83 = arith.constant 0 : i32
    %dma_start3A_84 = tpu.memref_slice %arg2[%dma_start3A_82, %dma_start3A_83] : memref<20480x64xf32, #tpu.memory_space<hbm>> -> memref<20480x64xf32, #tpu.memory_space<hbm>>
    tpu.enqueue_indirect_dma source(%dma_start3A_84 : memref<20480x64xf32, #tpu.memory_space<hbm>>) target(%arg12 : memref<80x64xf32, #tpu.memory_space<vmem>>) offsets(%dma_start3A_81 : memref<80xi32, #tpu.memory_space<vmem>>) semaphore(%arg23 : memref<!tpu.dma_semaphore, #tpu.memory_space<semaphore_mem>>)
    %get3A = arith.constant 0 : i32
    %get3A_85 = arith.index_cast %get3A : i32 to index
    %get3A_86 = arith.constant 0 : index
    %get3A_87 = tpu.vector_load %arg8[%get3A_85, %get3A_86] {strides = array<i32>} : memref<250x80xi32, #tpu.memory_space<vmem>>, vector<16xi32>,
    tpu.vector_store_idx %arg18[%get3A_87], %broadcast_in_dim3A_16 {add = true} : memref<10240xf32, #tpu.memory_space<vmem>>[vector<16xi32>], vector<16xf32>,
    %get3A_88 = arith.constant 0 : i32
    %get3A_89 = arith.index_cast %get3A_88 : i32 to index
    %get3A_90 = arith.constant 16 : index
    %get3A_91 = tpu.vector_load %arg8[%get3A_89, %get3A_90] {strides = array<i32>} : memref<250x80xi32, #tpu.memory_space<vmem>>, vector<16xi32>,
    tpu.vector_store_idx %arg18[%get3A_91], %broadcast_in_dim3A_16 {add = true} : memref<10240xf32, #tpu.memory_space<vmem>>[vector<16xi32>], vector<16xf32>,
    %get3A_92 = arith.constant 0 : i32
    %get3A_93 = arith.index_cast %get3A_92 : i32 to index
    %get3A_94 = arith.constant 32 : index
    %get3A_95 = tpu.vector_load %arg8[%get3A_93, %get3A_94] {strides = array<i32>} : memref<250x80xi32, #tpu.memory_space<vmem>>, vector<16xi32>,
    tpu.vector_store_idx %arg18[%get3A_95], %broadcast_in_dim3A_16 {add = true} : memref<10240xf32, #tpu.memory_space<vmem>>[vector<16xi32>], vector<16xf32>,
    %get3A_96 = arith.constant 0 : i32
    %get3A_97 = arith.index_cast %get3A_96 : i32 to index
    %get3A_98 = arith.constant 48 : index
    %get3A_99 = tpu.vector_load %arg8[%get3A_97, %get3A_98] {strides = array<i32>} : memref<250x80xi32, #tpu.memory_space<vmem>>, vector<16xi32>,
    tpu.vector_store_idx %arg18[%get3A_99], %broadcast_in_dim3A_16 {add = true} : memref<10240xf32, #tpu.memory_space<vmem>>[vector<16xi32>], vector<16xf32>,
    %get3A_100 = arith.constant 0 : i32
    %get3A_101 = arith.index_cast %get3A_100 : i32 to index
    %get3A_102 = arith.constant 64 : index
    %get3A_103 = tpu.vector_load %arg8[%get3A_101, %get3A_102] {strides = array<i32>} : memref<250x80xi32, #tpu.memory_space<vmem>>, vector<16xi32>,
    tpu.vector_store_idx %arg18[%get3A_103], %broadcast_in_dim3A_16 {add = true} : memref<10240xf32, #tpu.memory_space<vmem>>[vector<16xi32>], vector<16xf32>,
    %dma_wait3A_104 = arith.constant 1 : i32
    %dma_wait3A_105 = arith.constant 0 : i32
    %dma_wait3A_106 = tpu.memref_slice %arg7[%dma_wait3A_104, %dma_wait3A_105] : memref<250x80xi32, #tpu.memory_space<vmem>> -> memref<1x80xi32, #tpu.memory_space<vmem>>
    %dma_wait3A_107 = tpu.memref_squeeze %dma_wait3A_106 : memref<1x80xi32, #tpu.memory_space<vmem>> -> memref<80xi32, #tpu.memory_space<vmem>>
    %dma_wait3A_108 = arith.constant 0 : i32
    %dma_wait3A_109 = arith.constant 0 : i32
    %dma_wait3A_110 = tpu.memref_slice %arg2[%dma_wait3A_108, %dma_wait3A_109] : memref<20480x64xf32, #tpu.memory_space<hbm>> -> memref<20480x64xf32, #tpu.memory_space<hbm>>
    tpu.wait_indirect_dma semaphore(%arg21 : memref<!tpu.dma_semaphore, #tpu.memory_space<semaphore_mem>>) src(%dma_wait3A_110 : memref<20480x64xf32, #tpu.memory_space<hbm>>) dst(%arg10 : memref<80x64xf32, #tpu.memory_space<vmem>>)
    %dma_start3A_111 = arith.constant 1 : i32
    %dma_start3A_112 = arith.constant 0 : i32
    %dma_start3A_113 = tpu.memref_slice %arg8[%dma_start3A_111, %dma_start3A_112] : memref<250x80xi32, #tpu.memory_space<vmem>> -> memref<1x80xi32, #tpu.memory_space<vmem>>
    %dma_start3A_114 = tpu.memref_squeeze %dma_start3A_113 : memref<1x80xi32, #tpu.memory_space<vmem>> -> memref<80xi32, #tpu.memory_space<vmem>>
    %dma_start3A_115 = arith.constant 0 : i32
    %dma_start3A_116 = arith.constant 0 : i32
    %dma_start3A_117 = tpu.memref_slice %arg19[%dma_start3A_115, %dma_start3A_116] : memref<10240x64xf32, #tpu.memory_space<vmem_shared>> -> memref<10240x64xf32, #tpu.memory_space<vmem_shared>>
    tpu.enqueue_indirect_dma source(%arg10 : memref<80x64xf32, #tpu.memory_space<vmem>>) target(%dma_start3A_117 : memref<10240x64xf32, #tpu.memory_space<vmem_shared>>) offsets(%dma_start3A_114 : memref<80xi32, #tpu.memory_space<vmem>>) semaphore(%arg29 : memref<!tpu.dma_semaphore, #tpu.memory_space<semaphore_mem>>) {add = true}
    %dma_start3A_118 = arith.constant 4 : i32
    %dma_start3A_119 = arith.constant 0 : i32
    %dma_start3A_120 = tpu.memref_slice %arg7[%dma_start3A_118, %dma_start3A_119] : memref<250x80xi32, #tpu.memory_space<vmem>> -> memref<1x80xi32, #tpu.memory_space<vmem>>
    %dma_start3A_121 = tpu.memref_squeeze %dma_start3A_120 : memref<1x80xi32, #tpu.memory_space<vmem>> -> memref<80xi32, #tpu.memory_space<vmem>>
    %dma_start3A_122 = arith.constant 0 : i32
    %dma_start3A_123 = arith.constant 0 : i32
    %dma_start3A_124 = tpu.memref_slice %arg2[%dma_start3A_122, %dma_start3A_123] : memref<20480x64xf32, #tpu.memory_space<hbm>> -> memref<20480x64xf32, #tpu.memory_space<hbm>>
    tpu.enqueue_indirect_dma source(%dma_start3A_124 : memref<20480x64xf32, #tpu.memory_space<hbm>>) target(%arg13 : memref<80x64xf32, #tpu.memory_space<vmem>>) offsets(%dma_start3A_121 : memref<80xi32, #tpu.memory_space<vmem>>) semaphore(%arg24 : memref<!tpu.dma_semaphore, #tpu.memory_space<semaphore_mem>>)
    %get3A_125 = arith.constant 1 : i32
    %get3A_126 = arith.index_cast %get3A_125 : i32 to index
    %get3A_127 = arith.constant 0 : index
    %get3A_128 = tpu.vector_load %arg8[%get3A_126, %get3A_127] {strides = array<i32>} : memref<250x80xi32, #tpu.memory_space<vmem>>, vector<16xi32>,
    tpu.vector_store_idx %arg18[%get3A_128], %broadcast_in_dim3A_16 {add = true} : memref<10240xf32, #tpu.memory_space<vmem>>[vector<16xi32>], vector<16xf32>,
    %get3A_129 = arith.constant 1 : i32
    %get3A_130 = arith.index_cast %get3A_129 : i32 to index
    %get3A_131 = arith.constant 16 : index
    %get3A_132 = tpu.vector_load %arg8[%get3A_130, %get3A_131] {strides = array<i32>} : memref<250x80xi32, #tpu.memory_space<vmem>>, vector<16xi32>,
    tpu.vector_store_idx %arg18[%get3A_132], %broadcast_in_dim3A_16 {add = true} : memref<10240xf32, #tpu.memory_space<vmem>>[vector<16xi32>], vector<16xf32>,
    %get3A_133 = arith.constant 1 : i32
    %get3A_134 = arith.index_cast %get3A_133 : i32 to index
    %get3A_135 = arith.constant 32 : index
    %get3A_136 = tpu.vector_load %arg8[%get3A_134, %get3A_135] {strides = array<i32>} : memref<250x80xi32, #tpu.memory_space<vmem>>, vector<16xi32>,
    tpu.vector_store_idx %arg18[%get3A_136], %broadcast_in_dim3A_16 {add = true} : memref<10240xf32, #tpu.memory_space<vmem>>[vector<16xi32>], vector<16xf32>,
    %get3A_137 = arith.constant 1 : i32
    %get3A_138 = arith.index_cast %get3A_137 : i32 to index
    %get3A_139 = arith.constant 48 : index
    %get3A_140 = tpu.vector_load %arg8[%get3A_138, %get3A_139] {strides = array<i32>} : memref<250x80xi32, #tpu.memory_space<vmem>>, vector<16xi32>,
    tpu.vector_store_idx %arg18[%get3A_140], %broadcast_in_dim3A_16 {add = true} : memref<10240xf32, #tpu.memory_space<vmem>>[vector<16xi32>], vector<16xf32>,
    %get3A_141 = arith.constant 1 : i32
    %get3A_142 = arith.index_cast %get3A_141 : i32 to index
    %get3A_143 = arith.constant 64 : index
    %get3A_144 = tpu.vector_load %arg8[%get3A_142, %get3A_143] {strides = array<i32>} : memref<250x80xi32, #tpu.memory_space<vmem>>, vector<16xi32>,
    tpu.vector_store_idx %arg18[%get3A_144], %broadcast_in_dim3A_16 {add = true} : memref<10240xf32, #tpu.memory_space<vmem>>[vector<16xi32>], vector<16xf32>,
    %dma_wait3A_145 = arith.constant 2 : i32
    %dma_wait3A_146 = arith.constant 0 : i32
    %dma_wait3A_147 = tpu.memref_slice %arg7[%dma_wait3A_145, %dma_wait3A_146] : memref<250x80xi32, #tpu.memory_space<vmem>> -> memref<1x80xi32, #tpu.memory_space<vmem>>
    %dma_wait3A_148 = tpu.memref_squeeze %dma_wait3A_147 : memref<1x80xi32, #tpu.memory_space<vmem>> -> memref<80xi32, #tpu.memory_space<vmem>>
    %dma_wait3A_149 = arith.constant 0 : i32
    %dma_wait3A_150 = arith.constant 0 : i32
    %dma_wait3A_151 = tpu.memref_slice %arg2[%dma_wait3A_149, %dma_wait3A_150] : memref<20480x64xf32, #tpu.memory_space<hbm>> -> memref<20480x64xf32, #tpu.memory_space<hbm>>
    tpu.wait_indirect_dma semaphore(%arg22 : memref<!tpu.dma_semaphore, #tpu.memory_space<semaphore_mem>>) src(%dma_wait3A_151 : memref<20480x64xf32, #tpu.memory_space<hbm>>) dst(%arg11 : memref<80x64xf32, #tpu.memory_space<vmem>>)
    %dma_start3A_152 = arith.constant 2 : i32
    %dma_start3A_153 = arith.constant 0 : i32
    %dma_start3A_154 = tpu.memref_slice %arg8[%dma_start3A_152, %dma_start3A_153] : memref<250x80xi32, #tpu.memory_space<vmem>> -> memref<1x80xi32, #tpu.memory_space<vmem>>
    %dma_start3A_155 = tpu.memref_squeeze %dma_start3A_154 : memref<1x80xi32, #tpu.memory_space<vmem>> -> memref<80xi32, #tpu.memory_space<vmem>>
    %dma_start3A_156 = arith.constant 0 : i32
    %dma_start3A_157 = arith.constant 0 : i32
    %dma_start3A_158 = tpu.memref_slice %arg19[%dma_start3A_156, %dma_start3A_157] : memref<10240x64xf32, #tpu.memory_space<vmem_shared>> -> memref<10240x64xf32, #tpu.memory_space<vmem_shared>>
    tpu.enqueue_indirect_dma source(%arg11 : memref<80x64xf32, #tpu.memory_space<vmem>>) target(%dma_start3A_158 : memref<10240x64xf32, #tpu.memory_space<vmem_shared>>) offsets(%dma_start3A_155 : memref<80xi32, #tpu.memory_space<vmem>>) semaphore(%arg30 : memref<!tpu.dma_semaphore, #tpu.memory_space<semaphore_mem>>) {add = true}
    %dma_start3A_159 = arith.constant 5 : i32
    %dma_start3A_160 = arith.constant 0 : i32
    %dma_start3A_161 = tpu.memref_slice %arg7[%dma_start3A_159, %dma_start3A_160] : memref<250x80xi32, #tpu.memory_space<vmem>> -> memref<1x80xi32, #tpu.memory_space<vmem>>
    %dma_start3A_162 = tpu.memref_squeeze %dma_start3A_161 : memref<1x80xi32, #tpu.memory_space<vmem>> -> memref<80xi32, #tpu.memory_space<vmem>>
    %dma_start3A_163 = arith.constant 0 : i32
    %dma_start3A_164 = arith.constant 0 : i32
    %dma_start3A_165 = tpu.memref_slice %arg2[%dma_start3A_163, %dma_start3A_164] : memref<20480x64xf32, #tpu.memory_space<hbm>> -> memref<20480x64xf32, #tpu.memory_space<hbm>>
    tpu.enqueue_indirect_dma source(%dma_start3A_165 : memref<20480x64xf32, #tpu.memory_space<hbm>>) target(%arg14 : memref<80x64xf32, #tpu.memory_space<vmem>>) offsets(%dma_start3A_162 : memref<80xi32, #tpu.memory_space<vmem>>) semaphore(%arg25 : memref<!tpu.dma_semaphore, #tpu.memory_space<semaphore_mem>>)
    %get3A_166 = arith.constant 2 : i32
    %get3A_167 = arith.index_cast %get3A_166 : i32 to index
    %get3A_168 = arith.constant 0 : index
    %get3A_169 = tpu.vector_load %arg8[%get3A_167, %get3A_168] {strides = array<i32>} : memref<250x80xi32, #tpu.memory_space<vmem>>, vector<16xi32>,
    tpu.vector_store_idx %arg18[%get3A_169], %broadcast_in_dim3A_16 {add = true} : memref<10240xf32, #tpu.memory_space<vmem>>[vector<16xi32>], vector<16xf32>,
    %get3A_170 = arith.constant 2 : i32
    %get3A_171 = arith.index_cast %get3A_170 : i32 to index
    %get3A_172 = arith.constant 16 : index
    %get3A_173 = tpu.vector_load %arg8[%get3A_171, %get3A_172] {strides = array<i32>} : memref<250x80xi32, #tpu.memory_space<vmem>>, vector<16xi32>,
    tpu.vector_store_idx %arg18[%get3A_173], %broadcast_in_dim3A_16 {add = true} : memref<10240xf32, #tpu.memory_space<vmem>>[vector<16xi32>], vector<16xf32>,
    %get3A_174 = arith.constant 2 : i32
    %get3A_175 = arith.index_cast %get3A_174 : i32 to index
    %get3A_176 = arith.constant 32 : index
    %get3A_177 = tpu.vector_load %arg8[%get3A_175, %get3A_176] {strides = array<i32>} : memref<250x80xi32, #tpu.memory_space<vmem>>, vector<16xi32>,
    tpu.vector_store_idx %arg18[%get3A_177], %broadcast_in_dim3A_16 {add = true} : memref<10240xf32, #tpu.memory_space<vmem>>[vector<16xi32>], vector<16xf32>,
    %get3A_178 = arith.constant 2 : i32
    %get3A_179 = arith.index_cast %get3A_178 : i32 to index
    %get3A_180 = arith.constant 48 : index
    %get3A_181 = tpu.vector_load %arg8[%get3A_179, %get3A_180] {strides = array<i32>} : memref<250x80xi32, #tpu.memory_space<vmem>>, vector<16xi32>,
    tpu.vector_store_idx %arg18[%get3A_181], %broadcast_in_dim3A_16 {add = true} : memref<10240xf32, #tpu.memory_space<vmem>>[vector<16xi32>], vector<16xf32>,
    %get3A_182 = arith.constant 2 : i32
    %get3A_183 = arith.index_cast %get3A_182 : i32 to index
    %get3A_184 = arith.constant 64 : index
    %get3A_185 = tpu.vector_load %arg8[%get3A_183, %get3A_184] {strides = array<i32>} : memref<250x80xi32, #tpu.memory_space<vmem>>, vector<16xi32>,
    tpu.vector_store_idx %arg18[%get3A_185], %broadcast_in_dim3A_16 {add = true} : memref<10240xf32, #tpu.memory_space<vmem>>[vector<16xi32>], vector<16xf32>,
    %dma_wait3A_186 = arith.constant 3 : i32
    %dma_wait3A_187 = arith.constant 0 : i32
    %dma_wait3A_188 = tpu.memref_slice %arg7[%dma_wait3A_186, %dma_wait3A_187] : memref<250x80xi32, #tpu.memory_space<vmem>> -> memref<1x80xi32, #tpu.memory_space<vmem>>
    %dma_wait3A_189 = tpu.memref_squeeze %dma_wait3A_188 : memref<1x80xi32, #tpu.memory_space<vmem>> -> memref<80xi32, #tpu.memory_space<vmem>>
    %dma_wait3A_190 = arith.constant 0 : i32
    %dma_wait3A_191 = arith.constant 0 : i32
    %dma_wait3A_192 = tpu.memref_slice %arg2[%dma_wait3A_190, %dma_wait3A_191] : memref<20480x64xf32, #tpu.memory_space<hbm>> -> memref<20480x64xf32, #tpu.memory_space<hbm>>
    tpu.wait_indirect_dma semaphore(%arg23 : memref<!tpu.dma_semaphore, #tpu.memory_space<semaphore_mem>>) src(%dma_wait3A_192 : memref<20480x64xf32, #tpu.memory_space<hbm>>) dst(%arg12 : memref<80x64xf32, #tpu.memory_space<vmem>>)
    %dma_start3A_193 = arith.constant 3 : i32
    %dma_start3A_194 = arith.constant 0 : i32
    %dma_start3A_195 = tpu.memref_slice %arg8[%dma_start3A_193, %dma_start3A_194] : memref<250x80xi32, #tpu.memory_space<vmem>> -> memref<1x80xi32, #tpu.memory_space<vmem>>
    %dma_start3A_196 = tpu.memref_squeeze %dma_start3A_195 : memref<1x80xi32, #tpu.memory_space<vmem>> -> memref<80xi32, #tpu.memory_space<vmem>>
    %dma_start3A_197 = arith.constant 0 : i32
    %dma_start3A_198 = arith.constant 0 : i32
    %dma_start3A_199 = tpu.memref_slice %arg19[%dma_start3A_197, %dma_start3A_198] : memref<10240x64xf32, #tpu.memory_space<vmem_shared>> -> memref<10240x64xf32, #tpu.memory_space<vmem_shared>>
    tpu.enqueue_indirect_dma source(%arg12 : memref<80x64xf32, #tpu.memory_space<vmem>>) target(%dma_start3A_199 : memref<10240x64xf32, #tpu.memory_space<vmem_shared>>) offsets(%dma_start3A_196 : memref<80xi32, #tpu.memory_space<vmem>>) semaphore(%arg31 : memref<!tpu.dma_semaphore, #tpu.memory_space<semaphore_mem>>) {add = true}
    %dma_wait3A_200 = arith.constant 0 : i32
    %dma_wait3A_201 = arith.constant 0 : i32
    %dma_wait3A_202 = tpu.memref_slice %arg8[%dma_wait3A_200, %dma_wait3A_201] : memref<250x80xi32, #tpu.memory_space<vmem>> -> memref<1x80xi32, #tpu.memory_space<vmem>>
    %dma_wait3A_203 = tpu.memref_squeeze %dma_wait3A_202 : memref<1x80xi32, #tpu.memory_space<vmem>> -> memref<80xi32, #tpu.memory_space<vmem>>
    %dma_wait3A_204 = arith.constant 0 : i32
    %dma_wait3A_205 = arith.constant 0 : i32
    %dma_wait3A_206 = tpu.memref_slice %arg19[%dma_wait3A_204, %dma_wait3A_205] : memref<10240x64xf32, #tpu.memory_space<vmem_shared>> -> memref<10240x64xf32, #tpu.memory_space<vmem_shared>>
    tpu.wait_indirect_dma semaphore(%arg28 : memref<!tpu.dma_semaphore, #tpu.memory_space<semaphore_mem>>) src(%arg9 : memref<80x64xf32, #tpu.memory_space<vmem>>) dst(%dma_wait3A_206 : memref<10240x64xf32, #tpu.memory_space<vmem_shared>>)
    %dma_start3A_207 = arith.constant 6 : i32
    %dma_start3A_208 = arith.constant 0 : i32
    %dma_start3A_209 = tpu.memref_slice %arg7[%dma_start3A_207, %dma_start3A_208] : memref<250x80xi32, #tpu.memory_space<vmem>> -> memref<1x80xi32, #tpu.memory_space<vmem>>
    %dma_start3A_210 = tpu.memref_squeeze %dma_start3A_209 : memref<1x80xi32, #tpu.memory_space<vmem>> -> memref<80xi32, #tpu.memory_space<vmem>>
    %dma_start3A_211 = arith.constant 0 : i32
    %dma_start3A_212 = arith.constant 0 : i32
    %dma_start3A_213 = tpu.memref_slice %arg2[%dma_start3A_211, %dma_start3A_212] : memref<20480x64xf32, #tpu.memory_space<hbm>> -> memref<20480x64xf32, #tpu.memory_space<hbm>>
    tpu.enqueue_indirect_dma source(%dma_start3A_213 : memref<20480x64xf32, #tpu.memory_space<hbm>>) target(%arg9 : memref<80x64xf32, #tpu.memory_space<vmem>>) offsets(%dma_start3A_210 : memref<80xi32, #tpu.memory_space<vmem>>) semaphore(%arg20 : memref<!tpu.dma_semaphore, #tpu.memory_space<semaphore_mem>>)
    %get3A_214 = arith.constant 3 : i32
    %get3A_215 = arith.index_cast %get3A_214 : i32 to index
    %get3A_216 = arith.constant 0 : index
    %get3A_217 = tpu.vector_load %arg8[%get3A_215, %get3A_216] {strides = array<i32>} : memref<250x80xi32, #tpu.memory_space<vmem>>, vector<16xi32>,
    tpu.vector_store_idx %arg18[%get3A_217], %broadcast_in_dim3A_16 {add = true} : memref<10240xf32, #tpu.memory_space<vmem>>[vector<16xi32>], vector<16xf32>,
    %get3A_218 = arith.constant 3 : i32
    %get3A_219 = arith.index_cast %get3A_218 : i32 to index
    %get3A_220 = arith.constant 16 : index
    %get3A_221 = tpu.vector_load %arg8[%get3A_219, %get3A_220] {strides = array<i32>} : memref<250x80xi32, #tpu.memory_space<vmem>>, vector<16xi32>,
    tpu.vector_store_idx %arg18[%get3A_221], %broadcast_in_dim3A_16 {add = true} : memref<10240xf32, #tpu.memory_space<vmem>>[vector<16xi32>], vector<16xf32>,
    %get3A_222 = arith.constant 3 : i32
    %get3A_223 = arith.index_cast %get3A_222 : i32 to index
    %get3A_224 = arith.constant 32 : index
    %get3A_225 = tpu.vector_load %arg8[%get3A_223, %get3A_224] {strides = array<i32>} : memref<250x80xi32, #tpu.memory_space<vmem>>, vector<16xi32>,
    tpu.vector_store_idx %arg18[%get3A_225], %broadcast_in_dim3A_16 {add = true} : memref<10240xf32, #tpu.memory_space<vmem>>[vector<16xi32>], vector<16xf32>,
    %get3A_226 = arith.constant 3 : i32
    %get3A_227 = arith.index_cast %get3A_226 : i32 to index
    %get3A_228 = arith.constant 48 : index
    %get3A_229 = tpu.vector_load %arg8[%get3A_227, %get3A_228] {strides = array<i32>} : memref<250x80xi32, #tpu.memory_space<vmem>>, vector<16xi32>,
    tpu.vector_store_idx %arg18[%get3A_229], %broadcast_in_dim3A_16 {add = true} : memref<10240xf32, #tpu.memory_space<vmem>>[vector<16xi32>], vector<16xf32>,
    %get3A_230 = arith.constant 3 : i32
    %get3A_231 = arith.index_cast %get3A_230 : i32 to index
    %get3A_232 = arith.constant 64 : index
    %get3A_233 = tpu.vector_load %arg8[%get3A_231, %get3A_232] {strides = array<i32>} : memref<250x80xi32, #tpu.memory_space<vmem>>, vector<16xi32>,
    tpu.vector_store_idx %arg18[%get3A_233], %broadcast_in_dim3A_16 {add = true} : memref<10240xf32, #tpu.memory_space<vmem>>[vector<16xi32>], vector<16xf32>,
    %dma_wait3A_234 = arith.constant 4 : i32
    %dma_wait3A_235 = arith.constant 0 : i32
    %dma_wait3A_236 = tpu.memref_slice %arg7[%dma_wait3A_234, %dma_wait3A_235] : memref<250x80xi32, #tpu.memory_space<vmem>> -> memref<1x80xi32, #tpu.memory_space<vmem>>
    %dma_wait3A_237 = tpu.memref_squeeze %dma_wait3A_236 : memref<1x80xi32, #tpu.memory_space<vmem>> -> memref<80xi32, #tpu.memory_space<vmem>>
    %dma_wait3A_238 = arith.constant 0 : i32
    %dma_wait3A_239 = arith.constant 0 : i32
    %dma_wait3A_240 = tpu.memref_slice %arg2[%dma_wait3A_238, %dma_wait3A_239] : memref<20480x64xf32, #tpu.memory_space<hbm>> -> memref<20480x64xf32, #tpu.memory_space<hbm>>
    tpu.wait_indirect_dma semaphore(%arg24 : memref<!tpu.dma_semaphore, #tpu.memory_space<semaphore_mem>>) src(%dma_wait3A_240 : memref<20480x64xf32, #tpu.memory_space<hbm>>) dst(%arg13 : memref<80x64xf32, #tpu.memory_space<vmem>>)
    %dma_start3A_241 = arith.constant 4 : i32
    %dma_start3A_242 = arith.constant 0 : i32
    %dma_start3A_243 = tpu.memref_slice %arg8[%dma_start3A_241, %dma_start3A_242] : memref<250x80xi32, #tpu.memory_space<vmem>> -> memref<1x80xi32, #tpu.memory_space<vmem>>
    %dma_start3A_244 = tpu.memref_squeeze %dma_start3A_243 : memref<1x80xi32, #tpu.memory_space<vmem>> -> memref<80xi32, #tpu.memory_space<vmem>>
    %dma_start3A_245 = arith.constant 0 : i32
    %dma_start3A_246 = arith.constant 0 : i32
    %dma_start3A_247 = tpu.memref_slice %arg19[%dma_start3A_245, %dma_start3A_246] : memref<10240x64xf32, #tpu.memory_space<vmem_shared>> -> memref<10240x64xf32, #tpu.memory_space<vmem_shared>>
    tpu.enqueue_indirect_dma source(%arg13 : memref<80x64xf32, #tpu.memory_space<vmem>>) target(%dma_start3A_247 : memref<10240x64xf32, #tpu.memory_space<vmem_shared>>) offsets(%dma_start3A_244 : memref<80xi32, #tpu.memory_space<vmem>>) semaphore(%arg32 : memref<!tpu.dma_semaphore, #tpu.memory_space<semaphore_mem>>) {add = true}
    %dma_wait3A_248 = arith.constant 1 : i32
    %dma_wait3A_249 = arith.constant 0 : i32
    %dma_wait3A_250 = tpu.memref_slice %arg8[%dma_wait3A_248, %dma_wait3A_249] : memref<250x80xi32, #tpu.memory_space<vmem>> -> memref<1x80xi32, #tpu.memory_space<vmem>>
    %dma_wait3A_251 = tpu.memref_squeeze %dma_wait3A_250 : memref<1x80xi32, #tpu.memory_space<vmem>> -> memref<80xi32, #tpu.memory_space<vmem>>
    %dma_wait3A_252 = arith.constant 0 : i32
    %dma_wait3A_253 = arith.constant 0 : i32
    %dma_wait3A_254 = tpu.memref_slice %arg19[%dma_wait3A_252, %dma_wait3A_253] : memref<10240x64xf32, #tpu.memory_space<vmem_shared>> -> memref<10240x64xf32, #tpu.memory_space<vmem_shared>>
    tpu.wait_indirect_dma semaphore(%arg29 : memref<!tpu.dma_semaphore, #tpu.memory_space<semaphore_mem>>) src(%arg10 : memref<80x64xf32, #tpu.memory_space<vmem>>) dst(%dma_wait3A_254 : memref<10240x64xf32, #tpu.memory_space<vmem_shared>>)
    %dma_start3A_255 = arith.constant 7 : i32
    %dma_start3A_256 = arith.constant 0 : i32
    %dma_start3A_257 = tpu.memref_slice %arg7[%dma_start3A_255, %dma_start3A_256] : memref<250x80xi32, #tpu.memory_space<vmem>> -> memref<1x80xi32, #tpu.memory_space<vmem>>
    %dma_start3A_258 = tpu.memref_squeeze %dma_start3A_257 : memref<1x80xi32, #tpu.memory_space<vmem>> -> memref<80xi32, #tpu.memory_space<vmem>>
    %dma_start3A_259 = arith.constant 0 : i32
    %dma_start3A_260 = arith.constant 0 : i32
    %dma_start3A_261 = tpu.memref_slice %arg2[%dma_start3A_259, %dma_start3A_260] : memref<20480x64xf32, #tpu.memory_space<hbm>> -> memref<20480x64xf32, #tpu.memory_space<hbm>>
    tpu.enqueue_indirect_dma source(%dma_start3A_261 : memref<20480x64xf32, #tpu.memory_space<hbm>>) target(%arg10 : memref<80x64xf32, #tpu.memory_space<vmem>>) offsets(%dma_start3A_258 : memref<80xi32, #tpu.memory_space<vmem>>) semaphore(%arg21 : memref<!tpu.dma_semaphore, #tpu.memory_space<semaphore_mem>>)
    %get3A_262 = arith.constant 4 : i32
    %get3A_263 = arith.index_cast %get3A_262 : i32 to index
    %get3A_264 = arith.constant 0 : index
    %get3A_265 = tpu.vector_load %arg8[%get3A_263, %get3A_264] {strides = array<i32>} : memref<250x80xi32, #tpu.memory_space<vmem>>, vector<16xi32>,
    tpu.vector_store_idx %arg18[%get3A_265], %broadcast_in_dim3A_16 {add = true} : memref<10240xf32, #tpu.memory_space<vmem>>[vector<16xi32>], vector<16xf32>,
    %get3A_266 = arith.constant 4 : i32
    %get3A_267 = arith.index_cast %get3A_266 : i32 to index
    %get3A_268 = arith.constant 16 : index
    %get3A_269 = tpu.vector_load %arg8[%get3A_267, %get3A_268] {strides = array<i32>} : memref<250x80xi32, #tpu.memory_space<vmem>>, vector<16xi32>,
    tpu.vector_store_idx %arg18[%get3A_269], %broadcast_in_dim3A_16 {add = true} : memref<10240xf32, #tpu.memory_space<vmem>>[vector<16xi32>], vector<16xf32>,
    %get3A_270 = arith.constant 4 : i32
    %get3A_271 = arith.index_cast %get3A_270 : i32 to index
    %get3A_272 = arith.constant 32 : index
    %get3A_273 = tpu.vector_load %arg8[%get3A_271, %get3A_272] {strides = array<i32>} : memref<250x80xi32, #tpu.memory_space<vmem>>, vector<16xi32>,
    tpu.vector_store_idx %arg18[%get3A_273], %broadcast_in_dim3A_16 {add = true} : memref<10240xf32, #tpu.memory_space<vmem>>[vector<16xi32>], vector<16xf32>,
    %get3A_274 = arith.constant 4 : i32
    %get3A_275 = arith.index_cast %get3A_274 : i32 to index
    %get3A_276 = arith.constant 48 : index
    %get3A_277 = tpu.vector_load %arg8[%get3A_275, %get3A_276] {strides = array<i32>} : memref<250x80xi32, #tpu.memory_space<vmem>>, vector<16xi32>,
    tpu.vector_store_idx %arg18[%get3A_277], %broadcast_in_dim3A_16 {add = true} : memref<10240xf32, #tpu.memory_space<vmem>>[vector<16xi32>], vector<16xf32>,
    %get3A_278 = arith.constant 4 : i32
    %get3A_279 = arith.index_cast %get3A_278 : i32 to index
    %get3A_280 = arith.constant 64 : index
    %get3A_281 = tpu.vector_load %arg8[%get3A_279, %get3A_280] {strides = array<i32>} : memref<250x80xi32, #tpu.memory_space<vmem>>, vector<16xi32>,
    tpu.vector_store_idx %arg18[%get3A_281], %broadcast_in_dim3A_16 {add = true} : memref<10240xf32, #tpu.memory_space<vmem>>[vector<16xi32>], vector<16xf32>,
    %dma_wait3A_282 = arith.constant 5 : i32
    %dma_wait3A_283 = arith.constant 0 : i32
    %dma_wait3A_284 = tpu.memref_slice %arg7[%dma_wait3A_282, %dma_wait3A_283] : memref<250x80xi32, #tpu.memory_space<vmem>> -> memref<1x80xi32, #tpu.memory_space<vmem>>
    %dma_wait3A_285 = tpu.memref_squeeze %dma_wait3A_284 : memref<1x80xi32, #tpu.memory_space<vmem>> -> memref<80xi32, #tpu.memory_space<vmem>>
    %dma_wait3A_286 = arith.constant 0 : i32
    %dma_wait3A_287 = arith.constant 0 : i32
    %dma_wait3A_288 = tpu.memref_slice %arg2[%dma_wait3A_286, %dma_wait3A_287] : memref<20480x64xf32, #tpu.memory_space<hbm>> -> memref<20480x64xf32, #tpu.memory_space<hbm>>
    tpu.wait_indirect_dma semaphore(%arg25 : memref<!tpu.dma_semaphore, #tpu.memory_space<semaphore_mem>>) src(%dma_wait3A_288 : memref<20480x64xf32, #tpu.memory_space<hbm>>) dst(%arg14 : memref<80x64xf32, #tpu.memory_space<vmem>>)
    %dma_start3A_289 = arith.constant 5 : i32
    %dma_start3A_290 = arith.constant 0 : i32
    %dma_start3A_291 = tpu.memref_slice %arg8[%dma_start3A_289, %dma_start3A_290] : memref<250x80xi32, #tpu.memory_space<vmem>> -> memref<1x80xi32, #tpu.memory_space<vmem>>
    %dma_start3A_292 = tpu.memref_squeeze %dma_start3A_291 : memref<1x80xi32, #tpu.memory_space<vmem>> -> memref<80xi32, #tpu.memory_space<vmem>>
    %dma_start3A_293 = arith.constant 0 : i32
    %dma_start3A_294 = arith.constant 0 : i32
    %dma_start3A_295 = tpu.memref_slice %arg19[%dma_start3A_293, %dma_start3A_294] : memref<10240x64xf32, #tpu.memory_space<vmem_shared>> -> memref<10240x64xf32, #tpu.memory_space<vmem_shared>>
    tpu.enqueue_indirect_dma source(%arg14 : memref<80x64xf32, #tpu.memory_space<vmem>>) target(%dma_start3A_295 : memref<10240x64xf32, #tpu.memory_space<vmem_shared>>) offsets(%dma_start3A_292 : memref<80xi32, #tpu.memory_space<vmem>>) semaphore(%arg33 : memref<!tpu.dma_semaphore, #tpu.memory_space<semaphore_mem>>) {add = true}
    %dma_wait3A_296 = arith.constant 2 : i32
    %dma_wait3A_297 = arith.constant 0 : i32
    %dma_wait3A_298 = tpu.memref_slice %arg8[%dma_wait3A_296, %dma_wait3A_297] : memref<250x80xi32, #tpu.memory_space<vmem>> -> memref<1x80xi32, #tpu.memory_space<vmem>>
    %dma_wait3A_299 = tpu.memref_squeeze %dma_wait3A_298 : memref<1x80xi32, #tpu.memory_space<vmem>> -> memref<80xi32, #tpu.memory_space<vmem>>
    %dma_wait3A_300 = arith.constant 0 : i32
    %dma_wait3A_301 = arith.constant 0 : i32
    %dma_wait3A_302 = tpu.memref_slice %arg19[%dma_wait3A_300, %dma_wait3A_301] : memref<10240x64xf32, #tpu.memory_space<vmem_shared>> -> memref<10240x64xf32, #tpu.memory_space<vmem_shared>>
    tpu.wait_indirect_dma semaphore(%arg30 : memref<!tpu.dma_semaphore, #tpu.memory_space<semaphore_mem>>) src(%arg11 : memref<80x64xf32, #tpu.memory_space<vmem>>) dst(%dma_wait3A_302 : memref<10240x64xf32, #tpu.memory_space<vmem_shared>>)
    %dma_start3A_303 = arith.constant 8 : i32
    %dma_start3A_304 = arith.constant 0 : i32
    %dma_start3A_305 = tpu.memref_slice %arg7[%dma_start3A_303, %dma_start3A_304] : memref<250x80xi32, #tpu.memory_space<vmem>> -> memref<1x80xi32, #tpu.memory_space<vmem>>
    %dma_start3A_306 = tpu.memref_squeeze %dma_start3A_305 : memref<1x80xi32, #tpu.memory_space<vmem>> -> memref<80xi32, #tpu.memory_space<vmem>>
    %dma_start3A_307 = arith.constant 0 : i32
    %dma_start3A_308 = arith.constant 0 : i32
    %dma_start3A_309 = tpu.memref_slice %arg2[%dma_start3A_307, %dma_start3A_308] : memref<20480x64xf32, #tpu.memory_space<hbm>> -> memref<20480x64xf32, #tpu.memory_space<hbm>>
    tpu.enqueue_indirect_dma source(%dma_start3A_309 : memref<20480x64xf32, #tpu.memory_space<hbm>>) target(%arg11 : memref<80x64xf32, #tpu.memory_space<vmem>>) offsets(%dma_start3A_306 : memref<80xi32, #tpu.memory_space<vmem>>) semaphore(%arg22 : memref<!tpu.dma_semaphore, #tpu.memory_space<semaphore_mem>>)
    %get3A_310 = arith.constant 5 : i32
    %get3A_311 = arith.index_cast %get3A_310 : i32 to index
    %get3A_312 = arith.constant 0 : index
    %get3A_313 = tpu.vector_load %arg8[%get3A_311, %get3A_312] {strides = array<i32>} : memref<250x80xi32, #tpu.memory_space<vmem>>, vector<16xi32>,
    tpu.vector_store_idx %arg18[%get3A_313], %broadcast_in_dim3A_16 {add = true} : memref<10240xf32, #tpu.memory_space<vmem>>[vector<16xi32>], vector<16xf32>,
    %get3A_314 = arith.constant 5 : i32
    %get3A_315 = arith.index_cast %get3A_314 : i32 to index
    %get3A_316 = arith.constant 16 : index
    %get3A_317 = tpu.vector_load %arg8[%get3A_315, %get3A_316] {strides = array<i32>} : memref<250x80xi32, #tpu.memory_space<vmem>>, vector<16xi32>,
    tpu.vector_store_idx %arg18[%get3A_317], %broadcast_in_dim3A_16 {add = true} : memref<10240xf32, #tpu.memory_space<vmem>>[vector<16xi32>], vector<16xf32>,
    %get3A_318 = arith.constant 5 : i32
    %get3A_319 = arith.index_cast %get3A_318 : i32 to index
    %get3A_320 = arith.constant 32 : index
    %get3A_321 = tpu.vector_load %arg8[%get3A_319, %get3A_320] {strides = array<i32>} : memref<250x80xi32, #tpu.memory_space<vmem>>, vector<16xi32>,
    tpu.vector_store_idx %arg18[%get3A_321], %broadcast_in_dim3A_16 {add = true} : memref<10240xf32, #tpu.memory_space<vmem>>[vector<16xi32>], vector<16xf32>,
    %get3A_322 = arith.constant 5 : i32
    %get3A_323 = arith.index_cast %get3A_322 : i32 to index
    %get3A_324 = arith.constant 48 : index
    %get3A_325 = tpu.vector_load %arg8[%get3A_323, %get3A_324] {strides = array<i32>} : memref<250x80xi32, #tpu.memory_space<vmem>>, vector<16xi32>,
    tpu.vector_store_idx %arg18[%get3A_325], %broadcast_in_dim3A_16 {add = true} : memref<10240xf32, #tpu.memory_space<vmem>>[vector<16xi32>], vector<16xf32>,
    %get3A_326 = arith.constant 5 : i32
    %get3A_327 = arith.index_cast %get3A_326 : i32 to index
    %get3A_328 = arith.constant 64 : index
    %get3A_329 = tpu.vector_load %arg8[%get3A_327, %get3A_328] {strides = array<i32>} : memref<250x80xi32, #tpu.memory_space<vmem>>, vector<16xi32>,
    tpu.vector_store_idx %arg18[%get3A_329], %broadcast_in_dim3A_16 {add = true} : memref<10240xf32, #tpu.memory_space<vmem>>[vector<16xi32>], vector<16xf32>,
    %scan3A_330 = arith.constant 0 : i32
    %scan3A_331 = arith.constant 0 : i32
    %scan3A_332 = arith.constant 39 : i32
    %scan3A_333 = arith.addi %scan3A_331, %scan3A_332 : i32
    %scan3A_334 = arith.constant 1 : i32
    scf.for %scan3A_821 = %scan3A_331 to %scan3A_333 step %scan3A_334  : i32 {
      %mul3A_822 = arith.constant 6 : i32
      %mul3A_823 = arith.muli %mul3A_822, %scan3A_821 : i32
      %add3A_824 = arith.constant 6 : i32
      %add3A_825 = arith.addi %add3A_824, %mul3A_823 : i32
      %add3A_826 = arith.constant 0 : i32
      %add3A_827 = arith.addi %add3A_825, %add3A_826 : i32
      %dma_wait3A_828 = arith.constant 0 : i32
      %dma_wait3A_829 = tpu.memref_slice %arg7[%add3A_827, %dma_wait3A_828] : memref<250x80xi32, #tpu.memory_space<vmem>> -> memref<1x80xi32, #tpu.memory_space<vmem>>
      %dma_wait3A_830 = tpu.memref_squeeze %dma_wait3A_829 : memref<1x80xi32, #tpu.memory_space<vmem>> -> memref<80xi32, #tpu.memory_space<vmem>>
      %dma_wait3A_831 = arith.constant 0 : i32
      %dma_wait3A_832 = arith.constant 0 : i32
      %dma_wait3A_833 = tpu.memref_slice %arg2[%dma_wait3A_831, %dma_wait3A_832] : memref<20480x64xf32, #tpu.memory_space<hbm>> -> memref<20480x64xf32, #tpu.memory_space<hbm>>
      tpu.wait_indirect_dma semaphore(%arg20 : memref<!tpu.dma_semaphore, #tpu.memory_space<semaphore_mem>>) src(%dma_wait3A_833 : memref<20480x64xf32, #tpu.memory_space<hbm>>) dst(%arg9 : memref<80x64xf32, #tpu.memory_space<vmem>>)
      %dma_start3A_834 = arith.constant 0 : i32
      %dma_start3A_835 = tpu.memref_slice %arg8[%add3A_827, %dma_start3A_834] : memref<250x80xi32, #tpu.memory_space<vmem>> -> memref<1x80xi32, #tpu.memory_space<vmem>>
      %dma_start3A_836 = tpu.memref_squeeze %dma_start3A_835 : memref<1x80xi32, #tpu.memory_space<vmem>> -> memref<80xi32, #tpu.memory_space<vmem>>
      %dma_start3A_837 = arith.constant 0 : i32
      %dma_start3A_838 = arith.constant 0 : i32
      %dma_start3A_839 = tpu.memref_slice %arg19[%dma_start3A_837, %dma_start3A_838] : memref<10240x64xf32, #tpu.memory_space<vmem_shared>> -> memref<10240x64xf32, #tpu.memory_space<vmem_shared>>
      tpu.enqueue_indirect_dma source(%arg9 : memref<80x64xf32, #tpu.memory_space<vmem>>) target(%dma_start3A_839 : memref<10240x64xf32, #tpu.memory_space<vmem_shared>>) offsets(%dma_start3A_836 : memref<80xi32, #tpu.memory_space<vmem>>) semaphore(%arg28 : memref<!tpu.dma_semaphore, #tpu.memory_space<semaphore_mem>>) {add = true}
      %sub3A = arith.constant 3 : i32
      %sub3A_840 = arith.subi %add3A_827, %sub3A : i32
      %dma_wait3A_841 = arith.constant 0 : i32
      %dma_wait3A_842 = tpu.memref_slice %arg8[%sub3A_840, %dma_wait3A_841] : memref<250x80xi32, #tpu.memory_space<vmem>> -> memref<1x80xi32, #tpu.memory_space<vmem>>
      %dma_wait3A_843 = tpu.memref_squeeze %dma_wait3A_842 : memref<1x80xi32, #tpu.memory_space<vmem>> -> memref<80xi32, #tpu.memory_space<vmem>>
      %dma_wait3A_844 = arith.constant 0 : i32
      %dma_wait3A_845 = arith.constant 0 : i32
      %dma_wait3A_846 = tpu.memref_slice %arg19[%dma_wait3A_844, %dma_wait3A_845] : memref<10240x64xf32, #tpu.memory_space<vmem_shared>> -> memref<10240x64xf32, #tpu.memory_space<vmem_shared>>
      tpu.wait_indirect_dma semaphore(%arg31 : memref<!tpu.dma_semaphore, #tpu.memory_space<semaphore_mem>>) src(%arg12 : memref<80x64xf32, #tpu.memory_space<vmem>>) dst(%dma_wait3A_846 : memref<10240x64xf32, #tpu.memory_space<vmem_shared>>)
      %add3A_847 = arith.constant 3 : i32
      %add3A_848 = arith.addi %add3A_827, %add3A_847 : i32
      %dma_start3A_849 = arith.constant 0 : i32
      %dma_start3A_850 = tpu.memref_slice %arg7[%add3A_848, %dma_start3A_849] : memref<250x80xi32, #tpu.memory_space<vmem>> -> memref<1x80xi32, #tpu.memory_space<vmem>>
      %dma_start3A_851 = tpu.memref_squeeze %dma_start3A_850 : memref<1x80xi32, #tpu.memory_space<vmem>> -> memref<80xi32, #tpu.memory_space<vmem>>
      %dma_start3A_852 = arith.constant 0 : i32
      %dma_start3A_853 = arith.constant 0 : i32
      %dma_start3A_854 = tpu.memref_slice %arg2[%dma_start3A_852, %dma_start3A_853] : memref<20480x64xf32, #tpu.memory_space<hbm>> -> memref<20480x64xf32, #tpu.memory_space<hbm>>
      tpu.enqueue_indirect_dma source(%dma_start3A_854 : memref<20480x64xf32, #tpu.memory_space<hbm>>) target(%arg12 : memref<80x64xf32, #tpu.memory_space<vmem>>) offsets(%dma_start3A_851 : memref<80xi32, #tpu.memory_space<vmem>>) semaphore(%arg23 : memref<!tpu.dma_semaphore, #tpu.memory_space<semaphore_mem>>)
      %get3A_855 = arith.index_cast %add3A_827 : i32 to index
      %get3A_856 = arith.constant 0 : index
      %get3A_857 = tpu.vector_load %arg8[%get3A_855, %get3A_856] {strides = array<i32>} : memref<250x80xi32, #tpu.memory_space<vmem>>, vector<16xi32>,
      tpu.vector_store_idx %arg18[%get3A_857], %broadcast_in_dim3A_16 {add = true} : memref<10240xf32, #tpu.memory_space<vmem>>[vector<16xi32>], vector<16xf32>,
      %get3A_858 = arith.index_cast %add3A_827 : i32 to index
      %get3A_859 = arith.constant 16 : index
      %get3A_860 = tpu.vector_load %arg8[%get3A_858, %get3A_859] {strides = array<i32>} : memref<250x80xi32, #tpu.memory_space<vmem>>, vector<16xi32>,
      tpu.vector_store_idx %arg18[%get3A_860], %broadcast_in_dim3A_16 {add = true} : memref<10240xf32, #tpu.memory_space<vmem>>[vector<16xi32>], vector<16xf32>,
      %get3A_861 = arith.index_cast %add3A_827 : i32 to index
      %get3A_862 = arith.constant 32 : index
      %get3A_863 = tpu.vector_load %arg8[%get3A_861, %get3A_862] {strides = array<i32>} : memref<250x80xi32, #tpu.memory_space<vmem>>, vector<16xi32>,
      tpu.vector_store_idx %arg18[%get3A_863], %broadcast_in_dim3A_16 {add = true} : memref<10240xf32, #tpu.memory_space<vmem>>[vector<16xi32>], vector<16xf32>,
      %get3A_864 = arith.index_cast %add3A_827 : i32 to index
      %get3A_865 = arith.constant 48 : index
      %get3A_866 = tpu.vector_load %arg8[%get3A_864, %get3A_865] {strides = array<i32>} : memref<250x80xi32, #tpu.memory_space<vmem>>, vector<16xi32>,
      tpu.vector_store_idx %arg18[%get3A_866], %broadcast_in_dim3A_16 {add = true} : memref<10240xf32, #tpu.memory_space<vmem>>[vector<16xi32>], vector<16xf32>,
      %get3A_867 = arith.index_cast %add3A_827 : i32 to index
      %get3A_868 = arith.constant 64 : index
      %get3A_869 = tpu.vector_load %arg8[%get3A_867, %get3A_868] {strides = array<i32>} : memref<250x80xi32, #tpu.memory_space<vmem>>, vector<16xi32>,
      tpu.vector_store_idx %arg18[%get3A_869], %broadcast_in_dim3A_16 {add = true} : memref<10240xf32, #tpu.memory_space<vmem>>[vector<16xi32>], vector<16xf32>,
      %add3A_870 = arith.constant 1 : i32
      %add3A_871 = arith.addi %add3A_825, %add3A_870 : i32
      %dma_wait3A_872 = arith.constant 0 : i32
      %dma_wait3A_873 = tpu.memref_slice %arg7[%add3A_871, %dma_wait3A_872] : memref<250x80xi32, #tpu.memory_space<vmem>> -> memref<1x80xi32, #tpu.memory_space<vmem>>
      %dma_wait3A_874 = tpu.memref_squeeze %dma_wait3A_873 : memref<1x80xi32, #tpu.memory_space<vmem>> -> memref<80xi32, #tpu.memory_space<vmem>>
      %dma_wait3A_875 = arith.constant 0 : i32
      %dma_wait3A_876 = arith.constant 0 : i32
      %dma_wait3A_877 = tpu.memref_slice %arg2[%dma_wait3A_875, %dma_wait3A_876] : memref<20480x64xf32, #tpu.memory_space<hbm>> -> memref<20480x64xf32, #tpu.memory_space<hbm>>
      tpu.wait_indirect_dma semaphore(%arg21 : memref<!tpu.dma_semaphore, #tpu.memory_space<semaphore_mem>>) src(%dma_wait3A_877 : memref<20480x64xf32, #tpu.memory_space<hbm>>) dst(%arg10 : memref<80x64xf32, #tpu.memory_space<vmem>>)
      %dma_start3A_878 = arith.constant 0 : i32
      %dma_start3A_879 = tpu.memref_slice %arg8[%add3A_871, %dma_start3A_878] : memref<250x80xi32, #tpu.memory_space<vmem>> -> memref<1x80xi32, #tpu.memory_space<vmem>>
      %dma_start3A_880 = tpu.memref_squeeze %dma_start3A_879 : memref<1x80xi32, #tpu.memory_space<vmem>> -> memref<80xi32, #tpu.memory_space<vmem>>
      %dma_start3A_881 = arith.constant 0 : i32
      %dma_start3A_882 = arith.constant 0 : i32
      %dma_start3A_883 = tpu.memref_slice %arg19[%dma_start3A_881, %dma_start3A_882] : memref<10240x64xf32, #tpu.memory_space<vmem_shared>> -> memref<10240x64xf32, #tpu.memory_space<vmem_shared>>
      tpu.enqueue_indirect_dma source(%arg10 : memref<80x64xf32, #tpu.memory_space<vmem>>) target(%dma_start3A_883 : memref<10240x64xf32, #tpu.memory_space<vmem_shared>>) offsets(%dma_start3A_880 : memref<80xi32, #tpu.memory_space<vmem>>) semaphore(%arg29 : memref<!tpu.dma_semaphore, #tpu.memory_space<semaphore_mem>>) {add = true}
      %sub3A_884 = arith.constant 3 : i32
      %sub3A_885 = arith.subi %add3A_871, %sub3A_884 : i32
      %dma_wait3A_886 = arith.constant 0 : i32
      %dma_wait3A_887 = tpu.memref_slice %arg8[%sub3A_885, %dma_wait3A_886] : memref<250x80xi32, #tpu.memory_space<vmem>> -> memref<1x80xi32, #tpu.memory_space<vmem>>
      %dma_wait3A_888 = tpu.memref_squeeze %dma_wait3A_887 : memref<1x80xi32, #tpu.memory_space<vmem>> -> memref<80xi32, #tpu.memory_space<vmem>>
      %dma_wait3A_889 = arith.constant 0 : i32
      %dma_wait3A_890 = arith.constant 0 : i32
      %dma_wait3A_891 = tpu.memref_slice %arg19[%dma_wait3A_889, %dma_wait3A_890] : memref<10240x64xf32, #tpu.memory_space<vmem_shared>> -> memref<10240x64xf32, #tpu.memory_space<vmem_shared>>
      tpu.wait_indirect_dma semaphore(%arg32 : memref<!tpu.dma_semaphore, #tpu.memory_space<semaphore_mem>>) src(%arg13 : memref<80x64xf32, #tpu.memory_space<vmem>>) dst(%dma_wait3A_891 : memref<10240x64xf32, #tpu.memory_space<vmem_shared>>)
      %add3A_892 = arith.constant 3 : i32
      %add3A_893 = arith.addi %add3A_871, %add3A_892 : i32
      %dma_start3A_894 = arith.constant 0 : i32
      %dma_start3A_895 = tpu.memref_slice %arg7[%add3A_893, %dma_start3A_894] : memref<250x80xi32, #tpu.memory_space<vmem>> -> memref<1x80xi32, #tpu.memory_space<vmem>>
      %dma_start3A_896 = tpu.memref_squeeze %dma_start3A_895 : memref<1x80xi32, #tpu.memory_space<vmem>> -> memref<80xi32, #tpu.memory_space<vmem>>
      %dma_start3A_897 = arith.constant 0 : i32
      %dma_start3A_898 = arith.constant 0 : i32
      %dma_start3A_899 = tpu.memref_slice %arg2[%dma_start3A_897, %dma_start3A_898] : memref<20480x64xf32, #tpu.memory_space<hbm>> -> memref<20480x64xf32, #tpu.memory_space<hbm>>
      tpu.enqueue_indirect_dma source(%dma_start3A_899 : memref<20480x64xf32, #tpu.memory_space<hbm>>) target(%arg13 : memref<80x64xf32, #tpu.memory_space<vmem>>) offsets(%dma_start3A_896 : memref<80xi32, #tpu.memory_space<vmem>>) semaphore(%arg24 : memref<!tpu.dma_semaphore, #tpu.memory_space<semaphore_mem>>)
      %get3A_900 = arith.index_cast %add3A_871 : i32 to index
      %get3A_901 = arith.constant 0 : index
      %get3A_902 = tpu.vector_load %arg8[%get3A_900, %get3A_901] {strides = array<i32>} : memref<250x80xi32, #tpu.memory_space<vmem>>, vector<16xi32>,
      tpu.vector_store_idx %arg18[%get3A_902], %broadcast_in_dim3A_16 {add = true} : memref<10240xf32, #tpu.memory_space<vmem>>[vector<16xi32>], vector<16xf32>,
      %get3A_903 = arith.index_cast %add3A_871 : i32 to index
      %get3A_904 = arith.constant 16 : index
      %get3A_905 = tpu.vector_load %arg8[%get3A_903, %get3A_904] {strides = array<i32>} : memref<250x80xi32, #tpu.memory_space<vmem>>, vector<16xi32>,
      tpu.vector_store_idx %arg18[%get3A_905], %broadcast_in_dim3A_16 {add = true} : memref<10240xf32, #tpu.memory_space<vmem>>[vector<16xi32>], vector<16xf32>,
      %get3A_906 = arith.index_cast %add3A_871 : i32 to index
      %get3A_907 = arith.constant 32 : index
      %get3A_908 = tpu.vector_load %arg8[%get3A_906, %get3A_907] {strides = array<i32>} : memref<250x80xi32, #tpu.memory_space<vmem>>, vector<16xi32>,
      tpu.vector_store_idx %arg18[%get3A_908], %broadcast_in_dim3A_16 {add = true} : memref<10240xf32, #tpu.memory_space<vmem>>[vector<16xi32>], vector<16xf32>,
      %get3A_909 = arith.index_cast %add3A_871 : i32 to index
      %get3A_910 = arith.constant 48 : index
      %get3A_911 = tpu.vector_load %arg8[%get3A_909, %get3A_910] {strides = array<i32>} : memref<250x80xi32, #tpu.memory_space<vmem>>, vector<16xi32>,
      tpu.vector_store_idx %arg18[%get3A_911], %broadcast_in_dim3A_16 {add = true} : memref<10240xf32, #tpu.memory_space<vmem>>[vector<16xi32>], vector<16xf32>,
      %get3A_912 = arith.index_cast %add3A_871 : i32 to index
      %get3A_913 = arith.constant 64 : index
      %get3A_914 = tpu.vector_load %arg8[%get3A_912, %get3A_913] {strides = array<i32>} : memref<250x80xi32, #tpu.memory_space<vmem>>, vector<16xi32>,
      tpu.vector_store_idx %arg18[%get3A_914], %broadcast_in_dim3A_16 {add = true} : memref<10240xf32, #tpu.memory_space<vmem>>[vector<16xi32>], vector<16xf32>,
      %add3A_915 = arith.constant 2 : i32
      %add3A_916 = arith.addi %add3A_825, %add3A_915 : i32
      %dma_wait3A_917 = arith.constant 0 : i32
      %dma_wait3A_918 = tpu.memref_slice %arg7[%add3A_916, %dma_wait3A_917] : memref<250x80xi32, #tpu.memory_space<vmem>> -> memref<1x80xi32, #tpu.memory_space<vmem>>
      %dma_wait3A_919 = tpu.memref_squeeze %dma_wait3A_918 : memref<1x80xi32, #tpu.memory_space<vmem>> -> memref<80xi32, #tpu.memory_space<vmem>>
      %dma_wait3A_920 = arith.constant 0 : i32
      %dma_wait3A_921 = arith.constant 0 : i32
      %dma_wait3A_922 = tpu.memref_slice %arg2[%dma_wait3A_920, %dma_wait3A_921] : memref<20480x64xf32, #tpu.memory_space<hbm>> -> memref<20480x64xf32, #tpu.memory_space<hbm>>
      tpu.wait_indirect_dma semaphore(%arg22 : memref<!tpu.dma_semaphore, #tpu.memory_space<semaphore_mem>>) src(%dma_wait3A_922 : memref<20480x64xf32, #tpu.memory_space<hbm>>) dst(%arg11 : memref<80x64xf32, #tpu.memory_space<vmem>>)
      %dma_start3A_923 = arith.constant 0 : i32
      %dma_start3A_924 = tpu.memref_slice %arg8[%add3A_916, %dma_start3A_923] : memref<250x80xi32, #tpu.memory_space<vmem>> -> memref<1x80xi32, #tpu.memory_space<vmem>>
      %dma_start3A_925 = tpu.memref_squeeze %dma_start3A_924 : memref<1x80xi32, #tpu.memory_space<vmem>> -> memref<80xi32, #tpu.memory_space<vmem>>
      %dma_start3A_926 = arith.constant 0 : i32
      %dma_start3A_927 = arith.constant 0 : i32
      %dma_start3A_928 = tpu.memref_slice %arg19[%dma_start3A_926, %dma_start3A_927] : memref<10240x64xf32, #tpu.memory_space<vmem_shared>> -> memref<10240x64xf32, #tpu.memory_space<vmem_shared>>
      tpu.enqueue_indirect_dma source(%arg11 : memref<80x64xf32, #tpu.memory_space<vmem>>) target(%dma_start3A_928 : memref<10240x64xf32, #tpu.memory_space<vmem_shared>>) offsets(%dma_start3A_925 : memref<80xi32, #tpu.memory_space<vmem>>) semaphore(%arg30 : memref<!tpu.dma_semaphore, #tpu.memory_space<semaphore_mem>>) {add = true}
      %sub3A_929 = arith.constant 3 : i32
      %sub3A_930 = arith.subi %add3A_916, %sub3A_929 : i32
      %dma_wait3A_931 = arith.constant 0 : i32
      %dma_wait3A_932 = tpu.memref_slice %arg8[%sub3A_930, %dma_wait3A_931] : memref<250x80xi32, #tpu.memory_space<vmem>> -> memref<1x80xi32, #tpu.memory_space<vmem>>
      %dma_wait3A_933 = tpu.memref_squeeze %dma_wait3A_932 : memref<1x80xi32, #tpu.memory_space<vmem>> -> memref<80xi32, #tpu.memory_space<vmem>>
      %dma_wait3A_934 = arith.constant 0 : i32
      %dma_wait3A_935 = arith.constant 0 : i32
      %dma_wait3A_936 = tpu.memref_slice %arg19[%dma_wait3A_934, %dma_wait3A_935] : memref<10240x64xf32, #tpu.memory_space<vmem_shared>> -> memref<10240x64xf32, #tpu.memory_space<vmem_shared>>
      tpu.wait_indirect_dma semaphore(%arg33 : memref<!tpu.dma_semaphore, #tpu.memory_space<semaphore_mem>>) src(%arg14 : memref<80x64xf32, #tpu.memory_space<vmem>>) dst(%dma_wait3A_936 : memref<10240x64xf32, #tpu.memory_space<vmem_shared>>)
      %add3A_937 = arith.constant 3 : i32
      %add3A_938 = arith.addi %add3A_916, %add3A_937 : i32
      %dma_start3A_939 = arith.constant 0 : i32
      %dma_start3A_940 = tpu.memref_slice %arg7[%add3A_938, %dma_start3A_939] : memref<250x80xi32, #tpu.memory_space<vmem>> -> memref<1x80xi32, #tpu.memory_space<vmem>>
      %dma_start3A_941 = tpu.memref_squeeze %dma_start3A_940 : memref<1x80xi32, #tpu.memory_space<vmem>> -> memref<80xi32, #tpu.memory_space<vmem>>
      %dma_start3A_942 = arith.constant 0 : i32
      %dma_start3A_943 = arith.constant 0 : i32
      %dma_start3A_944 = tpu.memref_slice %arg2[%dma_start3A_942, %dma_start3A_943] : memref<20480x64xf32, #tpu.memory_space<hbm>> -> memref<20480x64xf32, #tpu.memory_space<hbm>>
      tpu.enqueue_indirect_dma source(%dma_start3A_944 : memref<20480x64xf32, #tpu.memory_space<hbm>>) target(%arg14 : memref<80x64xf32, #tpu.memory_space<vmem>>) offsets(%dma_start3A_941 : memref<80xi32, #tpu.memory_space<vmem>>) semaphore(%arg25 : memref<!tpu.dma_semaphore, #tpu.memory_space<semaphore_mem>>)
      %get3A_945 = arith.index_cast %add3A_916 : i32 to index
      %get3A_946 = arith.constant 0 : index
      %get3A_947 = tpu.vector_load %arg8[%get3A_945, %get3A_946] {strides = array<i32>} : memref<250x80xi32, #tpu.memory_space<vmem>>, vector<16xi32>,
      tpu.vector_store_idx %arg18[%get3A_947], %broadcast_in_dim3A_16 {add = true} : memref<10240xf32, #tpu.memory_space<vmem>>[vector<16xi32>], vector<16xf32>,
      %get3A_948 = arith.index_cast %add3A_916 : i32 to index
      %get3A_949 = arith.constant 16 : index
      %get3A_950 = tpu.vector_load %arg8[%get3A_948, %get3A_949] {strides = array<i32>} : memref<250x80xi32, #tpu.memory_space<vmem>>, vector<16xi32>,
      tpu.vector_store_idx %arg18[%get3A_950], %broadcast_in_dim3A_16 {add = true} : memref<10240xf32, #tpu.memory_space<vmem>>[vector<16xi32>], vector<16xf32>,
      %get3A_951 = arith.index_cast %add3A_916 : i32 to index
      %get3A_952 = arith.constant 32 : index
      %get3A_953 = tpu.vector_load %arg8[%get3A_951, %get3A_952] {strides = array<i32>} : memref<250x80xi32, #tpu.memory_space<vmem>>, vector<16xi32>,
      tpu.vector_store_idx %arg18[%get3A_953], %broadcast_in_dim3A_16 {add = true} : memref<10240xf32, #tpu.memory_space<vmem>>[vector<16xi32>], vector<16xf32>,
      %get3A_954 = arith.index_cast %add3A_916 : i32 to index
      %get3A_955 = arith.constant 48 : index
      %get3A_956 = tpu.vector_load %arg8[%get3A_954, %get3A_955] {strides = array<i32>} : memref<250x80xi32, #tpu.memory_space<vmem>>, vector<16xi32>,
      tpu.vector_store_idx %arg18[%get3A_956], %broadcast_in_dim3A_16 {add = true} : memref<10240xf32, #tpu.memory_space<vmem>>[vector<16xi32>], vector<16xf32>,
      %get3A_957 = arith.index_cast %add3A_916 : i32 to index
      %get3A_958 = arith.constant 64 : index
      %get3A_959 = tpu.vector_load %arg8[%get3A_957, %get3A_958] {strides = array<i32>} : memref<250x80xi32, #tpu.memory_space<vmem>>, vector<16xi32>,
      tpu.vector_store_idx %arg18[%get3A_959], %broadcast_in_dim3A_16 {add = true} : memref<10240xf32, #tpu.memory_space<vmem>>[vector<16xi32>], vector<16xf32>,
      %add3A_960 = arith.constant 3 : i32
      %add3A_961 = arith.addi %add3A_825, %add3A_960 : i32
      %dma_wait3A_962 = arith.constant 0 : i32
      %dma_wait3A_963 = tpu.memref_slice %arg7[%add3A_961, %dma_wait3A_962] : memref<250x80xi32, #tpu.memory_space<vmem>> -> memref<1x80xi32, #tpu.memory_space<vmem>>
      %dma_wait3A_964 = tpu.memref_squeeze %dma_wait3A_963 : memref<1x80xi32, #tpu.memory_space<vmem>> -> memref<80xi32, #tpu.memory_space<vmem>>
      %dma_wait3A_965 = arith.constant 0 : i32
      %dma_wait3A_966 = arith.constant 0 : i32
      %dma_wait3A_967 = tpu.memref_slice %arg2[%dma_wait3A_965, %dma_wait3A_966] : memref<20480x64xf32, #tpu.memory_space<hbm>> -> memref<20480x64xf32, #tpu.memory_space<hbm>>
      tpu.wait_indirect_dma semaphore(%arg23 : memref<!tpu.dma_semaphore, #tpu.memory_space<semaphore_mem>>) src(%dma_wait3A_967 : memref<20480x64xf32, #tpu.memory_space<hbm>>) dst(%arg12 : memref<80x64xf32, #tpu.memory_space<vmem>>)
      %dma_start3A_968 = arith.constant 0 : i32
      %dma_start3A_969 = tpu.memref_slice %arg8[%add3A_961, %dma_start3A_968] : memref<250x80xi32, #tpu.memory_space<vmem>> -> memref<1x80xi32, #tpu.memory_space<vmem>>
      %dma_start3A_970 = tpu.memref_squeeze %dma_start3A_969 : memref<1x80xi32, #tpu.memory_space<vmem>> -> memref<80xi32, #tpu.memory_space<vmem>>
      %dma_start3A_971 = arith.constant 0 : i32
      %dma_start3A_972 = arith.constant 0 : i32
      %dma_start3A_973 = tpu.memref_slice %arg19[%dma_start3A_971, %dma_start3A_972] : memref<10240x64xf32, #tpu.memory_space<vmem_shared>> -> memref<10240x64xf32, #tpu.memory_space<vmem_shared>>
      tpu.enqueue_indirect_dma source(%arg12 : memref<80x64xf32, #tpu.memory_space<vmem>>) target(%dma_start3A_973 : memref<10240x64xf32, #tpu.memory_space<vmem_shared>>) offsets(%dma_start3A_970 : memref<80xi32, #tpu.memory_space<vmem>>) semaphore(%arg31 : memref<!tpu.dma_semaphore, #tpu.memory_space<semaphore_mem>>) {add = true}
      %sub3A_974 = arith.constant 3 : i32
      %sub3A_975 = arith.subi %add3A_961, %sub3A_974 : i32
      %dma_wait3A_976 = arith.constant 0 : i32
      %dma_wait3A_977 = tpu.memref_slice %arg8[%sub3A_975, %dma_wait3A_976] : memref<250x80xi32, #tpu.memory_space<vmem>> -> memref<1x80xi32, #tpu.memory_space<vmem>>
      %dma_wait3A_978 = tpu.memref_squeeze %dma_wait3A_977 : memref<1x80xi32, #tpu.memory_space<vmem>> -> memref<80xi32, #tpu.memory_space<vmem>>
      %dma_wait3A_979 = arith.constant 0 : i32
      %dma_wait3A_980 = arith.constant 0 : i32
      %dma_wait3A_981 = tpu.memref_slice %arg19[%dma_wait3A_979, %dma_wait3A_980] : memref<10240x64xf32, #tpu.memory_space<vmem_shared>> -> memref<10240x64xf32, #tpu.memory_space<vmem_shared>>
      tpu.wait_indirect_dma semaphore(%arg28 : memref<!tpu.dma_semaphore, #tpu.memory_space<semaphore_mem>>) src(%arg9 : memref<80x64xf32, #tpu.memory_space<vmem>>) dst(%dma_wait3A_981 : memref<10240x64xf32, #tpu.memory_space<vmem_shared>>)
      %add3A_982 = arith.constant 3 : i32
      %add3A_983 = arith.addi %add3A_961, %add3A_982 : i32
      %dma_start3A_984 = arith.constant 0 : i32
      %dma_start3A_985 = tpu.memref_slice %arg7[%add3A_983, %dma_start3A_984] : memref<250x80xi32, #tpu.memory_space<vmem>> -> memref<1x80xi32, #tpu.memory_space<vmem>>
      %dma_start3A_986 = tpu.memref_squeeze %dma_start3A_985 : memref<1x80xi32, #tpu.memory_space<vmem>> -> memref<80xi32, #tpu.memory_space<vmem>>
      %dma_start3A_987 = arith.constant 0 : i32
      %dma_start3A_988 = arith.constant 0 : i32
      %dma_start3A_989 = tpu.memref_slice %arg2[%dma_start3A_987, %dma_start3A_988] : memref<20480x64xf32, #tpu.memory_space<hbm>> -> memref<20480x64xf32, #tpu.memory_space<hbm>>
      tpu.enqueue_indirect_dma source(%dma_start3A_989 : memref<20480x64xf32, #tpu.memory_space<hbm>>) target(%arg9 : memref<80x64xf32, #tpu.memory_space<vmem>>) offsets(%dma_start3A_986 : memref<80xi32, #tpu.memory_space<vmem>>) semaphore(%arg20 : memref<!tpu.dma_semaphore, #tpu.memory_space<semaphore_mem>>)
      %get3A_990 = arith.index_cast %add3A_961 : i32 to index
      %get3A_991 = arith.constant 0 : index
      %get3A_992 = tpu.vector_load %arg8[%get3A_990, %get3A_991] {strides = array<i32>} : memref<250x80xi32, #tpu.memory_space<vmem>>, vector<16xi32>,
      tpu.vector_store_idx %arg18[%get3A_992], %broadcast_in_dim3A_16 {add = true} : memref<10240xf32, #tpu.memory_space<vmem>>[vector<16xi32>], vector<16xf32>,
      %get3A_993 = arith.index_cast %add3A_961 : i32 to index
      %get3A_994 = arith.constant 16 : index
      %get3A_995 = tpu.vector_load %arg8[%get3A_993, %get3A_994] {strides = array<i32>} : memref<250x80xi32, #tpu.memory_space<vmem>>, vector<16xi32>,
      tpu.vector_store_idx %arg18[%get3A_995], %broadcast_in_dim3A_16 {add = true} : memref<10240xf32, #tpu.memory_space<vmem>>[vector<16xi32>], vector<16xf32>,
      %get3A_996 = arith.index_cast %add3A_961 : i32 to index
      %get3A_997 = arith.constant 32 : index
      %get3A_998 = tpu.vector_load %arg8[%get3A_996, %get3A_997] {strides = array<i32>} : memref<250x80xi32, #tpu.memory_space<vmem>>, vector<16xi32>,
      tpu.vector_store_idx %arg18[%get3A_998], %broadcast_in_dim3A_16 {add = true} : memref<10240xf32, #tpu.memory_space<vmem>>[vector<16xi32>], vector<16xf32>,
      %get3A_999 = arith.index_cast %add3A_961 : i32 to index
      %get3A_1000 = arith.constant 48 : index
      %get3A_1001 = tpu.vector_load %arg8[%get3A_999, %get3A_1000] {strides = array<i32>} : memref<250x80xi32, #tpu.memory_space<vmem>>, vector<16xi32>,
      tpu.vector_store_idx %arg18[%get3A_1001], %broadcast_in_dim3A_16 {add = true} : memref<10240xf32, #tpu.memory_space<vmem>>[vector<16xi32>], vector<16xf32>,
      %get3A_1002 = arith.index_cast %add3A_961 : i32 to index
      %get3A_1003 = arith.constant 64 : index
      %get3A_1004 = tpu.vector_load %arg8[%get3A_1002, %get3A_1003] {strides = array<i32>} : memref<250x80xi32, #tpu.memory_space<vmem>>, vector<16xi32>,
      tpu.vector_store_idx %arg18[%get3A_1004], %broadcast_in_dim3A_16 {add = true} : memref<10240xf32, #tpu.memory_space<vmem>>[vector<16xi32>], vector<16xf32>,
      %add3A_1005 = arith.constant 4 : i32
      %add3A_1006 = arith.addi %add3A_825, %add3A_1005 : i32
      %dma_wait3A_1007 = arith.constant 0 : i32
      %dma_wait3A_1008 = tpu.memref_slice %arg7[%add3A_1006, %dma_wait3A_1007] : memref<250x80xi32, #tpu.memory_space<vmem>> -> memref<1x80xi32, #tpu.memory_space<vmem>>
      %dma_wait3A_1009 = tpu.memref_squeeze %dma_wait3A_1008 : memref<1x80xi32, #tpu.memory_space<vmem>> -> memref<80xi32, #tpu.memory_space<vmem>>
      %dma_wait3A_1010 = arith.constant 0 : i32
      %dma_wait3A_1011 = arith.constant 0 : i32
      %dma_wait3A_1012 = tpu.memref_slice %arg2[%dma_wait3A_1010, %dma_wait3A_1011] : memref<20480x64xf32, #tpu.memory_space<hbm>> -> memref<20480x64xf32, #tpu.memory_space<hbm>>
      tpu.wait_indirect_dma semaphore(%arg24 : memref<!tpu.dma_semaphore, #tpu.memory_space<semaphore_mem>>) src(%dma_wait3A_1012 : memref<20480x64xf32, #tpu.memory_space<hbm>>) dst(%arg13 : memref<80x64xf32, #tpu.memory_space<vmem>>)
      %dma_start3A_1013 = arith.constant 0 : i32
      %dma_start3A_1014 = tpu.memref_slice %arg8[%add3A_1006, %dma_start3A_1013] : memref<250x80xi32, #tpu.memory_space<vmem>> -> memref<1x80xi32, #tpu.memory_space<vmem>>
      %dma_start3A_1015 = tpu.memref_squeeze %dma_start3A_1014 : memref<1x80xi32, #tpu.memory_space<vmem>> -> memref<80xi32, #tpu.memory_space<vmem>>
      %dma_start3A_1016 = arith.constant 0 : i32
      %dma_start3A_1017 = arith.constant 0 : i32
      %dma_start3A_1018 = tpu.memref_slice %arg19[%dma_start3A_1016, %dma_start3A_1017] : memref<10240x64xf32, #tpu.memory_space<vmem_shared>> -> memref<10240x64xf32, #tpu.memory_space<vmem_shared>>
      tpu.enqueue_indirect_dma source(%arg13 : memref<80x64xf32, #tpu.memory_space<vmem>>) target(%dma_start3A_1018 : memref<10240x64xf32, #tpu.memory_space<vmem_shared>>) offsets(%dma_start3A_1015 : memref<80xi32, #tpu.memory_space<vmem>>) semaphore(%arg32 : memref<!tpu.dma_semaphore, #tpu.memory_space<semaphore_mem>>) {add = true}
      %sub3A_1019 = arith.constant 3 : i32
      %sub3A_1020 = arith.subi %add3A_1006, %sub3A_1019 : i32
      %dma_wait3A_1021 = arith.constant 0 : i32
      %dma_wait3A_1022 = tpu.memref_slice %arg8[%sub3A_1020, %dma_wait3A_1021] : memref<250x80xi32, #tpu.memory_space<vmem>> -> memref<1x80xi32, #tpu.memory_space<vmem>>
      %dma_wait3A_1023 = tpu.memref_squeeze %dma_wait3A_1022 : memref<1x80xi32, #tpu.memory_space<vmem>> -> memref<80xi32, #tpu.memory_space<vmem>>
      %dma_wait3A_1024 = arith.constant 0 : i32
      %dma_wait3A_1025 = arith.constant 0 : i32
      %dma_wait3A_1026 = tpu.memref_slice %arg19[%dma_wait3A_1024, %dma_wait3A_1025] : memref<10240x64xf32, #tpu.memory_space<vmem_shared>> -> memref<10240x64xf32, #tpu.memory_space<vmem_shared>>
      tpu.wait_indirect_dma semaphore(%arg29 : memref<!tpu.dma_semaphore, #tpu.memory_space<semaphore_mem>>) src(%arg10 : memref<80x64xf32, #tpu.memory_space<vmem>>) dst(%dma_wait3A_1026 : memref<10240x64xf32, #tpu.memory_space<vmem_shared>>)
      %add3A_1027 = arith.constant 3 : i32
      %add3A_1028 = arith.addi %add3A_1006, %add3A_1027 : i32
      %dma_start3A_1029 = arith.constant 0 : i32
      %dma_start3A_1030 = tpu.memref_slice %arg7[%add3A_1028, %dma_start3A_1029] : memref<250x80xi32, #tpu.memory_space<vmem>> -> memref<1x80xi32, #tpu.memory_space<vmem>>
      %dma_start3A_1031 = tpu.memref_squeeze %dma_start3A_1030 : memref<1x80xi32, #tpu.memory_space<vmem>> -> memref<80xi32, #tpu.memory_space<vmem>>
      %dma_start3A_1032 = arith.constant 0 : i32
      %dma_start3A_1033 = arith.constant 0 : i32
      %dma_start3A_1034 = tpu.memref_slice %arg2[%dma_start3A_1032, %dma_start3A_1033] : memref<20480x64xf32, #tpu.memory_space<hbm>> -> memref<20480x64xf32, #tpu.memory_space<hbm>>
      tpu.enqueue_indirect_dma source(%dma_start3A_1034 : memref<20480x64xf32, #tpu.memory_space<hbm>>) target(%arg10 : memref<80x64xf32, #tpu.memory_space<vmem>>) offsets(%dma_start3A_1031 : memref<80xi32, #tpu.memory_space<vmem>>) semaphore(%arg21 : memref<!tpu.dma_semaphore, #tpu.memory_space<semaphore_mem>>)
      %get3A_1035 = arith.index_cast %add3A_1006 : i32 to index
      %get3A_1036 = arith.constant 0 : index
      %get3A_1037 = tpu.vector_load %arg8[%get3A_1035, %get3A_1036] {strides = array<i32>} : memref<250x80xi32, #tpu.memory_space<vmem>>, vector<16xi32>,
      tpu.vector_store_idx %arg18[%get3A_1037], %broadcast_in_dim3A_16 {add = true} : memref<10240xf32, #tpu.memory_space<vmem>>[vector<16xi32>], vector<16xf32>,
      %get3A_1038 = arith.index_cast %add3A_1006 : i32 to index
      %get3A_1039 = arith.constant 16 : index
      %get3A_1040 = tpu.vector_load %arg8[%get3A_1038, %get3A_1039] {strides = array<i32>} : memref<250x80xi32, #tpu.memory_space<vmem>>, vector<16xi32>,
      tpu.vector_store_idx %arg18[%get3A_1040], %broadcast_in_dim3A_16 {add = true} : memref<10240xf32, #tpu.memory_space<vmem>>[vector<16xi32>], vector<16xf32>,
      %get3A_1041 = arith.index_cast %add3A_1006 : i32 to index
      %get3A_1042 = arith.constant 32 : index
      %get3A_1043 = tpu.vector_load %arg8[%get3A_1041, %get3A_1042] {strides = array<i32>} : memref<250x80xi32, #tpu.memory_space<vmem>>, vector<16xi32>,
      tpu.vector_store_idx %arg18[%get3A_1043], %broadcast_in_dim3A_16 {add = true} : memref<10240xf32, #tpu.memory_space<vmem>>[vector<16xi32>], vector<16xf32>,
      %get3A_1044 = arith.index_cast %add3A_1006 : i32 to index
      %get3A_1045 = arith.constant 48 : index
      %get3A_1046 = tpu.vector_load %arg8[%get3A_1044, %get3A_1045] {strides = array<i32>} : memref<250x80xi32, #tpu.memory_space<vmem>>, vector<16xi32>,
      tpu.vector_store_idx %arg18[%get3A_1046], %broadcast_in_dim3A_16 {add = true} : memref<10240xf32, #tpu.memory_space<vmem>>[vector<16xi32>], vector<16xf32>,
      %get3A_1047 = arith.index_cast %add3A_1006 : i32 to index
      %get3A_1048 = arith.constant 64 : index
      %get3A_1049 = tpu.vector_load %arg8[%get3A_1047, %get3A_1048] {strides = array<i32>} : memref<250x80xi32, #tpu.memory_space<vmem>>, vector<16xi32>,
      tpu.vector_store_idx %arg18[%get3A_1049], %broadcast_in_dim3A_16 {add = true} : memref<10240xf32, #tpu.memory_space<vmem>>[vector<16xi32>], vector<16xf32>,
      %add3A_1050 = arith.constant 5 : i32
      %add3A_1051 = arith.addi %add3A_825, %add3A_1050 : i32
      %dma_wait3A_1052 = arith.constant 0 : i32
      %dma_wait3A_1053 = tpu.memref_slice %arg7[%add3A_1051, %dma_wait3A_1052] : memref<250x80xi32, #tpu.memory_space<vmem>> -> memref<1x80xi32, #tpu.memory_space<vmem>>
      %dma_wait3A_1054 = tpu.memref_squeeze %dma_wait3A_1053 : memref<1x80xi32, #tpu.memory_space<vmem>> -> memref<80xi32, #tpu.memory_space<vmem>>
      %dma_wait3A_1055 = arith.constant 0 : i32
      %dma_wait3A_1056 = arith.constant 0 : i32
      %dma_wait3A_1057 = tpu.memref_slice %arg2[%dma_wait3A_1055, %dma_wait3A_1056] : memref<20480x64xf32, #tpu.memory_space<hbm>> -> memref<20480x64xf32, #tpu.memory_space<hbm>>
      tpu.wait_indirect_dma semaphore(%arg25 : memref<!tpu.dma_semaphore, #tpu.memory_space<semaphore_mem>>) src(%dma_wait3A_1057 : memref<20480x64xf32, #tpu.memory_space<hbm>>) dst(%arg14 : memref<80x64xf32, #tpu.memory_space<vmem>>)
      %dma_start3A_1058 = arith.constant 0 : i32
      %dma_start3A_1059 = tpu.memref_slice %arg8[%add3A_1051, %dma_start3A_1058] : memref<250x80xi32, #tpu.memory_space<vmem>> -> memref<1x80xi32, #tpu.memory_space<vmem>>
      %dma_start3A_1060 = tpu.memref_squeeze %dma_start3A_1059 : memref<1x80xi32, #tpu.memory_space<vmem>> -> memref<80xi32, #tpu.memory_space<vmem>>
      %dma_start3A_1061 = arith.constant 0 : i32
      %dma_start3A_1062 = arith.constant 0 : i32
      %dma_start3A_1063 = tpu.memref_slice %arg19[%dma_start3A_1061, %dma_start3A_1062] : memref<10240x64xf32, #tpu.memory_space<vmem_shared>> -> memref<10240x64xf32, #tpu.memory_space<vmem_shared>>
      tpu.enqueue_indirect_dma source(%arg14 : memref<80x64xf32, #tpu.memory_space<vmem>>) target(%dma_start3A_1063 : memref<10240x64xf32, #tpu.memory_space<vmem_shared>>) offsets(%dma_start3A_1060 : memref<80xi32, #tpu.memory_space<vmem>>) semaphore(%arg33 : memref<!tpu.dma_semaphore, #tpu.memory_space<semaphore_mem>>) {add = true}
      %sub3A_1064 = arith.constant 3 : i32
      %sub3A_1065 = arith.subi %add3A_1051, %sub3A_1064 : i32
      %dma_wait3A_1066 = arith.constant 0 : i32
      %dma_wait3A_1067 = tpu.memref_slice %arg8[%sub3A_1065, %dma_wait3A_1066] : memref<250x80xi32, #tpu.memory_space<vmem>> -> memref<1x80xi32, #tpu.memory_space<vmem>>
      %dma_wait3A_1068 = tpu.memref_squeeze %dma_wait3A_1067 : memref<1x80xi32, #tpu.memory_space<vmem>> -> memref<80xi32, #tpu.memory_space<vmem>>
      %dma_wait3A_1069 = arith.constant 0 : i32
      %dma_wait3A_1070 = arith.constant 0 : i32
      %dma_wait3A_1071 = tpu.memref_slice %arg19[%dma_wait3A_1069, %dma_wait3A_1070] : memref<10240x64xf32, #tpu.memory_space<vmem_shared>> -> memref<10240x64xf32, #tpu.memory_space<vmem_shared>>
      tpu.wait_indirect_dma semaphore(%arg30 : memref<!tpu.dma_semaphore, #tpu.memory_space<semaphore_mem>>) src(%arg11 : memref<80x64xf32, #tpu.memory_space<vmem>>) dst(%dma_wait3A_1071 : memref<10240x64xf32, #tpu.memory_space<vmem_shared>>)
      %add3A_1072 = arith.constant 3 : i32
      %add3A_1073 = arith.addi %add3A_1051, %add3A_1072 : i32
      %dma_start3A_1074 = arith.constant 0 : i32
      %dma_start3A_1075 = tpu.memref_slice %arg7[%add3A_1073, %dma_start3A_1074] : memref<250x80xi32, #tpu.memory_space<vmem>> -> memref<1x80xi32, #tpu.memory_space<vmem>>
      %dma_start3A_1076 = tpu.memref_squeeze %dma_start3A_1075 : memref<1x80xi32, #tpu.memory_space<vmem>> -> memref<80xi32, #tpu.memory_space<vmem>>
      %dma_start3A_1077 = arith.constant 0 : i32
      %dma_start3A_1078 = arith.constant 0 : i32
      %dma_start3A_1079 = tpu.memref_slice %arg2[%dma_start3A_1077, %dma_start3A_1078] : memref<20480x64xf32, #tpu.memory_space<hbm>> -> memref<20480x64xf32, #tpu.memory_space<hbm>>
      tpu.enqueue_indirect_dma source(%dma_start3A_1079 : memref<20480x64xf32, #tpu.memory_space<hbm>>) target(%arg11 : memref<80x64xf32, #tpu.memory_space<vmem>>) offsets(%dma_start3A_1076 : memref<80xi32, #tpu.memory_space<vmem>>) semaphore(%arg22 : memref<!tpu.dma_semaphore, #tpu.memory_space<semaphore_mem>>)
      %get3A_1080 = arith.index_cast %add3A_1051 : i32 to index
      %get3A_1081 = arith.constant 0 : index
      %get3A_1082 = tpu.vector_load %arg8[%get3A_1080, %get3A_1081] {strides = array<i32>} : memref<250x80xi32, #tpu.memory_space<vmem>>, vector<16xi32>,
      tpu.vector_store_idx %arg18[%get3A_1082], %broadcast_in_dim3A_16 {add = true} : memref<10240xf32, #tpu.memory_space<vmem>>[vector<16xi32>], vector<16xf32>,
      %get3A_1083 = arith.index_cast %add3A_1051 : i32 to index
      %get3A_1084 = arith.constant 16 : index
      %get3A_1085 = tpu.vector_load %arg8[%get3A_1083, %get3A_1084] {strides = array<i32>} : memref<250x80xi32, #tpu.memory_space<vmem>>, vector<16xi32>,
      tpu.vector_store_idx %arg18[%get3A_1085], %broadcast_in_dim3A_16 {add = true} : memref<10240xf32, #tpu.memory_space<vmem>>[vector<16xi32>], vector<16xf32>,
      %get3A_1086 = arith.index_cast %add3A_1051 : i32 to index
      %get3A_1087 = arith.constant 32 : index
      %get3A_1088 = tpu.vector_load %arg8[%get3A_1086, %get3A_1087] {strides = array<i32>} : memref<250x80xi32, #tpu.memory_space<vmem>>, vector<16xi32>,
      tpu.vector_store_idx %arg18[%get3A_1088], %broadcast_in_dim3A_16 {add = true} : memref<10240xf32, #tpu.memory_space<vmem>>[vector<16xi32>], vector<16xf32>,
      %get3A_1089 = arith.index_cast %add3A_1051 : i32 to index
      %get3A_1090 = arith.constant 48 : index
      %get3A_1091 = tpu.vector_load %arg8[%get3A_1089, %get3A_1090] {strides = array<i32>} : memref<250x80xi32, #tpu.memory_space<vmem>>, vector<16xi32>,
      tpu.vector_store_idx %arg18[%get3A_1091], %broadcast_in_dim3A_16 {add = true} : memref<10240xf32, #tpu.memory_space<vmem>>[vector<16xi32>], vector<16xf32>,
      %get3A_1092 = arith.index_cast %add3A_1051 : i32 to index
      %get3A_1093 = arith.constant 64 : index
      %get3A_1094 = tpu.vector_load %arg8[%get3A_1092, %get3A_1093] {strides = array<i32>} : memref<250x80xi32, #tpu.memory_space<vmem>>, vector<16xi32>,
      tpu.vector_store_idx %arg18[%get3A_1094], %broadcast_in_dim3A_16 {add = true} : memref<10240xf32, #tpu.memory_space<vmem>>[vector<16xi32>], vector<16xf32>,
    }
    %scan3A_335 = arith.constant 39 : i32
    %dma_wait3A_336 = arith.constant 240 : i32
    %dma_wait3A_337 = arith.constant 0 : i32
    %dma_wait3A_338 = tpu.memref_slice %arg7[%dma_wait3A_336, %dma_wait3A_337] : memref<250x80xi32, #tpu.memory_space<vmem>> -> memref<1x80xi32, #tpu.memory_space<vmem>>
    %dma_wait3A_339 = tpu.memref_squeeze %dma_wait3A_338 : memref<1x80xi32, #tpu.memory_space<vmem>> -> memref<80xi32, #tpu.memory_space<vmem>>
    %dma_wait3A_340 = arith.constant 0 : i32
    %dma_wait3A_341 = arith.constant 0 : i32
    %dma_wait3A_342 = tpu.memref_slice %arg2[%dma_wait3A_340, %dma_wait3A_341] : memref<20480x64xf32, #tpu.memory_space<hbm>> -> memref<20480x64xf32, #tpu.memory_space<hbm>>
    tpu.wait_indirect_dma semaphore(%arg20 : memref<!tpu.dma_semaphore, #tpu.memory_space<semaphore_mem>>) src(%dma_wait3A_342 : memref<20480x64xf32, #tpu.memory_space<hbm>>) dst(%arg9 : memref<80x64xf32, #tpu.memory_space<vmem>>)
    %dma_start3A_343 = arith.constant 240 : i32
    %dma_start3A_344 = arith.constant 0 : i32
    %dma_start3A_345 = tpu.memref_slice %arg8[%dma_start3A_343, %dma_start3A_344] : memref<250x80xi32, #tpu.memory_space<vmem>> -> memref<1x80xi32, #tpu.memory_space<vmem>>
    %dma_start3A_346 = tpu.memref_squeeze %dma_start3A_345 : memref<1x80xi32, #tpu.memory_space<vmem>> -> memref<80xi32, #tpu.memory_space<vmem>>
    %dma_start3A_347 = arith.constant 0 : i32
    %dma_start3A_348 = arith.constant 0 : i32
    %dma_start3A_349 = tpu.memref_slice %arg19[%dma_start3A_347, %dma_start3A_348] : memref<10240x64xf32, #tpu.memory_space<vmem_shared>> -> memref<10240x64xf32, #tpu.memory_space<vmem_shared>>
    tpu.enqueue_indirect_dma source(%arg9 : memref<80x64xf32, #tpu.memory_space<vmem>>) target(%dma_start3A_349 : memref<10240x64xf32, #tpu.memory_space<vmem_shared>>) offsets(%dma_start3A_346 : memref<80xi32, #tpu.memory_space<vmem>>) semaphore(%arg28 : memref<!tpu.dma_semaphore, #tpu.memory_space<semaphore_mem>>) {add = true}
    %dma_wait3A_350 = arith.constant 237 : i32
    %dma_wait3A_351 = arith.constant 0 : i32
    %dma_wait3A_352 = tpu.memref_slice %arg8[%dma_wait3A_350, %dma_wait3A_351] : memref<250x80xi32, #tpu.memory_space<vmem>> -> memref<1x80xi32, #tpu.memory_space<vmem>>
    %dma_wait3A_353 = tpu.memref_squeeze %dma_wait3A_352 : memref<1x80xi32, #tpu.memory_space<vmem>> -> memref<80xi32, #tpu.memory_space<vmem>>
    %dma_wait3A_354 = arith.constant 0 : i32
    %dma_wait3A_355 = arith.constant 0 : i32
    %dma_wait3A_356 = tpu.memref_slice %arg19[%dma_wait3A_354, %dma_wait3A_355] : memref<10240x64xf32, #tpu.memory_space<vmem_shared>> -> memref<10240x64xf32, #tpu.memory_space<vmem_shared>>
    tpu.wait_indirect_dma semaphore(%arg31 : memref<!tpu.dma_semaphore, #tpu.memory_space<semaphore_mem>>) src(%arg12 : memref<80x64xf32, #tpu.memory_space<vmem>>) dst(%dma_wait3A_356 : memref<10240x64xf32, #tpu.memory_space<vmem_shared>>)
    %dma_start3A_357 = arith.constant 243 : i32
    %dma_start3A_358 = arith.constant 0 : i32
    %dma_start3A_359 = tpu.memref_slice %arg7[%dma_start3A_357, %dma_start3A_358] : memref<250x80xi32, #tpu.memory_space<vmem>> -> memref<1x80xi32, #tpu.memory_space<vmem>>
    %dma_start3A_360 = tpu.memref_squeeze %dma_start3A_359 : memref<1x80xi32, #tpu.memory_space<vmem>> -> memref<80xi32, #tpu.memory_space<vmem>>
    %dma_start3A_361 = arith.constant 0 : i32
    %dma_start3A_362 = arith.constant 0 : i32
    %dma_start3A_363 = tpu.memref_slice %arg2[%dma_start3A_361, %dma_start3A_362] : memref<20480x64xf32, #tpu.memory_space<hbm>> -> memref<20480x64xf32, #tpu.memory_space<hbm>>
    tpu.enqueue_indirect_dma source(%dma_start3A_363 : memref<20480x64xf32, #tpu.memory_space<hbm>>) target(%arg12 : memref<80x64xf32, #tpu.memory_space<vmem>>) offsets(%dma_start3A_360 : memref<80xi32, #tpu.memory_space<vmem>>) semaphore(%arg23 : memref<!tpu.dma_semaphore, #tpu.memory_space<semaphore_mem>>)
    %get3A_364 = arith.constant 240 : i32
    %get3A_365 = arith.index_cast %get3A_364 : i32 to index
    %get3A_366 = arith.constant 0 : index
    %get3A_367 = tpu.vector_load %arg8[%get3A_365, %get3A_366] {strides = array<i32>} : memref<250x80xi32, #tpu.memory_space<vmem>>, vector<16xi32>,
    tpu.vector_store_idx %arg18[%get3A_367], %broadcast_in_dim3A_16 {add = true} : memref<10240xf32, #tpu.memory_space<vmem>>[vector<16xi32>], vector<16xf32>,
    %get3A_368 = arith.constant 240 : i32
    %get3A_369 = arith.index_cast %get3A_368 : i32 to index
    %get3A_370 = arith.constant 16 : index
    %get3A_371 = tpu.vector_load %arg8[%get3A_369, %get3A_370] {strides = array<i32>} : memref<250x80xi32, #tpu.memory_space<vmem>>, vector<16xi32>,
    tpu.vector_store_idx %arg18[%get3A_371], %broadcast_in_dim3A_16 {add = true} : memref<10240xf32, #tpu.memory_space<vmem>>[vector<16xi32>], vector<16xf32>,
    %get3A_372 = arith.constant 240 : i32
    %get3A_373 = arith.index_cast %get3A_372 : i32 to index
    %get3A_374 = arith.constant 32 : index
    %get3A_375 = tpu.vector_load %arg8[%get3A_373, %get3A_374] {strides = array<i32>} : memref<250x80xi32, #tpu.memory_space<vmem>>, vector<16xi32>,
    tpu.vector_store_idx %arg18[%get3A_375], %broadcast_in_dim3A_16 {add = true} : memref<10240xf32, #tpu.memory_space<vmem>>[vector<16xi32>], vector<16xf32>,
    %get3A_376 = arith.constant 240 : i32
    %get3A_377 = arith.index_cast %get3A_376 : i32 to index
    %get3A_378 = arith.constant 48 : index
    %get3A_379 = tpu.vector_load %arg8[%get3A_377, %get3A_378] {strides = array<i32>} : memref<250x80xi32, #tpu.memory_space<vmem>>, vector<16xi32>,
    tpu.vector_store_idx %arg18[%get3A_379], %broadcast_in_dim3A_16 {add = true} : memref<10240xf32, #tpu.memory_space<vmem>>[vector<16xi32>], vector<16xf32>,
    %get3A_380 = arith.constant 240 : i32
    %get3A_381 = arith.index_cast %get3A_380 : i32 to index
    %get3A_382 = arith.constant 64 : index
    %get3A_383 = tpu.vector_load %arg8[%get3A_381, %get3A_382] {strides = array<i32>} : memref<250x80xi32, #tpu.memory_space<vmem>>, vector<16xi32>,
    tpu.vector_store_idx %arg18[%get3A_383], %broadcast_in_dim3A_16 {add = true} : memref<10240xf32, #tpu.memory_space<vmem>>[vector<16xi32>], vector<16xf32>,
    %dma_wait3A_384 = arith.constant 241 : i32
    %dma_wait3A_385 = arith.constant 0 : i32
    %dma_wait3A_386 = tpu.memref_slice %arg7[%dma_wait3A_384, %dma_wait3A_385] : memref<250x80xi32, #tpu.memory_space<vmem>> -> memref<1x80xi32, #tpu.memory_space<vmem>>
    %dma_wait3A_387 = tpu.memref_squeeze %dma_wait3A_386 : memref<1x80xi32, #tpu.memory_space<vmem>> -> memref<80xi32, #tpu.memory_space<vmem>>
    %dma_wait3A_388 = arith.constant 0 : i32
    %dma_wait3A_389 = arith.constant 0 : i32
    %dma_wait3A_390 = tpu.memref_slice %arg2[%dma_wait3A_388, %dma_wait3A_389] : memref<20480x64xf32, #tpu.memory_space<hbm>> -> memref<20480x64xf32, #tpu.memory_space<hbm>>
    tpu.wait_indirect_dma semaphore(%arg21 : memref<!tpu.dma_semaphore, #tpu.memory_space<semaphore_mem>>) src(%dma_wait3A_390 : memref<20480x64xf32, #tpu.memory_space<hbm>>) dst(%arg10 : memref<80x64xf32, #tpu.memory_space<vmem>>)
    %dma_start3A_391 = arith.constant 241 : i32
    %dma_start3A_392 = arith.constant 0 : i32
    %dma_start3A_393 = tpu.memref_slice %arg8[%dma_start3A_391, %dma_start3A_392] : memref<250x80xi32, #tpu.memory_space<vmem>> -> memref<1x80xi32, #tpu.memory_space<vmem>>
    %dma_start3A_394 = tpu.memref_squeeze %dma_start3A_393 : memref<1x80xi32, #tpu.memory_space<vmem>> -> memref<80xi32, #tpu.memory_space<vmem>>
    %dma_start3A_395 = arith.constant 0 : i32
    %dma_start3A_396 = arith.constant 0 : i32
    %dma_start3A_397 = tpu.memref_slice %arg19[%dma_start3A_395, %dma_start3A_396] : memref<10240x64xf32, #tpu.memory_space<vmem_shared>> -> memref<10240x64xf32, #tpu.memory_space<vmem_shared>>
    tpu.enqueue_indirect_dma source(%arg10 : memref<80x64xf32, #tpu.memory_space<vmem>>) target(%dma_start3A_397 : memref<10240x64xf32, #tpu.memory_space<vmem_shared>>) offsets(%dma_start3A_394 : memref<80xi32, #tpu.memory_space<vmem>>) semaphore(%arg29 : memref<!tpu.dma_semaphore, #tpu.memory_space<semaphore_mem>>) {add = true}
    %dma_wait3A_398 = arith.constant 238 : i32
    %dma_wait3A_399 = arith.constant 0 : i32
    %dma_wait3A_400 = tpu.memref_slice %arg8[%dma_wait3A_398, %dma_wait3A_399] : memref<250x80xi32, #tpu.memory_space<vmem>> -> memref<1x80xi32, #tpu.memory_space<vmem>>
    %dma_wait3A_401 = tpu.memref_squeeze %dma_wait3A_400 : memref<1x80xi32, #tpu.memory_space<vmem>> -> memref<80xi32, #tpu.memory_space<vmem>>
    %dma_wait3A_402 = arith.constant 0 : i32
    %dma_wait3A_403 = arith.constant 0 : i32
    %dma_wait3A_404 = tpu.memref_slice %arg19[%dma_wait3A_402, %dma_wait3A_403] : memref<10240x64xf32, #tpu.memory_space<vmem_shared>> -> memref<10240x64xf32, #tpu.memory_space<vmem_shared>>
    tpu.wait_indirect_dma semaphore(%arg32 : memref<!tpu.dma_semaphore, #tpu.memory_space<semaphore_mem>>) src(%arg13 : memref<80x64xf32, #tpu.memory_space<vmem>>) dst(%dma_wait3A_404 : memref<10240x64xf32, #tpu.memory_space<vmem_shared>>)
    %dma_start3A_405 = arith.constant 244 : i32
    %dma_start3A_406 = arith.constant 0 : i32
    %dma_start3A_407 = tpu.memref_slice %arg7[%dma_start3A_405, %dma_start3A_406] : memref<250x80xi32, #tpu.memory_space<vmem>> -> memref<1x80xi32, #tpu.memory_space<vmem>>
    %dma_start3A_408 = tpu.memref_squeeze %dma_start3A_407 : memref<1x80xi32, #tpu.memory_space<vmem>> -> memref<80xi32, #tpu.memory_space<vmem>>
    %dma_start3A_409 = arith.constant 0 : i32
    %dma_start3A_410 = arith.constant 0 : i32
    %dma_start3A_411 = tpu.memref_slice %arg2[%dma_start3A_409, %dma_start3A_410] : memref<20480x64xf32, #tpu.memory_space<hbm>> -> memref<20480x64xf32, #tpu.memory_space<hbm>>
    tpu.enqueue_indirect_dma source(%dma_start3A_411 : memref<20480x64xf32, #tpu.memory_space<hbm>>) target(%arg13 : memref<80x64xf32, #tpu.memory_space<vmem>>) offsets(%dma_start3A_408 : memref<80xi32, #tpu.memory_space<vmem>>) semaphore(%arg24 : memref<!tpu.dma_semaphore, #tpu.memory_space<semaphore_mem>>)
    %get3A_412 = arith.constant 241 : i32
    %get3A_413 = arith.index_cast %get3A_412 : i32 to index
    %get3A_414 = arith.constant 0 : index
    %get3A_415 = tpu.vector_load %arg8[%get3A_413, %get3A_414] {strides = array<i32>} : memref<250x80xi32, #tpu.memory_space<vmem>>, vector<16xi32>,
    tpu.vector_store_idx %arg18[%get3A_415], %broadcast_in_dim3A_16 {add = true} : memref<10240xf32, #tpu.memory_space<vmem>>[vector<16xi32>], vector<16xf32>,
    %get3A_416 = arith.constant 241 : i32
    %get3A_417 = arith.index_cast %get3A_416 : i32 to index
    %get3A_418 = arith.constant 16 : index
    %get3A_419 = tpu.vector_load %arg8[%get3A_417, %get3A_418] {strides = array<i32>} : memref<250x80xi32, #tpu.memory_space<vmem>>, vector<16xi32>,
    tpu.vector_store_idx %arg18[%get3A_419], %broadcast_in_dim3A_16 {add = true} : memref<10240xf32, #tpu.memory_space<vmem>>[vector<16xi32>], vector<16xf32>,
    %get3A_420 = arith.constant 241 : i32
    %get3A_421 = arith.index_cast %get3A_420 : i32 to index
    %get3A_422 = arith.constant 32 : index
    %get3A_423 = tpu.vector_load %arg8[%get3A_421, %get3A_422] {strides = array<i32>} : memref<250x80xi32, #tpu.memory_space<vmem>>, vector<16xi32>,
    tpu.vector_store_idx %arg18[%get3A_423], %broadcast_in_dim3A_16 {add = true} : memref<10240xf32, #tpu.memory_space<vmem>>[vector<16xi32>], vector<16xf32>,
    %get3A_424 = arith.constant 241 : i32
    %get3A_425 = arith.index_cast %get3A_424 : i32 to index
    %get3A_426 = arith.constant 48 : index
    %get3A_427 = tpu.vector_load %arg8[%get3A_425, %get3A_426] {strides = array<i32>} : memref<250x80xi32, #tpu.memory_space<vmem>>, vector<16xi32>,
    tpu.vector_store_idx %arg18[%get3A_427], %broadcast_in_dim3A_16 {add = true} : memref<10240xf32, #tpu.memory_space<vmem>>[vector<16xi32>], vector<16xf32>,
    %get3A_428 = arith.constant 241 : i32
    %get3A_429 = arith.index_cast %get3A_428 : i32 to index
    %get3A_430 = arith.constant 64 : index
    %get3A_431 = tpu.vector_load %arg8[%get3A_429, %get3A_430] {strides = array<i32>} : memref<250x80xi32, #tpu.memory_space<vmem>>, vector<16xi32>,
    tpu.vector_store_idx %arg18[%get3A_431], %broadcast_in_dim3A_16 {add = true} : memref<10240xf32, #tpu.memory_space<vmem>>[vector<16xi32>], vector<16xf32>,
    %dma_wait3A_432 = arith.constant 242 : i32
    %dma_wait3A_433 = arith.constant 0 : i32
    %dma_wait3A_434 = tpu.memref_slice %arg7[%dma_wait3A_432, %dma_wait3A_433] : memref<250x80xi32, #tpu.memory_space<vmem>> -> memref<1x80xi32, #tpu.memory_space<vmem>>
    %dma_wait3A_435 = tpu.memref_squeeze %dma_wait3A_434 : memref<1x80xi32, #tpu.memory_space<vmem>> -> memref<80xi32, #tpu.memory_space<vmem>>
    %dma_wait3A_436 = arith.constant 0 : i32
    %dma_wait3A_437 = arith.constant 0 : i32
    %dma_wait3A_438 = tpu.memref_slice %arg2[%dma_wait3A_436, %dma_wait3A_437] : memref<20480x64xf32, #tpu.memory_space<hbm>> -> memref<20480x64xf32, #tpu.memory_space<hbm>>
    tpu.wait_indirect_dma semaphore(%arg22 : memref<!tpu.dma_semaphore, #tpu.memory_space<semaphore_mem>>) src(%dma_wait3A_438 : memref<20480x64xf32, #tpu.memory_space<hbm>>) dst(%arg11 : memref<80x64xf32, #tpu.memory_space<vmem>>)
    %dma_start3A_439 = arith.constant 242 : i32
    %dma_start3A_440 = arith.constant 0 : i32
    %dma_start3A_441 = tpu.memref_slice %arg8[%dma_start3A_439, %dma_start3A_440] : memref<250x80xi32, #tpu.memory_space<vmem>> -> memref<1x80xi32, #tpu.memory_space<vmem>>
    %dma_start3A_442 = tpu.memref_squeeze %dma_start3A_441 : memref<1x80xi32, #tpu.memory_space<vmem>> -> memref<80xi32, #tpu.memory_space<vmem>>
    %dma_start3A_443 = arith.constant 0 : i32
    %dma_start3A_444 = arith.constant 0 : i32
    %dma_start3A_445 = tpu.memref_slice %arg19[%dma_start3A_443, %dma_start3A_444] : memref<10240x64xf32, #tpu.memory_space<vmem_shared>> -> memref<10240x64xf32, #tpu.memory_space<vmem_shared>>
    tpu.enqueue_indirect_dma source(%arg11 : memref<80x64xf32, #tpu.memory_space<vmem>>) target(%dma_start3A_445 : memref<10240x64xf32, #tpu.memory_space<vmem_shared>>) offsets(%dma_start3A_442 : memref<80xi32, #tpu.memory_space<vmem>>) semaphore(%arg30 : memref<!tpu.dma_semaphore, #tpu.memory_space<semaphore_mem>>) {add = true}
    %dma_wait3A_446 = arith.constant 239 : i32
    %dma_wait3A_447 = arith.constant 0 : i32
    %dma_wait3A_448 = tpu.memref_slice %arg8[%dma_wait3A_446, %dma_wait3A_447] : memref<250x80xi32, #tpu.memory_space<vmem>> -> memref<1x80xi32, #tpu.memory_space<vmem>>
    %dma_wait3A_449 = tpu.memref_squeeze %dma_wait3A_448 : memref<1x80xi32, #tpu.memory_space<vmem>> -> memref<80xi32, #tpu.memory_space<vmem>>
    %dma_wait3A_450 = arith.constant 0 : i32
    %dma_wait3A_451 = arith.constant 0 : i32
    %dma_wait3A_452 = tpu.memref_slice %arg19[%dma_wait3A_450, %dma_wait3A_451] : memref<10240x64xf32, #tpu.memory_space<vmem_shared>> -> memref<10240x64xf32, #tpu.memory_space<vmem_shared>>
    tpu.wait_indirect_dma semaphore(%arg33 : memref<!tpu.dma_semaphore, #tpu.memory_space<semaphore_mem>>) src(%arg14 : memref<80x64xf32, #tpu.memory_space<vmem>>) dst(%dma_wait3A_452 : memref<10240x64xf32, #tpu.memory_space<vmem_shared>>)
    %dma_start3A_453 = arith.constant 245 : i32
    %dma_start3A_454 = arith.constant 0 : i32
    %dma_start3A_455 = tpu.memref_slice %arg7[%dma_start3A_453, %dma_start3A_454] : memref<250x80xi32, #tpu.memory_space<vmem>> -> memref<1x80xi32, #tpu.memory_space<vmem>>
    %dma_start3A_456 = tpu.memref_squeeze %dma_start3A_455 : memref<1x80xi32, #tpu.memory_space<vmem>> -> memref<80xi32, #tpu.memory_space<vmem>>
    %dma_start3A_457 = arith.constant 0 : i32
    %dma_start3A_458 = arith.constant 0 : i32
    %dma_start3A_459 = tpu.memref_slice %arg2[%dma_start3A_457, %dma_start3A_458] : memref<20480x64xf32, #tpu.memory_space<hbm>> -> memref<20480x64xf32, #tpu.memory_space<hbm>>
    tpu.enqueue_indirect_dma source(%dma_start3A_459 : memref<20480x64xf32, #tpu.memory_space<hbm>>) target(%arg14 : memref<80x64xf32, #tpu.memory_space<vmem>>) offsets(%dma_start3A_456 : memref<80xi32, #tpu.memory_space<vmem>>) semaphore(%arg25 : memref<!tpu.dma_semaphore, #tpu.memory_space<semaphore_mem>>)
    %get3A_460 = arith.constant 242 : i32
    %get3A_461 = arith.index_cast %get3A_460 : i32 to index
    %get3A_462 = arith.constant 0 : index
    %get3A_463 = tpu.vector_load %arg8[%get3A_461, %get3A_462] {strides = array<i32>} : memref<250x80xi32, #tpu.memory_space<vmem>>, vector<16xi32>,
    tpu.vector_store_idx %arg18[%get3A_463], %broadcast_in_dim3A_16 {add = true} : memref<10240xf32, #tpu.memory_space<vmem>>[vector<16xi32>], vector<16xf32>,
    %get3A_464 = arith.constant 242 : i32
    %get3A_465 = arith.index_cast %get3A_464 : i32 to index
    %get3A_466 = arith.constant 16 : index
    %get3A_467 = tpu.vector_load %arg8[%get3A_465, %get3A_466] {strides = array<i32>} : memref<250x80xi32, #tpu.memory_space<vmem>>, vector<16xi32>,
    tpu.vector_store_idx %arg18[%get3A_467], %broadcast_in_dim3A_16 {add = true} : memref<10240xf32, #tpu.memory_space<vmem>>[vector<16xi32>], vector<16xf32>,
    %get3A_468 = arith.constant 242 : i32
    %get3A_469 = arith.index_cast %get3A_468 : i32 to index
    %get3A_470 = arith.constant 32 : index
    %get3A_471 = tpu.vector_load %arg8[%get3A_469, %get3A_470] {strides = array<i32>} : memref<250x80xi32, #tpu.memory_space<vmem>>, vector<16xi32>,
    tpu.vector_store_idx %arg18[%get3A_471], %broadcast_in_dim3A_16 {add = true} : memref<10240xf32, #tpu.memory_space<vmem>>[vector<16xi32>], vector<16xf32>,
    %get3A_472 = arith.constant 242 : i32
    %get3A_473 = arith.index_cast %get3A_472 : i32 to index
    %get3A_474 = arith.constant 48 : index
    %get3A_475 = tpu.vector_load %arg8[%get3A_473, %get3A_474] {strides = array<i32>} : memref<250x80xi32, #tpu.memory_space<vmem>>, vector<16xi32>,
    tpu.vector_store_idx %arg18[%get3A_475], %broadcast_in_dim3A_16 {add = true} : memref<10240xf32, #tpu.memory_space<vmem>>[vector<16xi32>], vector<16xf32>,
    %get3A_476 = arith.constant 242 : i32
    %get3A_477 = arith.index_cast %get3A_476 : i32 to index
    %get3A_478 = arith.constant 64 : index
    %get3A_479 = tpu.vector_load %arg8[%get3A_477, %get3A_478] {strides = array<i32>} : memref<250x80xi32, #tpu.memory_space<vmem>>, vector<16xi32>,
    tpu.vector_store_idx %arg18[%get3A_479], %broadcast_in_dim3A_16 {add = true} : memref<10240xf32, #tpu.memory_space<vmem>>[vector<16xi32>], vector<16xf32>,
    %dma_wait3A_480 = arith.constant 243 : i32
    %dma_wait3A_481 = arith.constant 0 : i32
    %dma_wait3A_482 = tpu.memref_slice %arg7[%dma_wait3A_480, %dma_wait3A_481] : memref<250x80xi32, #tpu.memory_space<vmem>> -> memref<1x80xi32, #tpu.memory_space<vmem>>
    %dma_wait3A_483 = tpu.memref_squeeze %dma_wait3A_482 : memref<1x80xi32, #tpu.memory_space<vmem>> -> memref<80xi32, #tpu.memory_space<vmem>>
    %dma_wait3A_484 = arith.constant 0 : i32
    %dma_wait3A_485 = arith.constant 0 : i32
    %dma_wait3A_486 = tpu.memref_slice %arg2[%dma_wait3A_484, %dma_wait3A_485] : memref<20480x64xf32, #tpu.memory_space<hbm>> -> memref<20480x64xf32, #tpu.memory_space<hbm>>
    tpu.wait_indirect_dma semaphore(%arg23 : memref<!tpu.dma_semaphore, #tpu.memory_space<semaphore_mem>>) src(%dma_wait3A_486 : memref<20480x64xf32, #tpu.memory_space<hbm>>) dst(%arg12 : memref<80x64xf32, #tpu.memory_space<vmem>>)
    %dma_start3A_487 = arith.constant 243 : i32
    %dma_start3A_488 = arith.constant 0 : i32
    %dma_start3A_489 = tpu.memref_slice %arg8[%dma_start3A_487, %dma_start3A_488] : memref<250x80xi32, #tpu.memory_space<vmem>> -> memref<1x80xi32, #tpu.memory_space<vmem>>
    %dma_start3A_490 = tpu.memref_squeeze %dma_start3A_489 : memref<1x80xi32, #tpu.memory_space<vmem>> -> memref<80xi32, #tpu.memory_space<vmem>>
    %dma_start3A_491 = arith.constant 0 : i32
    %dma_start3A_492 = arith.constant 0 : i32
    %dma_start3A_493 = tpu.memref_slice %arg19[%dma_start3A_491, %dma_start3A_492] : memref<10240x64xf32, #tpu.memory_space<vmem_shared>> -> memref<10240x64xf32, #tpu.memory_space<vmem_shared>>
    tpu.enqueue_indirect_dma source(%arg12 : memref<80x64xf32, #tpu.memory_space<vmem>>) target(%dma_start3A_493 : memref<10240x64xf32, #tpu.memory_space<vmem_shared>>) offsets(%dma_start3A_490 : memref<80xi32, #tpu.memory_space<vmem>>) semaphore(%arg31 : memref<!tpu.dma_semaphore, #tpu.memory_space<semaphore_mem>>) {add = true}
    %dma_wait3A_494 = arith.constant 240 : i32
    %dma_wait3A_495 = arith.constant 0 : i32
    %dma_wait3A_496 = tpu.memref_slice %arg8[%dma_wait3A_494, %dma_wait3A_495] : memref<250x80xi32, #tpu.memory_space<vmem>> -> memref<1x80xi32, #tpu.memory_space<vmem>>
    %dma_wait3A_497 = tpu.memref_squeeze %dma_wait3A_496 : memref<1x80xi32, #tpu.memory_space<vmem>> -> memref<80xi32, #tpu.memory_space<vmem>>
    %dma_wait3A_498 = arith.constant 0 : i32
    %dma_wait3A_499 = arith.constant 0 : i32
    %dma_wait3A_500 = tpu.memref_slice %arg19[%dma_wait3A_498, %dma_wait3A_499] : memref<10240x64xf32, #tpu.memory_space<vmem_shared>> -> memref<10240x64xf32, #tpu.memory_space<vmem_shared>>
    tpu.wait_indirect_dma semaphore(%arg28 : memref<!tpu.dma_semaphore, #tpu.memory_space<semaphore_mem>>) src(%arg9 : memref<80x64xf32, #tpu.memory_space<vmem>>) dst(%dma_wait3A_500 : memref<10240x64xf32, #tpu.memory_space<vmem_shared>>)
    %dma_start3A_501 = arith.constant 246 : i32
    %dma_start3A_502 = arith.constant 0 : i32
    %dma_start3A_503 = tpu.memref_slice %arg7[%dma_start3A_501, %dma_start3A_502] : memref<250x80xi32, #tpu.memory_space<vmem>> -> memref<1x80xi32, #tpu.memory_space<vmem>>
    %dma_start3A_504 = tpu.memref_squeeze %dma_start3A_503 : memref<1x80xi32, #tpu.memory_space<vmem>> -> memref<80xi32, #tpu.memory_space<vmem>>
    %dma_start3A_505 = arith.constant 0 : i32
    %dma_start3A_506 = arith.constant 0 : i32
    %dma_start3A_507 = tpu.memref_slice %arg2[%dma_start3A_505, %dma_start3A_506] : memref<20480x64xf32, #tpu.memory_space<hbm>> -> memref<20480x64xf32, #tpu.memory_space<hbm>>
    tpu.enqueue_indirect_dma source(%dma_start3A_507 : memref<20480x64xf32, #tpu.memory_space<hbm>>) target(%arg9 : memref<80x64xf32, #tpu.memory_space<vmem>>) offsets(%dma_start3A_504 : memref<80xi32, #tpu.memory_space<vmem>>) semaphore(%arg20 : memref<!tpu.dma_semaphore, #tpu.memory_space<semaphore_mem>>)
    %get3A_508 = arith.constant 243 : i32
    %get3A_509 = arith.index_cast %get3A_508 : i32 to index
    %get3A_510 = arith.constant 0 : index
    %get3A_511 = tpu.vector_load %arg8[%get3A_509, %get3A_510] {strides = array<i32>} : memref<250x80xi32, #tpu.memory_space<vmem>>, vector<16xi32>,
    tpu.vector_store_idx %arg18[%get3A_511], %broadcast_in_dim3A_16 {add = true} : memref<10240xf32, #tpu.memory_space<vmem>>[vector<16xi32>], vector<16xf32>,
    %get3A_512 = arith.constant 243 : i32
    %get3A_513 = arith.index_cast %get3A_512 : i32 to index
    %get3A_514 = arith.constant 16 : index
    %get3A_515 = tpu.vector_load %arg8[%get3A_513, %get3A_514] {strides = array<i32>} : memref<250x80xi32, #tpu.memory_space<vmem>>, vector<16xi32>,
    tpu.vector_store_idx %arg18[%get3A_515], %broadcast_in_dim3A_16 {add = true} : memref<10240xf32, #tpu.memory_space<vmem>>[vector<16xi32>], vector<16xf32>,
    %get3A_516 = arith.constant 243 : i32
    %get3A_517 = arith.index_cast %get3A_516 : i32 to index
    %get3A_518 = arith.constant 32 : index
    %get3A_519 = tpu.vector_load %arg8[%get3A_517, %get3A_518] {strides = array<i32>} : memref<250x80xi32, #tpu.memory_space<vmem>>, vector<16xi32>,
    tpu.vector_store_idx %arg18[%get3A_519], %broadcast_in_dim3A_16 {add = true} : memref<10240xf32, #tpu.memory_space<vmem>>[vector<16xi32>], vector<16xf32>,
    %get3A_520 = arith.constant 243 : i32
    %get3A_521 = arith.index_cast %get3A_520 : i32 to index
    %get3A_522 = arith.constant 48 : index
    %get3A_523 = tpu.vector_load %arg8[%get3A_521, %get3A_522] {strides = array<i32>} : memref<250x80xi32, #tpu.memory_space<vmem>>, vector<16xi32>,
    tpu.vector_store_idx %arg18[%get3A_523], %broadcast_in_dim3A_16 {add = true} : memref<10240xf32, #tpu.memory_space<vmem>>[vector<16xi32>], vector<16xf32>,
    %get3A_524 = arith.constant 243 : i32
    %get3A_525 = arith.index_cast %get3A_524 : i32 to index
    %get3A_526 = arith.constant 64 : index
    %get3A_527 = tpu.vector_load %arg8[%get3A_525, %get3A_526] {strides = array<i32>} : memref<250x80xi32, #tpu.memory_space<vmem>>, vector<16xi32>,
    tpu.vector_store_idx %arg18[%get3A_527], %broadcast_in_dim3A_16 {add = true} : memref<10240xf32, #tpu.memory_space<vmem>>[vector<16xi32>], vector<16xf32>,
    %dma_wait3A_528 = arith.constant 244 : i32
    %dma_wait3A_529 = arith.constant 0 : i32
    %dma_wait3A_530 = tpu.memref_slice %arg7[%dma_wait3A_528, %dma_wait3A_529] : memref<250x80xi32, #tpu.memory_space<vmem>> -> memref<1x80xi32, #tpu.memory_space<vmem>>
    %dma_wait3A_531 = tpu.memref_squeeze %dma_wait3A_530 : memref<1x80xi32, #tpu.memory_space<vmem>> -> memref<80xi32, #tpu.memory_space<vmem>>
    %dma_wait3A_532 = arith.constant 0 : i32
    %dma_wait3A_533 = arith.constant 0 : i32
    %dma_wait3A_534 = tpu.memref_slice %arg2[%dma_wait3A_532, %dma_wait3A_533] : memref<20480x64xf32, #tpu.memory_space<hbm>> -> memref<20480x64xf32, #tpu.memory_space<hbm>>
    tpu.wait_indirect_dma semaphore(%arg24 : memref<!tpu.dma_semaphore, #tpu.memory_space<semaphore_mem>>) src(%dma_wait3A_534 : memref<20480x64xf32, #tpu.memory_space<hbm>>) dst(%arg13 : memref<80x64xf32, #tpu.memory_space<vmem>>)
    %dma_start3A_535 = arith.constant 244 : i32
    %dma_start3A_536 = arith.constant 0 : i32
    %dma_start3A_537 = tpu.memref_slice %arg8[%dma_start3A_535, %dma_start3A_536] : memref<250x80xi32, #tpu.memory_space<vmem>> -> memref<1x80xi32, #tpu.memory_space<vmem>>
    %dma_start3A_538 = tpu.memref_squeeze %dma_start3A_537 : memref<1x80xi32, #tpu.memory_space<vmem>> -> memref<80xi32, #tpu.memory_space<vmem>>
    %dma_start3A_539 = arith.constant 0 : i32
    %dma_start3A_540 = arith.constant 0 : i32
    %dma_start3A_541 = tpu.memref_slice %arg19[%dma_start3A_539, %dma_start3A_540] : memref<10240x64xf32, #tpu.memory_space<vmem_shared>> -> memref<10240x64xf32, #tpu.memory_space<vmem_shared>>
    tpu.enqueue_indirect_dma source(%arg13 : memref<80x64xf32, #tpu.memory_space<vmem>>) target(%dma_start3A_541 : memref<10240x64xf32, #tpu.memory_space<vmem_shared>>) offsets(%dma_start3A_538 : memref<80xi32, #tpu.memory_space<vmem>>) semaphore(%arg32 : memref<!tpu.dma_semaphore, #tpu.memory_space<semaphore_mem>>) {add = true}
    %dma_wait3A_542 = arith.constant 241 : i32
    %dma_wait3A_543 = arith.constant 0 : i32
    %dma_wait3A_544 = tpu.memref_slice %arg8[%dma_wait3A_542, %dma_wait3A_543] : memref<250x80xi32, #tpu.memory_space<vmem>> -> memref<1x80xi32, #tpu.memory_space<vmem>>
    %dma_wait3A_545 = tpu.memref_squeeze %dma_wait3A_544 : memref<1x80xi32, #tpu.memory_space<vmem>> -> memref<80xi32, #tpu.memory_space<vmem>>
    %dma_wait3A_546 = arith.constant 0 : i32
    %dma_wait3A_547 = arith.constant 0 : i32
    %dma_wait3A_548 = tpu.memref_slice %arg19[%dma_wait3A_546, %dma_wait3A_547] : memref<10240x64xf32, #tpu.memory_space<vmem_shared>> -> memref<10240x64xf32, #tpu.memory_space<vmem_shared>>
    tpu.wait_indirect_dma semaphore(%arg29 : memref<!tpu.dma_semaphore, #tpu.memory_space<semaphore_mem>>) src(%arg10 : memref<80x64xf32, #tpu.memory_space<vmem>>) dst(%dma_wait3A_548 : memref<10240x64xf32, #tpu.memory_space<vmem_shared>>)
    %dma_start3A_549 = arith.constant 247 : i32
    %dma_start3A_550 = arith.constant 0 : i32
    %dma_start3A_551 = tpu.memref_slice %arg7[%dma_start3A_549, %dma_start3A_550] : memref<250x80xi32, #tpu.memory_space<vmem>> -> memref<1x80xi32, #tpu.memory_space<vmem>>
    %dma_start3A_552 = tpu.memref_squeeze %dma_start3A_551 : memref<1x80xi32, #tpu.memory_space<vmem>> -> memref<80xi32, #tpu.memory_space<vmem>>
    %dma_start3A_553 = arith.constant 0 : i32
    %dma_start3A_554 = arith.constant 0 : i32
    %dma_start3A_555 = tpu.memref_slice %arg2[%dma_start3A_553, %dma_start3A_554] : memref<20480x64xf32, #tpu.memory_space<hbm>> -> memref<20480x64xf32, #tpu.memory_space<hbm>>
    tpu.enqueue_indirect_dma source(%dma_start3A_555 : memref<20480x64xf32, #tpu.memory_space<hbm>>) target(%arg10 : memref<80x64xf32, #tpu.memory_space<vmem>>) offsets(%dma_start3A_552 : memref<80xi32, #tpu.memory_space<vmem>>) semaphore(%arg21 : memref<!tpu.dma_semaphore, #tpu.memory_space<semaphore_mem>>)
    %get3A_556 = arith.constant 244 : i32
    %get3A_557 = arith.index_cast %get3A_556 : i32 to index
    %get3A_558 = arith.constant 0 : index
    %get3A_559 = tpu.vector_load %arg8[%get3A_557, %get3A_558] {strides = array<i32>} : memref<250x80xi32, #tpu.memory_space<vmem>>, vector<16xi32>,
    tpu.vector_store_idx %arg18[%get3A_559], %broadcast_in_dim3A_16 {add = true} : memref<10240xf32, #tpu.memory_space<vmem>>[vector<16xi32>], vector<16xf32>,
    %get3A_560 = arith.constant 244 : i32
    %get3A_561 = arith.index_cast %get3A_560 : i32 to index
    %get3A_562 = arith.constant 16 : index
    %get3A_563 = tpu.vector_load %arg8[%get3A_561, %get3A_562] {strides = array<i32>} : memref<250x80xi32, #tpu.memory_space<vmem>>, vector<16xi32>,
    tpu.vector_store_idx %arg18[%get3A_563], %broadcast_in_dim3A_16 {add = true} : memref<10240xf32, #tpu.memory_space<vmem>>[vector<16xi32>], vector<16xf32>,
    %get3A_564 = arith.constant 244 : i32
    %get3A_565 = arith.index_cast %get3A_564 : i32 to index
    %get3A_566 = arith.constant 32 : index
    %get3A_567 = tpu.vector_load %arg8[%get3A_565, %get3A_566] {strides = array<i32>} : memref<250x80xi32, #tpu.memory_space<vmem>>, vector<16xi32>,
    tpu.vector_store_idx %arg18[%get3A_567], %broadcast_in_dim3A_16 {add = true} : memref<10240xf32, #tpu.memory_space<vmem>>[vector<16xi32>], vector<16xf32>,
    %get3A_568 = arith.constant 244 : i32
    %get3A_569 = arith.index_cast %get3A_568 : i32 to index
    %get3A_570 = arith.constant 48 : index
    %get3A_571 = tpu.vector_load %arg8[%get3A_569, %get3A_570] {strides = array<i32>} : memref<250x80xi32, #tpu.memory_space<vmem>>, vector<16xi32>,
    tpu.vector_store_idx %arg18[%get3A_571], %broadcast_in_dim3A_16 {add = true} : memref<10240xf32, #tpu.memory_space<vmem>>[vector<16xi32>], vector<16xf32>,
    %get3A_572 = arith.constant 244 : i32
    %get3A_573 = arith.index_cast %get3A_572 : i32 to index
    %get3A_574 = arith.constant 64 : index
    %get3A_575 = tpu.vector_load %arg8[%get3A_573, %get3A_574] {strides = array<i32>} : memref<250x80xi32, #tpu.memory_space<vmem>>, vector<16xi32>,
    tpu.vector_store_idx %arg18[%get3A_575], %broadcast_in_dim3A_16 {add = true} : memref<10240xf32, #tpu.memory_space<vmem>>[vector<16xi32>], vector<16xf32>,
    %dma_wait3A_576 = arith.constant 245 : i32
    %dma_wait3A_577 = arith.constant 0 : i32
    %dma_wait3A_578 = tpu.memref_slice %arg7[%dma_wait3A_576, %dma_wait3A_577] : memref<250x80xi32, #tpu.memory_space<vmem>> -> memref<1x80xi32, #tpu.memory_space<vmem>>
    %dma_wait3A_579 = tpu.memref_squeeze %dma_wait3A_578 : memref<1x80xi32, #tpu.memory_space<vmem>> -> memref<80xi32, #tpu.memory_space<vmem>>
    %dma_wait3A_580 = arith.constant 0 : i32
    %dma_wait3A_581 = arith.constant 0 : i32
    %dma_wait3A_582 = tpu.memref_slice %arg2[%dma_wait3A_580, %dma_wait3A_581] : memref<20480x64xf32, #tpu.memory_space<hbm>> -> memref<20480x64xf32, #tpu.memory_space<hbm>>
    tpu.wait_indirect_dma semaphore(%arg25 : memref<!tpu.dma_semaphore, #tpu.memory_space<semaphore_mem>>) src(%dma_wait3A_582 : memref<20480x64xf32, #tpu.memory_space<hbm>>) dst(%arg14 : memref<80x64xf32, #tpu.memory_space<vmem>>)
    %dma_start3A_583 = arith.constant 245 : i32
    %dma_start3A_584 = arith.constant 0 : i32
    %dma_start3A_585 = tpu.memref_slice %arg8[%dma_start3A_583, %dma_start3A_584] : memref<250x80xi32, #tpu.memory_space<vmem>> -> memref<1x80xi32, #tpu.memory_space<vmem>>
    %dma_start3A_586 = tpu.memref_squeeze %dma_start3A_585 : memref<1x80xi32, #tpu.memory_space<vmem>> -> memref<80xi32, #tpu.memory_space<vmem>>
    %dma_start3A_587 = arith.constant 0 : i32
    %dma_start3A_588 = arith.constant 0 : i32
    %dma_start3A_589 = tpu.memref_slice %arg19[%dma_start3A_587, %dma_start3A_588] : memref<10240x64xf32, #tpu.memory_space<vmem_shared>> -> memref<10240x64xf32, #tpu.memory_space<vmem_shared>>
    tpu.enqueue_indirect_dma source(%arg14 : memref<80x64xf32, #tpu.memory_space<vmem>>) target(%dma_start3A_589 : memref<10240x64xf32, #tpu.memory_space<vmem_shared>>) offsets(%dma_start3A_586 : memref<80xi32, #tpu.memory_space<vmem>>) semaphore(%arg33 : memref<!tpu.dma_semaphore, #tpu.memory_space<semaphore_mem>>) {add = true}
    %dma_wait3A_590 = arith.constant 242 : i32
    %dma_wait3A_591 = arith.constant 0 : i32
    %dma_wait3A_592 = tpu.memref_slice %arg8[%dma_wait3A_590, %dma_wait3A_591] : memref<250x80xi32, #tpu.memory_space<vmem>> -> memref<1x80xi32, #tpu.memory_space<vmem>>
    %dma_wait3A_593 = tpu.memref_squeeze %dma_wait3A_592 : memref<1x80xi32, #tpu.memory_space<vmem>> -> memref<80xi32, #tpu.memory_space<vmem>>
    %dma_wait3A_594 = arith.constant 0 : i32
    %dma_wait3A_595 = arith.constant 0 : i32
    %dma_wait3A_596 = tpu.memref_slice %arg19[%dma_wait3A_594, %dma_wait3A_595] : memref<10240x64xf32, #tpu.memory_space<vmem_shared>> -> memref<10240x64xf32, #tpu.memory_space<vmem_shared>>
    tpu.wait_indirect_dma semaphore(%arg30 : memref<!tpu.dma_semaphore, #tpu.memory_space<semaphore_mem>>) src(%arg11 : memref<80x64xf32, #tpu.memory_space<vmem>>) dst(%dma_wait3A_596 : memref<10240x64xf32, #tpu.memory_space<vmem_shared>>)
    %dma_start3A_597 = arith.constant 248 : i32
    %dma_start3A_598 = arith.constant 0 : i32
    %dma_start3A_599 = tpu.memref_slice %arg7[%dma_start3A_597, %dma_start3A_598] : memref<250x80xi32, #tpu.memory_space<vmem>> -> memref<1x80xi32, #tpu.memory_space<vmem>>
    %dma_start3A_600 = tpu.memref_squeeze %dma_start3A_599 : memref<1x80xi32, #tpu.memory_space<vmem>> -> memref<80xi32, #tpu.memory_space<vmem>>
    %dma_start3A_601 = arith.constant 0 : i32
    %dma_start3A_602 = arith.constant 0 : i32
    %dma_start3A_603 = tpu.memref_slice %arg2[%dma_start3A_601, %dma_start3A_602] : memref<20480x64xf32, #tpu.memory_space<hbm>> -> memref<20480x64xf32, #tpu.memory_space<hbm>>
    tpu.enqueue_indirect_dma source(%dma_start3A_603 : memref<20480x64xf32, #tpu.memory_space<hbm>>) target(%arg11 : memref<80x64xf32, #tpu.memory_space<vmem>>) offsets(%dma_start3A_600 : memref<80xi32, #tpu.memory_space<vmem>>) semaphore(%arg22 : memref<!tpu.dma_semaphore, #tpu.memory_space<semaphore_mem>>)
    %get3A_604 = arith.constant 245 : i32
    %get3A_605 = arith.index_cast %get3A_604 : i32 to index
    %get3A_606 = arith.constant 0 : index
    %get3A_607 = tpu.vector_load %arg8[%get3A_605, %get3A_606] {strides = array<i32>} : memref<250x80xi32, #tpu.memory_space<vmem>>, vector<16xi32>,
    tpu.vector_store_idx %arg18[%get3A_607], %broadcast_in_dim3A_16 {add = true} : memref<10240xf32, #tpu.memory_space<vmem>>[vector<16xi32>], vector<16xf32>,
    %get3A_608 = arith.constant 245 : i32
    %get3A_609 = arith.index_cast %get3A_608 : i32 to index
    %get3A_610 = arith.constant 16 : index
    %get3A_611 = tpu.vector_load %arg8[%get3A_609, %get3A_610] {strides = array<i32>} : memref<250x80xi32, #tpu.memory_space<vmem>>, vector<16xi32>,
    tpu.vector_store_idx %arg18[%get3A_611], %broadcast_in_dim3A_16 {add = true} : memref<10240xf32, #tpu.memory_space<vmem>>[vector<16xi32>], vector<16xf32>,
    %get3A_612 = arith.constant 245 : i32
    %get3A_613 = arith.index_cast %get3A_612 : i32 to index
    %get3A_614 = arith.constant 32 : index
    %get3A_615 = tpu.vector_load %arg8[%get3A_613, %get3A_614] {strides = array<i32>} : memref<250x80xi32, #tpu.memory_space<vmem>>, vector<16xi32>,
    tpu.vector_store_idx %arg18[%get3A_615], %broadcast_in_dim3A_16 {add = true} : memref<10240xf32, #tpu.memory_space<vmem>>[vector<16xi32>], vector<16xf32>,
    %get3A_616 = arith.constant 245 : i32
    %get3A_617 = arith.index_cast %get3A_616 : i32 to index
    %get3A_618 = arith.constant 48 : index
    %get3A_619 = tpu.vector_load %arg8[%get3A_617, %get3A_618] {strides = array<i32>} : memref<250x80xi32, #tpu.memory_space<vmem>>, vector<16xi32>,
    tpu.vector_store_idx %arg18[%get3A_619], %broadcast_in_dim3A_16 {add = true} : memref<10240xf32, #tpu.memory_space<vmem>>[vector<16xi32>], vector<16xf32>,
    %get3A_620 = arith.constant 245 : i32
    %get3A_621 = arith.index_cast %get3A_620 : i32 to index
    %get3A_622 = arith.constant 64 : index
    %get3A_623 = tpu.vector_load %arg8[%get3A_621, %get3A_622] {strides = array<i32>} : memref<250x80xi32, #tpu.memory_space<vmem>>, vector<16xi32>,
    tpu.vector_store_idx %arg18[%get3A_623], %broadcast_in_dim3A_16 {add = true} : memref<10240xf32, #tpu.memory_space<vmem>>[vector<16xi32>], vector<16xf32>,
    %dma_wait3A_624 = arith.constant 246 : i32
    %dma_wait3A_625 = arith.constant 0 : i32
    %dma_wait3A_626 = tpu.memref_slice %arg7[%dma_wait3A_624, %dma_wait3A_625] : memref<250x80xi32, #tpu.memory_space<vmem>> -> memref<1x80xi32, #tpu.memory_space<vmem>>
    %dma_wait3A_627 = tpu.memref_squeeze %dma_wait3A_626 : memref<1x80xi32, #tpu.memory_space<vmem>> -> memref<80xi32, #tpu.memory_space<vmem>>
    %dma_wait3A_628 = arith.constant 0 : i32
    %dma_wait3A_629 = arith.constant 0 : i32
    %dma_wait3A_630 = tpu.memref_slice %arg2[%dma_wait3A_628, %dma_wait3A_629] : memref<20480x64xf32, #tpu.memory_space<hbm>> -> memref<20480x64xf32, #tpu.memory_space<hbm>>
    tpu.wait_indirect_dma semaphore(%arg20 : memref<!tpu.dma_semaphore, #tpu.memory_space<semaphore_mem>>) src(%dma_wait3A_630 : memref<20480x64xf32, #tpu.memory_space<hbm>>) dst(%arg9 : memref<80x64xf32, #tpu.memory_space<vmem>>)
    %dma_start3A_631 = arith.constant 246 : i32
    %dma_start3A_632 = arith.constant 0 : i32
    %dma_start3A_633 = tpu.memref_slice %arg8[%dma_start3A_631, %dma_start3A_632] : memref<250x80xi32, #tpu.memory_space<vmem>> -> memref<1x80xi32, #tpu.memory_space<vmem>>
    %dma_start3A_634 = tpu.memref_squeeze %dma_start3A_633 : memref<1x80xi32, #tpu.memory_space<vmem>> -> memref<80xi32, #tpu.memory_space<vmem>>
    %dma_start3A_635 = arith.constant 0 : i32
    %dma_start3A_636 = arith.constant 0 : i32
    %dma_start3A_637 = tpu.memref_slice %arg19[%dma_start3A_635, %dma_start3A_636] : memref<10240x64xf32, #tpu.memory_space<vmem_shared>> -> memref<10240x64xf32, #tpu.memory_space<vmem_shared>>
    tpu.enqueue_indirect_dma source(%arg9 : memref<80x64xf32, #tpu.memory_space<vmem>>) target(%dma_start3A_637 : memref<10240x64xf32, #tpu.memory_space<vmem_shared>>) offsets(%dma_start3A_634 : memref<80xi32, #tpu.memory_space<vmem>>) semaphore(%arg28 : memref<!tpu.dma_semaphore, #tpu.memory_space<semaphore_mem>>) {add = true}
    %dma_wait3A_638 = arith.constant 243 : i32
    %dma_wait3A_639 = arith.constant 0 : i32
    %dma_wait3A_640 = tpu.memref_slice %arg8[%dma_wait3A_638, %dma_wait3A_639] : memref<250x80xi32, #tpu.memory_space<vmem>> -> memref<1x80xi32, #tpu.memory_space<vmem>>
    %dma_wait3A_641 = tpu.memref_squeeze %dma_wait3A_640 : memref<1x80xi32, #tpu.memory_space<vmem>> -> memref<80xi32, #tpu.memory_space<vmem>>
    %dma_wait3A_642 = arith.constant 0 : i32
    %dma_wait3A_643 = arith.constant 0 : i32
    %dma_wait3A_644 = tpu.memref_slice %arg19[%dma_wait3A_642, %dma_wait3A_643] : memref<10240x64xf32, #tpu.memory_space<vmem_shared>> -> memref<10240x64xf32, #tpu.memory_space<vmem_shared>>
    tpu.wait_indirect_dma semaphore(%arg31 : memref<!tpu.dma_semaphore, #tpu.memory_space<semaphore_mem>>) src(%arg12 : memref<80x64xf32, #tpu.memory_space<vmem>>) dst(%dma_wait3A_644 : memref<10240x64xf32, #tpu.memory_space<vmem_shared>>)
    %dma_start3A_645 = arith.constant 249 : i32
    %dma_start3A_646 = arith.constant 0 : i32
    %dma_start3A_647 = tpu.memref_slice %arg7[%dma_start3A_645, %dma_start3A_646] : memref<250x80xi32, #tpu.memory_space<vmem>> -> memref<1x80xi32, #tpu.memory_space<vmem>>
    %dma_start3A_648 = tpu.memref_squeeze %dma_start3A_647 : memref<1x80xi32, #tpu.memory_space<vmem>> -> memref<80xi32, #tpu.memory_space<vmem>>
    %dma_start3A_649 = arith.constant 0 : i32
    %dma_start3A_650 = arith.constant 0 : i32
    %dma_start3A_651 = tpu.memref_slice %arg2[%dma_start3A_649, %dma_start3A_650] : memref<20480x64xf32, #tpu.memory_space<hbm>> -> memref<20480x64xf32, #tpu.memory_space<hbm>>
    tpu.enqueue_indirect_dma source(%dma_start3A_651 : memref<20480x64xf32, #tpu.memory_space<hbm>>) target(%arg12 : memref<80x64xf32, #tpu.memory_space<vmem>>) offsets(%dma_start3A_648 : memref<80xi32, #tpu.memory_space<vmem>>) semaphore(%arg23 : memref<!tpu.dma_semaphore, #tpu.memory_space<semaphore_mem>>)
    %get3A_652 = arith.constant 246 : i32
    %get3A_653 = arith.index_cast %get3A_652 : i32 to index
    %get3A_654 = arith.constant 0 : index
    %get3A_655 = tpu.vector_load %arg8[%get3A_653, %get3A_654] {strides = array<i32>} : memref<250x80xi32, #tpu.memory_space<vmem>>, vector<16xi32>,
    tpu.vector_store_idx %arg18[%get3A_655], %broadcast_in_dim3A_16 {add = true} : memref<10240xf32, #tpu.memory_space<vmem>>[vector<16xi32>], vector<16xf32>,
    %get3A_656 = arith.constant 246 : i32
    %get3A_657 = arith.index_cast %get3A_656 : i32 to index
    %get3A_658 = arith.constant 16 : index
    %get3A_659 = tpu.vector_load %arg8[%get3A_657, %get3A_658] {strides = array<i32>} : memref<250x80xi32, #tpu.memory_space<vmem>>, vector<16xi32>,
    tpu.vector_store_idx %arg18[%get3A_659], %broadcast_in_dim3A_16 {add = true} : memref<10240xf32, #tpu.memory_space<vmem>>[vector<16xi32>], vector<16xf32>,
    %get3A_660 = arith.constant 246 : i32
    %get3A_661 = arith.index_cast %get3A_660 : i32 to index
    %get3A_662 = arith.constant 32 : index
    %get3A_663 = tpu.vector_load %arg8[%get3A_661, %get3A_662] {strides = array<i32>} : memref<250x80xi32, #tpu.memory_space<vmem>>, vector<16xi32>,
    tpu.vector_store_idx %arg18[%get3A_663], %broadcast_in_dim3A_16 {add = true} : memref<10240xf32, #tpu.memory_space<vmem>>[vector<16xi32>], vector<16xf32>,
    %get3A_664 = arith.constant 246 : i32
    %get3A_665 = arith.index_cast %get3A_664 : i32 to index
    %get3A_666 = arith.constant 48 : index
    %get3A_667 = tpu.vector_load %arg8[%get3A_665, %get3A_666] {strides = array<i32>} : memref<250x80xi32, #tpu.memory_space<vmem>>, vector<16xi32>,
    tpu.vector_store_idx %arg18[%get3A_667], %broadcast_in_dim3A_16 {add = true} : memref<10240xf32, #tpu.memory_space<vmem>>[vector<16xi32>], vector<16xf32>,
    %get3A_668 = arith.constant 246 : i32
    %get3A_669 = arith.index_cast %get3A_668 : i32 to index
    %get3A_670 = arith.constant 64 : index
    %get3A_671 = tpu.vector_load %arg8[%get3A_669, %get3A_670] {strides = array<i32>} : memref<250x80xi32, #tpu.memory_space<vmem>>, vector<16xi32>,
    tpu.vector_store_idx %arg18[%get3A_671], %broadcast_in_dim3A_16 {add = true} : memref<10240xf32, #tpu.memory_space<vmem>>[vector<16xi32>], vector<16xf32>,
    %dma_wait3A_672 = arith.constant 247 : i32
    %dma_wait3A_673 = arith.constant 0 : i32
    %dma_wait3A_674 = tpu.memref_slice %arg7[%dma_wait3A_672, %dma_wait3A_673] : memref<250x80xi32, #tpu.memory_space<vmem>> -> memref<1x80xi32, #tpu.memory_space<vmem>>
    %dma_wait3A_675 = tpu.memref_squeeze %dma_wait3A_674 : memref<1x80xi32, #tpu.memory_space<vmem>> -> memref<80xi32, #tpu.memory_space<vmem>>
    %dma_wait3A_676 = arith.constant 0 : i32
    %dma_wait3A_677 = arith.constant 0 : i32
    %dma_wait3A_678 = tpu.memref_slice %arg2[%dma_wait3A_676, %dma_wait3A_677] : memref<20480x64xf32, #tpu.memory_space<hbm>> -> memref<20480x64xf32, #tpu.memory_space<hbm>>
    tpu.wait_indirect_dma semaphore(%arg21 : memref<!tpu.dma_semaphore, #tpu.memory_space<semaphore_mem>>) src(%dma_wait3A_678 : memref<20480x64xf32, #tpu.memory_space<hbm>>) dst(%arg10 : memref<80x64xf32, #tpu.memory_space<vmem>>)
    %dma_start3A_679 = arith.constant 247 : i32
    %dma_start3A_680 = arith.constant 0 : i32
    %dma_start3A_681 = tpu.memref_slice %arg8[%dma_start3A_679, %dma_start3A_680] : memref<250x80xi32, #tpu.memory_space<vmem>> -> memref<1x80xi32, #tpu.memory_space<vmem>>
    %dma_start3A_682 = tpu.memref_squeeze %dma_start3A_681 : memref<1x80xi32, #tpu.memory_space<vmem>> -> memref<80xi32, #tpu.memory_space<vmem>>
    %dma_start3A_683 = arith.constant 0 : i32
    %dma_start3A_684 = arith.constant 0 : i32
    %dma_start3A_685 = tpu.memref_slice %arg19[%dma_start3A_683, %dma_start3A_684] : memref<10240x64xf32, #tpu.memory_space<vmem_shared>> -> memref<10240x64xf32, #tpu.memory_space<vmem_shared>>
    tpu.enqueue_indirect_dma source(%arg10 : memref<80x64xf32, #tpu.memory_space<vmem>>) target(%dma_start3A_685 : memref<10240x64xf32, #tpu.memory_space<vmem_shared>>) offsets(%dma_start3A_682 : memref<80xi32, #tpu.memory_space<vmem>>) semaphore(%arg29 : memref<!tpu.dma_semaphore, #tpu.memory_space<semaphore_mem>>) {add = true}
    %dma_wait3A_686 = arith.constant 244 : i32
    %dma_wait3A_687 = arith.constant 0 : i32
    %dma_wait3A_688 = tpu.memref_slice %arg8[%dma_wait3A_686, %dma_wait3A_687] : memref<250x80xi32, #tpu.memory_space<vmem>> -> memref<1x80xi32, #tpu.memory_space<vmem>>
    %dma_wait3A_689 = tpu.memref_squeeze %dma_wait3A_688 : memref<1x80xi32, #tpu.memory_space<vmem>> -> memref<80xi32, #tpu.memory_space<vmem>>
    %dma_wait3A_690 = arith.constant 0 : i32
    %dma_wait3A_691 = arith.constant 0 : i32
    %dma_wait3A_692 = tpu.memref_slice %arg19[%dma_wait3A_690, %dma_wait3A_691] : memref<10240x64xf32, #tpu.memory_space<vmem_shared>> -> memref<10240x64xf32, #tpu.memory_space<vmem_shared>>
    tpu.wait_indirect_dma semaphore(%arg32 : memref<!tpu.dma_semaphore, #tpu.memory_space<semaphore_mem>>) src(%arg13 : memref<80x64xf32, #tpu.memory_space<vmem>>) dst(%dma_wait3A_692 : memref<10240x64xf32, #tpu.memory_space<vmem_shared>>)
    %get3A_693 = arith.constant 247 : i32
    %get3A_694 = arith.index_cast %get3A_693 : i32 to index
    %get3A_695 = arith.constant 0 : index
    %get3A_696 = tpu.vector_load %arg8[%get3A_694, %get3A_695] {strides = array<i32>} : memref<250x80xi32, #tpu.memory_space<vmem>>, vector<16xi32>,
    tpu.vector_store_idx %arg18[%get3A_696], %broadcast_in_dim3A_16 {add = true} : memref<10240xf32, #tpu.memory_space<vmem>>[vector<16xi32>], vector<16xf32>,
    %get3A_697 = arith.constant 247 : i32
    %get3A_698 = arith.index_cast %get3A_697 : i32 to index
    %get3A_699 = arith.constant 16 : index
    %get3A_700 = tpu.vector_load %arg8[%get3A_698, %get3A_699] {strides = array<i32>} : memref<250x80xi32, #tpu.memory_space<vmem>>, vector<16xi32>,
    tpu.vector_store_idx %arg18[%get3A_700], %broadcast_in_dim3A_16 {add = true} : memref<10240xf32, #tpu.memory_space<vmem>>[vector<16xi32>], vector<16xf32>,
    %get3A_701 = arith.constant 247 : i32
    %get3A_702 = arith.index_cast %get3A_701 : i32 to index
    %get3A_703 = arith.constant 32 : index
    %get3A_704 = tpu.vector_load %arg8[%get3A_702, %get3A_703] {strides = array<i32>} : memref<250x80xi32, #tpu.memory_space<vmem>>, vector<16xi32>,
    tpu.vector_store_idx %arg18[%get3A_704], %broadcast_in_dim3A_16 {add = true} : memref<10240xf32, #tpu.memory_space<vmem>>[vector<16xi32>], vector<16xf32>,
    %get3A_705 = arith.constant 247 : i32
    %get3A_706 = arith.index_cast %get3A_705 : i32 to index
    %get3A_707 = arith.constant 48 : index
    %get3A_708 = tpu.vector_load %arg8[%get3A_706, %get3A_707] {strides = array<i32>} : memref<250x80xi32, #tpu.memory_space<vmem>>, vector<16xi32>,
    tpu.vector_store_idx %arg18[%get3A_708], %broadcast_in_dim3A_16 {add = true} : memref<10240xf32, #tpu.memory_space<vmem>>[vector<16xi32>], vector<16xf32>,
    %get3A_709 = arith.constant 247 : i32
    %get3A_710 = arith.index_cast %get3A_709 : i32 to index
    %get3A_711 = arith.constant 64 : index
    %get3A_712 = tpu.vector_load %arg8[%get3A_710, %get3A_711] {strides = array<i32>} : memref<250x80xi32, #tpu.memory_space<vmem>>, vector<16xi32>,
    tpu.vector_store_idx %arg18[%get3A_712], %broadcast_in_dim3A_16 {add = true} : memref<10240xf32, #tpu.memory_space<vmem>>[vector<16xi32>], vector<16xf32>,
    %dma_wait3A_713 = arith.constant 248 : i32
    %dma_wait3A_714 = arith.constant 0 : i32
    %dma_wait3A_715 = tpu.memref_slice %arg7[%dma_wait3A_713, %dma_wait3A_714] : memref<250x80xi32, #tpu.memory_space<vmem>> -> memref<1x80xi32, #tpu.memory_space<vmem>>
    %dma_wait3A_716 = tpu.memref_squeeze %dma_wait3A_715 : memref<1x80xi32, #tpu.memory_space<vmem>> -> memref<80xi32, #tpu.memory_space<vmem>>
    %dma_wait3A_717 = arith.constant 0 : i32
    %dma_wait3A_718 = arith.constant 0 : i32
    %dma_wait3A_719 = tpu.memref_slice %arg2[%dma_wait3A_717, %dma_wait3A_718] : memref<20480x64xf32, #tpu.memory_space<hbm>> -> memref<20480x64xf32, #tpu.memory_space<hbm>>
    tpu.wait_indirect_dma semaphore(%arg22 : memref<!tpu.dma_semaphore, #tpu.memory_space<semaphore_mem>>) src(%dma_wait3A_719 : memref<20480x64xf32, #tpu.memory_space<hbm>>) dst(%arg11 : memref<80x64xf32, #tpu.memory_space<vmem>>)
    %dma_start3A_720 = arith.constant 248 : i32
    %dma_start3A_721 = arith.constant 0 : i32
    %dma_start3A_722 = tpu.memref_slice %arg8[%dma_start3A_720, %dma_start3A_721] : memref<250x80xi32, #tpu.memory_space<vmem>> -> memref<1x80xi32, #tpu.memory_space<vmem>>
    %dma_start3A_723 = tpu.memref_squeeze %dma_start3A_722 : memref<1x80xi32, #tpu.memory_space<vmem>> -> memref<80xi32, #tpu.memory_space<vmem>>
    %dma_start3A_724 = arith.constant 0 : i32
    %dma_start3A_725 = arith.constant 0 : i32
    %dma_start3A_726 = tpu.memref_slice %arg19[%dma_start3A_724, %dma_start3A_725] : memref<10240x64xf32, #tpu.memory_space<vmem_shared>> -> memref<10240x64xf32, #tpu.memory_space<vmem_shared>>
    tpu.enqueue_indirect_dma source(%arg11 : memref<80x64xf32, #tpu.memory_space<vmem>>) target(%dma_start3A_726 : memref<10240x64xf32, #tpu.memory_space<vmem_shared>>) offsets(%dma_start3A_723 : memref<80xi32, #tpu.memory_space<vmem>>) semaphore(%arg30 : memref<!tpu.dma_semaphore, #tpu.memory_space<semaphore_mem>>) {add = true}
    %dma_wait3A_727 = arith.constant 245 : i32
    %dma_wait3A_728 = arith.constant 0 : i32
    %dma_wait3A_729 = tpu.memref_slice %arg8[%dma_wait3A_727, %dma_wait3A_728] : memref<250x80xi32, #tpu.memory_space<vmem>> -> memref<1x80xi32, #tpu.memory_space<vmem>>
    %dma_wait3A_730 = tpu.memref_squeeze %dma_wait3A_729 : memref<1x80xi32, #tpu.memory_space<vmem>> -> memref<80xi32, #tpu.memory_space<vmem>>
    %dma_wait3A_731 = arith.constant 0 : i32
    %dma_wait3A_732 = arith.constant 0 : i32
    %dma_wait3A_733 = tpu.memref_slice %arg19[%dma_wait3A_731, %dma_wait3A_732] : memref<10240x64xf32, #tpu.memory_space<vmem_shared>> -> memref<10240x64xf32, #tpu.memory_space<vmem_shared>>
    tpu.wait_indirect_dma semaphore(%arg33 : memref<!tpu.dma_semaphore, #tpu.memory_space<semaphore_mem>>) src(%arg14 : memref<80x64xf32, #tpu.memory_space<vmem>>) dst(%dma_wait3A_733 : memref<10240x64xf32, #tpu.memory_space<vmem_shared>>)
    %get3A_734 = arith.constant 248 : i32
    %get3A_735 = arith.index_cast %get3A_734 : i32 to index
    %get3A_736 = arith.constant 0 : index
    %get3A_737 = tpu.vector_load %arg8[%get3A_735, %get3A_736] {strides = array<i32>} : memref<250x80xi32, #tpu.memory_space<vmem>>, vector<16xi32>,
    tpu.vector_store_idx %arg18[%get3A_737], %broadcast_in_dim3A_16 {add = true} : memref<10240xf32, #tpu.memory_space<vmem>>[vector<16xi32>], vector<16xf32>,
    %get3A_738 = arith.constant 248 : i32
    %get3A_739 = arith.index_cast %get3A_738 : i32 to index
    %get3A_740 = arith.constant 16 : index
    %get3A_741 = tpu.vector_load %arg8[%get3A_739, %get3A_740] {strides = array<i32>} : memref<250x80xi32, #tpu.memory_space<vmem>>, vector<16xi32>,
    tpu.vector_store_idx %arg18[%get3A_741], %broadcast_in_dim3A_16 {add = true} : memref<10240xf32, #tpu.memory_space<vmem>>[vector<16xi32>], vector<16xf32>,
    %get3A_742 = arith.constant 248 : i32
    %get3A_743 = arith.index_cast %get3A_742 : i32 to index
    %get3A_744 = arith.constant 32 : index
    %get3A_745 = tpu.vector_load %arg8[%get3A_743, %get3A_744] {strides = array<i32>} : memref<250x80xi32, #tpu.memory_space<vmem>>, vector<16xi32>,
    tpu.vector_store_idx %arg18[%get3A_745], %broadcast_in_dim3A_16 {add = true} : memref<10240xf32, #tpu.memory_space<vmem>>[vector<16xi32>], vector<16xf32>,
    %get3A_746 = arith.constant 248 : i32
    %get3A_747 = arith.index_cast %get3A_746 : i32 to index
    %get3A_748 = arith.constant 48 : index
    %get3A_749 = tpu.vector_load %arg8[%get3A_747, %get3A_748] {strides = array<i32>} : memref<250x80xi32, #tpu.memory_space<vmem>>, vector<16xi32>,
    tpu.vector_store_idx %arg18[%get3A_749], %broadcast_in_dim3A_16 {add = true} : memref<10240xf32, #tpu.memory_space<vmem>>[vector<16xi32>], vector<16xf32>,
    %get3A_750 = arith.constant 248 : i32
    %get3A_751 = arith.index_cast %get3A_750 : i32 to index
    %get3A_752 = arith.constant 64 : index
    %get3A_753 = tpu.vector_load %arg8[%get3A_751, %get3A_752] {strides = array<i32>} : memref<250x80xi32, #tpu.memory_space<vmem>>, vector<16xi32>,
    tpu.vector_store_idx %arg18[%get3A_753], %broadcast_in_dim3A_16 {add = true} : memref<10240xf32, #tpu.memory_space<vmem>>[vector<16xi32>], vector<16xf32>,
    %dma_wait3A_754 = arith.constant 249 : i32
    %dma_wait3A_755 = arith.constant 0 : i32
    %dma_wait3A_756 = tpu.memref_slice %arg7[%dma_wait3A_754, %dma_wait3A_755] : memref<250x80xi32, #tpu.memory_space<vmem>> -> memref<1x80xi32, #tpu.memory_space<vmem>>
    %dma_wait3A_757 = tpu.memref_squeeze %dma_wait3A_756 : memref<1x80xi32, #tpu.memory_space<vmem>> -> memref<80xi32, #tpu.memory_space<vmem>>
    %dma_wait3A_758 = arith.constant 0 : i32
    %dma_wait3A_759 = arith.constant 0 : i32
    %dma_wait3A_760 = tpu.memref_slice %arg2[%dma_wait3A_758, %dma_wait3A_759] : memref<20480x64xf32, #tpu.memory_space<hbm>> -> memref<20480x64xf32, #tpu.memory_space<hbm>>
    tpu.wait_indirect_dma semaphore(%arg23 : memref<!tpu.dma_semaphore, #tpu.memory_space<semaphore_mem>>) src(%dma_wait3A_760 : memref<20480x64xf32, #tpu.memory_space<hbm>>) dst(%arg12 : memref<80x64xf32, #tpu.memory_space<vmem>>)
    %dma_start3A_761 = arith.constant 249 : i32
    %dma_start3A_762 = arith.constant 0 : i32
    %dma_start3A_763 = tpu.memref_slice %arg8[%dma_start3A_761, %dma_start3A_762] : memref<250x80xi32, #tpu.memory_space<vmem>> -> memref<1x80xi32, #tpu.memory_space<vmem>>
    %dma_start3A_764 = tpu.memref_squeeze %dma_start3A_763 : memref<1x80xi32, #tpu.memory_space<vmem>> -> memref<80xi32, #tpu.memory_space<vmem>>
    %dma_start3A_765 = arith.constant 0 : i32
    %dma_start3A_766 = arith.constant 0 : i32
    %dma_start3A_767 = tpu.memref_slice %arg19[%dma_start3A_765, %dma_start3A_766] : memref<10240x64xf32, #tpu.memory_space<vmem_shared>> -> memref<10240x64xf32, #tpu.memory_space<vmem_shared>>
    tpu.enqueue_indirect_dma source(%arg12 : memref<80x64xf32, #tpu.memory_space<vmem>>) target(%dma_start3A_767 : memref<10240x64xf32, #tpu.memory_space<vmem_shared>>) offsets(%dma_start3A_764 : memref<80xi32, #tpu.memory_space<vmem>>) semaphore(%arg31 : memref<!tpu.dma_semaphore, #tpu.memory_space<semaphore_mem>>) {add = true}
    %dma_wait3A_768 = arith.constant 246 : i32
    %dma_wait3A_769 = arith.constant 0 : i32
    %dma_wait3A_770 = tpu.memref_slice %arg8[%dma_wait3A_768, %dma_wait3A_769] : memref<250x80xi32, #tpu.memory_space<vmem>> -> memref<1x80xi32, #tpu.memory_space<vmem>>
    %dma_wait3A_771 = tpu.memref_squeeze %dma_wait3A_770 : memref<1x80xi32, #tpu.memory_space<vmem>> -> memref<80xi32, #tpu.memory_space<vmem>>
    %dma_wait3A_772 = arith.constant 0 : i32
    %dma_wait3A_773 = arith.constant 0 : i32
    %dma_wait3A_774 = tpu.memref_slice %arg19[%dma_wait3A_772, %dma_wait3A_773] : memref<10240x64xf32, #tpu.memory_space<vmem_shared>> -> memref<10240x64xf32, #tpu.memory_space<vmem_shared>>
    tpu.wait_indirect_dma semaphore(%arg28 : memref<!tpu.dma_semaphore, #tpu.memory_space<semaphore_mem>>) src(%arg9 : memref<80x64xf32, #tpu.memory_space<vmem>>) dst(%dma_wait3A_774 : memref<10240x64xf32, #tpu.memory_space<vmem_shared>>)
    %get3A_775 = arith.constant 249 : i32
    %get3A_776 = arith.index_cast %get3A_775 : i32 to index
    %get3A_777 = arith.constant 0 : index
    %get3A_778 = tpu.vector_load %arg8[%get3A_776, %get3A_777] {strides = array<i32>} : memref<250x80xi32, #tpu.memory_space<vmem>>, vector<16xi32>,
    tpu.vector_store_idx %arg18[%get3A_778], %broadcast_in_dim3A_16 {add = true} : memref<10240xf32, #tpu.memory_space<vmem>>[vector<16xi32>], vector<16xf32>,
    %get3A_779 = arith.constant 249 : i32
    %get3A_780 = arith.index_cast %get3A_779 : i32 to index
    %get3A_781 = arith.constant 16 : index
    %get3A_782 = tpu.vector_load %arg8[%get3A_780, %get3A_781] {strides = array<i32>} : memref<250x80xi32, #tpu.memory_space<vmem>>, vector<16xi32>,
    tpu.vector_store_idx %arg18[%get3A_782], %broadcast_in_dim3A_16 {add = true} : memref<10240xf32, #tpu.memory_space<vmem>>[vector<16xi32>], vector<16xf32>,
    %get3A_783 = arith.constant 249 : i32
    %get3A_784 = arith.index_cast %get3A_783 : i32 to index
    %get3A_785 = arith.constant 32 : index
    %get3A_786 = tpu.vector_load %arg8[%get3A_784, %get3A_785] {strides = array<i32>} : memref<250x80xi32, #tpu.memory_space<vmem>>, vector<16xi32>,
    tpu.vector_store_idx %arg18[%get3A_786], %broadcast_in_dim3A_16 {add = true} : memref<10240xf32, #tpu.memory_space<vmem>>[vector<16xi32>], vector<16xf32>,
    %get3A_787 = arith.constant 249 : i32
    %get3A_788 = arith.index_cast %get3A_787 : i32 to index
    %get3A_789 = arith.constant 48 : index
    %get3A_790 = tpu.vector_load %arg8[%get3A_788, %get3A_789] {strides = array<i32>} : memref<250x80xi32, #tpu.memory_space<vmem>>, vector<16xi32>,
    tpu.vector_store_idx %arg18[%get3A_790], %broadcast_in_dim3A_16 {add = true} : memref<10240xf32, #tpu.memory_space<vmem>>[vector<16xi32>], vector<16xf32>,
    %get3A_791 = arith.constant 249 : i32
    %get3A_792 = arith.index_cast %get3A_791 : i32 to index
    %get3A_793 = arith.constant 64 : index
    %get3A_794 = tpu.vector_load %arg8[%get3A_792, %get3A_793] {strides = array<i32>} : memref<250x80xi32, #tpu.memory_space<vmem>>, vector<16xi32>,
    tpu.vector_store_idx %arg18[%get3A_794], %broadcast_in_dim3A_16 {add = true} : memref<10240xf32, #tpu.memory_space<vmem>>[vector<16xi32>], vector<16xf32>,
    %dma_wait3A_795 = arith.constant 247 : i32
    %dma_wait3A_796 = arith.constant 0 : i32
    %dma_wait3A_797 = tpu.memref_slice %arg8[%dma_wait3A_795, %dma_wait3A_796] : memref<250x80xi32, #tpu.memory_space<vmem>> -> memref<1x80xi32, #tpu.memory_space<vmem>>
    %dma_wait3A_798 = tpu.memref_squeeze %dma_wait3A_797 : memref<1x80xi32, #tpu.memory_space<vmem>> -> memref<80xi32, #tpu.memory_space<vmem>>
    %dma_wait3A_799 = arith.constant 0 : i32
    %dma_wait3A_800 = arith.constant 0 : i32
    %dma_wait3A_801 = tpu.memref_slice %arg19[%dma_wait3A_799, %dma_wait3A_800] : memref<10240x64xf32, #tpu.memory_space<vmem_shared>> -> memref<10240x64xf32, #tpu.memory_space<vmem_shared>>
    tpu.wait_indirect_dma semaphore(%arg29 : memref<!tpu.dma_semaphore, #tpu.memory_space<semaphore_mem>>) src(%arg10 : memref<80x64xf32, #tpu.memory_space<vmem>>) dst(%dma_wait3A_801 : memref<10240x64xf32, #tpu.memory_space<vmem_shared>>)
    %dma_wait3A_802 = arith.constant 248 : i32
    %dma_wait3A_803 = arith.constant 0 : i32
    %dma_wait3A_804 = tpu.memref_slice %arg8[%dma_wait3A_802, %dma_wait3A_803] : memref<250x80xi32, #tpu.memory_space<vmem>> -> memref<1x80xi32, #tpu.memory_space<vmem>>
    %dma_wait3A_805 = tpu.memref_squeeze %dma_wait3A_804 : memref<1x80xi32, #tpu.memory_space<vmem>> -> memref<80xi32, #tpu.memory_space<vmem>>
    %dma_wait3A_806 = arith.constant 0 : i32
    %dma_wait3A_807 = arith.constant 0 : i32
    %dma_wait3A_808 = tpu.memref_slice %arg19[%dma_wait3A_806, %dma_wait3A_807] : memref<10240x64xf32, #tpu.memory_space<vmem_shared>> -> memref<10240x64xf32, #tpu.memory_space<vmem_shared>>
    tpu.wait_indirect_dma semaphore(%arg30 : memref<!tpu.dma_semaphore, #tpu.memory_space<semaphore_mem>>) src(%arg11 : memref<80x64xf32, #tpu.memory_space<vmem>>) dst(%dma_wait3A_808 : memref<10240x64xf32, #tpu.memory_space<vmem_shared>>)
    %dma_wait3A_809 = arith.constant 249 : i32
    %dma_wait3A_810 = arith.constant 0 : i32
    %dma_wait3A_811 = tpu.memref_slice %arg8[%dma_wait3A_809, %dma_wait3A_810] : memref<250x80xi32, #tpu.memory_space<vmem>> -> memref<1x80xi32, #tpu.memory_space<vmem>>
    %dma_wait3A_812 = tpu.memref_squeeze %dma_wait3A_811 : memref<1x80xi32, #tpu.memory_space<vmem>> -> memref<80xi32, #tpu.memory_space<vmem>>
    %dma_wait3A_813 = arith.constant 0 : i32
    %dma_wait3A_814 = arith.constant 0 : i32
    %dma_wait3A_815 = tpu.memref_slice %arg19[%dma_wait3A_813, %dma_wait3A_814] : memref<10240x64xf32, #tpu.memory_space<vmem_shared>> -> memref<10240x64xf32, #tpu.memory_space<vmem_shared>>
    tpu.wait_indirect_dma semaphore(%arg31 : memref<!tpu.dma_semaphore, #tpu.memory_space<semaphore_mem>>) src(%arg12 : memref<80x64xf32, #tpu.memory_space<vmem>>) dst(%dma_wait3A_815 : memref<10240x64xf32, #tpu.memory_space<vmem_shared>>)
    %barrier3A_816 = arith.constant 0 : index
    tpu.barrier barrier_id(%barrier3A_816)
    %mul3A_817 = arith.constant 640 : i32
    %mul3A_818 = arith.muli %arg1, %mul3A_817 : i32
    %mul3A_819 = arith.constant 640 : i32
    %mul3A_820 = arith.muli %arg1, %mul3A_819 : i32
    "tpu.region"() ({
      %run_scoped3A = tpu.sem_alloc : memref<!tpu.dma_semaphore, #tpu.memory_space<semaphore_mem>>
      %dma_start3A_821 = arith.constant 0 : i32
      %dma_start3A_822 = tpu.memref_slice %arg5[%arg0, %mul3A_820, %dma_start3A_821] : memref<2x10240x64xf32, #tpu.memory_space<hbm>> -> memref<1x640x64xf32, #tpu.memory_space<hbm>>
      %dma_start3A_823 = tpu.memref_squeeze %dma_start3A_822 : memref<1x640x64xf32, #tpu.memory_space<hbm>> -> memref<640x64xf32, #tpu.memory_space<hbm>>
      %dma_start3A_824 = arith.constant 0 : i32
      %dma_start3A_825 = tpu.memref_slice %arg19[%mul3A_818, %dma_start3A_824] : memref<10240x64xf32, #tpu.memory_space<vmem_shared>> -> memref<640x64xf32, #tpu.memory_space<vmem_shared>>
      tpu.enqueue_dma source(%dma_start3A_825 : memref<640x64xf32, #tpu.memory_space<vmem_shared>>) target(%dma_start3A_823 : memref<640x64xf32, #tpu.memory_space<hbm>>) target_semaphore(%run_scoped3A : memref<!tpu.dma_semaphore, #tpu.memory_space<semaphore_mem>>)
      %dma_wait3A_826 = arith.constant 0 : i32
      %dma_wait3A_827 = tpu.memref_slice %arg5[%arg0, %mul3A_820, %dma_wait3A_826] : memref<2x10240x64xf32, #tpu.memory_space<hbm>> -> memref<1x640x64xf32, #tpu.memory_space<hbm>>
      %dma_wait3A_828 = tpu.memref_squeeze %dma_wait3A_827 : memref<1x640x64xf32, #tpu.memory_space<hbm>> -> memref<640x64xf32, #tpu.memory_space<hbm>>
      %dma_wait3A_829 = arith.constant 0 : i32
      %dma_wait3A_830 = tpu.memref_slice %arg19[%mul3A_818, %dma_wait3A_829] : memref<10240x64xf32, #tpu.memory_space<vmem_shared>> -> memref<640x64xf32, #tpu.memory_space<vmem_shared>>
      tpu.wait_dma2 semaphore(%run_scoped3A : memref<!tpu.dma_semaphore, #tpu.memory_space<semaphore_mem>>) src(%dma_wait3A_830 : memref<640x64xf32, #tpu.memory_space<vmem_shared>>) dst(%dma_wait3A_828 : memref<640x64xf32, #tpu.memory_space<hbm>>)
      tpu.yield
    }) : () -> ()
    "tpu.region"() ({
      %run_scoped3A = tpu.sem_alloc : memref<!tpu.dma_semaphore, #tpu.memory_space<semaphore_mem>>
      %dma_start3A_821 = arith.constant 0 : i32
      %dma_start3A_822 = tpu.memref_slice %arg6[%add3A, %dma_start3A_821] : memref<32x10240xf32, #tpu.memory_space<hbm>> -> memref<1x10240xf32, #tpu.memory_space<hbm>>
      %dma_start3A_823 = tpu.memref_squeeze %dma_start3A_822 : memref<1x10240xf32, #tpu.memory_space<hbm>> -> memref<10240xf32, #tpu.memory_space<hbm>>
      %dma_start3A_824 = arith.constant 0 : i32
      %dma_start3A_825 = tpu.memref_slice %arg6[%add3A, %dma_start3A_824] : memref<32x10240xf32, #tpu.memory_space<hbm>> -> memref<1x10240xf32, #tpu.memory_space<hbm>>
      %dma_start3A_826 = tpu.memref_squeeze %dma_start3A_825 : memref<1x10240xf32, #tpu.memory_space<hbm>> -> memref<10240xf32, #tpu.memory_space<hbm>>
      tpu.enqueue_dma source(%arg18 : memref<10240xf32, #tpu.memory_space<vmem>>) target(%dma_start3A_826 : memref<10240xf32, #tpu.memory_space<hbm>>) target_semaphore(%run_scoped3A : memref<!tpu.dma_semaphore, #tpu.memory_space<semaphore_mem>>)
      %dma_wait3A_827 = arith.constant 0 : i32
      %dma_wait3A_828 = tpu.memref_slice %arg6[%add3A, %dma_wait3A_827] : memref<32x10240xf32, #tpu.memory_space<hbm>> -> memref<1x10240xf32, #tpu.memory_space<hbm>>
      %dma_wait3A_829 = tpu.memref_squeeze %dma_wait3A_828 : memref<1x10240xf32, #tpu.memory_space<hbm>> -> memref<10240xf32, #tpu.memory_space<hbm>>
      %dma_wait3A_830 = arith.constant 0 : i32
      %dma_wait3A_831 = tpu.memref_slice %arg6[%add3A, %dma_wait3A_830] : memref<32x10240xf32, #tpu.memory_space<hbm>> -> memref<1x10240xf32, #tpu.memory_space<hbm>>
      %dma_wait3A_832 = tpu.memref_squeeze %dma_wait3A_831 : memref<1x10240xf32, #tpu.memory_space<hbm>> -> memref<10240xf32, #tpu.memory_space<hbm>>
      tpu.wait_dma2 semaphore(%run_scoped3A : memref<!tpu.dma_semaphore, #tpu.memory_space<semaphore_mem>>) src(%arg18 : memref<10240xf32, #tpu.memory_space<vmem>>) dst(%dma_wait3A_832 : memref<10240xf32, #tpu.memory_space<hbm>>)
      tpu.yield
    }) : () -> ()
    return
  }
}

#map = affine_map<(d0, d1) -> (0, 0)>
#map1 = affine_map<(d0, d1) -> (0, 0, 0)>
#map2 = affine_map<(d0, d1) -> (0)>
module attributes {stable_mosaic.version = 14 : i64} {
  func.func @_sc_layer2_body(%arg0: i32, %arg1: i32, %arg2: memref<10240x64xf32, #tpu.memory_space<hbm>>, %arg3: memref<10240x80xf32, #tpu.memory_space<hbm>>, %arg4: memref<32x125x80xi32, #tpu.memory_space<hbm>>, %arg5: memref<32x125x80xi32, #tpu.memory_space<hbm>>, %arg6: memref<2048xi32, #tpu.memory_space<hbm>>, %arg7: memref<2x2048x64xf32, #tpu.memory_space<hbm>>, %arg8: memref<2048x80xf32, #tpu.memory_space<hbm>>, %arg9: memref<125x80xi32, #tpu.memory_space<vmem>>, %arg10: memref<125x80xi32, #tpu.memory_space<vmem>>, %arg11: memref<80x64xf32, #tpu.memory_space<vmem>>, %arg12: memref<80x64xf32, #tpu.memory_space<vmem>>, %arg13: memref<80x64xf32, #tpu.memory_space<vmem>>, %arg14: memref<80x64xf32, #tpu.memory_space<vmem>>, %arg15: memref<80x64xf32, #tpu.memory_space<vmem>>, %arg16: memref<80x64xf32, #tpu.memory_space<vmem>>, %arg17: memref<80x64xf32, #tpu.memory_space<vmem>>, %arg18: memref<80x64xf32, #tpu.memory_space<vmem>>, %arg19: memref<128x64xf32, #tpu.memory_space<vmem>>, %arg20: memref<64xi32, #tpu.memory_space<vmem>>, %arg21: memref<64x80xf32, #tpu.memory_space<vmem>>, %arg22: memref<128xi32, #tpu.memory_space<vmem>>, %arg23: memref<128x64xf32, #tpu.memory_space<vmem>>, %arg24: memref<10240x64xf32, #tpu.memory_space<vmem_shared>>, %arg25: memref<!tpu.dma_semaphore, #tpu.memory_space<semaphore_mem>>, %arg26: memref<!tpu.dma_semaphore, #tpu.memory_space<semaphore_mem>>, %arg27: memref<!tpu.dma_semaphore, #tpu.memory_space<semaphore_mem>>, %arg28: memref<!tpu.dma_semaphore, #tpu.memory_space<semaphore_mem>>, %arg29: memref<!tpu.dma_semaphore, #tpu.memory_space<semaphore_mem>>, %arg30: memref<!tpu.dma_semaphore, #tpu.memory_space<semaphore_mem>>, %arg31: memref<!tpu.dma_semaphore, #tpu.memory_space<semaphore_mem>>, %arg32: memref<!tpu.dma_semaphore, #tpu.memory_space<semaphore_mem>>, %arg33: memref<!tpu.dma_semaphore, #tpu.memory_space<semaphore_mem>>, %arg34: memref<!tpu.dma_semaphore, #tpu.memory_space<semaphore_mem>>, %arg35: memref<!tpu.dma_semaphore, #tpu.memory_space<semaphore_mem>>, %arg36: memref<!tpu.dma_semaphore, #tpu.memory_space<semaphore_mem>>, %arg37: memref<!tpu.dma_semaphore, #tpu.memory_space<semaphore_mem>>, %arg38: memref<!tpu.dma_semaphore, #tpu.memory_space<semaphore_mem>>, %arg39: memref<!tpu.dma_semaphore, #tpu.memory_space<semaphore_mem>>, %arg40: memref<!tpu.dma_semaphore, #tpu.memory_space<semaphore_mem>>) attributes {dimension_semantics = [#tpu.dimension_semantics<core_parallel>, #tpu.dimension_semantics<subcore_parallel>], iteration_bounds = array<i64: 2, 16>, scalar_prefetch = 0 : i64, scratch_operands = 32 : i64, tpu.core_type = #tpu.core_type<sc_vector_subcore>, window_params = [{transform_indices = #map}, {transform_indices = #map}, {transform_indices = #map1}, {transform_indices = #map1}, {transform_indices = #map2}, {transform_indices = #map1}, {transform_indices = #map}]} {
    %mul3A = arith.constant 2 : i32
    %mul3A_0 = arith.muli %arg1, %mul3A : i32
    %add3A = arith.addi %mul3A_0, %arg0 : i32
    "tpu.region"() ({
      %run_scoped3A = tpu.sem_alloc : memref<!tpu.dma_semaphore, #tpu.memory_space<semaphore_mem>>
      %dma_start3A_528 = arith.constant 0 : i32
      %dma_start3A_529 = arith.constant 0 : i32
      %dma_start3A_530 = tpu.memref_slice %arg4[%add3A, %dma_start3A_528, %dma_start3A_529] : memref<32x125x80xi32, #tpu.memory_space<hbm>> -> memref<1x125x80xi32, #tpu.memory_space<hbm>>
      %dma_start3A_531 = tpu.memref_squeeze %dma_start3A_530 : memref<1x125x80xi32, #tpu.memory_space<hbm>> -> memref<125x80xi32, #tpu.memory_space<hbm>>
      %dma_start3A_532 = arith.constant 0 : i32
      %dma_start3A_533 = arith.constant 0 : i32
      %dma_start3A_534 = tpu.memref_slice %arg4[%add3A, %dma_start3A_532, %dma_start3A_533] : memref<32x125x80xi32, #tpu.memory_space<hbm>> -> memref<1x125x80xi32, #tpu.memory_space<hbm>>
      %dma_start3A_535 = tpu.memref_squeeze %dma_start3A_534 : memref<1x125x80xi32, #tpu.memory_space<hbm>> -> memref<125x80xi32, #tpu.memory_space<hbm>>
      tpu.enqueue_dma source(%dma_start3A_535 : memref<125x80xi32, #tpu.memory_space<hbm>>) target(%arg9 : memref<125x80xi32, #tpu.memory_space<vmem>>) target_semaphore(%run_scoped3A : memref<!tpu.dma_semaphore, #tpu.memory_space<semaphore_mem>>)
      %dma_wait3A_536 = arith.constant 0 : i32
      %dma_wait3A_537 = arith.constant 0 : i32
      %dma_wait3A_538 = tpu.memref_slice %arg4[%add3A, %dma_wait3A_536, %dma_wait3A_537] : memref<32x125x80xi32, #tpu.memory_space<hbm>> -> memref<1x125x80xi32, #tpu.memory_space<hbm>>
      %dma_wait3A_539 = tpu.memref_squeeze %dma_wait3A_538 : memref<1x125x80xi32, #tpu.memory_space<hbm>> -> memref<125x80xi32, #tpu.memory_space<hbm>>
      %dma_wait3A_540 = arith.constant 0 : i32
      %dma_wait3A_541 = arith.constant 0 : i32
      %dma_wait3A_542 = tpu.memref_slice %arg4[%add3A, %dma_wait3A_540, %dma_wait3A_541] : memref<32x125x80xi32, #tpu.memory_space<hbm>> -> memref<1x125x80xi32, #tpu.memory_space<hbm>>
      %dma_wait3A_543 = tpu.memref_squeeze %dma_wait3A_542 : memref<1x125x80xi32, #tpu.memory_space<hbm>> -> memref<125x80xi32, #tpu.memory_space<hbm>>
      tpu.wait_dma2 semaphore(%run_scoped3A : memref<!tpu.dma_semaphore, #tpu.memory_space<semaphore_mem>>) src(%dma_wait3A_543 : memref<125x80xi32, #tpu.memory_space<hbm>>) dst(%arg9 : memref<125x80xi32, #tpu.memory_space<vmem>>)
      tpu.yield
    }) : () -> ()
    "tpu.region"() ({
      %run_scoped3A = tpu.sem_alloc : memref<!tpu.dma_semaphore, #tpu.memory_space<semaphore_mem>>
      %dma_start3A_528 = arith.constant 0 : i32
      %dma_start3A_529 = arith.constant 0 : i32
      %dma_start3A_530 = tpu.memref_slice %arg5[%add3A, %dma_start3A_528, %dma_start3A_529] : memref<32x125x80xi32, #tpu.memory_space<hbm>> -> memref<1x125x80xi32, #tpu.memory_space<hbm>>
      %dma_start3A_531 = tpu.memref_squeeze %dma_start3A_530 : memref<1x125x80xi32, #tpu.memory_space<hbm>> -> memref<125x80xi32, #tpu.memory_space<hbm>>
      %dma_start3A_532 = arith.constant 0 : i32
      %dma_start3A_533 = arith.constant 0 : i32
      %dma_start3A_534 = tpu.memref_slice %arg5[%add3A, %dma_start3A_532, %dma_start3A_533] : memref<32x125x80xi32, #tpu.memory_space<hbm>> -> memref<1x125x80xi32, #tpu.memory_space<hbm>>
      %dma_start3A_535 = tpu.memref_squeeze %dma_start3A_534 : memref<1x125x80xi32, #tpu.memory_space<hbm>> -> memref<125x80xi32, #tpu.memory_space<hbm>>
      tpu.enqueue_dma source(%dma_start3A_535 : memref<125x80xi32, #tpu.memory_space<hbm>>) target(%arg10 : memref<125x80xi32, #tpu.memory_space<vmem>>) target_semaphore(%run_scoped3A : memref<!tpu.dma_semaphore, #tpu.memory_space<semaphore_mem>>)
      %dma_wait3A_536 = arith.constant 0 : i32
      %dma_wait3A_537 = arith.constant 0 : i32
      %dma_wait3A_538 = tpu.memref_slice %arg5[%add3A, %dma_wait3A_536, %dma_wait3A_537] : memref<32x125x80xi32, #tpu.memory_space<hbm>> -> memref<1x125x80xi32, #tpu.memory_space<hbm>>
      %dma_wait3A_539 = tpu.memref_squeeze %dma_wait3A_538 : memref<1x125x80xi32, #tpu.memory_space<hbm>> -> memref<125x80xi32, #tpu.memory_space<hbm>>
      %dma_wait3A_540 = arith.constant 0 : i32
      %dma_wait3A_541 = arith.constant 0 : i32
      %dma_wait3A_542 = tpu.memref_slice %arg5[%add3A, %dma_wait3A_540, %dma_wait3A_541] : memref<32x125x80xi32, #tpu.memory_space<hbm>> -> memref<1x125x80xi32, #tpu.memory_space<hbm>>
      %dma_wait3A_543 = tpu.memref_squeeze %dma_wait3A_542 : memref<1x125x80xi32, #tpu.memory_space<hbm>> -> memref<125x80xi32, #tpu.memory_space<hbm>>
      tpu.wait_dma2 semaphore(%run_scoped3A : memref<!tpu.dma_semaphore, #tpu.memory_space<semaphore_mem>>) src(%dma_wait3A_543 : memref<125x80xi32, #tpu.memory_space<hbm>>) dst(%arg10 : memref<125x80xi32, #tpu.memory_space<vmem>>)
      tpu.yield
    }) : () -> ()
    %broadcast_in_dim3A = arith.constant 0.000000e+00 : f32
    %broadcast_in_dim3A_1 = vector.broadcast %broadcast_in_dim3A : f32 to vector<16xf32>
    %scan3A = arith.constant 0 : i32
    %scan3A_2 = arith.constant 0 : i32
    %scan3A_3 = arith.constant 128 : i32
    %scan3A_4 = arith.addi %scan3A_2, %scan3A_3 : i32
    %scan3A_5 = arith.constant 1 : i32
    scf.for %scan3A_528 = %scan3A_2 to %scan3A_4 step %scan3A_5  : i32 {
      %swap3A = arith.index_cast %scan3A_528 : i32 to index
      %swap3A_529 = arith.constant 0 : index
      %swap3A_530 = tpu.vector_load %arg19[%swap3A, %swap3A_529] {strides = array<i32>} : memref<128x64xf32, #tpu.memory_space<vmem>>, vector<16xf32>,
      tpu.vector_store %arg19[%swap3A, %swap3A_529], %broadcast_in_dim3A_1 {strides = array<i32>} : memref<128x64xf32, #tpu.memory_space<vmem>>, vector<16xf32>,
      %swap3A_531 = arith.index_cast %scan3A_528 : i32 to index
      %swap3A_532 = arith.constant 16 : index
      %swap3A_533 = tpu.vector_load %arg19[%swap3A_531, %swap3A_532] {strides = array<i32>} : memref<128x64xf32, #tpu.memory_space<vmem>>, vector<16xf32>,
      tpu.vector_store %arg19[%swap3A_531, %swap3A_532], %broadcast_in_dim3A_1 {strides = array<i32>} : memref<128x64xf32, #tpu.memory_space<vmem>>, vector<16xf32>,
      %swap3A_534 = arith.index_cast %scan3A_528 : i32 to index
      %swap3A_535 = arith.constant 32 : index
      %swap3A_536 = tpu.vector_load %arg19[%swap3A_534, %swap3A_535] {strides = array<i32>} : memref<128x64xf32, #tpu.memory_space<vmem>>, vector<16xf32>,
      tpu.vector_store %arg19[%swap3A_534, %swap3A_535], %broadcast_in_dim3A_1 {strides = array<i32>} : memref<128x64xf32, #tpu.memory_space<vmem>>, vector<16xf32>,
      %swap3A_537 = arith.index_cast %scan3A_528 : i32 to index
      %swap3A_538 = arith.constant 48 : index
      %swap3A_539 = tpu.vector_load %arg19[%swap3A_537, %swap3A_538] {strides = array<i32>} : memref<128x64xf32, #tpu.memory_space<vmem>>, vector<16xf32>,
      tpu.vector_store %arg19[%swap3A_537, %swap3A_538], %broadcast_in_dim3A_1 {strides = array<i32>} : memref<128x64xf32, #tpu.memory_space<vmem>>, vector<16xf32>,
    }
    %scan3A_6 = arith.constant 128 : i32
    %mul3A_7 = arith.constant 640 : i32
    %mul3A_8 = arith.muli %arg1, %mul3A_7 : i32
    %add3A_9 = arith.constant 0 : i32
    %add3A_10 = arith.addi %mul3A_8, %add3A_9 : i32
    "tpu.region"() ({
      %run_scoped3A = tpu.sem_alloc : memref<!tpu.dma_semaphore, #tpu.memory_space<semaphore_mem>>
      %dma_start3A_528 = arith.constant 0 : i32
      %dma_start3A_529 = tpu.memref_slice %arg24[%add3A_10, %dma_start3A_528] : memref<10240x64xf32, #tpu.memory_space<vmem_shared>> -> memref<128x64xf32, #tpu.memory_space<vmem_shared>>
      %dma_start3A_530 = arith.constant 0 : i32
      %dma_start3A_531 = tpu.memref_slice %arg24[%add3A_10, %dma_start3A_530] : memref<10240x64xf32, #tpu.memory_space<vmem_shared>> -> memref<128x64xf32, #tpu.memory_space<vmem_shared>>
      tpu.enqueue_dma source(%arg19 : memref<128x64xf32, #tpu.memory_space<vmem>>) target(%dma_start3A_531 : memref<128x64xf32, #tpu.memory_space<vmem_shared>>) target_semaphore(%run_scoped3A : memref<!tpu.dma_semaphore, #tpu.memory_space<semaphore_mem>>)
      %dma_wait3A_532 = arith.constant 0 : i32
      %dma_wait3A_533 = tpu.memref_slice %arg24[%add3A_10, %dma_wait3A_532] : memref<10240x64xf32, #tpu.memory_space<vmem_shared>> -> memref<128x64xf32, #tpu.memory_space<vmem_shared>>
      %dma_wait3A_534 = arith.constant 0 : i32
      %dma_wait3A_535 = tpu.memref_slice %arg24[%add3A_10, %dma_wait3A_534] : memref<10240x64xf32, #tpu.memory_space<vmem_shared>> -> memref<128x64xf32, #tpu.memory_space<vmem_shared>>
      tpu.wait_dma2 semaphore(%run_scoped3A : memref<!tpu.dma_semaphore, #tpu.memory_space<semaphore_mem>>) src(%arg19 : memref<128x64xf32, #tpu.memory_space<vmem>>) dst(%dma_wait3A_535 : memref<128x64xf32, #tpu.memory_space<vmem_shared>>)
      tpu.yield
    }) : () -> ()
    %mul3A_11 = arith.constant 640 : i32
    %mul3A_12 = arith.muli %arg1, %mul3A_11 : i32
    %add3A_13 = arith.constant 128 : i32
    %add3A_14 = arith.addi %mul3A_12, %add3A_13 : i32
    "tpu.region"() ({
      %run_scoped3A = tpu.sem_alloc : memref<!tpu.dma_semaphore, #tpu.memory_space<semaphore_mem>>
      %dma_start3A_528 = arith.constant 0 : i32
      %dma_start3A_529 = tpu.memref_slice %arg24[%add3A_14, %dma_start3A_528] : memref<10240x64xf32, #tpu.memory_space<vmem_shared>> -> memref<128x64xf32, #tpu.memory_space<vmem_shared>>
      %dma_start3A_530 = arith.constant 0 : i32
      %dma_start3A_531 = tpu.memref_slice %arg24[%add3A_14, %dma_start3A_530] : memref<10240x64xf32, #tpu.memory_space<vmem_shared>> -> memref<128x64xf32, #tpu.memory_space<vmem_shared>>
      tpu.enqueue_dma source(%arg19 : memref<128x64xf32, #tpu.memory_space<vmem>>) target(%dma_start3A_531 : memref<128x64xf32, #tpu.memory_space<vmem_shared>>) target_semaphore(%run_scoped3A : memref<!tpu.dma_semaphore, #tpu.memory_space<semaphore_mem>>)
      %dma_wait3A_532 = arith.constant 0 : i32
      %dma_wait3A_533 = tpu.memref_slice %arg24[%add3A_14, %dma_wait3A_532] : memref<10240x64xf32, #tpu.memory_space<vmem_shared>> -> memref<128x64xf32, #tpu.memory_space<vmem_shared>>
      %dma_wait3A_534 = arith.constant 0 : i32
      %dma_wait3A_535 = tpu.memref_slice %arg24[%add3A_14, %dma_wait3A_534] : memref<10240x64xf32, #tpu.memory_space<vmem_shared>> -> memref<128x64xf32, #tpu.memory_space<vmem_shared>>
      tpu.wait_dma2 semaphore(%run_scoped3A : memref<!tpu.dma_semaphore, #tpu.memory_space<semaphore_mem>>) src(%arg19 : memref<128x64xf32, #tpu.memory_space<vmem>>) dst(%dma_wait3A_535 : memref<128x64xf32, #tpu.memory_space<vmem_shared>>)
      tpu.yield
    }) : () -> ()
    %mul3A_15 = arith.constant 640 : i32
    %mul3A_16 = arith.muli %arg1, %mul3A_15 : i32
    %add3A_17 = arith.constant 256 : i32
    %add3A_18 = arith.addi %mul3A_16, %add3A_17 : i32
    "tpu.region"() ({
      %run_scoped3A = tpu.sem_alloc : memref<!tpu.dma_semaphore, #tpu.memory_space<semaphore_mem>>
      %dma_start3A_528 = arith.constant 0 : i32
      %dma_start3A_529 = tpu.memref_slice %arg24[%add3A_18, %dma_start3A_528] : memref<10240x64xf32, #tpu.memory_space<vmem_shared>> -> memref<128x64xf32, #tpu.memory_space<vmem_shared>>
      %dma_start3A_530 = arith.constant 0 : i32
      %dma_start3A_531 = tpu.memref_slice %arg24[%add3A_18, %dma_start3A_530] : memref<10240x64xf32, #tpu.memory_space<vmem_shared>> -> memref<128x64xf32, #tpu.memory_space<vmem_shared>>
      tpu.enqueue_dma source(%arg19 : memref<128x64xf32, #tpu.memory_space<vmem>>) target(%dma_start3A_531 : memref<128x64xf32, #tpu.memory_space<vmem_shared>>) target_semaphore(%run_scoped3A : memref<!tpu.dma_semaphore, #tpu.memory_space<semaphore_mem>>)
      %dma_wait3A_532 = arith.constant 0 : i32
      %dma_wait3A_533 = tpu.memref_slice %arg24[%add3A_18, %dma_wait3A_532] : memref<10240x64xf32, #tpu.memory_space<vmem_shared>> -> memref<128x64xf32, #tpu.memory_space<vmem_shared>>
      %dma_wait3A_534 = arith.constant 0 : i32
      %dma_wait3A_535 = tpu.memref_slice %arg24[%add3A_18, %dma_wait3A_534] : memref<10240x64xf32, #tpu.memory_space<vmem_shared>> -> memref<128x64xf32, #tpu.memory_space<vmem_shared>>
      tpu.wait_dma2 semaphore(%run_scoped3A : memref<!tpu.dma_semaphore, #tpu.memory_space<semaphore_mem>>) src(%arg19 : memref<128x64xf32, #tpu.memory_space<vmem>>) dst(%dma_wait3A_535 : memref<128x64xf32, #tpu.memory_space<vmem_shared>>)
      tpu.yield
    }) : () -> ()
    %mul3A_19 = arith.constant 640 : i32
    %mul3A_20 = arith.muli %arg1, %mul3A_19 : i32
    %add3A_21 = arith.constant 384 : i32
    %add3A_22 = arith.addi %mul3A_20, %add3A_21 : i32
    "tpu.region"() ({
      %run_scoped3A = tpu.sem_alloc : memref<!tpu.dma_semaphore, #tpu.memory_space<semaphore_mem>>
      %dma_start3A_528 = arith.constant 0 : i32
      %dma_start3A_529 = tpu.memref_slice %arg24[%add3A_22, %dma_start3A_528] : memref<10240x64xf32, #tpu.memory_space<vmem_shared>> -> memref<128x64xf32, #tpu.memory_space<vmem_shared>>
      %dma_start3A_530 = arith.constant 0 : i32
      %dma_start3A_531 = tpu.memref_slice %arg24[%add3A_22, %dma_start3A_530] : memref<10240x64xf32, #tpu.memory_space<vmem_shared>> -> memref<128x64xf32, #tpu.memory_space<vmem_shared>>
      tpu.enqueue_dma source(%arg19 : memref<128x64xf32, #tpu.memory_space<vmem>>) target(%dma_start3A_531 : memref<128x64xf32, #tpu.memory_space<vmem_shared>>) target_semaphore(%run_scoped3A : memref<!tpu.dma_semaphore, #tpu.memory_space<semaphore_mem>>)
      %dma_wait3A_532 = arith.constant 0 : i32
      %dma_wait3A_533 = tpu.memref_slice %arg24[%add3A_22, %dma_wait3A_532] : memref<10240x64xf32, #tpu.memory_space<vmem_shared>> -> memref<128x64xf32, #tpu.memory_space<vmem_shared>>
      %dma_wait3A_534 = arith.constant 0 : i32
      %dma_wait3A_535 = tpu.memref_slice %arg24[%add3A_22, %dma_wait3A_534] : memref<10240x64xf32, #tpu.memory_space<vmem_shared>> -> memref<128x64xf32, #tpu.memory_space<vmem_shared>>
      tpu.wait_dma2 semaphore(%run_scoped3A : memref<!tpu.dma_semaphore, #tpu.memory_space<semaphore_mem>>) src(%arg19 : memref<128x64xf32, #tpu.memory_space<vmem>>) dst(%dma_wait3A_535 : memref<128x64xf32, #tpu.memory_space<vmem_shared>>)
      tpu.yield
    }) : () -> ()
    %mul3A_23 = arith.constant 640 : i32
    %mul3A_24 = arith.muli %arg1, %mul3A_23 : i32
    %add3A_25 = arith.constant 512 : i32
    %add3A_26 = arith.addi %mul3A_24, %add3A_25 : i32
    "tpu.region"() ({
      %run_scoped3A = tpu.sem_alloc : memref<!tpu.dma_semaphore, #tpu.memory_space<semaphore_mem>>
      %dma_start3A_528 = arith.constant 0 : i32
      %dma_start3A_529 = tpu.memref_slice %arg24[%add3A_26, %dma_start3A_528] : memref<10240x64xf32, #tpu.memory_space<vmem_shared>> -> memref<128x64xf32, #tpu.memory_space<vmem_shared>>
      %dma_start3A_530 = arith.constant 0 : i32
      %dma_start3A_531 = tpu.memref_slice %arg24[%add3A_26, %dma_start3A_530] : memref<10240x64xf32, #tpu.memory_space<vmem_shared>> -> memref<128x64xf32, #tpu.memory_space<vmem_shared>>
      tpu.enqueue_dma source(%arg19 : memref<128x64xf32, #tpu.memory_space<vmem>>) target(%dma_start3A_531 : memref<128x64xf32, #tpu.memory_space<vmem_shared>>) target_semaphore(%run_scoped3A : memref<!tpu.dma_semaphore, #tpu.memory_space<semaphore_mem>>)
      %dma_wait3A_532 = arith.constant 0 : i32
      %dma_wait3A_533 = tpu.memref_slice %arg24[%add3A_26, %dma_wait3A_532] : memref<10240x64xf32, #tpu.memory_space<vmem_shared>> -> memref<128x64xf32, #tpu.memory_space<vmem_shared>>
      %dma_wait3A_534 = arith.constant 0 : i32
      %dma_wait3A_535 = tpu.memref_slice %arg24[%add3A_26, %dma_wait3A_534] : memref<10240x64xf32, #tpu.memory_space<vmem_shared>> -> memref<128x64xf32, #tpu.memory_space<vmem_shared>>
      tpu.wait_dma2 semaphore(%run_scoped3A : memref<!tpu.dma_semaphore, #tpu.memory_space<semaphore_mem>>) src(%arg19 : memref<128x64xf32, #tpu.memory_space<vmem>>) dst(%dma_wait3A_535 : memref<128x64xf32, #tpu.memory_space<vmem_shared>>)
      tpu.yield
    }) : () -> ()
    %barrier3A = arith.constant 0 : index
    tpu.barrier barrier_id(%barrier3A)
    %dma_start3A = arith.constant 0 : i32
    %dma_start3A_27 = arith.constant 0 : i32
    %dma_start3A_28 = tpu.memref_slice %arg9[%dma_start3A, %dma_start3A_27] : memref<125x80xi32, #tpu.memory_space<vmem>> -> memref<1x80xi32, #tpu.memory_space<vmem>>
    %dma_start3A_29 = tpu.memref_squeeze %dma_start3A_28 : memref<1x80xi32, #tpu.memory_space<vmem>> -> memref<80xi32, #tpu.memory_space<vmem>>
    %dma_start3A_30 = arith.constant 0 : i32
    %dma_start3A_31 = arith.constant 0 : i32
    %dma_start3A_32 = tpu.memref_slice %arg2[%dma_start3A_30, %dma_start3A_31] : memref<10240x64xf32, #tpu.memory_space<hbm>> -> memref<10240x64xf32, #tpu.memory_space<hbm>>
    tpu.enqueue_indirect_dma source(%dma_start3A_32 : memref<10240x64xf32, #tpu.memory_space<hbm>>) target(%arg11 : memref<80x64xf32, #tpu.memory_space<vmem>>) offsets(%dma_start3A_29 : memref<80xi32, #tpu.memory_space<vmem>>) semaphore(%arg25 : memref<!tpu.dma_semaphore, #tpu.memory_space<semaphore_mem>>)
    %dma_start3A_33 = arith.constant 1 : i32
    %dma_start3A_34 = arith.constant 0 : i32
    %dma_start3A_35 = tpu.memref_slice %arg9[%dma_start3A_33, %dma_start3A_34] : memref<125x80xi32, #tpu.memory_space<vmem>> -> memref<1x80xi32, #tpu.memory_space<vmem>>
    %dma_start3A_36 = tpu.memref_squeeze %dma_start3A_35 : memref<1x80xi32, #tpu.memory_space<vmem>> -> memref<80xi32, #tpu.memory_space<vmem>>
    %dma_start3A_37 = arith.constant 0 : i32
    %dma_start3A_38 = arith.constant 0 : i32
    %dma_start3A_39 = tpu.memref_slice %arg2[%dma_start3A_37, %dma_start3A_38] : memref<10240x64xf32, #tpu.memory_space<hbm>> -> memref<10240x64xf32, #tpu.memory_space<hbm>>
    tpu.enqueue_indirect_dma source(%dma_start3A_39 : memref<10240x64xf32, #tpu.memory_space<hbm>>) target(%arg12 : memref<80x64xf32, #tpu.memory_space<vmem>>) offsets(%dma_start3A_36 : memref<80xi32, #tpu.memory_space<vmem>>) semaphore(%arg26 : memref<!tpu.dma_semaphore, #tpu.memory_space<semaphore_mem>>)
    %dma_start3A_40 = arith.constant 2 : i32
    %dma_start3A_41 = arith.constant 0 : i32
    %dma_start3A_42 = tpu.memref_slice %arg9[%dma_start3A_40, %dma_start3A_41] : memref<125x80xi32, #tpu.memory_space<vmem>> -> memref<1x80xi32, #tpu.memory_space<vmem>>
    %dma_start3A_43 = tpu.memref_squeeze %dma_start3A_42 : memref<1x80xi32, #tpu.memory_space<vmem>> -> memref<80xi32, #tpu.memory_space<vmem>>
    %dma_start3A_44 = arith.constant 0 : i32
    %dma_start3A_45 = arith.constant 0 : i32
    %dma_start3A_46 = tpu.memref_slice %arg2[%dma_start3A_44, %dma_start3A_45] : memref<10240x64xf32, #tpu.memory_space<hbm>> -> memref<10240x64xf32, #tpu.memory_space<hbm>>
    tpu.enqueue_indirect_dma source(%dma_start3A_46 : memref<10240x64xf32, #tpu.memory_space<hbm>>) target(%arg13 : memref<80x64xf32, #tpu.memory_space<vmem>>) offsets(%dma_start3A_43 : memref<80xi32, #tpu.memory_space<vmem>>) semaphore(%arg27 : memref<!tpu.dma_semaphore, #tpu.memory_space<semaphore_mem>>)
    %dma_wait3A = arith.constant 0 : i32
    %dma_wait3A_47 = arith.constant 0 : i32
    %dma_wait3A_48 = tpu.memref_slice %arg9[%dma_wait3A, %dma_wait3A_47] : memref<125x80xi32, #tpu.memory_space<vmem>> -> memref<1x80xi32, #tpu.memory_space<vmem>>
    %dma_wait3A_49 = tpu.memref_squeeze %dma_wait3A_48 : memref<1x80xi32, #tpu.memory_space<vmem>> -> memref<80xi32, #tpu.memory_space<vmem>>
    %dma_wait3A_50 = arith.constant 0 : i32
    %dma_wait3A_51 = arith.constant 0 : i32
    %dma_wait3A_52 = tpu.memref_slice %arg2[%dma_wait3A_50, %dma_wait3A_51] : memref<10240x64xf32, #tpu.memory_space<hbm>> -> memref<10240x64xf32, #tpu.memory_space<hbm>>
    tpu.wait_indirect_dma semaphore(%arg25 : memref<!tpu.dma_semaphore, #tpu.memory_space<semaphore_mem>>) src(%dma_wait3A_52 : memref<10240x64xf32, #tpu.memory_space<hbm>>) dst(%arg11 : memref<80x64xf32, #tpu.memory_space<vmem>>)
    %dma_start3A_53 = arith.constant 0 : i32
    %dma_start3A_54 = arith.constant 0 : i32
    %dma_start3A_55 = tpu.memref_slice %arg10[%dma_start3A_53, %dma_start3A_54] : memref<125x80xi32, #tpu.memory_space<vmem>> -> memref<1x80xi32, #tpu.memory_space<vmem>>
    %dma_start3A_56 = tpu.memref_squeeze %dma_start3A_55 : memref<1x80xi32, #tpu.memory_space<vmem>> -> memref<80xi32, #tpu.memory_space<vmem>>
    %dma_start3A_57 = arith.constant 0 : i32
    %dma_start3A_58 = arith.constant 0 : i32
    %dma_start3A_59 = tpu.memref_slice %arg24[%dma_start3A_57, %dma_start3A_58] : memref<10240x64xf32, #tpu.memory_space<vmem_shared>> -> memref<10240x64xf32, #tpu.memory_space<vmem_shared>>
    tpu.enqueue_indirect_dma source(%arg11 : memref<80x64xf32, #tpu.memory_space<vmem>>) target(%dma_start3A_59 : memref<10240x64xf32, #tpu.memory_space<vmem_shared>>) offsets(%dma_start3A_56 : memref<80xi32, #tpu.memory_space<vmem>>) semaphore(%arg33 : memref<!tpu.dma_semaphore, #tpu.memory_space<semaphore_mem>>) {add = true}
    %dma_start3A_60 = arith.constant 3 : i32
    %dma_start3A_61 = arith.constant 0 : i32
    %dma_start3A_62 = tpu.memref_slice %arg9[%dma_start3A_60, %dma_start3A_61] : memref<125x80xi32, #tpu.memory_space<vmem>> -> memref<1x80xi32, #tpu.memory_space<vmem>>
    %dma_start3A_63 = tpu.memref_squeeze %dma_start3A_62 : memref<1x80xi32, #tpu.memory_space<vmem>> -> memref<80xi32, #tpu.memory_space<vmem>>
    %dma_start3A_64 = arith.constant 0 : i32
    %dma_start3A_65 = arith.constant 0 : i32
    %dma_start3A_66 = tpu.memref_slice %arg2[%dma_start3A_64, %dma_start3A_65] : memref<10240x64xf32, #tpu.memory_space<hbm>> -> memref<10240x64xf32, #tpu.memory_space<hbm>>
    tpu.enqueue_indirect_dma source(%dma_start3A_66 : memref<10240x64xf32, #tpu.memory_space<hbm>>) target(%arg14 : memref<80x64xf32, #tpu.memory_space<vmem>>) offsets(%dma_start3A_63 : memref<80xi32, #tpu.memory_space<vmem>>) semaphore(%arg28 : memref<!tpu.dma_semaphore, #tpu.memory_space<semaphore_mem>>)
    %dma_wait3A_67 = arith.constant 1 : i32
    %dma_wait3A_68 = arith.constant 0 : i32
    %dma_wait3A_69 = tpu.memref_slice %arg9[%dma_wait3A_67, %dma_wait3A_68] : memref<125x80xi32, #tpu.memory_space<vmem>> -> memref<1x80xi32, #tpu.memory_space<vmem>>
    %dma_wait3A_70 = tpu.memref_squeeze %dma_wait3A_69 : memref<1x80xi32, #tpu.memory_space<vmem>> -> memref<80xi32, #tpu.memory_space<vmem>>
    %dma_wait3A_71 = arith.constant 0 : i32
    %dma_wait3A_72 = arith.constant 0 : i32
    %dma_wait3A_73 = tpu.memref_slice %arg2[%dma_wait3A_71, %dma_wait3A_72] : memref<10240x64xf32, #tpu.memory_space<hbm>> -> memref<10240x64xf32, #tpu.memory_space<hbm>>
    tpu.wait_indirect_dma semaphore(%arg26 : memref<!tpu.dma_semaphore, #tpu.memory_space<semaphore_mem>>) src(%dma_wait3A_73 : memref<10240x64xf32, #tpu.memory_space<hbm>>) dst(%arg12 : memref<80x64xf32, #tpu.memory_space<vmem>>)
    %dma_start3A_74 = arith.constant 1 : i32
    %dma_start3A_75 = arith.constant 0 : i32
    %dma_start3A_76 = tpu.memref_slice %arg10[%dma_start3A_74, %dma_start3A_75] : memref<125x80xi32, #tpu.memory_space<vmem>> -> memref<1x80xi32, #tpu.memory_space<vmem>>
    %dma_start3A_77 = tpu.memref_squeeze %dma_start3A_76 : memref<1x80xi32, #tpu.memory_space<vmem>> -> memref<80xi32, #tpu.memory_space<vmem>>
    %dma_start3A_78 = arith.constant 0 : i32
    %dma_start3A_79 = arith.constant 0 : i32
    %dma_start3A_80 = tpu.memref_slice %arg24[%dma_start3A_78, %dma_start3A_79] : memref<10240x64xf32, #tpu.memory_space<vmem_shared>> -> memref<10240x64xf32, #tpu.memory_space<vmem_shared>>
    tpu.enqueue_indirect_dma source(%arg12 : memref<80x64xf32, #tpu.memory_space<vmem>>) target(%dma_start3A_80 : memref<10240x64xf32, #tpu.memory_space<vmem_shared>>) offsets(%dma_start3A_77 : memref<80xi32, #tpu.memory_space<vmem>>) semaphore(%arg34 : memref<!tpu.dma_semaphore, #tpu.memory_space<semaphore_mem>>) {add = true}
    %dma_start3A_81 = arith.constant 4 : i32
    %dma_start3A_82 = arith.constant 0 : i32
    %dma_start3A_83 = tpu.memref_slice %arg9[%dma_start3A_81, %dma_start3A_82] : memref<125x80xi32, #tpu.memory_space<vmem>> -> memref<1x80xi32, #tpu.memory_space<vmem>>
    %dma_start3A_84 = tpu.memref_squeeze %dma_start3A_83 : memref<1x80xi32, #tpu.memory_space<vmem>> -> memref<80xi32, #tpu.memory_space<vmem>>
    %dma_start3A_85 = arith.constant 0 : i32
    %dma_start3A_86 = arith.constant 0 : i32
    %dma_start3A_87 = tpu.memref_slice %arg2[%dma_start3A_85, %dma_start3A_86] : memref<10240x64xf32, #tpu.memory_space<hbm>> -> memref<10240x64xf32, #tpu.memory_space<hbm>>
    tpu.enqueue_indirect_dma source(%dma_start3A_87 : memref<10240x64xf32, #tpu.memory_space<hbm>>) target(%arg15 : memref<80x64xf32, #tpu.memory_space<vmem>>) offsets(%dma_start3A_84 : memref<80xi32, #tpu.memory_space<vmem>>) semaphore(%arg29 : memref<!tpu.dma_semaphore, #tpu.memory_space<semaphore_mem>>)
    %dma_wait3A_88 = arith.constant 2 : i32
    %dma_wait3A_89 = arith.constant 0 : i32
    %dma_wait3A_90 = tpu.memref_slice %arg9[%dma_wait3A_88, %dma_wait3A_89] : memref<125x80xi32, #tpu.memory_space<vmem>> -> memref<1x80xi32, #tpu.memory_space<vmem>>
    %dma_wait3A_91 = tpu.memref_squeeze %dma_wait3A_90 : memref<1x80xi32, #tpu.memory_space<vmem>> -> memref<80xi32, #tpu.memory_space<vmem>>
    %dma_wait3A_92 = arith.constant 0 : i32
    %dma_wait3A_93 = arith.constant 0 : i32
    %dma_wait3A_94 = tpu.memref_slice %arg2[%dma_wait3A_92, %dma_wait3A_93] : memref<10240x64xf32, #tpu.memory_space<hbm>> -> memref<10240x64xf32, #tpu.memory_space<hbm>>
    tpu.wait_indirect_dma semaphore(%arg27 : memref<!tpu.dma_semaphore, #tpu.memory_space<semaphore_mem>>) src(%dma_wait3A_94 : memref<10240x64xf32, #tpu.memory_space<hbm>>) dst(%arg13 : memref<80x64xf32, #tpu.memory_space<vmem>>)
    %dma_start3A_95 = arith.constant 2 : i32
    %dma_start3A_96 = arith.constant 0 : i32
    %dma_start3A_97 = tpu.memref_slice %arg10[%dma_start3A_95, %dma_start3A_96] : memref<125x80xi32, #tpu.memory_space<vmem>> -> memref<1x80xi32, #tpu.memory_space<vmem>>
    %dma_start3A_98 = tpu.memref_squeeze %dma_start3A_97 : memref<1x80xi32, #tpu.memory_space<vmem>> -> memref<80xi32, #tpu.memory_space<vmem>>
    %dma_start3A_99 = arith.constant 0 : i32
    %dma_start3A_100 = arith.constant 0 : i32
    %dma_start3A_101 = tpu.memref_slice %arg24[%dma_start3A_99, %dma_start3A_100] : memref<10240x64xf32, #tpu.memory_space<vmem_shared>> -> memref<10240x64xf32, #tpu.memory_space<vmem_shared>>
    tpu.enqueue_indirect_dma source(%arg13 : memref<80x64xf32, #tpu.memory_space<vmem>>) target(%dma_start3A_101 : memref<10240x64xf32, #tpu.memory_space<vmem_shared>>) offsets(%dma_start3A_98 : memref<80xi32, #tpu.memory_space<vmem>>) semaphore(%arg35 : memref<!tpu.dma_semaphore, #tpu.memory_space<semaphore_mem>>) {add = true}
    %dma_start3A_102 = arith.constant 5 : i32
    %dma_start3A_103 = arith.constant 0 : i32
    %dma_start3A_104 = tpu.memref_slice %arg9[%dma_start3A_102, %dma_start3A_103] : memref<125x80xi32, #tpu.memory_space<vmem>> -> memref<1x80xi32, #tpu.memory_space<vmem>>
    %dma_start3A_105 = tpu.memref_squeeze %dma_start3A_104 : memref<1x80xi32, #tpu.memory_space<vmem>> -> memref<80xi32, #tpu.memory_space<vmem>>
    %dma_start3A_106 = arith.constant 0 : i32
    %dma_start3A_107 = arith.constant 0 : i32
    %dma_start3A_108 = tpu.memref_slice %arg2[%dma_start3A_106, %dma_start3A_107] : memref<10240x64xf32, #tpu.memory_space<hbm>> -> memref<10240x64xf32, #tpu.memory_space<hbm>>
    tpu.enqueue_indirect_dma source(%dma_start3A_108 : memref<10240x64xf32, #tpu.memory_space<hbm>>) target(%arg16 : memref<80x64xf32, #tpu.memory_space<vmem>>) offsets(%dma_start3A_105 : memref<80xi32, #tpu.memory_space<vmem>>) semaphore(%arg30 : memref<!tpu.dma_semaphore, #tpu.memory_space<semaphore_mem>>)
    %dma_wait3A_109 = arith.constant 3 : i32
    %dma_wait3A_110 = arith.constant 0 : i32
    %dma_wait3A_111 = tpu.memref_slice %arg9[%dma_wait3A_109, %dma_wait3A_110] : memref<125x80xi32, #tpu.memory_space<vmem>> -> memref<1x80xi32, #tpu.memory_space<vmem>>
    %dma_wait3A_112 = tpu.memref_squeeze %dma_wait3A_111 : memref<1x80xi32, #tpu.memory_space<vmem>> -> memref<80xi32, #tpu.memory_space<vmem>>
    %dma_wait3A_113 = arith.constant 0 : i32
    %dma_wait3A_114 = arith.constant 0 : i32
    %dma_wait3A_115 = tpu.memref_slice %arg2[%dma_wait3A_113, %dma_wait3A_114] : memref<10240x64xf32, #tpu.memory_space<hbm>> -> memref<10240x64xf32, #tpu.memory_space<hbm>>
    tpu.wait_indirect_dma semaphore(%arg28 : memref<!tpu.dma_semaphore, #tpu.memory_space<semaphore_mem>>) src(%dma_wait3A_115 : memref<10240x64xf32, #tpu.memory_space<hbm>>) dst(%arg14 : memref<80x64xf32, #tpu.memory_space<vmem>>)
    %dma_start3A_116 = arith.constant 3 : i32
    %dma_start3A_117 = arith.constant 0 : i32
    %dma_start3A_118 = tpu.memref_slice %arg10[%dma_start3A_116, %dma_start3A_117] : memref<125x80xi32, #tpu.memory_space<vmem>> -> memref<1x80xi32, #tpu.memory_space<vmem>>
    %dma_start3A_119 = tpu.memref_squeeze %dma_start3A_118 : memref<1x80xi32, #tpu.memory_space<vmem>> -> memref<80xi32, #tpu.memory_space<vmem>>
    %dma_start3A_120 = arith.constant 0 : i32
    %dma_start3A_121 = arith.constant 0 : i32
    %dma_start3A_122 = tpu.memref_slice %arg24[%dma_start3A_120, %dma_start3A_121] : memref<10240x64xf32, #tpu.memory_space<vmem_shared>> -> memref<10240x64xf32, #tpu.memory_space<vmem_shared>>
    tpu.enqueue_indirect_dma source(%arg14 : memref<80x64xf32, #tpu.memory_space<vmem>>) target(%dma_start3A_122 : memref<10240x64xf32, #tpu.memory_space<vmem_shared>>) offsets(%dma_start3A_119 : memref<80xi32, #tpu.memory_space<vmem>>) semaphore(%arg36 : memref<!tpu.dma_semaphore, #tpu.memory_space<semaphore_mem>>) {add = true}
    %dma_wait3A_123 = arith.constant 0 : i32
    %dma_wait3A_124 = arith.constant 0 : i32
    %dma_wait3A_125 = tpu.memref_slice %arg10[%dma_wait3A_123, %dma_wait3A_124] : memref<125x80xi32, #tpu.memory_space<vmem>> -> memref<1x80xi32, #tpu.memory_space<vmem>>
    %dma_wait3A_126 = tpu.memref_squeeze %dma_wait3A_125 : memref<1x80xi32, #tpu.memory_space<vmem>> -> memref<80xi32, #tpu.memory_space<vmem>>
    %dma_wait3A_127 = arith.constant 0 : i32
    %dma_wait3A_128 = arith.constant 0 : i32
    %dma_wait3A_129 = tpu.memref_slice %arg24[%dma_wait3A_127, %dma_wait3A_128] : memref<10240x64xf32, #tpu.memory_space<vmem_shared>> -> memref<10240x64xf32, #tpu.memory_space<vmem_shared>>
    tpu.wait_indirect_dma semaphore(%arg33 : memref<!tpu.dma_semaphore, #tpu.memory_space<semaphore_mem>>) src(%arg11 : memref<80x64xf32, #tpu.memory_space<vmem>>) dst(%dma_wait3A_129 : memref<10240x64xf32, #tpu.memory_space<vmem_shared>>)
    %dma_start3A_130 = arith.constant 6 : i32
    %dma_start3A_131 = arith.constant 0 : i32
    %dma_start3A_132 = tpu.memref_slice %arg9[%dma_start3A_130, %dma_start3A_131] : memref<125x80xi32, #tpu.memory_space<vmem>> -> memref<1x80xi32, #tpu.memory_space<vmem>>
    %dma_start3A_133 = tpu.memref_squeeze %dma_start3A_132 : memref<1x80xi32, #tpu.memory_space<vmem>> -> memref<80xi32, #tpu.memory_space<vmem>>
    %dma_start3A_134 = arith.constant 0 : i32
    %dma_start3A_135 = arith.constant 0 : i32
    %dma_start3A_136 = tpu.memref_slice %arg2[%dma_start3A_134, %dma_start3A_135] : memref<10240x64xf32, #tpu.memory_space<hbm>> -> memref<10240x64xf32, #tpu.memory_space<hbm>>
    tpu.enqueue_indirect_dma source(%dma_start3A_136 : memref<10240x64xf32, #tpu.memory_space<hbm>>) target(%arg11 : memref<80x64xf32, #tpu.memory_space<vmem>>) offsets(%dma_start3A_133 : memref<80xi32, #tpu.memory_space<vmem>>) semaphore(%arg25 : memref<!tpu.dma_semaphore, #tpu.memory_space<semaphore_mem>>)
    %dma_wait3A_137 = arith.constant 4 : i32
    %dma_wait3A_138 = arith.constant 0 : i32
    %dma_wait3A_139 = tpu.memref_slice %arg9[%dma_wait3A_137, %dma_wait3A_138] : memref<125x80xi32, #tpu.memory_space<vmem>> -> memref<1x80xi32, #tpu.memory_space<vmem>>
    %dma_wait3A_140 = tpu.memref_squeeze %dma_wait3A_139 : memref<1x80xi32, #tpu.memory_space<vmem>> -> memref<80xi32, #tpu.memory_space<vmem>>
    %dma_wait3A_141 = arith.constant 0 : i32
    %dma_wait3A_142 = arith.constant 0 : i32
    %dma_wait3A_143 = tpu.memref_slice %arg2[%dma_wait3A_141, %dma_wait3A_142] : memref<10240x64xf32, #tpu.memory_space<hbm>> -> memref<10240x64xf32, #tpu.memory_space<hbm>>
    tpu.wait_indirect_dma semaphore(%arg29 : memref<!tpu.dma_semaphore, #tpu.memory_space<semaphore_mem>>) src(%dma_wait3A_143 : memref<10240x64xf32, #tpu.memory_space<hbm>>) dst(%arg15 : memref<80x64xf32, #tpu.memory_space<vmem>>)
    %dma_start3A_144 = arith.constant 4 : i32
    %dma_start3A_145 = arith.constant 0 : i32
    %dma_start3A_146 = tpu.memref_slice %arg10[%dma_start3A_144, %dma_start3A_145] : memref<125x80xi32, #tpu.memory_space<vmem>> -> memref<1x80xi32, #tpu.memory_space<vmem>>
    %dma_start3A_147 = tpu.memref_squeeze %dma_start3A_146 : memref<1x80xi32, #tpu.memory_space<vmem>> -> memref<80xi32, #tpu.memory_space<vmem>>
    %dma_start3A_148 = arith.constant 0 : i32
    %dma_start3A_149 = arith.constant 0 : i32
    %dma_start3A_150 = tpu.memref_slice %arg24[%dma_start3A_148, %dma_start3A_149] : memref<10240x64xf32, #tpu.memory_space<vmem_shared>> -> memref<10240x64xf32, #tpu.memory_space<vmem_shared>>
    tpu.enqueue_indirect_dma source(%arg15 : memref<80x64xf32, #tpu.memory_space<vmem>>) target(%dma_start3A_150 : memref<10240x64xf32, #tpu.memory_space<vmem_shared>>) offsets(%dma_start3A_147 : memref<80xi32, #tpu.memory_space<vmem>>) semaphore(%arg37 : memref<!tpu.dma_semaphore, #tpu.memory_space<semaphore_mem>>) {add = true}
    %dma_wait3A_151 = arith.constant 1 : i32
    %dma_wait3A_152 = arith.constant 0 : i32
    %dma_wait3A_153 = tpu.memref_slice %arg10[%dma_wait3A_151, %dma_wait3A_152] : memref<125x80xi32, #tpu.memory_space<vmem>> -> memref<1x80xi32, #tpu.memory_space<vmem>>
    %dma_wait3A_154 = tpu.memref_squeeze %dma_wait3A_153 : memref<1x80xi32, #tpu.memory_space<vmem>> -> memref<80xi32, #tpu.memory_space<vmem>>
    %dma_wait3A_155 = arith.constant 0 : i32
    %dma_wait3A_156 = arith.constant 0 : i32
    %dma_wait3A_157 = tpu.memref_slice %arg24[%dma_wait3A_155, %dma_wait3A_156] : memref<10240x64xf32, #tpu.memory_space<vmem_shared>> -> memref<10240x64xf32, #tpu.memory_space<vmem_shared>>
    tpu.wait_indirect_dma semaphore(%arg34 : memref<!tpu.dma_semaphore, #tpu.memory_space<semaphore_mem>>) src(%arg12 : memref<80x64xf32, #tpu.memory_space<vmem>>) dst(%dma_wait3A_157 : memref<10240x64xf32, #tpu.memory_space<vmem_shared>>)
    %dma_start3A_158 = arith.constant 7 : i32
    %dma_start3A_159 = arith.constant 0 : i32
    %dma_start3A_160 = tpu.memref_slice %arg9[%dma_start3A_158, %dma_start3A_159] : memref<125x80xi32, #tpu.memory_space<vmem>> -> memref<1x80xi32, #tpu.memory_space<vmem>>
    %dma_start3A_161 = tpu.memref_squeeze %dma_start3A_160 : memref<1x80xi32, #tpu.memory_space<vmem>> -> memref<80xi32, #tpu.memory_space<vmem>>
    %dma_start3A_162 = arith.constant 0 : i32
    %dma_start3A_163 = arith.constant 0 : i32
    %dma_start3A_164 = tpu.memref_slice %arg2[%dma_start3A_162, %dma_start3A_163] : memref<10240x64xf32, #tpu.memory_space<hbm>> -> memref<10240x64xf32, #tpu.memory_space<hbm>>
    tpu.enqueue_indirect_dma source(%dma_start3A_164 : memref<10240x64xf32, #tpu.memory_space<hbm>>) target(%arg12 : memref<80x64xf32, #tpu.memory_space<vmem>>) offsets(%dma_start3A_161 : memref<80xi32, #tpu.memory_space<vmem>>) semaphore(%arg26 : memref<!tpu.dma_semaphore, #tpu.memory_space<semaphore_mem>>)
    %dma_wait3A_165 = arith.constant 5 : i32
    %dma_wait3A_166 = arith.constant 0 : i32
    %dma_wait3A_167 = tpu.memref_slice %arg9[%dma_wait3A_165, %dma_wait3A_166] : memref<125x80xi32, #tpu.memory_space<vmem>> -> memref<1x80xi32, #tpu.memory_space<vmem>>
    %dma_wait3A_168 = tpu.memref_squeeze %dma_wait3A_167 : memref<1x80xi32, #tpu.memory_space<vmem>> -> memref<80xi32, #tpu.memory_space<vmem>>
    %dma_wait3A_169 = arith.constant 0 : i32
    %dma_wait3A_170 = arith.constant 0 : i32
    %dma_wait3A_171 = tpu.memref_slice %arg2[%dma_wait3A_169, %dma_wait3A_170] : memref<10240x64xf32, #tpu.memory_space<hbm>> -> memref<10240x64xf32, #tpu.memory_space<hbm>>
    tpu.wait_indirect_dma semaphore(%arg30 : memref<!tpu.dma_semaphore, #tpu.memory_space<semaphore_mem>>) src(%dma_wait3A_171 : memref<10240x64xf32, #tpu.memory_space<hbm>>) dst(%arg16 : memref<80x64xf32, #tpu.memory_space<vmem>>)
    %dma_start3A_172 = arith.constant 5 : i32
    %dma_start3A_173 = arith.constant 0 : i32
    %dma_start3A_174 = tpu.memref_slice %arg10[%dma_start3A_172, %dma_start3A_173] : memref<125x80xi32, #tpu.memory_space<vmem>> -> memref<1x80xi32, #tpu.memory_space<vmem>>
    %dma_start3A_175 = tpu.memref_squeeze %dma_start3A_174 : memref<1x80xi32, #tpu.memory_space<vmem>> -> memref<80xi32, #tpu.memory_space<vmem>>
    %dma_start3A_176 = arith.constant 0 : i32
    %dma_start3A_177 = arith.constant 0 : i32
    %dma_start3A_178 = tpu.memref_slice %arg24[%dma_start3A_176, %dma_start3A_177] : memref<10240x64xf32, #tpu.memory_space<vmem_shared>> -> memref<10240x64xf32, #tpu.memory_space<vmem_shared>>
    tpu.enqueue_indirect_dma source(%arg16 : memref<80x64xf32, #tpu.memory_space<vmem>>) target(%dma_start3A_178 : memref<10240x64xf32, #tpu.memory_space<vmem_shared>>) offsets(%dma_start3A_175 : memref<80xi32, #tpu.memory_space<vmem>>) semaphore(%arg38 : memref<!tpu.dma_semaphore, #tpu.memory_space<semaphore_mem>>) {add = true}
    %dma_wait3A_179 = arith.constant 2 : i32
    %dma_wait3A_180 = arith.constant 0 : i32
    %dma_wait3A_181 = tpu.memref_slice %arg10[%dma_wait3A_179, %dma_wait3A_180] : memref<125x80xi32, #tpu.memory_space<vmem>> -> memref<1x80xi32, #tpu.memory_space<vmem>>
    %dma_wait3A_182 = tpu.memref_squeeze %dma_wait3A_181 : memref<1x80xi32, #tpu.memory_space<vmem>> -> memref<80xi32, #tpu.memory_space<vmem>>
    %dma_wait3A_183 = arith.constant 0 : i32
    %dma_wait3A_184 = arith.constant 0 : i32
    %dma_wait3A_185 = tpu.memref_slice %arg24[%dma_wait3A_183, %dma_wait3A_184] : memref<10240x64xf32, #tpu.memory_space<vmem_shared>> -> memref<10240x64xf32, #tpu.memory_space<vmem_shared>>
    tpu.wait_indirect_dma semaphore(%arg35 : memref<!tpu.dma_semaphore, #tpu.memory_space<semaphore_mem>>) src(%arg13 : memref<80x64xf32, #tpu.memory_space<vmem>>) dst(%dma_wait3A_185 : memref<10240x64xf32, #tpu.memory_space<vmem_shared>>)
    %dma_start3A_186 = arith.constant 8 : i32
    %dma_start3A_187 = arith.constant 0 : i32
    %dma_start3A_188 = tpu.memref_slice %arg9[%dma_start3A_186, %dma_start3A_187] : memref<125x80xi32, #tpu.memory_space<vmem>> -> memref<1x80xi32, #tpu.memory_space<vmem>>
    %dma_start3A_189 = tpu.memref_squeeze %dma_start3A_188 : memref<1x80xi32, #tpu.memory_space<vmem>> -> memref<80xi32, #tpu.memory_space<vmem>>
    %dma_start3A_190 = arith.constant 0 : i32
    %dma_start3A_191 = arith.constant 0 : i32
    %dma_start3A_192 = tpu.memref_slice %arg2[%dma_start3A_190, %dma_start3A_191] : memref<10240x64xf32, #tpu.memory_space<hbm>> -> memref<10240x64xf32, #tpu.memory_space<hbm>>
    tpu.enqueue_indirect_dma source(%dma_start3A_192 : memref<10240x64xf32, #tpu.memory_space<hbm>>) target(%arg13 : memref<80x64xf32, #tpu.memory_space<vmem>>) offsets(%dma_start3A_189 : memref<80xi32, #tpu.memory_space<vmem>>) semaphore(%arg27 : memref<!tpu.dma_semaphore, #tpu.memory_space<semaphore_mem>>)
    %scan3A_193 = arith.constant 0 : i32
    %scan3A_194 = arith.constant 0 : i32
    %scan3A_195 = arith.constant 18 : i32
    %scan3A_196 = arith.addi %scan3A_194, %scan3A_195 : i32
    %scan3A_197 = arith.constant 1 : i32
    scf.for %scan3A_528 = %scan3A_194 to %scan3A_196 step %scan3A_197  : i32 {
      %mul3A_529 = arith.constant 6 : i32
      %mul3A_530 = arith.muli %mul3A_529, %scan3A_528 : i32
      %add3A_531 = arith.constant 6 : i32
      %add3A_532 = arith.addi %add3A_531, %mul3A_530 : i32
      %add3A_533 = arith.constant 0 : i32
      %add3A_534 = arith.addi %add3A_532, %add3A_533 : i32
      %dma_wait3A_535 = arith.constant 0 : i32
      %dma_wait3A_536 = tpu.memref_slice %arg9[%add3A_534, %dma_wait3A_535] : memref<125x80xi32, #tpu.memory_space<vmem>> -> memref<1x80xi32, #tpu.memory_space<vmem>>
      %dma_wait3A_537 = tpu.memref_squeeze %dma_wait3A_536 : memref<1x80xi32, #tpu.memory_space<vmem>> -> memref<80xi32, #tpu.memory_space<vmem>>
      %dma_wait3A_538 = arith.constant 0 : i32
      %dma_wait3A_539 = arith.constant 0 : i32
      %dma_wait3A_540 = tpu.memref_slice %arg2[%dma_wait3A_538, %dma_wait3A_539] : memref<10240x64xf32, #tpu.memory_space<hbm>> -> memref<10240x64xf32, #tpu.memory_space<hbm>>
      tpu.wait_indirect_dma semaphore(%arg25 : memref<!tpu.dma_semaphore, #tpu.memory_space<semaphore_mem>>) src(%dma_wait3A_540 : memref<10240x64xf32, #tpu.memory_space<hbm>>) dst(%arg11 : memref<80x64xf32, #tpu.memory_space<vmem>>)
      %dma_start3A_541 = arith.constant 0 : i32
      %dma_start3A_542 = tpu.memref_slice %arg10[%add3A_534, %dma_start3A_541] : memref<125x80xi32, #tpu.memory_space<vmem>> -> memref<1x80xi32, #tpu.memory_space<vmem>>
      %dma_start3A_543 = tpu.memref_squeeze %dma_start3A_542 : memref<1x80xi32, #tpu.memory_space<vmem>> -> memref<80xi32, #tpu.memory_space<vmem>>
      %dma_start3A_544 = arith.constant 0 : i32
      %dma_start3A_545 = arith.constant 0 : i32
      %dma_start3A_546 = tpu.memref_slice %arg24[%dma_start3A_544, %dma_start3A_545] : memref<10240x64xf32, #tpu.memory_space<vmem_shared>> -> memref<10240x64xf32, #tpu.memory_space<vmem_shared>>
      tpu.enqueue_indirect_dma source(%arg11 : memref<80x64xf32, #tpu.memory_space<vmem>>) target(%dma_start3A_546 : memref<10240x64xf32, #tpu.memory_space<vmem_shared>>) offsets(%dma_start3A_543 : memref<80xi32, #tpu.memory_space<vmem>>) semaphore(%arg33 : memref<!tpu.dma_semaphore, #tpu.memory_space<semaphore_mem>>) {add = true}
      %sub3A = arith.constant 3 : i32
      %sub3A_547 = arith.subi %add3A_534, %sub3A : i32
      %dma_wait3A_548 = arith.constant 0 : i32
      %dma_wait3A_549 = tpu.memref_slice %arg10[%sub3A_547, %dma_wait3A_548] : memref<125x80xi32, #tpu.memory_space<vmem>> -> memref<1x80xi32, #tpu.memory_space<vmem>>
      %dma_wait3A_550 = tpu.memref_squeeze %dma_wait3A_549 : memref<1x80xi32, #tpu.memory_space<vmem>> -> memref<80xi32, #tpu.memory_space<vmem>>
      %dma_wait3A_551 = arith.constant 0 : i32
      %dma_wait3A_552 = arith.constant 0 : i32
      %dma_wait3A_553 = tpu.memref_slice %arg24[%dma_wait3A_551, %dma_wait3A_552] : memref<10240x64xf32, #tpu.memory_space<vmem_shared>> -> memref<10240x64xf32, #tpu.memory_space<vmem_shared>>
      tpu.wait_indirect_dma semaphore(%arg36 : memref<!tpu.dma_semaphore, #tpu.memory_space<semaphore_mem>>) src(%arg14 : memref<80x64xf32, #tpu.memory_space<vmem>>) dst(%dma_wait3A_553 : memref<10240x64xf32, #tpu.memory_space<vmem_shared>>)
      %add3A_554 = arith.constant 3 : i32
      %add3A_555 = arith.addi %add3A_534, %add3A_554 : i32
      %dma_start3A_556 = arith.constant 0 : i32
      %dma_start3A_557 = tpu.memref_slice %arg9[%add3A_555, %dma_start3A_556] : memref<125x80xi32, #tpu.memory_space<vmem>> -> memref<1x80xi32, #tpu.memory_space<vmem>>
      %dma_start3A_558 = tpu.memref_squeeze %dma_start3A_557 : memref<1x80xi32, #tpu.memory_space<vmem>> -> memref<80xi32, #tpu.memory_space<vmem>>
      %dma_start3A_559 = arith.constant 0 : i32
      %dma_start3A_560 = arith.constant 0 : i32
      %dma_start3A_561 = tpu.memref_slice %arg2[%dma_start3A_559, %dma_start3A_560] : memref<10240x64xf32, #tpu.memory_space<hbm>> -> memref<10240x64xf32, #tpu.memory_space<hbm>>
      tpu.enqueue_indirect_dma source(%dma_start3A_561 : memref<10240x64xf32, #tpu.memory_space<hbm>>) target(%arg14 : memref<80x64xf32, #tpu.memory_space<vmem>>) offsets(%dma_start3A_558 : memref<80xi32, #tpu.memory_space<vmem>>) semaphore(%arg28 : memref<!tpu.dma_semaphore, #tpu.memory_space<semaphore_mem>>)
      %add3A_562 = arith.constant 1 : i32
      %add3A_563 = arith.addi %add3A_532, %add3A_562 : i32
      %dma_wait3A_564 = arith.constant 0 : i32
      %dma_wait3A_565 = tpu.memref_slice %arg9[%add3A_563, %dma_wait3A_564] : memref<125x80xi32, #tpu.memory_space<vmem>> -> memref<1x80xi32, #tpu.memory_space<vmem>>
      %dma_wait3A_566 = tpu.memref_squeeze %dma_wait3A_565 : memref<1x80xi32, #tpu.memory_space<vmem>> -> memref<80xi32, #tpu.memory_space<vmem>>
      %dma_wait3A_567 = arith.constant 0 : i32
      %dma_wait3A_568 = arith.constant 0 : i32
      %dma_wait3A_569 = tpu.memref_slice %arg2[%dma_wait3A_567, %dma_wait3A_568] : memref<10240x64xf32, #tpu.memory_space<hbm>> -> memref<10240x64xf32, #tpu.memory_space<hbm>>
      tpu.wait_indirect_dma semaphore(%arg26 : memref<!tpu.dma_semaphore, #tpu.memory_space<semaphore_mem>>) src(%dma_wait3A_569 : memref<10240x64xf32, #tpu.memory_space<hbm>>) dst(%arg12 : memref<80x64xf32, #tpu.memory_space<vmem>>)
      %dma_start3A_570 = arith.constant 0 : i32
      %dma_start3A_571 = tpu.memref_slice %arg10[%add3A_563, %dma_start3A_570] : memref<125x80xi32, #tpu.memory_space<vmem>> -> memref<1x80xi32, #tpu.memory_space<vmem>>
      %dma_start3A_572 = tpu.memref_squeeze %dma_start3A_571 : memref<1x80xi32, #tpu.memory_space<vmem>> -> memref<80xi32, #tpu.memory_space<vmem>>
      %dma_start3A_573 = arith.constant 0 : i32
      %dma_start3A_574 = arith.constant 0 : i32
      %dma_start3A_575 = tpu.memref_slice %arg24[%dma_start3A_573, %dma_start3A_574] : memref<10240x64xf32, #tpu.memory_space<vmem_shared>> -> memref<10240x64xf32, #tpu.memory_space<vmem_shared>>
      tpu.enqueue_indirect_dma source(%arg12 : memref<80x64xf32, #tpu.memory_space<vmem>>) target(%dma_start3A_575 : memref<10240x64xf32, #tpu.memory_space<vmem_shared>>) offsets(%dma_start3A_572 : memref<80xi32, #tpu.memory_space<vmem>>) semaphore(%arg34 : memref<!tpu.dma_semaphore, #tpu.memory_space<semaphore_mem>>) {add = true}
      %sub3A_576 = arith.constant 3 : i32
      %sub3A_577 = arith.subi %add3A_563, %sub3A_576 : i32
      %dma_wait3A_578 = arith.constant 0 : i32
      %dma_wait3A_579 = tpu.memref_slice %arg10[%sub3A_577, %dma_wait3A_578] : memref<125x80xi32, #tpu.memory_space<vmem>> -> memref<1x80xi32, #tpu.memory_space<vmem>>
      %dma_wait3A_580 = tpu.memref_squeeze %dma_wait3A_579 : memref<1x80xi32, #tpu.memory_space<vmem>> -> memref<80xi32, #tpu.memory_space<vmem>>
      %dma_wait3A_581 = arith.constant 0 : i32
      %dma_wait3A_582 = arith.constant 0 : i32
      %dma_wait3A_583 = tpu.memref_slice %arg24[%dma_wait3A_581, %dma_wait3A_582] : memref<10240x64xf32, #tpu.memory_space<vmem_shared>> -> memref<10240x64xf32, #tpu.memory_space<vmem_shared>>
      tpu.wait_indirect_dma semaphore(%arg37 : memref<!tpu.dma_semaphore, #tpu.memory_space<semaphore_mem>>) src(%arg15 : memref<80x64xf32, #tpu.memory_space<vmem>>) dst(%dma_wait3A_583 : memref<10240x64xf32, #tpu.memory_space<vmem_shared>>)
      %add3A_584 = arith.constant 3 : i32
      %add3A_585 = arith.addi %add3A_563, %add3A_584 : i32
      %dma_start3A_586 = arith.constant 0 : i32
      %dma_start3A_587 = tpu.memref_slice %arg9[%add3A_585, %dma_start3A_586] : memref<125x80xi32, #tpu.memory_space<vmem>> -> memref<1x80xi32, #tpu.memory_space<vmem>>
      %dma_start3A_588 = tpu.memref_squeeze %dma_start3A_587 : memref<1x80xi32, #tpu.memory_space<vmem>> -> memref<80xi32, #tpu.memory_space<vmem>>
      %dma_start3A_589 = arith.constant 0 : i32
      %dma_start3A_590 = arith.constant 0 : i32
      %dma_start3A_591 = tpu.memref_slice %arg2[%dma_start3A_589, %dma_start3A_590] : memref<10240x64xf32, #tpu.memory_space<hbm>> -> memref<10240x64xf32, #tpu.memory_space<hbm>>
      tpu.enqueue_indirect_dma source(%dma_start3A_591 : memref<10240x64xf32, #tpu.memory_space<hbm>>) target(%arg15 : memref<80x64xf32, #tpu.memory_space<vmem>>) offsets(%dma_start3A_588 : memref<80xi32, #tpu.memory_space<vmem>>) semaphore(%arg29 : memref<!tpu.dma_semaphore, #tpu.memory_space<semaphore_mem>>)
      %add3A_592 = arith.constant 2 : i32
      %add3A_593 = arith.addi %add3A_532, %add3A_592 : i32
      %dma_wait3A_594 = arith.constant 0 : i32
      %dma_wait3A_595 = tpu.memref_slice %arg9[%add3A_593, %dma_wait3A_594] : memref<125x80xi32, #tpu.memory_space<vmem>> -> memref<1x80xi32, #tpu.memory_space<vmem>>
      %dma_wait3A_596 = tpu.memref_squeeze %dma_wait3A_595 : memref<1x80xi32, #tpu.memory_space<vmem>> -> memref<80xi32, #tpu.memory_space<vmem>>
      %dma_wait3A_597 = arith.constant 0 : i32
      %dma_wait3A_598 = arith.constant 0 : i32
      %dma_wait3A_599 = tpu.memref_slice %arg2[%dma_wait3A_597, %dma_wait3A_598] : memref<10240x64xf32, #tpu.memory_space<hbm>> -> memref<10240x64xf32, #tpu.memory_space<hbm>>
      tpu.wait_indirect_dma semaphore(%arg27 : memref<!tpu.dma_semaphore, #tpu.memory_space<semaphore_mem>>) src(%dma_wait3A_599 : memref<10240x64xf32, #tpu.memory_space<hbm>>) dst(%arg13 : memref<80x64xf32, #tpu.memory_space<vmem>>)
      %dma_start3A_600 = arith.constant 0 : i32
      %dma_start3A_601 = tpu.memref_slice %arg10[%add3A_593, %dma_start3A_600] : memref<125x80xi32, #tpu.memory_space<vmem>> -> memref<1x80xi32, #tpu.memory_space<vmem>>
      %dma_start3A_602 = tpu.memref_squeeze %dma_start3A_601 : memref<1x80xi32, #tpu.memory_space<vmem>> -> memref<80xi32, #tpu.memory_space<vmem>>
      %dma_start3A_603 = arith.constant 0 : i32
      %dma_start3A_604 = arith.constant 0 : i32
      %dma_start3A_605 = tpu.memref_slice %arg24[%dma_start3A_603, %dma_start3A_604] : memref<10240x64xf32, #tpu.memory_space<vmem_shared>> -> memref<10240x64xf32, #tpu.memory_space<vmem_shared>>
      tpu.enqueue_indirect_dma source(%arg13 : memref<80x64xf32, #tpu.memory_space<vmem>>) target(%dma_start3A_605 : memref<10240x64xf32, #tpu.memory_space<vmem_shared>>) offsets(%dma_start3A_602 : memref<80xi32, #tpu.memory_space<vmem>>) semaphore(%arg35 : memref<!tpu.dma_semaphore, #tpu.memory_space<semaphore_mem>>) {add = true}
      %sub3A_606 = arith.constant 3 : i32
      %sub3A_607 = arith.subi %add3A_593, %sub3A_606 : i32
      %dma_wait3A_608 = arith.constant 0 : i32
      %dma_wait3A_609 = tpu.memref_slice %arg10[%sub3A_607, %dma_wait3A_608] : memref<125x80xi32, #tpu.memory_space<vmem>> -> memref<1x80xi32, #tpu.memory_space<vmem>>
      %dma_wait3A_610 = tpu.memref_squeeze %dma_wait3A_609 : memref<1x80xi32, #tpu.memory_space<vmem>> -> memref<80xi32, #tpu.memory_space<vmem>>
      %dma_wait3A_611 = arith.constant 0 : i32
      %dma_wait3A_612 = arith.constant 0 : i32
      %dma_wait3A_613 = tpu.memref_slice %arg24[%dma_wait3A_611, %dma_wait3A_612] : memref<10240x64xf32, #tpu.memory_space<vmem_shared>> -> memref<10240x64xf32, #tpu.memory_space<vmem_shared>>
      tpu.wait_indirect_dma semaphore(%arg38 : memref<!tpu.dma_semaphore, #tpu.memory_space<semaphore_mem>>) src(%arg16 : memref<80x64xf32, #tpu.memory_space<vmem>>) dst(%dma_wait3A_613 : memref<10240x64xf32, #tpu.memory_space<vmem_shared>>)
      %add3A_614 = arith.constant 3 : i32
      %add3A_615 = arith.addi %add3A_593, %add3A_614 : i32
      %dma_start3A_616 = arith.constant 0 : i32
      %dma_start3A_617 = tpu.memref_slice %arg9[%add3A_615, %dma_start3A_616] : memref<125x80xi32, #tpu.memory_space<vmem>> -> memref<1x80xi32, #tpu.memory_space<vmem>>
      %dma_start3A_618 = tpu.memref_squeeze %dma_start3A_617 : memref<1x80xi32, #tpu.memory_space<vmem>> -> memref<80xi32, #tpu.memory_space<vmem>>
      %dma_start3A_619 = arith.constant 0 : i32
      %dma_start3A_620 = arith.constant 0 : i32
      %dma_start3A_621 = tpu.memref_slice %arg2[%dma_start3A_619, %dma_start3A_620] : memref<10240x64xf32, #tpu.memory_space<hbm>> -> memref<10240x64xf32, #tpu.memory_space<hbm>>
      tpu.enqueue_indirect_dma source(%dma_start3A_621 : memref<10240x64xf32, #tpu.memory_space<hbm>>) target(%arg16 : memref<80x64xf32, #tpu.memory_space<vmem>>) offsets(%dma_start3A_618 : memref<80xi32, #tpu.memory_space<vmem>>) semaphore(%arg30 : memref<!tpu.dma_semaphore, #tpu.memory_space<semaphore_mem>>)
      %add3A_622 = arith.constant 3 : i32
      %add3A_623 = arith.addi %add3A_532, %add3A_622 : i32
      %dma_wait3A_624 = arith.constant 0 : i32
      %dma_wait3A_625 = tpu.memref_slice %arg9[%add3A_623, %dma_wait3A_624] : memref<125x80xi32, #tpu.memory_space<vmem>> -> memref<1x80xi32, #tpu.memory_space<vmem>>
      %dma_wait3A_626 = tpu.memref_squeeze %dma_wait3A_625 : memref<1x80xi32, #tpu.memory_space<vmem>> -> memref<80xi32, #tpu.memory_space<vmem>>
      %dma_wait3A_627 = arith.constant 0 : i32
      %dma_wait3A_628 = arith.constant 0 : i32
      %dma_wait3A_629 = tpu.memref_slice %arg2[%dma_wait3A_627, %dma_wait3A_628] : memref<10240x64xf32, #tpu.memory_space<hbm>> -> memref<10240x64xf32, #tpu.memory_space<hbm>>
      tpu.wait_indirect_dma semaphore(%arg28 : memref<!tpu.dma_semaphore, #tpu.memory_space<semaphore_mem>>) src(%dma_wait3A_629 : memref<10240x64xf32, #tpu.memory_space<hbm>>) dst(%arg14 : memref<80x64xf32, #tpu.memory_space<vmem>>)
      %dma_start3A_630 = arith.constant 0 : i32
      %dma_start3A_631 = tpu.memref_slice %arg10[%add3A_623, %dma_start3A_630] : memref<125x80xi32, #tpu.memory_space<vmem>> -> memref<1x80xi32, #tpu.memory_space<vmem>>
      %dma_start3A_632 = tpu.memref_squeeze %dma_start3A_631 : memref<1x80xi32, #tpu.memory_space<vmem>> -> memref<80xi32, #tpu.memory_space<vmem>>
      %dma_start3A_633 = arith.constant 0 : i32
      %dma_start3A_634 = arith.constant 0 : i32
      %dma_start3A_635 = tpu.memref_slice %arg24[%dma_start3A_633, %dma_start3A_634] : memref<10240x64xf32, #tpu.memory_space<vmem_shared>> -> memref<10240x64xf32, #tpu.memory_space<vmem_shared>>
      tpu.enqueue_indirect_dma source(%arg14 : memref<80x64xf32, #tpu.memory_space<vmem>>) target(%dma_start3A_635 : memref<10240x64xf32, #tpu.memory_space<vmem_shared>>) offsets(%dma_start3A_632 : memref<80xi32, #tpu.memory_space<vmem>>) semaphore(%arg36 : memref<!tpu.dma_semaphore, #tpu.memory_space<semaphore_mem>>) {add = true}
      %sub3A_636 = arith.constant 3 : i32
      %sub3A_637 = arith.subi %add3A_623, %sub3A_636 : i32
      %dma_wait3A_638 = arith.constant 0 : i32
      %dma_wait3A_639 = tpu.memref_slice %arg10[%sub3A_637, %dma_wait3A_638] : memref<125x80xi32, #tpu.memory_space<vmem>> -> memref<1x80xi32, #tpu.memory_space<vmem>>
      %dma_wait3A_640 = tpu.memref_squeeze %dma_wait3A_639 : memref<1x80xi32, #tpu.memory_space<vmem>> -> memref<80xi32, #tpu.memory_space<vmem>>
      %dma_wait3A_641 = arith.constant 0 : i32
      %dma_wait3A_642 = arith.constant 0 : i32
      %dma_wait3A_643 = tpu.memref_slice %arg24[%dma_wait3A_641, %dma_wait3A_642] : memref<10240x64xf32, #tpu.memory_space<vmem_shared>> -> memref<10240x64xf32, #tpu.memory_space<vmem_shared>>
      tpu.wait_indirect_dma semaphore(%arg33 : memref<!tpu.dma_semaphore, #tpu.memory_space<semaphore_mem>>) src(%arg11 : memref<80x64xf32, #tpu.memory_space<vmem>>) dst(%dma_wait3A_643 : memref<10240x64xf32, #tpu.memory_space<vmem_shared>>)
      %add3A_644 = arith.constant 3 : i32
      %add3A_645 = arith.addi %add3A_623, %add3A_644 : i32
      %dma_start3A_646 = arith.constant 0 : i32
      %dma_start3A_647 = tpu.memref_slice %arg9[%add3A_645, %dma_start3A_646] : memref<125x80xi32, #tpu.memory_space<vmem>> -> memref<1x80xi32, #tpu.memory_space<vmem>>
      %dma_start3A_648 = tpu.memref_squeeze %dma_start3A_647 : memref<1x80xi32, #tpu.memory_space<vmem>> -> memref<80xi32, #tpu.memory_space<vmem>>
      %dma_start3A_649 = arith.constant 0 : i32
      %dma_start3A_650 = arith.constant 0 : i32
      %dma_start3A_651 = tpu.memref_slice %arg2[%dma_start3A_649, %dma_start3A_650] : memref<10240x64xf32, #tpu.memory_space<hbm>> -> memref<10240x64xf32, #tpu.memory_space<hbm>>
      tpu.enqueue_indirect_dma source(%dma_start3A_651 : memref<10240x64xf32, #tpu.memory_space<hbm>>) target(%arg11 : memref<80x64xf32, #tpu.memory_space<vmem>>) offsets(%dma_start3A_648 : memref<80xi32, #tpu.memory_space<vmem>>) semaphore(%arg25 : memref<!tpu.dma_semaphore, #tpu.memory_space<semaphore_mem>>)
      %add3A_652 = arith.constant 4 : i32
      %add3A_653 = arith.addi %add3A_532, %add3A_652 : i32
      %dma_wait3A_654 = arith.constant 0 : i32
      %dma_wait3A_655 = tpu.memref_slice %arg9[%add3A_653, %dma_wait3A_654] : memref<125x80xi32, #tpu.memory_space<vmem>> -> memref<1x80xi32, #tpu.memory_space<vmem>>
      %dma_wait3A_656 = tpu.memref_squeeze %dma_wait3A_655 : memref<1x80xi32, #tpu.memory_space<vmem>> -> memref<80xi32, #tpu.memory_space<vmem>>
      %dma_wait3A_657 = arith.constant 0 : i32
      %dma_wait3A_658 = arith.constant 0 : i32
      %dma_wait3A_659 = tpu.memref_slice %arg2[%dma_wait3A_657, %dma_wait3A_658] : memref<10240x64xf32, #tpu.memory_space<hbm>> -> memref<10240x64xf32, #tpu.memory_space<hbm>>
      tpu.wait_indirect_dma semaphore(%arg29 : memref<!tpu.dma_semaphore, #tpu.memory_space<semaphore_mem>>) src(%dma_wait3A_659 : memref<10240x64xf32, #tpu.memory_space<hbm>>) dst(%arg15 : memref<80x64xf32, #tpu.memory_space<vmem>>)
      %dma_start3A_660 = arith.constant 0 : i32
      %dma_start3A_661 = tpu.memref_slice %arg10[%add3A_653, %dma_start3A_660] : memref<125x80xi32, #tpu.memory_space<vmem>> -> memref<1x80xi32, #tpu.memory_space<vmem>>
      %dma_start3A_662 = tpu.memref_squeeze %dma_start3A_661 : memref<1x80xi32, #tpu.memory_space<vmem>> -> memref<80xi32, #tpu.memory_space<vmem>>
      %dma_start3A_663 = arith.constant 0 : i32
      %dma_start3A_664 = arith.constant 0 : i32
      %dma_start3A_665 = tpu.memref_slice %arg24[%dma_start3A_663, %dma_start3A_664] : memref<10240x64xf32, #tpu.memory_space<vmem_shared>> -> memref<10240x64xf32, #tpu.memory_space<vmem_shared>>
      tpu.enqueue_indirect_dma source(%arg15 : memref<80x64xf32, #tpu.memory_space<vmem>>) target(%dma_start3A_665 : memref<10240x64xf32, #tpu.memory_space<vmem_shared>>) offsets(%dma_start3A_662 : memref<80xi32, #tpu.memory_space<vmem>>) semaphore(%arg37 : memref<!tpu.dma_semaphore, #tpu.memory_space<semaphore_mem>>) {add = true}
      %sub3A_666 = arith.constant 3 : i32
      %sub3A_667 = arith.subi %add3A_653, %sub3A_666 : i32
      %dma_wait3A_668 = arith.constant 0 : i32
      %dma_wait3A_669 = tpu.memref_slice %arg10[%sub3A_667, %dma_wait3A_668] : memref<125x80xi32, #tpu.memory_space<vmem>> -> memref<1x80xi32, #tpu.memory_space<vmem>>
      %dma_wait3A_670 = tpu.memref_squeeze %dma_wait3A_669 : memref<1x80xi32, #tpu.memory_space<vmem>> -> memref<80xi32, #tpu.memory_space<vmem>>
      %dma_wait3A_671 = arith.constant 0 : i32
      %dma_wait3A_672 = arith.constant 0 : i32
      %dma_wait3A_673 = tpu.memref_slice %arg24[%dma_wait3A_671, %dma_wait3A_672] : memref<10240x64xf32, #tpu.memory_space<vmem_shared>> -> memref<10240x64xf32, #tpu.memory_space<vmem_shared>>
      tpu.wait_indirect_dma semaphore(%arg34 : memref<!tpu.dma_semaphore, #tpu.memory_space<semaphore_mem>>) src(%arg12 : memref<80x64xf32, #tpu.memory_space<vmem>>) dst(%dma_wait3A_673 : memref<10240x64xf32, #tpu.memory_space<vmem_shared>>)
      %add3A_674 = arith.constant 3 : i32
      %add3A_675 = arith.addi %add3A_653, %add3A_674 : i32
      %dma_start3A_676 = arith.constant 0 : i32
      %dma_start3A_677 = tpu.memref_slice %arg9[%add3A_675, %dma_start3A_676] : memref<125x80xi32, #tpu.memory_space<vmem>> -> memref<1x80xi32, #tpu.memory_space<vmem>>
      %dma_start3A_678 = tpu.memref_squeeze %dma_start3A_677 : memref<1x80xi32, #tpu.memory_space<vmem>> -> memref<80xi32, #tpu.memory_space<vmem>>
      %dma_start3A_679 = arith.constant 0 : i32
      %dma_start3A_680 = arith.constant 0 : i32
      %dma_start3A_681 = tpu.memref_slice %arg2[%dma_start3A_679, %dma_start3A_680] : memref<10240x64xf32, #tpu.memory_space<hbm>> -> memref<10240x64xf32, #tpu.memory_space<hbm>>
      tpu.enqueue_indirect_dma source(%dma_start3A_681 : memref<10240x64xf32, #tpu.memory_space<hbm>>) target(%arg12 : memref<80x64xf32, #tpu.memory_space<vmem>>) offsets(%dma_start3A_678 : memref<80xi32, #tpu.memory_space<vmem>>) semaphore(%arg26 : memref<!tpu.dma_semaphore, #tpu.memory_space<semaphore_mem>>)
      %add3A_682 = arith.constant 5 : i32
      %add3A_683 = arith.addi %add3A_532, %add3A_682 : i32
      %dma_wait3A_684 = arith.constant 0 : i32
      %dma_wait3A_685 = tpu.memref_slice %arg9[%add3A_683, %dma_wait3A_684] : memref<125x80xi32, #tpu.memory_space<vmem>> -> memref<1x80xi32, #tpu.memory_space<vmem>>
      %dma_wait3A_686 = tpu.memref_squeeze %dma_wait3A_685 : memref<1x80xi32, #tpu.memory_space<vmem>> -> memref<80xi32, #tpu.memory_space<vmem>>
      %dma_wait3A_687 = arith.constant 0 : i32
      %dma_wait3A_688 = arith.constant 0 : i32
      %dma_wait3A_689 = tpu.memref_slice %arg2[%dma_wait3A_687, %dma_wait3A_688] : memref<10240x64xf32, #tpu.memory_space<hbm>> -> memref<10240x64xf32, #tpu.memory_space<hbm>>
      tpu.wait_indirect_dma semaphore(%arg30 : memref<!tpu.dma_semaphore, #tpu.memory_space<semaphore_mem>>) src(%dma_wait3A_689 : memref<10240x64xf32, #tpu.memory_space<hbm>>) dst(%arg16 : memref<80x64xf32, #tpu.memory_space<vmem>>)
      %dma_start3A_690 = arith.constant 0 : i32
      %dma_start3A_691 = tpu.memref_slice %arg10[%add3A_683, %dma_start3A_690] : memref<125x80xi32, #tpu.memory_space<vmem>> -> memref<1x80xi32, #tpu.memory_space<vmem>>
      %dma_start3A_692 = tpu.memref_squeeze %dma_start3A_691 : memref<1x80xi32, #tpu.memory_space<vmem>> -> memref<80xi32, #tpu.memory_space<vmem>>
      %dma_start3A_693 = arith.constant 0 : i32
      %dma_start3A_694 = arith.constant 0 : i32
      %dma_start3A_695 = tpu.memref_slice %arg24[%dma_start3A_693, %dma_start3A_694] : memref<10240x64xf32, #tpu.memory_space<vmem_shared>> -> memref<10240x64xf32, #tpu.memory_space<vmem_shared>>
      tpu.enqueue_indirect_dma source(%arg16 : memref<80x64xf32, #tpu.memory_space<vmem>>) target(%dma_start3A_695 : memref<10240x64xf32, #tpu.memory_space<vmem_shared>>) offsets(%dma_start3A_692 : memref<80xi32, #tpu.memory_space<vmem>>) semaphore(%arg38 : memref<!tpu.dma_semaphore, #tpu.memory_space<semaphore_mem>>) {add = true}
      %sub3A_696 = arith.constant 3 : i32
      %sub3A_697 = arith.subi %add3A_683, %sub3A_696 : i32
      %dma_wait3A_698 = arith.constant 0 : i32
      %dma_wait3A_699 = tpu.memref_slice %arg10[%sub3A_697, %dma_wait3A_698] : memref<125x80xi32, #tpu.memory_space<vmem>> -> memref<1x80xi32, #tpu.memory_space<vmem>>
      %dma_wait3A_700 = tpu.memref_squeeze %dma_wait3A_699 : memref<1x80xi32, #tpu.memory_space<vmem>> -> memref<80xi32, #tpu.memory_space<vmem>>
      %dma_wait3A_701 = arith.constant 0 : i32
      %dma_wait3A_702 = arith.constant 0 : i32
      %dma_wait3A_703 = tpu.memref_slice %arg24[%dma_wait3A_701, %dma_wait3A_702] : memref<10240x64xf32, #tpu.memory_space<vmem_shared>> -> memref<10240x64xf32, #tpu.memory_space<vmem_shared>>
      tpu.wait_indirect_dma semaphore(%arg35 : memref<!tpu.dma_semaphore, #tpu.memory_space<semaphore_mem>>) src(%arg13 : memref<80x64xf32, #tpu.memory_space<vmem>>) dst(%dma_wait3A_703 : memref<10240x64xf32, #tpu.memory_space<vmem_shared>>)
      %add3A_704 = arith.constant 3 : i32
      %add3A_705 = arith.addi %add3A_683, %add3A_704 : i32
      %dma_start3A_706 = arith.constant 0 : i32
      %dma_start3A_707 = tpu.memref_slice %arg9[%add3A_705, %dma_start3A_706] : memref<125x80xi32, #tpu.memory_space<vmem>> -> memref<1x80xi32, #tpu.memory_space<vmem>>
      %dma_start3A_708 = tpu.memref_squeeze %dma_start3A_707 : memref<1x80xi32, #tpu.memory_space<vmem>> -> memref<80xi32, #tpu.memory_space<vmem>>
      %dma_start3A_709 = arith.constant 0 : i32
      %dma_start3A_710 = arith.constant 0 : i32
      %dma_start3A_711 = tpu.memref_slice %arg2[%dma_start3A_709, %dma_start3A_710] : memref<10240x64xf32, #tpu.memory_space<hbm>> -> memref<10240x64xf32, #tpu.memory_space<hbm>>
      tpu.enqueue_indirect_dma source(%dma_start3A_711 : memref<10240x64xf32, #tpu.memory_space<hbm>>) target(%arg13 : memref<80x64xf32, #tpu.memory_space<vmem>>) offsets(%dma_start3A_708 : memref<80xi32, #tpu.memory_space<vmem>>) semaphore(%arg27 : memref<!tpu.dma_semaphore, #tpu.memory_space<semaphore_mem>>)
    }
    %scan3A_198 = arith.constant 18 : i32
    %dma_wait3A_199 = arith.constant 114 : i32
    %dma_wait3A_200 = arith.constant 0 : i32
    %dma_wait3A_201 = tpu.memref_slice %arg9[%dma_wait3A_199, %dma_wait3A_200] : memref<125x80xi32, #tpu.memory_space<vmem>> -> memref<1x80xi32, #tpu.memory_space<vmem>>
    %dma_wait3A_202 = tpu.memref_squeeze %dma_wait3A_201 : memref<1x80xi32, #tpu.memory_space<vmem>> -> memref<80xi32, #tpu.memory_space<vmem>>
    %dma_wait3A_203 = arith.constant 0 : i32
    %dma_wait3A_204 = arith.constant 0 : i32
    %dma_wait3A_205 = tpu.memref_slice %arg2[%dma_wait3A_203, %dma_wait3A_204] : memref<10240x64xf32, #tpu.memory_space<hbm>> -> memref<10240x64xf32, #tpu.memory_space<hbm>>
    tpu.wait_indirect_dma semaphore(%arg25 : memref<!tpu.dma_semaphore, #tpu.memory_space<semaphore_mem>>) src(%dma_wait3A_205 : memref<10240x64xf32, #tpu.memory_space<hbm>>) dst(%arg11 : memref<80x64xf32, #tpu.memory_space<vmem>>)
    %dma_start3A_206 = arith.constant 114 : i32
    %dma_start3A_207 = arith.constant 0 : i32
    %dma_start3A_208 = tpu.memref_slice %arg10[%dma_start3A_206, %dma_start3A_207] : memref<125x80xi32, #tpu.memory_space<vmem>> -> memref<1x80xi32, #tpu.memory_space<vmem>>
    %dma_start3A_209 = tpu.memref_squeeze %dma_start3A_208 : memref<1x80xi32, #tpu.memory_space<vmem>> -> memref<80xi32, #tpu.memory_space<vmem>>
    %dma_start3A_210 = arith.constant 0 : i32
    %dma_start3A_211 = arith.constant 0 : i32
    %dma_start3A_212 = tpu.memref_slice %arg24[%dma_start3A_210, %dma_start3A_211] : memref<10240x64xf32, #tpu.memory_space<vmem_shared>> -> memref<10240x64xf32, #tpu.memory_space<vmem_shared>>
    tpu.enqueue_indirect_dma source(%arg11 : memref<80x64xf32, #tpu.memory_space<vmem>>) target(%dma_start3A_212 : memref<10240x64xf32, #tpu.memory_space<vmem_shared>>) offsets(%dma_start3A_209 : memref<80xi32, #tpu.memory_space<vmem>>) semaphore(%arg33 : memref<!tpu.dma_semaphore, #tpu.memory_space<semaphore_mem>>) {add = true}
    %dma_wait3A_213 = arith.constant 111 : i32
    %dma_wait3A_214 = arith.constant 0 : i32
    %dma_wait3A_215 = tpu.memref_slice %arg10[%dma_wait3A_213, %dma_wait3A_214] : memref<125x80xi32, #tpu.memory_space<vmem>> -> memref<1x80xi32, #tpu.memory_space<vmem>>
    %dma_wait3A_216 = tpu.memref_squeeze %dma_wait3A_215 : memref<1x80xi32, #tpu.memory_space<vmem>> -> memref<80xi32, #tpu.memory_space<vmem>>
    %dma_wait3A_217 = arith.constant 0 : i32
    %dma_wait3A_218 = arith.constant 0 : i32
    %dma_wait3A_219 = tpu.memref_slice %arg24[%dma_wait3A_217, %dma_wait3A_218] : memref<10240x64xf32, #tpu.memory_space<vmem_shared>> -> memref<10240x64xf32, #tpu.memory_space<vmem_shared>>
    tpu.wait_indirect_dma semaphore(%arg36 : memref<!tpu.dma_semaphore, #tpu.memory_space<semaphore_mem>>) src(%arg14 : memref<80x64xf32, #tpu.memory_space<vmem>>) dst(%dma_wait3A_219 : memref<10240x64xf32, #tpu.memory_space<vmem_shared>>)
    %dma_start3A_220 = arith.constant 117 : i32
    %dma_start3A_221 = arith.constant 0 : i32
    %dma_start3A_222 = tpu.memref_slice %arg9[%dma_start3A_220, %dma_start3A_221] : memref<125x80xi32, #tpu.memory_space<vmem>> -> memref<1x80xi32, #tpu.memory_space<vmem>>
    %dma_start3A_223 = tpu.memref_squeeze %dma_start3A_222 : memref<1x80xi32, #tpu.memory_space<vmem>> -> memref<80xi32, #tpu.memory_space<vmem>>
    %dma_start3A_224 = arith.constant 0 : i32
    %dma_start3A_225 = arith.constant 0 : i32
    %dma_start3A_226 = tpu.memref_slice %arg2[%dma_start3A_224, %dma_start3A_225] : memref<10240x64xf32, #tpu.memory_space<hbm>> -> memref<10240x64xf32, #tpu.memory_space<hbm>>
    tpu.enqueue_indirect_dma source(%dma_start3A_226 : memref<10240x64xf32, #tpu.memory_space<hbm>>) target(%arg14 : memref<80x64xf32, #tpu.memory_space<vmem>>) offsets(%dma_start3A_223 : memref<80xi32, #tpu.memory_space<vmem>>) semaphore(%arg28 : memref<!tpu.dma_semaphore, #tpu.memory_space<semaphore_mem>>)
    %dma_wait3A_227 = arith.constant 115 : i32
    %dma_wait3A_228 = arith.constant 0 : i32
    %dma_wait3A_229 = tpu.memref_slice %arg9[%dma_wait3A_227, %dma_wait3A_228] : memref<125x80xi32, #tpu.memory_space<vmem>> -> memref<1x80xi32, #tpu.memory_space<vmem>>
    %dma_wait3A_230 = tpu.memref_squeeze %dma_wait3A_229 : memref<1x80xi32, #tpu.memory_space<vmem>> -> memref<80xi32, #tpu.memory_space<vmem>>
    %dma_wait3A_231 = arith.constant 0 : i32
    %dma_wait3A_232 = arith.constant 0 : i32
    %dma_wait3A_233 = tpu.memref_slice %arg2[%dma_wait3A_231, %dma_wait3A_232] : memref<10240x64xf32, #tpu.memory_space<hbm>> -> memref<10240x64xf32, #tpu.memory_space<hbm>>
    tpu.wait_indirect_dma semaphore(%arg26 : memref<!tpu.dma_semaphore, #tpu.memory_space<semaphore_mem>>) src(%dma_wait3A_233 : memref<10240x64xf32, #tpu.memory_space<hbm>>) dst(%arg12 : memref<80x64xf32, #tpu.memory_space<vmem>>)
    %dma_start3A_234 = arith.constant 115 : i32
    %dma_start3A_235 = arith.constant 0 : i32
    %dma_start3A_236 = tpu.memref_slice %arg10[%dma_start3A_234, %dma_start3A_235] : memref<125x80xi32, #tpu.memory_space<vmem>> -> memref<1x80xi32, #tpu.memory_space<vmem>>
    %dma_start3A_237 = tpu.memref_squeeze %dma_start3A_236 : memref<1x80xi32, #tpu.memory_space<vmem>> -> memref<80xi32, #tpu.memory_space<vmem>>
    %dma_start3A_238 = arith.constant 0 : i32
    %dma_start3A_239 = arith.constant 0 : i32
    %dma_start3A_240 = tpu.memref_slice %arg24[%dma_start3A_238, %dma_start3A_239] : memref<10240x64xf32, #tpu.memory_space<vmem_shared>> -> memref<10240x64xf32, #tpu.memory_space<vmem_shared>>
    tpu.enqueue_indirect_dma source(%arg12 : memref<80x64xf32, #tpu.memory_space<vmem>>) target(%dma_start3A_240 : memref<10240x64xf32, #tpu.memory_space<vmem_shared>>) offsets(%dma_start3A_237 : memref<80xi32, #tpu.memory_space<vmem>>) semaphore(%arg34 : memref<!tpu.dma_semaphore, #tpu.memory_space<semaphore_mem>>) {add = true}
    %dma_wait3A_241 = arith.constant 112 : i32
    %dma_wait3A_242 = arith.constant 0 : i32
    %dma_wait3A_243 = tpu.memref_slice %arg10[%dma_wait3A_241, %dma_wait3A_242] : memref<125x80xi32, #tpu.memory_space<vmem>> -> memref<1x80xi32, #tpu.memory_space<vmem>>
    %dma_wait3A_244 = tpu.memref_squeeze %dma_wait3A_243 : memref<1x80xi32, #tpu.memory_space<vmem>> -> memref<80xi32, #tpu.memory_space<vmem>>
    %dma_wait3A_245 = arith.constant 0 : i32
    %dma_wait3A_246 = arith.constant 0 : i32
    %dma_wait3A_247 = tpu.memref_slice %arg24[%dma_wait3A_245, %dma_wait3A_246] : memref<10240x64xf32, #tpu.memory_space<vmem_shared>> -> memref<10240x64xf32, #tpu.memory_space<vmem_shared>>
    tpu.wait_indirect_dma semaphore(%arg37 : memref<!tpu.dma_semaphore, #tpu.memory_space<semaphore_mem>>) src(%arg15 : memref<80x64xf32, #tpu.memory_space<vmem>>) dst(%dma_wait3A_247 : memref<10240x64xf32, #tpu.memory_space<vmem_shared>>)
    %dma_start3A_248 = arith.constant 118 : i32
    %dma_start3A_249 = arith.constant 0 : i32
    %dma_start3A_250 = tpu.memref_slice %arg9[%dma_start3A_248, %dma_start3A_249] : memref<125x80xi32, #tpu.memory_space<vmem>> -> memref<1x80xi32, #tpu.memory_space<vmem>>
    %dma_start3A_251 = tpu.memref_squeeze %dma_start3A_250 : memref<1x80xi32, #tpu.memory_space<vmem>> -> memref<80xi32, #tpu.memory_space<vmem>>
    %dma_start3A_252 = arith.constant 0 : i32
    %dma_start3A_253 = arith.constant 0 : i32
    %dma_start3A_254 = tpu.memref_slice %arg2[%dma_start3A_252, %dma_start3A_253] : memref<10240x64xf32, #tpu.memory_space<hbm>> -> memref<10240x64xf32, #tpu.memory_space<hbm>>
    tpu.enqueue_indirect_dma source(%dma_start3A_254 : memref<10240x64xf32, #tpu.memory_space<hbm>>) target(%arg15 : memref<80x64xf32, #tpu.memory_space<vmem>>) offsets(%dma_start3A_251 : memref<80xi32, #tpu.memory_space<vmem>>) semaphore(%arg29 : memref<!tpu.dma_semaphore, #tpu.memory_space<semaphore_mem>>)
    %dma_wait3A_255 = arith.constant 116 : i32
    %dma_wait3A_256 = arith.constant 0 : i32
    %dma_wait3A_257 = tpu.memref_slice %arg9[%dma_wait3A_255, %dma_wait3A_256] : memref<125x80xi32, #tpu.memory_space<vmem>> -> memref<1x80xi32, #tpu.memory_space<vmem>>
    %dma_wait3A_258 = tpu.memref_squeeze %dma_wait3A_257 : memref<1x80xi32, #tpu.memory_space<vmem>> -> memref<80xi32, #tpu.memory_space<vmem>>
    %dma_wait3A_259 = arith.constant 0 : i32
    %dma_wait3A_260 = arith.constant 0 : i32
    %dma_wait3A_261 = tpu.memref_slice %arg2[%dma_wait3A_259, %dma_wait3A_260] : memref<10240x64xf32, #tpu.memory_space<hbm>> -> memref<10240x64xf32, #tpu.memory_space<hbm>>
    tpu.wait_indirect_dma semaphore(%arg27 : memref<!tpu.dma_semaphore, #tpu.memory_space<semaphore_mem>>) src(%dma_wait3A_261 : memref<10240x64xf32, #tpu.memory_space<hbm>>) dst(%arg13 : memref<80x64xf32, #tpu.memory_space<vmem>>)
    %dma_start3A_262 = arith.constant 116 : i32
    %dma_start3A_263 = arith.constant 0 : i32
    %dma_start3A_264 = tpu.memref_slice %arg10[%dma_start3A_262, %dma_start3A_263] : memref<125x80xi32, #tpu.memory_space<vmem>> -> memref<1x80xi32, #tpu.memory_space<vmem>>
    %dma_start3A_265 = tpu.memref_squeeze %dma_start3A_264 : memref<1x80xi32, #tpu.memory_space<vmem>> -> memref<80xi32, #tpu.memory_space<vmem>>
    %dma_start3A_266 = arith.constant 0 : i32
    %dma_start3A_267 = arith.constant 0 : i32
    %dma_start3A_268 = tpu.memref_slice %arg24[%dma_start3A_266, %dma_start3A_267] : memref<10240x64xf32, #tpu.memory_space<vmem_shared>> -> memref<10240x64xf32, #tpu.memory_space<vmem_shared>>
    tpu.enqueue_indirect_dma source(%arg13 : memref<80x64xf32, #tpu.memory_space<vmem>>) target(%dma_start3A_268 : memref<10240x64xf32, #tpu.memory_space<vmem_shared>>) offsets(%dma_start3A_265 : memref<80xi32, #tpu.memory_space<vmem>>) semaphore(%arg35 : memref<!tpu.dma_semaphore, #tpu.memory_space<semaphore_mem>>) {add = true}
    %dma_wait3A_269 = arith.constant 113 : i32
    %dma_wait3A_270 = arith.constant 0 : i32
    %dma_wait3A_271 = tpu.memref_slice %arg10[%dma_wait3A_269, %dma_wait3A_270] : memref<125x80xi32, #tpu.memory_space<vmem>> -> memref<1x80xi32, #tpu.memory_space<vmem>>
    %dma_wait3A_272 = tpu.memref_squeeze %dma_wait3A_271 : memref<1x80xi32, #tpu.memory_space<vmem>> -> memref<80xi32, #tpu.memory_space<vmem>>
    %dma_wait3A_273 = arith.constant 0 : i32
    %dma_wait3A_274 = arith.constant 0 : i32
    %dma_wait3A_275 = tpu.memref_slice %arg24[%dma_wait3A_273, %dma_wait3A_274] : memref<10240x64xf32, #tpu.memory_space<vmem_shared>> -> memref<10240x64xf32, #tpu.memory_space<vmem_shared>>
    tpu.wait_indirect_dma semaphore(%arg38 : memref<!tpu.dma_semaphore, #tpu.memory_space<semaphore_mem>>) src(%arg16 : memref<80x64xf32, #tpu.memory_space<vmem>>) dst(%dma_wait3A_275 : memref<10240x64xf32, #tpu.memory_space<vmem_shared>>)
    %dma_start3A_276 = arith.constant 119 : i32
    %dma_start3A_277 = arith.constant 0 : i32
    %dma_start3A_278 = tpu.memref_slice %arg9[%dma_start3A_276, %dma_start3A_277] : memref<125x80xi32, #tpu.memory_space<vmem>> -> memref<1x80xi32, #tpu.memory_space<vmem>>
    %dma_start3A_279 = tpu.memref_squeeze %dma_start3A_278 : memref<1x80xi32, #tpu.memory_space<vmem>> -> memref<80xi32, #tpu.memory_space<vmem>>
    %dma_start3A_280 = arith.constant 0 : i32
    %dma_start3A_281 = arith.constant 0 : i32
    %dma_start3A_282 = tpu.memref_slice %arg2[%dma_start3A_280, %dma_start3A_281] : memref<10240x64xf32, #tpu.memory_space<hbm>> -> memref<10240x64xf32, #tpu.memory_space<hbm>>
    tpu.enqueue_indirect_dma source(%dma_start3A_282 : memref<10240x64xf32, #tpu.memory_space<hbm>>) target(%arg16 : memref<80x64xf32, #tpu.memory_space<vmem>>) offsets(%dma_start3A_279 : memref<80xi32, #tpu.memory_space<vmem>>) semaphore(%arg30 : memref<!tpu.dma_semaphore, #tpu.memory_space<semaphore_mem>>)
    %dma_wait3A_283 = arith.constant 117 : i32
    %dma_wait3A_284 = arith.constant 0 : i32
    %dma_wait3A_285 = tpu.memref_slice %arg9[%dma_wait3A_283, %dma_wait3A_284] : memref<125x80xi32, #tpu.memory_space<vmem>> -> memref<1x80xi32, #tpu.memory_space<vmem>>
    %dma_wait3A_286 = tpu.memref_squeeze %dma_wait3A_285 : memref<1x80xi32, #tpu.memory_space<vmem>> -> memref<80xi32, #tpu.memory_space<vmem>>
    %dma_wait3A_287 = arith.constant 0 : i32
    %dma_wait3A_288 = arith.constant 0 : i32
    %dma_wait3A_289 = tpu.memref_slice %arg2[%dma_wait3A_287, %dma_wait3A_288] : memref<10240x64xf32, #tpu.memory_space<hbm>> -> memref<10240x64xf32, #tpu.memory_space<hbm>>
    tpu.wait_indirect_dma semaphore(%arg28 : memref<!tpu.dma_semaphore, #tpu.memory_space<semaphore_mem>>) src(%dma_wait3A_289 : memref<10240x64xf32, #tpu.memory_space<hbm>>) dst(%arg14 : memref<80x64xf32, #tpu.memory_space<vmem>>)
    %dma_start3A_290 = arith.constant 117 : i32
    %dma_start3A_291 = arith.constant 0 : i32
    %dma_start3A_292 = tpu.memref_slice %arg10[%dma_start3A_290, %dma_start3A_291] : memref<125x80xi32, #tpu.memory_space<vmem>> -> memref<1x80xi32, #tpu.memory_space<vmem>>
    %dma_start3A_293 = tpu.memref_squeeze %dma_start3A_292 : memref<1x80xi32, #tpu.memory_space<vmem>> -> memref<80xi32, #tpu.memory_space<vmem>>
    %dma_start3A_294 = arith.constant 0 : i32
    %dma_start3A_295 = arith.constant 0 : i32
    %dma_start3A_296 = tpu.memref_slice %arg24[%dma_start3A_294, %dma_start3A_295] : memref<10240x64xf32, #tpu.memory_space<vmem_shared>> -> memref<10240x64xf32, #tpu.memory_space<vmem_shared>>
    tpu.enqueue_indirect_dma source(%arg14 : memref<80x64xf32, #tpu.memory_space<vmem>>) target(%dma_start3A_296 : memref<10240x64xf32, #tpu.memory_space<vmem_shared>>) offsets(%dma_start3A_293 : memref<80xi32, #tpu.memory_space<vmem>>) semaphore(%arg36 : memref<!tpu.dma_semaphore, #tpu.memory_space<semaphore_mem>>) {add = true}
    %dma_wait3A_297 = arith.constant 114 : i32
    %dma_wait3A_298 = arith.constant 0 : i32
    %dma_wait3A_299 = tpu.memref_slice %arg10[%dma_wait3A_297, %dma_wait3A_298] : memref<125x80xi32, #tpu.memory_space<vmem>> -> memref<1x80xi32, #tpu.memory_space<vmem>>
    %dma_wait3A_300 = tpu.memref_squeeze %dma_wait3A_299 : memref<1x80xi32, #tpu.memory_space<vmem>> -> memref<80xi32, #tpu.memory_space<vmem>>
    %dma_wait3A_301 = arith.constant 0 : i32
    %dma_wait3A_302 = arith.constant 0 : i32
    %dma_wait3A_303 = tpu.memref_slice %arg24[%dma_wait3A_301, %dma_wait3A_302] : memref<10240x64xf32, #tpu.memory_space<vmem_shared>> -> memref<10240x64xf32, #tpu.memory_space<vmem_shared>>
    tpu.wait_indirect_dma semaphore(%arg33 : memref<!tpu.dma_semaphore, #tpu.memory_space<semaphore_mem>>) src(%arg11 : memref<80x64xf32, #tpu.memory_space<vmem>>) dst(%dma_wait3A_303 : memref<10240x64xf32, #tpu.memory_space<vmem_shared>>)
    %dma_start3A_304 = arith.constant 120 : i32
    %dma_start3A_305 = arith.constant 0 : i32
    %dma_start3A_306 = tpu.memref_slice %arg9[%dma_start3A_304, %dma_start3A_305] : memref<125x80xi32, #tpu.memory_space<vmem>> -> memref<1x80xi32, #tpu.memory_space<vmem>>
    %dma_start3A_307 = tpu.memref_squeeze %dma_start3A_306 : memref<1x80xi32, #tpu.memory_space<vmem>> -> memref<80xi32, #tpu.memory_space<vmem>>
    %dma_start3A_308 = arith.constant 0 : i32
    %dma_start3A_309 = arith.constant 0 : i32
    %dma_start3A_310 = tpu.memref_slice %arg2[%dma_start3A_308, %dma_start3A_309] : memref<10240x64xf32, #tpu.memory_space<hbm>> -> memref<10240x64xf32, #tpu.memory_space<hbm>>
    tpu.enqueue_indirect_dma source(%dma_start3A_310 : memref<10240x64xf32, #tpu.memory_space<hbm>>) target(%arg11 : memref<80x64xf32, #tpu.memory_space<vmem>>) offsets(%dma_start3A_307 : memref<80xi32, #tpu.memory_space<vmem>>) semaphore(%arg25 : memref<!tpu.dma_semaphore, #tpu.memory_space<semaphore_mem>>)
    %dma_wait3A_311 = arith.constant 118 : i32
    %dma_wait3A_312 = arith.constant 0 : i32
    %dma_wait3A_313 = tpu.memref_slice %arg9[%dma_wait3A_311, %dma_wait3A_312] : memref<125x80xi32, #tpu.memory_space<vmem>> -> memref<1x80xi32, #tpu.memory_space<vmem>>
    %dma_wait3A_314 = tpu.memref_squeeze %dma_wait3A_313 : memref<1x80xi32, #tpu.memory_space<vmem>> -> memref<80xi32, #tpu.memory_space<vmem>>
    %dma_wait3A_315 = arith.constant 0 : i32
    %dma_wait3A_316 = arith.constant 0 : i32
    %dma_wait3A_317 = tpu.memref_slice %arg2[%dma_wait3A_315, %dma_wait3A_316] : memref<10240x64xf32, #tpu.memory_space<hbm>> -> memref<10240x64xf32, #tpu.memory_space<hbm>>
    tpu.wait_indirect_dma semaphore(%arg29 : memref<!tpu.dma_semaphore, #tpu.memory_space<semaphore_mem>>) src(%dma_wait3A_317 : memref<10240x64xf32, #tpu.memory_space<hbm>>) dst(%arg15 : memref<80x64xf32, #tpu.memory_space<vmem>>)
    %dma_start3A_318 = arith.constant 118 : i32
    %dma_start3A_319 = arith.constant 0 : i32
    %dma_start3A_320 = tpu.memref_slice %arg10[%dma_start3A_318, %dma_start3A_319] : memref<125x80xi32, #tpu.memory_space<vmem>> -> memref<1x80xi32, #tpu.memory_space<vmem>>
    %dma_start3A_321 = tpu.memref_squeeze %dma_start3A_320 : memref<1x80xi32, #tpu.memory_space<vmem>> -> memref<80xi32, #tpu.memory_space<vmem>>
    %dma_start3A_322 = arith.constant 0 : i32
    %dma_start3A_323 = arith.constant 0 : i32
    %dma_start3A_324 = tpu.memref_slice %arg24[%dma_start3A_322, %dma_start3A_323] : memref<10240x64xf32, #tpu.memory_space<vmem_shared>> -> memref<10240x64xf32, #tpu.memory_space<vmem_shared>>
    tpu.enqueue_indirect_dma source(%arg15 : memref<80x64xf32, #tpu.memory_space<vmem>>) target(%dma_start3A_324 : memref<10240x64xf32, #tpu.memory_space<vmem_shared>>) offsets(%dma_start3A_321 : memref<80xi32, #tpu.memory_space<vmem>>) semaphore(%arg37 : memref<!tpu.dma_semaphore, #tpu.memory_space<semaphore_mem>>) {add = true}
    %dma_wait3A_325 = arith.constant 115 : i32
    %dma_wait3A_326 = arith.constant 0 : i32
    %dma_wait3A_327 = tpu.memref_slice %arg10[%dma_wait3A_325, %dma_wait3A_326] : memref<125x80xi32, #tpu.memory_space<vmem>> -> memref<1x80xi32, #tpu.memory_space<vmem>>
    %dma_wait3A_328 = tpu.memref_squeeze %dma_wait3A_327 : memref<1x80xi32, #tpu.memory_space<vmem>> -> memref<80xi32, #tpu.memory_space<vmem>>
    %dma_wait3A_329 = arith.constant 0 : i32
    %dma_wait3A_330 = arith.constant 0 : i32
    %dma_wait3A_331 = tpu.memref_slice %arg24[%dma_wait3A_329, %dma_wait3A_330] : memref<10240x64xf32, #tpu.memory_space<vmem_shared>> -> memref<10240x64xf32, #tpu.memory_space<vmem_shared>>
    tpu.wait_indirect_dma semaphore(%arg34 : memref<!tpu.dma_semaphore, #tpu.memory_space<semaphore_mem>>) src(%arg12 : memref<80x64xf32, #tpu.memory_space<vmem>>) dst(%dma_wait3A_331 : memref<10240x64xf32, #tpu.memory_space<vmem_shared>>)
    %dma_start3A_332 = arith.constant 121 : i32
    %dma_start3A_333 = arith.constant 0 : i32
    %dma_start3A_334 = tpu.memref_slice %arg9[%dma_start3A_332, %dma_start3A_333] : memref<125x80xi32, #tpu.memory_space<vmem>> -> memref<1x80xi32, #tpu.memory_space<vmem>>
    %dma_start3A_335 = tpu.memref_squeeze %dma_start3A_334 : memref<1x80xi32, #tpu.memory_space<vmem>> -> memref<80xi32, #tpu.memory_space<vmem>>
    %dma_start3A_336 = arith.constant 0 : i32
    %dma_start3A_337 = arith.constant 0 : i32
    %dma_start3A_338 = tpu.memref_slice %arg2[%dma_start3A_336, %dma_start3A_337] : memref<10240x64xf32, #tpu.memory_space<hbm>> -> memref<10240x64xf32, #tpu.memory_space<hbm>>
    tpu.enqueue_indirect_dma source(%dma_start3A_338 : memref<10240x64xf32, #tpu.memory_space<hbm>>) target(%arg12 : memref<80x64xf32, #tpu.memory_space<vmem>>) offsets(%dma_start3A_335 : memref<80xi32, #tpu.memory_space<vmem>>) semaphore(%arg26 : memref<!tpu.dma_semaphore, #tpu.memory_space<semaphore_mem>>)
    %dma_wait3A_339 = arith.constant 119 : i32
    %dma_wait3A_340 = arith.constant 0 : i32
    %dma_wait3A_341 = tpu.memref_slice %arg9[%dma_wait3A_339, %dma_wait3A_340] : memref<125x80xi32, #tpu.memory_space<vmem>> -> memref<1x80xi32, #tpu.memory_space<vmem>>
    %dma_wait3A_342 = tpu.memref_squeeze %dma_wait3A_341 : memref<1x80xi32, #tpu.memory_space<vmem>> -> memref<80xi32, #tpu.memory_space<vmem>>
    %dma_wait3A_343 = arith.constant 0 : i32
    %dma_wait3A_344 = arith.constant 0 : i32
    %dma_wait3A_345 = tpu.memref_slice %arg2[%dma_wait3A_343, %dma_wait3A_344] : memref<10240x64xf32, #tpu.memory_space<hbm>> -> memref<10240x64xf32, #tpu.memory_space<hbm>>
    tpu.wait_indirect_dma semaphore(%arg30 : memref<!tpu.dma_semaphore, #tpu.memory_space<semaphore_mem>>) src(%dma_wait3A_345 : memref<10240x64xf32, #tpu.memory_space<hbm>>) dst(%arg16 : memref<80x64xf32, #tpu.memory_space<vmem>>)
    %dma_start3A_346 = arith.constant 119 : i32
    %dma_start3A_347 = arith.constant 0 : i32
    %dma_start3A_348 = tpu.memref_slice %arg10[%dma_start3A_346, %dma_start3A_347] : memref<125x80xi32, #tpu.memory_space<vmem>> -> memref<1x80xi32, #tpu.memory_space<vmem>>
    %dma_start3A_349 = tpu.memref_squeeze %dma_start3A_348 : memref<1x80xi32, #tpu.memory_space<vmem>> -> memref<80xi32, #tpu.memory_space<vmem>>
    %dma_start3A_350 = arith.constant 0 : i32
    %dma_start3A_351 = arith.constant 0 : i32
    %dma_start3A_352 = tpu.memref_slice %arg24[%dma_start3A_350, %dma_start3A_351] : memref<10240x64xf32, #tpu.memory_space<vmem_shared>> -> memref<10240x64xf32, #tpu.memory_space<vmem_shared>>
    tpu.enqueue_indirect_dma source(%arg16 : memref<80x64xf32, #tpu.memory_space<vmem>>) target(%dma_start3A_352 : memref<10240x64xf32, #tpu.memory_space<vmem_shared>>) offsets(%dma_start3A_349 : memref<80xi32, #tpu.memory_space<vmem>>) semaphore(%arg38 : memref<!tpu.dma_semaphore, #tpu.memory_space<semaphore_mem>>) {add = true}
    %dma_wait3A_353 = arith.constant 116 : i32
    %dma_wait3A_354 = arith.constant 0 : i32
    %dma_wait3A_355 = tpu.memref_slice %arg10[%dma_wait3A_353, %dma_wait3A_354] : memref<125x80xi32, #tpu.memory_space<vmem>> -> memref<1x80xi32, #tpu.memory_space<vmem>>
    %dma_wait3A_356 = tpu.memref_squeeze %dma_wait3A_355 : memref<1x80xi32, #tpu.memory_space<vmem>> -> memref<80xi32, #tpu.memory_space<vmem>>
    %dma_wait3A_357 = arith.constant 0 : i32
    %dma_wait3A_358 = arith.constant 0 : i32
    %dma_wait3A_359 = tpu.memref_slice %arg24[%dma_wait3A_357, %dma_wait3A_358] : memref<10240x64xf32, #tpu.memory_space<vmem_shared>> -> memref<10240x64xf32, #tpu.memory_space<vmem_shared>>
    tpu.wait_indirect_dma semaphore(%arg35 : memref<!tpu.dma_semaphore, #tpu.memory_space<semaphore_mem>>) src(%arg13 : memref<80x64xf32, #tpu.memory_space<vmem>>) dst(%dma_wait3A_359 : memref<10240x64xf32, #tpu.memory_space<vmem_shared>>)
    %dma_start3A_360 = arith.constant 122 : i32
    %dma_start3A_361 = arith.constant 0 : i32
    %dma_start3A_362 = tpu.memref_slice %arg9[%dma_start3A_360, %dma_start3A_361] : memref<125x80xi32, #tpu.memory_space<vmem>> -> memref<1x80xi32, #tpu.memory_space<vmem>>
    %dma_start3A_363 = tpu.memref_squeeze %dma_start3A_362 : memref<1x80xi32, #tpu.memory_space<vmem>> -> memref<80xi32, #tpu.memory_space<vmem>>
    %dma_start3A_364 = arith.constant 0 : i32
    %dma_start3A_365 = arith.constant 0 : i32
    %dma_start3A_366 = tpu.memref_slice %arg2[%dma_start3A_364, %dma_start3A_365] : memref<10240x64xf32, #tpu.memory_space<hbm>> -> memref<10240x64xf32, #tpu.memory_space<hbm>>
    tpu.enqueue_indirect_dma source(%dma_start3A_366 : memref<10240x64xf32, #tpu.memory_space<hbm>>) target(%arg13 : memref<80x64xf32, #tpu.memory_space<vmem>>) offsets(%dma_start3A_363 : memref<80xi32, #tpu.memory_space<vmem>>) semaphore(%arg27 : memref<!tpu.dma_semaphore, #tpu.memory_space<semaphore_mem>>)
    %dma_wait3A_367 = arith.constant 120 : i32
    %dma_wait3A_368 = arith.constant 0 : i32
    %dma_wait3A_369 = tpu.memref_slice %arg9[%dma_wait3A_367, %dma_wait3A_368] : memref<125x80xi32, #tpu.memory_space<vmem>> -> memref<1x80xi32, #tpu.memory_space<vmem>>
    %dma_wait3A_370 = tpu.memref_squeeze %dma_wait3A_369 : memref<1x80xi32, #tpu.memory_space<vmem>> -> memref<80xi32, #tpu.memory_space<vmem>>
    %dma_wait3A_371 = arith.constant 0 : i32
    %dma_wait3A_372 = arith.constant 0 : i32
    %dma_wait3A_373 = tpu.memref_slice %arg2[%dma_wait3A_371, %dma_wait3A_372] : memref<10240x64xf32, #tpu.memory_space<hbm>> -> memref<10240x64xf32, #tpu.memory_space<hbm>>
    tpu.wait_indirect_dma semaphore(%arg25 : memref<!tpu.dma_semaphore, #tpu.memory_space<semaphore_mem>>) src(%dma_wait3A_373 : memref<10240x64xf32, #tpu.memory_space<hbm>>) dst(%arg11 : memref<80x64xf32, #tpu.memory_space<vmem>>)
    %dma_start3A_374 = arith.constant 120 : i32
    %dma_start3A_375 = arith.constant 0 : i32
    %dma_start3A_376 = tpu.memref_slice %arg10[%dma_start3A_374, %dma_start3A_375] : memref<125x80xi32, #tpu.memory_space<vmem>> -> memref<1x80xi32, #tpu.memory_space<vmem>>
    %dma_start3A_377 = tpu.memref_squeeze %dma_start3A_376 : memref<1x80xi32, #tpu.memory_space<vmem>> -> memref<80xi32, #tpu.memory_space<vmem>>
    %dma_start3A_378 = arith.constant 0 : i32
    %dma_start3A_379 = arith.constant 0 : i32
    %dma_start3A_380 = tpu.memref_slice %arg24[%dma_start3A_378, %dma_start3A_379] : memref<10240x64xf32, #tpu.memory_space<vmem_shared>> -> memref<10240x64xf32, #tpu.memory_space<vmem_shared>>
    tpu.enqueue_indirect_dma source(%arg11 : memref<80x64xf32, #tpu.memory_space<vmem>>) target(%dma_start3A_380 : memref<10240x64xf32, #tpu.memory_space<vmem_shared>>) offsets(%dma_start3A_377 : memref<80xi32, #tpu.memory_space<vmem>>) semaphore(%arg33 : memref<!tpu.dma_semaphore, #tpu.memory_space<semaphore_mem>>) {add = true}
    %dma_wait3A_381 = arith.constant 117 : i32
    %dma_wait3A_382 = arith.constant 0 : i32
    %dma_wait3A_383 = tpu.memref_slice %arg10[%dma_wait3A_381, %dma_wait3A_382] : memref<125x80xi32, #tpu.memory_space<vmem>> -> memref<1x80xi32, #tpu.memory_space<vmem>>
    %dma_wait3A_384 = tpu.memref_squeeze %dma_wait3A_383 : memref<1x80xi32, #tpu.memory_space<vmem>> -> memref<80xi32, #tpu.memory_space<vmem>>
    %dma_wait3A_385 = arith.constant 0 : i32
    %dma_wait3A_386 = arith.constant 0 : i32
    %dma_wait3A_387 = tpu.memref_slice %arg24[%dma_wait3A_385, %dma_wait3A_386] : memref<10240x64xf32, #tpu.memory_space<vmem_shared>> -> memref<10240x64xf32, #tpu.memory_space<vmem_shared>>
    tpu.wait_indirect_dma semaphore(%arg36 : memref<!tpu.dma_semaphore, #tpu.memory_space<semaphore_mem>>) src(%arg14 : memref<80x64xf32, #tpu.memory_space<vmem>>) dst(%dma_wait3A_387 : memref<10240x64xf32, #tpu.memory_space<vmem_shared>>)
    %dma_start3A_388 = arith.constant 123 : i32
    %dma_start3A_389 = arith.constant 0 : i32
    %dma_start3A_390 = tpu.memref_slice %arg9[%dma_start3A_388, %dma_start3A_389] : memref<125x80xi32, #tpu.memory_space<vmem>> -> memref<1x80xi32, #tpu.memory_space<vmem>>
    %dma_start3A_391 = tpu.memref_squeeze %dma_start3A_390 : memref<1x80xi32, #tpu.memory_space<vmem>> -> memref<80xi32, #tpu.memory_space<vmem>>
    %dma_start3A_392 = arith.constant 0 : i32
    %dma_start3A_393 = arith.constant 0 : i32
    %dma_start3A_394 = tpu.memref_slice %arg2[%dma_start3A_392, %dma_start3A_393] : memref<10240x64xf32, #tpu.memory_space<hbm>> -> memref<10240x64xf32, #tpu.memory_space<hbm>>
    tpu.enqueue_indirect_dma source(%dma_start3A_394 : memref<10240x64xf32, #tpu.memory_space<hbm>>) target(%arg14 : memref<80x64xf32, #tpu.memory_space<vmem>>) offsets(%dma_start3A_391 : memref<80xi32, #tpu.memory_space<vmem>>) semaphore(%arg28 : memref<!tpu.dma_semaphore, #tpu.memory_space<semaphore_mem>>)
    %dma_wait3A_395 = arith.constant 121 : i32
    %dma_wait3A_396 = arith.constant 0 : i32
    %dma_wait3A_397 = tpu.memref_slice %arg9[%dma_wait3A_395, %dma_wait3A_396] : memref<125x80xi32, #tpu.memory_space<vmem>> -> memref<1x80xi32, #tpu.memory_space<vmem>>
    %dma_wait3A_398 = tpu.memref_squeeze %dma_wait3A_397 : memref<1x80xi32, #tpu.memory_space<vmem>> -> memref<80xi32, #tpu.memory_space<vmem>>
    %dma_wait3A_399 = arith.constant 0 : i32
    %dma_wait3A_400 = arith.constant 0 : i32
    %dma_wait3A_401 = tpu.memref_slice %arg2[%dma_wait3A_399, %dma_wait3A_400] : memref<10240x64xf32, #tpu.memory_space<hbm>> -> memref<10240x64xf32, #tpu.memory_space<hbm>>
    tpu.wait_indirect_dma semaphore(%arg26 : memref<!tpu.dma_semaphore, #tpu.memory_space<semaphore_mem>>) src(%dma_wait3A_401 : memref<10240x64xf32, #tpu.memory_space<hbm>>) dst(%arg12 : memref<80x64xf32, #tpu.memory_space<vmem>>)
    %dma_start3A_402 = arith.constant 121 : i32
    %dma_start3A_403 = arith.constant 0 : i32
    %dma_start3A_404 = tpu.memref_slice %arg10[%dma_start3A_402, %dma_start3A_403] : memref<125x80xi32, #tpu.memory_space<vmem>> -> memref<1x80xi32, #tpu.memory_space<vmem>>
    %dma_start3A_405 = tpu.memref_squeeze %dma_start3A_404 : memref<1x80xi32, #tpu.memory_space<vmem>> -> memref<80xi32, #tpu.memory_space<vmem>>
    %dma_start3A_406 = arith.constant 0 : i32
    %dma_start3A_407 = arith.constant 0 : i32
    %dma_start3A_408 = tpu.memref_slice %arg24[%dma_start3A_406, %dma_start3A_407] : memref<10240x64xf32, #tpu.memory_space<vmem_shared>> -> memref<10240x64xf32, #tpu.memory_space<vmem_shared>>
    tpu.enqueue_indirect_dma source(%arg12 : memref<80x64xf32, #tpu.memory_space<vmem>>) target(%dma_start3A_408 : memref<10240x64xf32, #tpu.memory_space<vmem_shared>>) offsets(%dma_start3A_405 : memref<80xi32, #tpu.memory_space<vmem>>) semaphore(%arg34 : memref<!tpu.dma_semaphore, #tpu.memory_space<semaphore_mem>>) {add = true}
    %dma_wait3A_409 = arith.constant 118 : i32
    %dma_wait3A_410 = arith.constant 0 : i32
    %dma_wait3A_411 = tpu.memref_slice %arg10[%dma_wait3A_409, %dma_wait3A_410] : memref<125x80xi32, #tpu.memory_space<vmem>> -> memref<1x80xi32, #tpu.memory_space<vmem>>
    %dma_wait3A_412 = tpu.memref_squeeze %dma_wait3A_411 : memref<1x80xi32, #tpu.memory_space<vmem>> -> memref<80xi32, #tpu.memory_space<vmem>>
    %dma_wait3A_413 = arith.constant 0 : i32
    %dma_wait3A_414 = arith.constant 0 : i32
    %dma_wait3A_415 = tpu.memref_slice %arg24[%dma_wait3A_413, %dma_wait3A_414] : memref<10240x64xf32, #tpu.memory_space<vmem_shared>> -> memref<10240x64xf32, #tpu.memory_space<vmem_shared>>
    tpu.wait_indirect_dma semaphore(%arg37 : memref<!tpu.dma_semaphore, #tpu.memory_space<semaphore_mem>>) src(%arg15 : memref<80x64xf32, #tpu.memory_space<vmem>>) dst(%dma_wait3A_415 : memref<10240x64xf32, #tpu.memory_space<vmem_shared>>)
    %dma_start3A_416 = arith.constant 124 : i32
    %dma_start3A_417 = arith.constant 0 : i32
    %dma_start3A_418 = tpu.memref_slice %arg9[%dma_start3A_416, %dma_start3A_417] : memref<125x80xi32, #tpu.memory_space<vmem>> -> memref<1x80xi32, #tpu.memory_space<vmem>>
    %dma_start3A_419 = tpu.memref_squeeze %dma_start3A_418 : memref<1x80xi32, #tpu.memory_space<vmem>> -> memref<80xi32, #tpu.memory_space<vmem>>
    %dma_start3A_420 = arith.constant 0 : i32
    %dma_start3A_421 = arith.constant 0 : i32
    %dma_start3A_422 = tpu.memref_slice %arg2[%dma_start3A_420, %dma_start3A_421] : memref<10240x64xf32, #tpu.memory_space<hbm>> -> memref<10240x64xf32, #tpu.memory_space<hbm>>
    tpu.enqueue_indirect_dma source(%dma_start3A_422 : memref<10240x64xf32, #tpu.memory_space<hbm>>) target(%arg15 : memref<80x64xf32, #tpu.memory_space<vmem>>) offsets(%dma_start3A_419 : memref<80xi32, #tpu.memory_space<vmem>>) semaphore(%arg29 : memref<!tpu.dma_semaphore, #tpu.memory_space<semaphore_mem>>)
    %dma_wait3A_423 = arith.constant 122 : i32
    %dma_wait3A_424 = arith.constant 0 : i32
    %dma_wait3A_425 = tpu.memref_slice %arg9[%dma_wait3A_423, %dma_wait3A_424] : memref<125x80xi32, #tpu.memory_space<vmem>> -> memref<1x80xi32, #tpu.memory_space<vmem>>
    %dma_wait3A_426 = tpu.memref_squeeze %dma_wait3A_425 : memref<1x80xi32, #tpu.memory_space<vmem>> -> memref<80xi32, #tpu.memory_space<vmem>>
    %dma_wait3A_427 = arith.constant 0 : i32
    %dma_wait3A_428 = arith.constant 0 : i32
    %dma_wait3A_429 = tpu.memref_slice %arg2[%dma_wait3A_427, %dma_wait3A_428] : memref<10240x64xf32, #tpu.memory_space<hbm>> -> memref<10240x64xf32, #tpu.memory_space<hbm>>
    tpu.wait_indirect_dma semaphore(%arg27 : memref<!tpu.dma_semaphore, #tpu.memory_space<semaphore_mem>>) src(%dma_wait3A_429 : memref<10240x64xf32, #tpu.memory_space<hbm>>) dst(%arg13 : memref<80x64xf32, #tpu.memory_space<vmem>>)
    %dma_start3A_430 = arith.constant 122 : i32
    %dma_start3A_431 = arith.constant 0 : i32
    %dma_start3A_432 = tpu.memref_slice %arg10[%dma_start3A_430, %dma_start3A_431] : memref<125x80xi32, #tpu.memory_space<vmem>> -> memref<1x80xi32, #tpu.memory_space<vmem>>
    %dma_start3A_433 = tpu.memref_squeeze %dma_start3A_432 : memref<1x80xi32, #tpu.memory_space<vmem>> -> memref<80xi32, #tpu.memory_space<vmem>>
    %dma_start3A_434 = arith.constant 0 : i32
    %dma_start3A_435 = arith.constant 0 : i32
    %dma_start3A_436 = tpu.memref_slice %arg24[%dma_start3A_434, %dma_start3A_435] : memref<10240x64xf32, #tpu.memory_space<vmem_shared>> -> memref<10240x64xf32, #tpu.memory_space<vmem_shared>>
    tpu.enqueue_indirect_dma source(%arg13 : memref<80x64xf32, #tpu.memory_space<vmem>>) target(%dma_start3A_436 : memref<10240x64xf32, #tpu.memory_space<vmem_shared>>) offsets(%dma_start3A_433 : memref<80xi32, #tpu.memory_space<vmem>>) semaphore(%arg35 : memref<!tpu.dma_semaphore, #tpu.memory_space<semaphore_mem>>) {add = true}
    %dma_wait3A_437 = arith.constant 119 : i32
    %dma_wait3A_438 = arith.constant 0 : i32
    %dma_wait3A_439 = tpu.memref_slice %arg10[%dma_wait3A_437, %dma_wait3A_438] : memref<125x80xi32, #tpu.memory_space<vmem>> -> memref<1x80xi32, #tpu.memory_space<vmem>>
    %dma_wait3A_440 = tpu.memref_squeeze %dma_wait3A_439 : memref<1x80xi32, #tpu.memory_space<vmem>> -> memref<80xi32, #tpu.memory_space<vmem>>
    %dma_wait3A_441 = arith.constant 0 : i32
    %dma_wait3A_442 = arith.constant 0 : i32
    %dma_wait3A_443 = tpu.memref_slice %arg24[%dma_wait3A_441, %dma_wait3A_442] : memref<10240x64xf32, #tpu.memory_space<vmem_shared>> -> memref<10240x64xf32, #tpu.memory_space<vmem_shared>>
    tpu.wait_indirect_dma semaphore(%arg38 : memref<!tpu.dma_semaphore, #tpu.memory_space<semaphore_mem>>) src(%arg16 : memref<80x64xf32, #tpu.memory_space<vmem>>) dst(%dma_wait3A_443 : memref<10240x64xf32, #tpu.memory_space<vmem_shared>>)
    %dma_wait3A_444 = arith.constant 123 : i32
    %dma_wait3A_445 = arith.constant 0 : i32
    %dma_wait3A_446 = tpu.memref_slice %arg9[%dma_wait3A_444, %dma_wait3A_445] : memref<125x80xi32, #tpu.memory_space<vmem>> -> memref<1x80xi32, #tpu.memory_space<vmem>>
    %dma_wait3A_447 = tpu.memref_squeeze %dma_wait3A_446 : memref<1x80xi32, #tpu.memory_space<vmem>> -> memref<80xi32, #tpu.memory_space<vmem>>
    %dma_wait3A_448 = arith.constant 0 : i32
    %dma_wait3A_449 = arith.constant 0 : i32
    %dma_wait3A_450 = tpu.memref_slice %arg2[%dma_wait3A_448, %dma_wait3A_449] : memref<10240x64xf32, #tpu.memory_space<hbm>> -> memref<10240x64xf32, #tpu.memory_space<hbm>>
    tpu.wait_indirect_dma semaphore(%arg28 : memref<!tpu.dma_semaphore, #tpu.memory_space<semaphore_mem>>) src(%dma_wait3A_450 : memref<10240x64xf32, #tpu.memory_space<hbm>>) dst(%arg14 : memref<80x64xf32, #tpu.memory_space<vmem>>)
    %dma_start3A_451 = arith.constant 123 : i32
    %dma_start3A_452 = arith.constant 0 : i32
    %dma_start3A_453 = tpu.memref_slice %arg10[%dma_start3A_451, %dma_start3A_452] : memref<125x80xi32, #tpu.memory_space<vmem>> -> memref<1x80xi32, #tpu.memory_space<vmem>>
    %dma_start3A_454 = tpu.memref_squeeze %dma_start3A_453 : memref<1x80xi32, #tpu.memory_space<vmem>> -> memref<80xi32, #tpu.memory_space<vmem>>
    %dma_start3A_455 = arith.constant 0 : i32
    %dma_start3A_456 = arith.constant 0 : i32
    %dma_start3A_457 = tpu.memref_slice %arg24[%dma_start3A_455, %dma_start3A_456] : memref<10240x64xf32, #tpu.memory_space<vmem_shared>> -> memref<10240x64xf32, #tpu.memory_space<vmem_shared>>
    tpu.enqueue_indirect_dma source(%arg14 : memref<80x64xf32, #tpu.memory_space<vmem>>) target(%dma_start3A_457 : memref<10240x64xf32, #tpu.memory_space<vmem_shared>>) offsets(%dma_start3A_454 : memref<80xi32, #tpu.memory_space<vmem>>) semaphore(%arg36 : memref<!tpu.dma_semaphore, #tpu.memory_space<semaphore_mem>>) {add = true}
    %dma_wait3A_458 = arith.constant 120 : i32
    %dma_wait3A_459 = arith.constant 0 : i32
    %dma_wait3A_460 = tpu.memref_slice %arg10[%dma_wait3A_458, %dma_wait3A_459] : memref<125x80xi32, #tpu.memory_space<vmem>> -> memref<1x80xi32, #tpu.memory_space<vmem>>
    %dma_wait3A_461 = tpu.memref_squeeze %dma_wait3A_460 : memref<1x80xi32, #tpu.memory_space<vmem>> -> memref<80xi32, #tpu.memory_space<vmem>>
    %dma_wait3A_462 = arith.constant 0 : i32
    %dma_wait3A_463 = arith.constant 0 : i32
    %dma_wait3A_464 = tpu.memref_slice %arg24[%dma_wait3A_462, %dma_wait3A_463] : memref<10240x64xf32, #tpu.memory_space<vmem_shared>> -> memref<10240x64xf32, #tpu.memory_space<vmem_shared>>
    tpu.wait_indirect_dma semaphore(%arg33 : memref<!tpu.dma_semaphore, #tpu.memory_space<semaphore_mem>>) src(%arg11 : memref<80x64xf32, #tpu.memory_space<vmem>>) dst(%dma_wait3A_464 : memref<10240x64xf32, #tpu.memory_space<vmem_shared>>)
    %dma_wait3A_465 = arith.constant 124 : i32
    %dma_wait3A_466 = arith.constant 0 : i32
    %dma_wait3A_467 = tpu.memref_slice %arg9[%dma_wait3A_465, %dma_wait3A_466] : memref<125x80xi32, #tpu.memory_space<vmem>> -> memref<1x80xi32, #tpu.memory_space<vmem>>
    %dma_wait3A_468 = tpu.memref_squeeze %dma_wait3A_467 : memref<1x80xi32, #tpu.memory_space<vmem>> -> memref<80xi32, #tpu.memory_space<vmem>>
    %dma_wait3A_469 = arith.constant 0 : i32
    %dma_wait3A_470 = arith.constant 0 : i32
    %dma_wait3A_471 = tpu.memref_slice %arg2[%dma_wait3A_469, %dma_wait3A_470] : memref<10240x64xf32, #tpu.memory_space<hbm>> -> memref<10240x64xf32, #tpu.memory_space<hbm>>
    tpu.wait_indirect_dma semaphore(%arg29 : memref<!tpu.dma_semaphore, #tpu.memory_space<semaphore_mem>>) src(%dma_wait3A_471 : memref<10240x64xf32, #tpu.memory_space<hbm>>) dst(%arg15 : memref<80x64xf32, #tpu.memory_space<vmem>>)
    %dma_start3A_472 = arith.constant 124 : i32
    %dma_start3A_473 = arith.constant 0 : i32
    %dma_start3A_474 = tpu.memref_slice %arg10[%dma_start3A_472, %dma_start3A_473] : memref<125x80xi32, #tpu.memory_space<vmem>> -> memref<1x80xi32, #tpu.memory_space<vmem>>
    %dma_start3A_475 = tpu.memref_squeeze %dma_start3A_474 : memref<1x80xi32, #tpu.memory_space<vmem>> -> memref<80xi32, #tpu.memory_space<vmem>>
    %dma_start3A_476 = arith.constant 0 : i32
    %dma_start3A_477 = arith.constant 0 : i32
    %dma_start3A_478 = tpu.memref_slice %arg24[%dma_start3A_476, %dma_start3A_477] : memref<10240x64xf32, #tpu.memory_space<vmem_shared>> -> memref<10240x64xf32, #tpu.memory_space<vmem_shared>>
    tpu.enqueue_indirect_dma source(%arg15 : memref<80x64xf32, #tpu.memory_space<vmem>>) target(%dma_start3A_478 : memref<10240x64xf32, #tpu.memory_space<vmem_shared>>) offsets(%dma_start3A_475 : memref<80xi32, #tpu.memory_space<vmem>>) semaphore(%arg37 : memref<!tpu.dma_semaphore, #tpu.memory_space<semaphore_mem>>) {add = true}
    %dma_wait3A_479 = arith.constant 121 : i32
    %dma_wait3A_480 = arith.constant 0 : i32
    %dma_wait3A_481 = tpu.memref_slice %arg10[%dma_wait3A_479, %dma_wait3A_480] : memref<125x80xi32, #tpu.memory_space<vmem>> -> memref<1x80xi32, #tpu.memory_space<vmem>>
    %dma_wait3A_482 = tpu.memref_squeeze %dma_wait3A_481 : memref<1x80xi32, #tpu.memory_space<vmem>> -> memref<80xi32, #tpu.memory_space<vmem>>
    %dma_wait3A_483 = arith.constant 0 : i32
    %dma_wait3A_484 = arith.constant 0 : i32
    %dma_wait3A_485 = tpu.memref_slice %arg24[%dma_wait3A_483, %dma_wait3A_484] : memref<10240x64xf32, #tpu.memory_space<vmem_shared>> -> memref<10240x64xf32, #tpu.memory_space<vmem_shared>>
    tpu.wait_indirect_dma semaphore(%arg34 : memref<!tpu.dma_semaphore, #tpu.memory_space<semaphore_mem>>) src(%arg12 : memref<80x64xf32, #tpu.memory_space<vmem>>) dst(%dma_wait3A_485 : memref<10240x64xf32, #tpu.memory_space<vmem_shared>>)
    %dma_wait3A_486 = arith.constant 122 : i32
    %dma_wait3A_487 = arith.constant 0 : i32
    %dma_wait3A_488 = tpu.memref_slice %arg10[%dma_wait3A_486, %dma_wait3A_487] : memref<125x80xi32, #tpu.memory_space<vmem>> -> memref<1x80xi32, #tpu.memory_space<vmem>>
    %dma_wait3A_489 = tpu.memref_squeeze %dma_wait3A_488 : memref<1x80xi32, #tpu.memory_space<vmem>> -> memref<80xi32, #tpu.memory_space<vmem>>
    %dma_wait3A_490 = arith.constant 0 : i32
    %dma_wait3A_491 = arith.constant 0 : i32
    %dma_wait3A_492 = tpu.memref_slice %arg24[%dma_wait3A_490, %dma_wait3A_491] : memref<10240x64xf32, #tpu.memory_space<vmem_shared>> -> memref<10240x64xf32, #tpu.memory_space<vmem_shared>>
    tpu.wait_indirect_dma semaphore(%arg35 : memref<!tpu.dma_semaphore, #tpu.memory_space<semaphore_mem>>) src(%arg13 : memref<80x64xf32, #tpu.memory_space<vmem>>) dst(%dma_wait3A_492 : memref<10240x64xf32, #tpu.memory_space<vmem_shared>>)
    %dma_wait3A_493 = arith.constant 123 : i32
    %dma_wait3A_494 = arith.constant 0 : i32
    %dma_wait3A_495 = tpu.memref_slice %arg10[%dma_wait3A_493, %dma_wait3A_494] : memref<125x80xi32, #tpu.memory_space<vmem>> -> memref<1x80xi32, #tpu.memory_space<vmem>>
    %dma_wait3A_496 = tpu.memref_squeeze %dma_wait3A_495 : memref<1x80xi32, #tpu.memory_space<vmem>> -> memref<80xi32, #tpu.memory_space<vmem>>
    %dma_wait3A_497 = arith.constant 0 : i32
    %dma_wait3A_498 = arith.constant 0 : i32
    %dma_wait3A_499 = tpu.memref_slice %arg24[%dma_wait3A_497, %dma_wait3A_498] : memref<10240x64xf32, #tpu.memory_space<vmem_shared>> -> memref<10240x64xf32, #tpu.memory_space<vmem_shared>>
    tpu.wait_indirect_dma semaphore(%arg36 : memref<!tpu.dma_semaphore, #tpu.memory_space<semaphore_mem>>) src(%arg14 : memref<80x64xf32, #tpu.memory_space<vmem>>) dst(%dma_wait3A_499 : memref<10240x64xf32, #tpu.memory_space<vmem_shared>>)
    %dma_wait3A_500 = arith.constant 124 : i32
    %dma_wait3A_501 = arith.constant 0 : i32
    %dma_wait3A_502 = tpu.memref_slice %arg10[%dma_wait3A_500, %dma_wait3A_501] : memref<125x80xi32, #tpu.memory_space<vmem>> -> memref<1x80xi32, #tpu.memory_space<vmem>>
    %dma_wait3A_503 = tpu.memref_squeeze %dma_wait3A_502 : memref<1x80xi32, #tpu.memory_space<vmem>> -> memref<80xi32, #tpu.memory_space<vmem>>
    %dma_wait3A_504 = arith.constant 0 : i32
    %dma_wait3A_505 = arith.constant 0 : i32
    %dma_wait3A_506 = tpu.memref_slice %arg24[%dma_wait3A_504, %dma_wait3A_505] : memref<10240x64xf32, #tpu.memory_space<vmem_shared>> -> memref<10240x64xf32, #tpu.memory_space<vmem_shared>>
    tpu.wait_indirect_dma semaphore(%arg37 : memref<!tpu.dma_semaphore, #tpu.memory_space<semaphore_mem>>) src(%arg15 : memref<80x64xf32, #tpu.memory_space<vmem>>) dst(%dma_wait3A_506 : memref<10240x64xf32, #tpu.memory_space<vmem_shared>>)
    %mul3A_507 = arith.constant 64 : i32
    %mul3A_508 = arith.muli %add3A, %mul3A_507 : i32
    "tpu.region"() ({
      %run_scoped3A = tpu.sem_alloc : memref<!tpu.dma_semaphore, #tpu.memory_space<semaphore_mem>>
      %dma_start3A_528 = tpu.memref_slice %arg6[%mul3A_508] : memref<2048xi32, #tpu.memory_space<hbm>> -> memref<64xi32, #tpu.memory_space<hbm>>
      %dma_start3A_529 = tpu.memref_slice %arg6[%mul3A_508] : memref<2048xi32, #tpu.memory_space<hbm>> -> memref<64xi32, #tpu.memory_space<hbm>>
      tpu.enqueue_dma source(%dma_start3A_529 : memref<64xi32, #tpu.memory_space<hbm>>) target(%arg20 : memref<64xi32, #tpu.memory_space<vmem>>) target_semaphore(%run_scoped3A : memref<!tpu.dma_semaphore, #tpu.memory_space<semaphore_mem>>)
      %dma_wait3A_530 = tpu.memref_slice %arg6[%mul3A_508] : memref<2048xi32, #tpu.memory_space<hbm>> -> memref<64xi32, #tpu.memory_space<hbm>>
      %dma_wait3A_531 = tpu.memref_slice %arg6[%mul3A_508] : memref<2048xi32, #tpu.memory_space<hbm>> -> memref<64xi32, #tpu.memory_space<hbm>>
      tpu.wait_dma2 semaphore(%run_scoped3A : memref<!tpu.dma_semaphore, #tpu.memory_space<semaphore_mem>>) src(%dma_wait3A_531 : memref<64xi32, #tpu.memory_space<hbm>>) dst(%arg20 : memref<64xi32, #tpu.memory_space<vmem>>)
      tpu.yield
    }) : () -> ()
    %dma_start3A_509 = arith.constant 0 : i32
    %dma_start3A_510 = arith.constant 0 : i32
    %dma_start3A_511 = tpu.memref_slice %arg3[%dma_start3A_509, %dma_start3A_510] : memref<10240x80xf32, #tpu.memory_space<hbm>> -> memref<10240x80xf32, #tpu.memory_space<hbm>>
    tpu.enqueue_indirect_dma source(%dma_start3A_511 : memref<10240x80xf32, #tpu.memory_space<hbm>>) target(%arg21 : memref<64x80xf32, #tpu.memory_space<vmem>>) offsets(%arg20 : memref<64xi32, #tpu.memory_space<vmem>>) semaphore(%arg25 : memref<!tpu.dma_semaphore, #tpu.memory_space<semaphore_mem>>)
    %dma_wait3A_512 = arith.constant 0 : i32
    %dma_wait3A_513 = arith.constant 0 : i32
    %dma_wait3A_514 = tpu.memref_slice %arg3[%dma_wait3A_512, %dma_wait3A_513] : memref<10240x80xf32, #tpu.memory_space<hbm>> -> memref<10240x80xf32, #tpu.memory_space<hbm>>
    tpu.wait_indirect_dma semaphore(%arg25 : memref<!tpu.dma_semaphore, #tpu.memory_space<semaphore_mem>>) src(%dma_wait3A_514 : memref<10240x80xf32, #tpu.memory_space<hbm>>) dst(%arg21 : memref<64x80xf32, #tpu.memory_space<vmem>>)
    %mul3A_515 = arith.constant 64 : i32
    %mul3A_516 = arith.muli %add3A, %mul3A_515 : i32
    "tpu.region"() ({
      %run_scoped3A = tpu.sem_alloc : memref<!tpu.dma_semaphore, #tpu.memory_space<semaphore_mem>>
      %dma_start3A_528 = arith.constant 0 : i32
      %dma_start3A_529 = tpu.memref_slice %arg8[%mul3A_516, %dma_start3A_528] : memref<2048x80xf32, #tpu.memory_space<hbm>> -> memref<64x80xf32, #tpu.memory_space<hbm>>
      %dma_start3A_530 = arith.constant 0 : i32
      %dma_start3A_531 = tpu.memref_slice %arg8[%mul3A_516, %dma_start3A_530] : memref<2048x80xf32, #tpu.memory_space<hbm>> -> memref<64x80xf32, #tpu.memory_space<hbm>>
      tpu.enqueue_dma source(%arg21 : memref<64x80xf32, #tpu.memory_space<vmem>>) target(%dma_start3A_531 : memref<64x80xf32, #tpu.memory_space<hbm>>) target_semaphore(%run_scoped3A : memref<!tpu.dma_semaphore, #tpu.memory_space<semaphore_mem>>)
      %dma_wait3A_532 = arith.constant 0 : i32
      %dma_wait3A_533 = tpu.memref_slice %arg8[%mul3A_516, %dma_wait3A_532] : memref<2048x80xf32, #tpu.memory_space<hbm>> -> memref<64x80xf32, #tpu.memory_space<hbm>>
      %dma_wait3A_534 = arith.constant 0 : i32
      %dma_wait3A_535 = tpu.memref_slice %arg8[%mul3A_516, %dma_wait3A_534] : memref<2048x80xf32, #tpu.memory_space<hbm>> -> memref<64x80xf32, #tpu.memory_space<hbm>>
      tpu.wait_dma2 semaphore(%run_scoped3A : memref<!tpu.dma_semaphore, #tpu.memory_space<semaphore_mem>>) src(%arg21 : memref<64x80xf32, #tpu.memory_space<vmem>>) dst(%dma_wait3A_535 : memref<64x80xf32, #tpu.memory_space<hbm>>)
      tpu.yield
    }) : () -> ()
    %barrier3A_517 = arith.constant 0 : index
    tpu.barrier barrier_id(%barrier3A_517)
    %mul3A_518 = arith.constant 128 : i32
    %mul3A_519 = arith.muli %arg1, %mul3A_518 : i32
    "tpu.region"() ({
      %run_scoped3A = tpu.sem_alloc : memref<!tpu.dma_semaphore, #tpu.memory_space<semaphore_mem>>
      %dma_start3A_528 = tpu.memref_slice %arg6[%mul3A_519] : memref<2048xi32, #tpu.memory_space<hbm>> -> memref<128xi32, #tpu.memory_space<hbm>>
      %dma_start3A_529 = tpu.memref_slice %arg6[%mul3A_519] : memref<2048xi32, #tpu.memory_space<hbm>> -> memref<128xi32, #tpu.memory_space<hbm>>
      tpu.enqueue_dma source(%dma_start3A_529 : memref<128xi32, #tpu.memory_space<hbm>>) target(%arg22 : memref<128xi32, #tpu.memory_space<vmem>>) target_semaphore(%run_scoped3A : memref<!tpu.dma_semaphore, #tpu.memory_space<semaphore_mem>>)
      %dma_wait3A_530 = tpu.memref_slice %arg6[%mul3A_519] : memref<2048xi32, #tpu.memory_space<hbm>> -> memref<128xi32, #tpu.memory_space<hbm>>
      %dma_wait3A_531 = tpu.memref_slice %arg6[%mul3A_519] : memref<2048xi32, #tpu.memory_space<hbm>> -> memref<128xi32, #tpu.memory_space<hbm>>
      tpu.wait_dma2 semaphore(%run_scoped3A : memref<!tpu.dma_semaphore, #tpu.memory_space<semaphore_mem>>) src(%dma_wait3A_531 : memref<128xi32, #tpu.memory_space<hbm>>) dst(%arg22 : memref<128xi32, #tpu.memory_space<vmem>>)
      tpu.yield
    }) : () -> ()
    %dma_start3A_520 = arith.constant 0 : i32
    %dma_start3A_521 = arith.constant 0 : i32
    %dma_start3A_522 = tpu.memref_slice %arg24[%dma_start3A_520, %dma_start3A_521] : memref<10240x64xf32, #tpu.memory_space<vmem_shared>> -> memref<10240x64xf32, #tpu.memory_space<vmem_shared>>
    tpu.enqueue_indirect_dma source(%dma_start3A_522 : memref<10240x64xf32, #tpu.memory_space<vmem_shared>>) target(%arg23 : memref<128x64xf32, #tpu.memory_space<vmem>>) offsets(%arg22 : memref<128xi32, #tpu.memory_space<vmem>>) semaphore(%arg25 : memref<!tpu.dma_semaphore, #tpu.memory_space<semaphore_mem>>)
    %dma_wait3A_523 = arith.constant 0 : i32
    %dma_wait3A_524 = arith.constant 0 : i32
    %dma_wait3A_525 = tpu.memref_slice %arg24[%dma_wait3A_523, %dma_wait3A_524] : memref<10240x64xf32, #tpu.memory_space<vmem_shared>> -> memref<10240x64xf32, #tpu.memory_space<vmem_shared>>
    tpu.wait_indirect_dma semaphore(%arg25 : memref<!tpu.dma_semaphore, #tpu.memory_space<semaphore_mem>>) src(%dma_wait3A_525 : memref<10240x64xf32, #tpu.memory_space<vmem_shared>>) dst(%arg23 : memref<128x64xf32, #tpu.memory_space<vmem>>)
    %mul3A_526 = arith.constant 128 : i32
    %mul3A_527 = arith.muli %arg1, %mul3A_526 : i32
    "tpu.region"() ({
      %run_scoped3A = tpu.sem_alloc : memref<!tpu.dma_semaphore, #tpu.memory_space<semaphore_mem>>
      %dma_start3A_528 = arith.constant 0 : i32
      %dma_start3A_529 = tpu.memref_slice %arg7[%arg0, %mul3A_527, %dma_start3A_528] : memref<2x2048x64xf32, #tpu.memory_space<hbm>> -> memref<1x128x64xf32, #tpu.memory_space<hbm>>
      %dma_start3A_530 = tpu.memref_squeeze %dma_start3A_529 : memref<1x128x64xf32, #tpu.memory_space<hbm>> -> memref<128x64xf32, #tpu.memory_space<hbm>>
      %dma_start3A_531 = arith.constant 0 : i32
      %dma_start3A_532 = tpu.memref_slice %arg7[%arg0, %mul3A_527, %dma_start3A_531] : memref<2x2048x64xf32, #tpu.memory_space<hbm>> -> memref<1x128x64xf32, #tpu.memory_space<hbm>>
      %dma_start3A_533 = tpu.memref_squeeze %dma_start3A_532 : memref<1x128x64xf32, #tpu.memory_space<hbm>> -> memref<128x64xf32, #tpu.memory_space<hbm>>
      tpu.enqueue_dma source(%arg23 : memref<128x64xf32, #tpu.memory_space<vmem>>) target(%dma_start3A_533 : memref<128x64xf32, #tpu.memory_space<hbm>>) target_semaphore(%run_scoped3A : memref<!tpu.dma_semaphore, #tpu.memory_space<semaphore_mem>>)
      %dma_wait3A_534 = arith.constant 0 : i32
      %dma_wait3A_535 = tpu.memref_slice %arg7[%arg0, %mul3A_527, %dma_wait3A_534] : memref<2x2048x64xf32, #tpu.memory_space<hbm>> -> memref<1x128x64xf32, #tpu.memory_space<hbm>>
      %dma_wait3A_536 = tpu.memref_squeeze %dma_wait3A_535 : memref<1x128x64xf32, #tpu.memory_space<hbm>> -> memref<128x64xf32, #tpu.memory_space<hbm>>
      %dma_wait3A_537 = arith.constant 0 : i32
      %dma_wait3A_538 = tpu.memref_slice %arg7[%arg0, %mul3A_527, %dma_wait3A_537] : memref<2x2048x64xf32, #tpu.memory_space<hbm>> -> memref<1x128x64xf32, #tpu.memory_space<hbm>>
      %dma_wait3A_539 = tpu.memref_squeeze %dma_wait3A_538 : memref<1x128x64xf32, #tpu.memory_space<hbm>> -> memref<128x64xf32, #tpu.memory_space<hbm>>
      tpu.wait_dma2 semaphore(%run_scoped3A : memref<!tpu.dma_semaphore, #tpu.memory_space<semaphore_mem>>) src(%arg23 : memref<128x64xf32, #tpu.memory_space<vmem>>) dst(%dma_wait3A_539 : memref<128x64xf32, #tpu.memory_space<hbm>>)
      tpu.yield
    }) : () -> ()
    return
  }
}

module attributes {stable_mosaic.version = 14 : i64} {
  func.func @_tc_b_kernel(%arg0: i32, %arg1: memref<2x1024x64xf32, #tpu.memory_space<vmem>>, %arg2: memref<32x1024xf32, #tpu.memory_space<vmem>>, %arg3: memref<1024x128xf32, #tpu.memory_space<vmem>>, %arg4: memref<128x256xf32, #tpu.memory_space<vmem>>, %arg5: memref<128x256xf32, #tpu.memory_space<vmem>>, %arg6: memref<256xf32, #tpu.memory_space<vmem>>, %arg7: memref<256x64xf32, #tpu.memory_space<vmem>>, %arg8: memref<256x64xf32, #tpu.memory_space<vmem>>, %arg9: memref<64xf32, #tpu.memory_space<vmem>>, %arg10: memref<1024x64xf32, #tpu.memory_space<vmem>>, %arg11: memref<1024x80xf32, #tpu.memory_space<vmem>>) attributes {dimension_semantics = [#tpu.dimension_semantics<arbitrary>], iteration_bounds = array<i64: 10>, scalar_prefetch = 0 : i64, scratch_operands = 0 : i64, tpu.core_type = #tpu.core_type<tc>, window_params = [{transform_indices = @transform_0, window_bounds = array<i64: 2, 1024, 64>}, {transform_indices = @transform_1, window_bounds = array<i64: 32, 1024>}, {transform_indices = @transform_2, window_bounds = array<i64: 1024, 128>}, {pipeline_mode = #tpu.pipeline_mode<synchronous>, transform_indices = @transform_3, window_bounds = array<i64: 128, 256>}, {pipeline_mode = #tpu.pipeline_mode<synchronous>, transform_indices = @transform_4, window_bounds = array<i64: 128, 256>}, {pipeline_mode = #tpu.pipeline_mode<synchronous>, transform_indices = @transform_5, window_bounds = array<i64: 256>}, {pipeline_mode = #tpu.pipeline_mode<synchronous>, transform_indices = @transform_6, window_bounds = array<i64: 256, 64>}, {pipeline_mode = #tpu.pipeline_mode<synchronous>, transform_indices = @transform_7, window_bounds = array<i64: 256, 64>}, {pipeline_mode = #tpu.pipeline_mode<synchronous>, transform_indices = @transform_8, window_bounds = array<i64: 64>}, {transform_indices = @transform_9, window_bounds = array<i64: 1024, 64>}, {transform_indices = @transform_10, window_bounds = array<i64: 1024, 80>}]} {
    %get3A = arith.constant 0 : index
    %get3A_0 = arith.constant 0 : index
    %get3A_1 = arith.constant 0 : index
    %get3A_2 = vector.load %arg1[%get3A, %get3A_0, %get3A_1] : memref<2x1024x64xf32, #tpu.memory_space<vmem>>, vector<1x1024x64xf32>
    %get3A_3 = vector.shape_cast %get3A_2 : vector<1x1024x64xf32> to vector<1024x64xf32>
    %get3A_4 = arith.constant 1 : index
    %get3A_5 = arith.constant 0 : index
    %get3A_6 = arith.constant 0 : index
    %get3A_7 = vector.load %arg1[%get3A_4, %get3A_5, %get3A_6] : memref<2x1024x64xf32, #tpu.memory_space<vmem>>, vector<1x1024x64xf32>
    %get3A_8 = vector.shape_cast %get3A_7 : vector<1x1024x64xf32> to vector<1024x64xf32>
    %get3A_9 = arith.constant 0 : index
    %get3A_10 = arith.constant 0 : index
    %get3A_11 = vector.load %arg2[%get3A_9, %get3A_10] : memref<32x1024xf32, #tpu.memory_space<vmem>>, vector<32x1024xf32>
    %reduce_sum3A = arith.constant dense<0.000000e+00> : vector<1024xf32>
    %reduce_sum3A_12 = vector.multi_reduction <add>, %get3A_11, %reduce_sum3A [0] : vector<32x1024xf32> to vector<1024xf32>
    %mul3A = arith.constant 5.000000e-01 : f32
    %mul3A_13 = vector.broadcast %mul3A : f32 to vector<1024xf32>
    %mul3A_14 = arith.mulf %mul3A_13, %reduce_sum3A_12 : vector<1024xf32>
    %max3A = arith.constant 1.000000e+00 : f32
    %max3A_15 = vector.broadcast %max3A : f32 to vector<1024xf32>
    %max3A_16 = arith.maximumf %mul3A_14, %max3A_15 : vector<1024xf32>
    %div3A = arith.constant 1.000000e+00 : f32
    %div3A_17 = vector.broadcast %div3A : f32 to vector<1024xf32>
    %div3A_18 = arith.divf %div3A_17, %max3A_16 : vector<1024xf32>
    %concatenate3A = tpu.concatenate %get3A_3, %get3A_8 in 1 : vector<1024x64xf32>, vector<1024x64xf32> -> vector<1024x128xf32>
    %broadcast_in_dim3A = vector.shape_cast %div3A_18 : vector<1024xf32> to vector<1024x1xf32>
    %mul3A_19 = vector.broadcast %broadcast_in_dim3A : vector<1024x1xf32> to vector<1024x128xf32>
    %mul3A_20 = arith.mulf %concatenate3A, %mul3A_19 : vector<1024x128xf32>
    %get3A_21 = arith.constant 0 : index
    %get3A_22 = arith.constant 0 : index
    %get3A_23 = vector.load %arg3[%get3A_21, %get3A_22] : memref<1024x128xf32, #tpu.memory_space<vmem>>, vector<1024x128xf32>
    %get3A_24 = arith.constant 0 : index
    %get3A_25 = arith.constant 0 : index
    %get3A_26 = vector.load %arg4[%get3A_24, %get3A_25] : memref<128x256xf32, #tpu.memory_space<vmem>>, vector<128x256xf32>
    %dot_general3A = arith.constant dense<0.000000e+00> : vector<1024x256xf32>
    %dot_general3A_27 = tpu.matmul %get3A_23, %get3A_26, %dot_general3A {dimension_numbers = #tpu.dot_dimension_numbers<[1], [0], [0], [1], [0, 0, 1, 1], [], []>, transpose_lhs_hint = false} : vector<1024x128xf32>, vector<128x256xf32>, vector<1024x256xf32> -> vector<1024x256xf32>
    %get3A_28 = arith.constant 0 : index
    %get3A_29 = arith.constant 0 : index
    %get3A_30 = vector.load %arg5[%get3A_28, %get3A_29] : memref<128x256xf32, #tpu.memory_space<vmem>>, vector<128x256xf32>
    %dot_general3A_31 = arith.constant dense<0.000000e+00> : vector<1024x256xf32>
    %dot_general3A_32 = tpu.matmul %mul3A_20, %get3A_30, %dot_general3A_31 {dimension_numbers = #tpu.dot_dimension_numbers<[1], [0], [0], [1], [0, 0, 1, 1], [], []>, transpose_lhs_hint = false} : vector<1024x128xf32>, vector<128x256xf32>, vector<1024x256xf32> -> vector<1024x256xf32>
    %add3A = arith.addf %dot_general3A_27, %dot_general3A_32 : vector<1024x256xf32>
    %get3A_33 = arith.constant 0 : index
    %get3A_34 = vector.load %arg6[%get3A_33] : memref<256xf32, #tpu.memory_space<vmem>>, vector<256xf32>
    %broadcast_in_dim3A_35 = vector.shape_cast %get3A_34 : vector<256xf32> to vector<1x256xf32>
    %add3A_36 = vector.broadcast %broadcast_in_dim3A_35 : vector<1x256xf32> to vector<1024x256xf32>
    %add3A_37 = arith.addf %add3A, %add3A_36 : vector<1024x256xf32>
    %max3A_38 = arith.constant 0.000000e+00 : f32
    %max3A_39 = vector.broadcast %max3A_38 : f32 to vector<1024x256xf32>
    %max3A_40 = arith.maximumf %add3A_37, %max3A_39 : vector<1024x256xf32>
    %get3A_41 = arith.constant 0 : index
    %get3A_42 = arith.constant 0 : index
    %get3A_43 = vector.load %arg8[%get3A_41, %get3A_42] : memref<256x64xf32, #tpu.memory_space<vmem>>, vector<256x64xf32>
    %dot_general3A_44 = arith.constant dense<0.000000e+00> : vector<1024x64xf32>
    %dot_general3A_45 = tpu.matmul %max3A_40, %get3A_43, %dot_general3A_44 {dimension_numbers = #tpu.dot_dimension_numbers<[1], [0], [0], [1], [0, 0, 1, 1], [], []>, transpose_lhs_hint = false} : vector<1024x256xf32>, vector<256x64xf32>, vector<1024x64xf32> -> vector<1024x64xf32>
    %swap3A = arith.constant 0 : index
    %swap3A_46 = arith.constant 0 : index
    %swap3A_47 = vector.load %arg10[%swap3A, %swap3A_46] : memref<1024x64xf32, #tpu.memory_space<vmem>>, vector<1024x64xf32>
    tpu.vector_store %arg10[%swap3A, %swap3A_46], %dot_general3A_45 {strides = array<i32>} : memref<1024x64xf32, #tpu.memory_space<vmem>>, vector<1024x64xf32>,
    %get3A_48 = arith.constant 0 : index
    %get3A_49 = arith.constant 0 : index
    %get3A_50 = vector.load %arg7[%get3A_48, %get3A_49] : memref<256x64xf32, #tpu.memory_space<vmem>>, vector<256x64xf32>
    %dot_general3A_51 = arith.constant dense<0.000000e+00> : vector<1024x64xf32>
    %dot_general3A_52 = tpu.matmul %max3A_40, %get3A_50, %dot_general3A_51 {dimension_numbers = #tpu.dot_dimension_numbers<[1], [0], [0], [1], [0, 0, 1, 1], [], []>, transpose_lhs_hint = false} : vector<1024x256xf32>, vector<256x64xf32>, vector<1024x64xf32> -> vector<1024x64xf32>
    %get3A_53 = arith.constant 0 : index
    %get3A_54 = vector.load %arg9[%get3A_53] : memref<64xf32, #tpu.memory_space<vmem>>, vector<64xf32>
    %broadcast_in_dim3A_55 = vector.shape_cast %get3A_54 : vector<64xf32> to vector<1x64xf32>
    %add3A_56 = vector.broadcast %broadcast_in_dim3A_55 : vector<1x64xf32> to vector<1024x64xf32>
    %add3A_57 = arith.addf %dot_general3A_52, %add3A_56 : vector<1024x64xf32>
    %broadcast_in_dim3A_58 = vector.shape_cast %div3A_18 : vector<1024xf32> to vector<1024x1xf32>
    %broadcast_in_dim3A_59 = arith.constant 0.000000e+00 : f32
    %broadcast_in_dim3A_60 = vector.broadcast %broadcast_in_dim3A_59 : f32 to vector<1024x15xf32>
    %concatenate3A_61 = tpu.concatenate %add3A_57, %broadcast_in_dim3A_58, %broadcast_in_dim3A_60 in 1 : vector<1024x64xf32>, vector<1024x1xf32>, vector<1024x15xf32> -> vector<1024x80xf32>
    %swap3A_62 = arith.constant 0 : index
    %swap3A_63 = arith.constant 0 : index
    %swap3A_64 = vector.load %arg11[%swap3A_62, %swap3A_63] : memref<1024x80xf32, #tpu.memory_space<vmem>>, vector<1024x80xf32>
    tpu.vector_store %arg11[%swap3A_62, %swap3A_63], %concatenate3A_61 {strides = array<i32>} : memref<1024x80xf32, #tpu.memory_space<vmem>>, vector<1024x80xf32>,
    return
  }
  func.func @transform_0(%arg0: i32) -> (i32, i32, i32) {
    %c0_i32 = arith.constant 0 : i32
    %c0_i32_0 = arith.constant 0 : i32
    %c0_i32_1 = arith.constant 0 : i32
    return %c0_i32, %arg0, %c0_i32_0 : i32, i32, i32
  }
  func.func @transform_1(%arg0: i32) -> (i32, i32) {
    %c0_i32 = arith.constant 0 : i32
    %c0_i32_0 = arith.constant 0 : i32
    return %c0_i32, %arg0 : i32, i32
  }
  func.func @transform_2(%arg0: i32) -> (i32, i32) {
    %c0_i32 = arith.constant 0 : i32
    %c0_i32_0 = arith.constant 0 : i32
    return %arg0, %c0_i32 : i32, i32
  }
  func.func @transform_3(%arg0: i32) -> (i32, i32) {
    %c0_i32 = arith.constant 0 : i32
    %c0_i32_0 = arith.constant 0 : i32
    %c0_i32_1 = arith.constant 0 : i32
    return %c0_i32, %c0_i32_0 : i32, i32
  }
  func.func @transform_4(%arg0: i32) -> (i32, i32) {
    %c0_i32 = arith.constant 0 : i32
    %c0_i32_0 = arith.constant 0 : i32
    %c0_i32_1 = arith.constant 0 : i32
    return %c0_i32, %c0_i32_0 : i32, i32
  }
  func.func @transform_5(%arg0: i32) -> i32 {
    %c0_i32 = arith.constant 0 : i32
    %c0_i32_0 = arith.constant 0 : i32
    return %c0_i32 : i32
  }
  func.func @transform_6(%arg0: i32) -> (i32, i32) {
    %c0_i32 = arith.constant 0 : i32
    %c0_i32_0 = arith.constant 0 : i32
    %c0_i32_1 = arith.constant 0 : i32
    return %c0_i32, %c0_i32_0 : i32, i32
  }
  func.func @transform_7(%arg0: i32) -> (i32, i32) {
    %c0_i32 = arith.constant 0 : i32
    %c0_i32_0 = arith.constant 0 : i32
    %c0_i32_1 = arith.constant 0 : i32
    return %c0_i32, %c0_i32_0 : i32, i32
  }
  func.func @transform_8(%arg0: i32) -> i32 {
    %c0_i32 = arith.constant 0 : i32
    %c0_i32_0 = arith.constant 0 : i32
    return %c0_i32 : i32
  }
  func.func @transform_9(%arg0: i32) -> (i32, i32) {
    %c0_i32 = arith.constant 0 : i32
    %c0_i32_0 = arith.constant 0 : i32
    return %arg0, %c0_i32 : i32, i32
  }
  func.func @transform_10(%arg0: i32) -> (i32, i32) {
    %c0_i32 = arith.constant 0 : i32
    %c0_i32_0 = arith.constant 0 : i32
    return %arg0, %c0_i32 : i32, i32
  }
}

module attributes {stable_mosaic.version = 14 : i64} {
  func.func @_tc_d_kernel(%arg0: memref<2048x80xf32, #tpu.memory_space<vmem>>, %arg1: memref<2x2048x64xf32, #tpu.memory_space<vmem>>, %arg2: memref<128x256xf32, #tpu.memory_space<vmem>>, %arg3: memref<256xf32, #tpu.memory_space<vmem>>, %arg4: memref<256xf32, #tpu.memory_space<vmem>>, %arg5: memref<256xf32, #tpu.memory_space<vmem>>, %arg6: memref<256x128xf32, #tpu.memory_space<vmem>>, %arg7: memref<128xf32, #tpu.memory_space<vmem>>, %arg8: memref<128xf32, #tpu.memory_space<vmem>>, %arg9: memref<128xf32, #tpu.memory_space<vmem>>, %arg10: memref<128x1xf32, #tpu.memory_space<vmem>>, %arg11: memref<1xf32, #tpu.memory_space<vmem>>, %arg12: memref<1024x1xf32, #tpu.memory_space<vmem>>) attributes {dimension_semantics = [], scalar_prefetch = 0 : i64, scratch_operands = 0 : i64, tpu.core_type = #tpu.core_type<tc>} {
    %get3A = arith.constant 0 : index
    %get3A_0 = arith.constant 0 : index
    %get3A_1 = arith.constant 0 : index
    %get3A_2 = vector.load %arg1[%get3A, %get3A_0, %get3A_1] : memref<2x2048x64xf32, #tpu.memory_space<vmem>>, vector<1x2048x64xf32>
    %get3A_3 = vector.shape_cast %get3A_2 : vector<1x2048x64xf32> to vector<2048x64xf32>
    %get3A_4 = arith.constant 1 : index
    %get3A_5 = arith.constant 0 : index
    %get3A_6 = arith.constant 0 : index
    %get3A_7 = vector.load %arg1[%get3A_4, %get3A_5, %get3A_6] : memref<2x2048x64xf32, #tpu.memory_space<vmem>>, vector<1x2048x64xf32>
    %get3A_8 = vector.shape_cast %get3A_7 : vector<1x2048x64xf32> to vector<2048x64xf32>
    %add3A = arith.addf %get3A_3, %get3A_8 : vector<2048x64xf32>
    %get3A_9 = arith.constant 0 : index
    %get3A_10 = arith.constant 0 : index
    %get3A_11 = vector.load %arg0[%get3A_9, %get3A_10] : memref<2048x80xf32, #tpu.memory_space<vmem>>, vector<2048x64xf32>
    %get3A_12 = arith.constant 0 : index
    %get3A_13 = arith.constant 64 : index
    %get3A_14 = vector.load %arg0[%get3A_12, %get3A_13] : memref<2048x80xf32, #tpu.memory_space<vmem>>, vector<2048x1xf32>
    %mul3A = vector.broadcast %get3A_14 : vector<2048x1xf32> to vector<2048x64xf32>
    %mul3A_15 = arith.mulf %mul3A, %add3A : vector<2048x64xf32>
    %add3A_16 = arith.addf %get3A_11, %mul3A_15 : vector<2048x64xf32>
    %slice3A = vector.extract_strided_slice %add3A_16 {offsets = [0, 0], sizes = [1024, 64], strides = [1, 1]} : vector<2048x64xf32> to vector<1024x64xf32>
    %slice3A_17 = vector.extract_strided_slice %add3A_16 {offsets = [1024, 0], sizes = [1024, 64], strides = [1, 1]} : vector<2048x64xf32> to vector<1024x64xf32>
    %concatenate3A = tpu.concatenate %slice3A, %slice3A_17 in 1 : vector<1024x64xf32>, vector<1024x64xf32> -> vector<1024x128xf32>
    %get3A_18 = arith.constant 0 : index
    %get3A_19 = arith.constant 0 : index
    %get3A_20 = vector.load %arg2[%get3A_18, %get3A_19] : memref<128x256xf32, #tpu.memory_space<vmem>>, vector<128x256xf32>
    %dot_general3A = arith.constant dense<0.000000e+00> : vector<1024x256xf32>
    %dot_general3A_21 = tpu.matmul %concatenate3A, %get3A_20, %dot_general3A {dimension_numbers = #tpu.dot_dimension_numbers<[1], [0], [0], [1], [0, 0, 1, 1], [], []>, transpose_lhs_hint = false} : vector<1024x128xf32>, vector<128x256xf32>, vector<1024x256xf32> -> vector<1024x256xf32>
    %get3A_22 = arith.constant 0 : index
    %get3A_23 = vector.load %arg3[%get3A_22] : memref<256xf32, #tpu.memory_space<vmem>>, vector<256xf32>
    %broadcast_in_dim3A = vector.shape_cast %get3A_23 : vector<256xf32> to vector<1x256xf32>
    %add3A_24 = vector.broadcast %broadcast_in_dim3A : vector<1x256xf32> to vector<1024x256xf32>
    %add3A_25 = arith.addf %dot_general3A_21, %add3A_24 : vector<1024x256xf32>
    %get3A_26 = arith.constant 0 : index
    %get3A_27 = vector.load %arg4[%get3A_26] : memref<256xf32, #tpu.memory_space<vmem>>, vector<256xf32>
    %get3A_28 = arith.constant 0 : index
    %get3A_29 = vector.load %arg5[%get3A_28] : memref<256xf32, #tpu.memory_space<vmem>>, vector<256xf32>
    %reduce_sum3A = arith.constant dense<0.000000e+00> : vector<256xf32>
    %reduce_sum3A_30 = vector.multi_reduction <add>, %add3A_25, %reduce_sum3A [0] : vector<1024x256xf32> to vector<256xf32>
    %broadcast_in_dim3A_31 = vector.shape_cast %reduce_sum3A_30 : vector<256xf32> to vector<1x256xf32>
    %div3A = arith.constant 1.024000e+03 : f32
    %div3A_32 = vector.broadcast %div3A : f32 to vector<1x256xf32>
    %div3A_33 = arith.divf %broadcast_in_dim3A_31, %div3A_32 : vector<1x256xf32>
    %sub3A = vector.broadcast %div3A_33 : vector<1x256xf32> to vector<1024x256xf32>
    %sub3A_34 = arith.subf %add3A_25, %sub3A : vector<1024x256xf32>
    %sub3A_35 = vector.broadcast %div3A_33 : vector<1x256xf32> to vector<1024x256xf32>
    %sub3A_36 = arith.subf %add3A_25, %sub3A_35 : vector<1024x256xf32>
    %mul3A_37 = arith.mulf %sub3A_34, %sub3A_36 : vector<1024x256xf32>
    %reduce_sum3A_38 = arith.constant dense<0.000000e+00> : vector<256xf32>
    %reduce_sum3A_39 = vector.multi_reduction <add>, %mul3A_37, %reduce_sum3A_38 [0] : vector<1024x256xf32> to vector<256xf32>
    %broadcast_in_dim3A_40 = vector.shape_cast %reduce_sum3A_39 : vector<256xf32> to vector<1x256xf32>
    %div3A_41 = arith.constant 1.024000e+03 : f32
    %div3A_42 = vector.broadcast %div3A_41 : f32 to vector<1x256xf32>
    %div3A_43 = arith.divf %broadcast_in_dim3A_40, %div3A_42 : vector<1x256xf32>
    %broadcast_in_dim3A_44 = vector.shape_cast %get3A_27 : vector<256xf32> to vector<1x256xf32>
    %sub3A_45 = vector.broadcast %div3A_33 : vector<1x256xf32> to vector<1024x256xf32>
    %sub3A_46 = arith.subf %add3A_25, %sub3A_45 : vector<1024x256xf32>
    %mul3A_47 = vector.broadcast %broadcast_in_dim3A_44 : vector<1x256xf32> to vector<1024x256xf32>
    %mul3A_48 = arith.mulf %mul3A_47, %sub3A_46 : vector<1024x256xf32>
    %add3A_49 = arith.constant 9.99999974E-6 : f32
    %add3A_50 = vector.broadcast %add3A_49 : f32 to vector<1x256xf32>
    %add3A_51 = arith.addf %div3A_43, %add3A_50 : vector<1x256xf32>
    %sqrt3A = math.sqrt %add3A_51 : vector<1x256xf32>
    %div3A_52 = vector.broadcast %sqrt3A : vector<1x256xf32> to vector<1024x256xf32>
    %div3A_53 = arith.divf %mul3A_48, %div3A_52 : vector<1024x256xf32>
    %broadcast_in_dim3A_54 = vector.shape_cast %get3A_29 : vector<256xf32> to vector<1x256xf32>
    %add3A_55 = vector.broadcast %broadcast_in_dim3A_54 : vector<1x256xf32> to vector<1024x256xf32>
    %add3A_56 = arith.addf %div3A_53, %add3A_55 : vector<1024x256xf32>
    %max3A = arith.constant 0.000000e+00 : f32
    %max3A_57 = vector.broadcast %max3A : f32 to vector<1024x256xf32>
    %max3A_58 = arith.maximumf %add3A_56, %max3A_57 : vector<1024x256xf32>
    %get3A_59 = arith.constant 0 : index
    %get3A_60 = arith.constant 0 : index
    %get3A_61 = vector.load %arg6[%get3A_59, %get3A_60] : memref<256x128xf32, #tpu.memory_space<vmem>>, vector<256x128xf32>
    %dot_general3A_62 = arith.constant dense<0.000000e+00> : vector<1024x128xf32>
    %dot_general3A_63 = tpu.matmul %max3A_58, %get3A_61, %dot_general3A_62 {dimension_numbers = #tpu.dot_dimension_numbers<[1], [0], [0], [1], [0, 0, 1, 1], [], []>, transpose_lhs_hint = false} : vector<1024x256xf32>, vector<256x128xf32>, vector<1024x128xf32> -> vector<1024x128xf32>
    %get3A_64 = arith.constant 0 : index
    %get3A_65 = vector.load %arg7[%get3A_64] : memref<128xf32, #tpu.memory_space<vmem>>, vector<128xf32>
    %broadcast_in_dim3A_66 = vector.shape_cast %get3A_65 : vector<128xf32> to vector<1x128xf32>
    %add3A_67 = vector.broadcast %broadcast_in_dim3A_66 : vector<1x128xf32> to vector<1024x128xf32>
    %add3A_68 = arith.addf %dot_general3A_63, %add3A_67 : vector<1024x128xf32>
    %get3A_69 = arith.constant 0 : index
    %get3A_70 = vector.load %arg8[%get3A_69] : memref<128xf32, #tpu.memory_space<vmem>>, vector<128xf32>
    %get3A_71 = arith.constant 0 : index
    %get3A_72 = vector.load %arg9[%get3A_71] : memref<128xf32, #tpu.memory_space<vmem>>, vector<128xf32>
    %reduce_sum3A_73 = arith.constant dense<0.000000e+00> : vector<128xf32>
    %reduce_sum3A_74 = vector.multi_reduction <add>, %add3A_68, %reduce_sum3A_73 [0] : vector<1024x128xf32> to vector<128xf32>
    %broadcast_in_dim3A_75 = vector.shape_cast %reduce_sum3A_74 : vector<128xf32> to vector<1x128xf32>
    %div3A_76 = arith.constant 1.024000e+03 : f32
    %div3A_77 = vector.broadcast %div3A_76 : f32 to vector<1x128xf32>
    %div3A_78 = arith.divf %broadcast_in_dim3A_75, %div3A_77 : vector<1x128xf32>
    %sub3A_79 = vector.broadcast %div3A_78 : vector<1x128xf32> to vector<1024x128xf32>
    %sub3A_80 = arith.subf %add3A_68, %sub3A_79 : vector<1024x128xf32>
    %sub3A_81 = vector.broadcast %div3A_78 : vector<1x128xf32> to vector<1024x128xf32>
    %sub3A_82 = arith.subf %add3A_68, %sub3A_81 : vector<1024x128xf32>
    %mul3A_83 = arith.mulf %sub3A_80, %sub3A_82 : vector<1024x128xf32>
    %reduce_sum3A_84 = arith.constant dense<0.000000e+00> : vector<128xf32>
    %reduce_sum3A_85 = vector.multi_reduction <add>, %mul3A_83, %reduce_sum3A_84 [0] : vector<1024x128xf32> to vector<128xf32>
    %broadcast_in_dim3A_86 = vector.shape_cast %reduce_sum3A_85 : vector<128xf32> to vector<1x128xf32>
    %div3A_87 = arith.constant 1.024000e+03 : f32
    %div3A_88 = vector.broadcast %div3A_87 : f32 to vector<1x128xf32>
    %div3A_89 = arith.divf %broadcast_in_dim3A_86, %div3A_88 : vector<1x128xf32>
    %broadcast_in_dim3A_90 = vector.shape_cast %get3A_70 : vector<128xf32> to vector<1x128xf32>
    %sub3A_91 = vector.broadcast %div3A_78 : vector<1x128xf32> to vector<1024x128xf32>
    %sub3A_92 = arith.subf %add3A_68, %sub3A_91 : vector<1024x128xf32>
    %mul3A_93 = vector.broadcast %broadcast_in_dim3A_90 : vector<1x128xf32> to vector<1024x128xf32>
    %mul3A_94 = arith.mulf %mul3A_93, %sub3A_92 : vector<1024x128xf32>
    %add3A_95 = arith.constant 9.99999974E-6 : f32
    %add3A_96 = vector.broadcast %add3A_95 : f32 to vector<1x128xf32>
    %add3A_97 = arith.addf %div3A_89, %add3A_96 : vector<1x128xf32>
    %sqrt3A_98 = math.sqrt %add3A_97 : vector<1x128xf32>
    %div3A_99 = vector.broadcast %sqrt3A_98 : vector<1x128xf32> to vector<1024x128xf32>
    %div3A_100 = arith.divf %mul3A_94, %div3A_99 : vector<1024x128xf32>
    %broadcast_in_dim3A_101 = vector.shape_cast %get3A_72 : vector<128xf32> to vector<1x128xf32>
    %add3A_102 = vector.broadcast %broadcast_in_dim3A_101 : vector<1x128xf32> to vector<1024x128xf32>
    %add3A_103 = arith.addf %div3A_100, %add3A_102 : vector<1024x128xf32>
    %max3A_104 = arith.constant 0.000000e+00 : f32
    %max3A_105 = vector.broadcast %max3A_104 : f32 to vector<1024x128xf32>
    %max3A_106 = arith.maximumf %add3A_103, %max3A_105 : vector<1024x128xf32>
    %get3A_107 = arith.constant 0 : index
    %get3A_108 = arith.constant 0 : index
    %get3A_109 = vector.load %arg10[%get3A_107, %get3A_108] : memref<128x1xf32, #tpu.memory_space<vmem>>, vector<128x1xf32>
    %dot_general3A_110 = arith.constant dense<0.000000e+00> : vector<1024x1xf32>
    %dot_general3A_111 = tpu.matmul %max3A_106, %get3A_109, %dot_general3A_110 {dimension_numbers = #tpu.dot_dimension_numbers<[1], [0], [0], [1], [0, 0, 1, 1], [], []>, transpose_lhs_hint = false} : vector<1024x128xf32>, vector<128x1xf32>, vector<1024x1xf32> -> vector<1024x1xf32>
    %get3A_112 = arith.constant 0 : index
    %get3A_113 = vector.load %arg11[%get3A_112] : memref<1xf32, #tpu.memory_space<vmem>>, vector<1xf32>
    %broadcast_in_dim3A_114 = vector.shape_cast %get3A_113 : vector<1xf32> to vector<1x1xf32>
    %add3A_115 = vector.broadcast %broadcast_in_dim3A_114 : vector<1x1xf32> to vector<1024x1xf32>
    %add3A_116 = arith.addf %dot_general3A_111, %add3A_115 : vector<1024x1xf32>
    %swap3A = arith.constant 0 : index
    %swap3A_117 = arith.constant 0 : index
    %swap3A_118 = vector.load %arg12[%swap3A, %swap3A_117] : memref<1024x1xf32, #tpu.memory_space<vmem>>, vector<1024x1xf32>
    tpu.vector_store %arg12[%swap3A, %swap3A_117], %add3A_116 {strides = array<i32>} : memref<1024x1xf32, #tpu.memory_space<vmem>>, vector<1024x1xf32>,
    return
  }
}

</mosaic_0001>

<sc_bundles>
// kernel: kernel.6.cloned.1.call-start
scs
__scs_entry_jumppad:
0x0: {  	(pc) =	sbr.rel $0x88, $3  }
0x1: {  	(tag) =	ssettag $0x0;
	lr =	simm.s32 $0x1  }
0x2: {  	[smem:$0x3F8D] =	sst lr;
	_ =	strace $0xD0000000  }
0x3: {  	_ = 	snop  }
0x4: {  	_ = 	snop  }
0x5: {  	_ = 	snop  }
0x6: {  	_ = 	snop  }
0x7: {  	_ = 	snop  }
__scs_overlays_trampoline_lowered:
0x8: {  	[smem:$0x3F9C] =	sst s0  }
0x9: {  	[smem:$0x3F9D] =	sst s1  }
0xa: {  	[smem:$0x3F9E] =	sst s2  }
0xb: {  	[smem:$0x3F9F] =	sst s3  }
0xc: {  	[smem:$0x3FA0] =	sst s4  }
0xd: {  	[smem:$0x3FA1] =	sst s5  }
0xe: {  	[smem:$0x3FA2] =	sst s6  }
0xf: {  	[smem:$0x3FA3] =	sst s7  }
0x10: {  	[smem:$0x3FA4] =	sst s8  }
0x11: {  	[smem:$0x3FA5] =	sst s9;
	s0 =	simm.s32 @!p0 $0x0  }
0x12: {  	s1 =	sld [smem:$0x3F8B];
	s0 =	simm.s32 @p0 $0x1  }
0x13: {  	[smem:$0x3FA6] =	sst s0;
	s0 =	simm.s32 @!p1 $0x0  }
0x14: {  	s2 =	sld [smem:$0x3F8A];
	s0 =	simm.s32 @p1 $0x1  }
0x15: {  	[smem:$0x3FA7] =	sst s0;
	s0 =	simm.s32 @!p2 $0x0  }
0x16: {  	s3 =	sld [smem:$0x3FDB];
	s0 =	simm.s32 @p2 $0x1  }
0x17: {  	s4 =	simm.s32 $0x1BF5;
	[smem:$0x3FA9] =	sst s0  }
0x18: {  	s0 =	sld [smem:$0x3F8C];
	_ =	swait.ge [sflag:s4], $0x0  }
0x19: {  	s7 =	sld [smem:$0x3F8D]  }
0x1a: {  	s8 =	sadd.s32 $0xFFFFE003, lr  }
0x1b: {  	s9 =	sadd.s32 $0xFFFFFEF7, lr;
	s5 =	simm.s32 $0xFFFFFFFF;
	p2 =	slt.u32 s8, $0xFFFFF086  }
0x1c: {  	p1 =	slt.u32 s9, $0xF7A;
	s5 =	simm.s32 @!p2 $0x0  }
0x1d: {  	s5 =	simm.s32 @p1 $0x1;
	p0 =	seq.s32 s7, s2  }
0x1e: {  	s7 =	smul.u32 @!p0 $0xF7A, s2;
	p2 =	seq.s32 @!p0 s5, $0x0  }
0x1f: {  	s9 =	smul.u32 $0xF7A, s1;
	s8 =	simm.s32 @!p0 $0x1BF5;
	p2 =	por !p2, p0  }
0x20: {  	[sflag:s8] =	ssyncset.s32 @!p0 $0xFFFFF086;
	s6 =	sadd.s32 @!p0 s3, s7;
	s7 =	simm.s32 @!p0 $0x108  }
0x21: {  	s3 =	sadd.s32 s3, s9;
	s6 =	sadd.s32 @!p0 $0x88, s6;
	s7 =	simm.s32 @p2 $0x1082  }
0x22: {  	[simem:s7], [sflag:s8] =	dma.local @!p0 [hbm:s6], $0xF7A  }
0x23: {  	s9 =	sor.u32 $0xD0000000, s2;
	s6 =	simm.s32 $0x108;
	_ =	swait.ge @!p0 [sflag:s8], $0x0  }
0x24: {  	s3 =	sadd.s32 $0x88, s3;
	s6 =	simm.s32 @!p1 $0x1082;
	[sflag:s4] =	ssyncset.s32 $0xFFFFF086  }
0x25: {  	[simem:s6], [sflag:s4] =	dma.local [hbm:s3], $0xF7A  }
0x26: {  	[smem:$0x3F8D] =	sst s1;
	(tag) =	ssettag s2;
	_ =	strace s9  }
0x27: {  	s1 =	sld [smem:$0x3F9D]  }
0x28: {  	s2 =	sld [smem:$0x3F9E]  }
0x29: {  	s4 =	sld [smem:$0x3FA0]  }
0x2a: {  	p0 =	seq.s32 s5, $0x0;
	s5 =	sld [smem:$0x3FA1]  }
0x2b: {  	s6 =	sld [smem:$0x3FA2]  }
0x2c: {  	s7 =	sld [smem:$0x3FA3]  }
0x2d: {  	s3 =	simm.s32 $0x108;
	s8 =	sld [smem:$0x3FA4]  }
0x2e: {  	s3 =	simm.s32 @!p0 $0x1082;
	s9 =	sld [smem:$0x3FA5]  }
0x2f: {  	lr =	sadd.s32 s0, s3;
	s0 =	sld [smem:$0x3F9C]  }
0x30: {  	s3 =	sld [smem:$0x3F9F]  }
0x31: {  	[smem:$0x3FA8] =	sst s10  }
0x32: {  	s10 =	sld [smem:$0x3FA6];
	_ =	sdelay $0x3  }
0x33: {  	p0 =	seq.s32 s10, $0x1;
	s10 =	sld [smem:$0x3FA8];
	_ =	sdelay $0x3  }
0x34: {  	[smem:$0x3FA8] =	sst s10  }
0x35: {  	s10 =	sld [smem:$0x3FA7];
	_ =	sdelay $0x3  }
0x36: {  	p1 =	seq.s32 s10, $0x1;
	s10 =	sld [smem:$0x3FA8];
	_ =	sdelay $0x3  }
0x37: {  	[smem:$0x3FA8] =	sst s10  }
0x38: {  	s10 =	sld [smem:$0x3FA9]  }
0x39: {  	_ = 	snop;
	(pc) =	sbr.ind lr, $3  }
0x3a: {  	_ = 	snop  }
0x3b: {  	_ = 	snop  }
0x3c: {  	p2 =	seq.s32 s10, $0x1;
	s10 =	sld [smem:$0x3FA8]  }
0x3d: {  	_ =	shalt  }
0x3e: {  	_ =	shalt  }
0x3f: {  	_ =	shalt  }
0x40: {  	_ =	shalt  }
0x41: {  	_ =	shalt  }
0x42: {  	_ =	shalt  }
0x43: {  	_ =	shalt  }
0x44: {  	_ =	shalt  }
0x45: {  	_ =	shalt  }
0x46: {  	_ =	shalt  }
0x47: {  	_ =	shalt  }
0x48: {  	_ =	shalt  }
0x49: {  	_ =	shalt  }
0x4a: {  	_ =	shalt  }
0x4b: {  	_ =	shalt  }
0x4c: {  	_ =	shalt  }
0x4d: {  	_ =	shalt  }
0x4e: {  	_ =	shalt  }
0x4f: {  	_ =	shalt  }
0x50: {  	_ =	shalt  }
0x51: {  	_ =	shalt  }
0x52: {  	_ =	shalt  }
0x53: {  	_ =	shalt  }
0x54: {  	_ =	shalt  }
0x55: {  	_ =	shalt  }
0x56: {  	_ =	shalt  }
0x57: {  	_ =	shalt  }
0x58: {  	_ =	shalt  }
0x59: {  	_ =	shalt  }
0x5a: {  	_ =	shalt  }
0x5b: {  	_ =	shalt  }
0x5c: {  	_ =	shalt  }
0x5d: {  	_ =	shalt  }
0x5e: {  	_ =	shalt  }
0x5f: {  	_ =	shalt  }
0x60: {  	_ =	shalt  }
0x61: {  	_ =	shalt  }
0x62: {  	_ =	shalt  }
0x63: {  	_ =	shalt  }
0x64: {  	_ =	shalt  }
0x65: {  	_ =	shalt  }
0x66: {  	_ =	shalt  }
0x67: {  	_ =	shalt  }
0x68: {  	_ =	shalt  }
0x69: {  	_ =	shalt  }
0x6a: {  	_ =	shalt  }
0x6b: {  	_ =	shalt  }
0x6c: {  	_ =	shalt  }
0x6d: {  	_ =	shalt  }
0x6e: {  	_ =	shalt  }
0x6f: {  	_ =	shalt  }
0x70: {  	_ =	shalt  }
0x71: {  	_ =	shalt  }
0x72: {  	_ =	shalt  }
0x73: {  	_ =	shalt  }
0x74: {  	_ =	shalt  }
0x75: {  	_ =	shalt  }
0x76: {  	_ =	shalt  }
0x77: {  	_ =	shalt  }
0x78: {  	_ =	shalt  }
0x79: {  	_ =	shalt  }
0x7a: {  	_ =	shalt  }
0x7b: {  	_ =	shalt  }
0x7c: {  	_ =	shalt  }
0x7d: {  	_ =	shalt  }
0x7e: {  	_ =	shalt  }
0x7f: {  	_ =	shalt  }
0x80: {  	_ =	shalt  }
0x81: {  	_ =	shalt  }
0x82: {  	_ =	shalt  }
0x83: {  	_ =	shalt  }
0x84: {  	_ =	shalt  }
0x85: {  	_ =	shalt  }
0x86: {  	_ =	shalt  }
0x87: {  	_ =	shalt  }
.Lfunc_end0:
.L_simem_size_0:
called_computation_lowered:
.L_overlay_start_0:
0x88: {  	s2 =	sld [smem:$0x3FD9]  }
0x89: {  	s3 =	sld [smem:$0x3FFE];
	_ =	sdelay $0x1  }
0x8a: {  	s1 =	srdreg.scid  }
0x8b: {  	s0 =	sand.u32 $0x1, s1  }
0x8c: {  	s16 =	sshll.u32 s0, $0xA;
	s2 =	sadd.s32 s3, s2  }
0x8d: {  	s2 =	sadd.s32 s2, s16  }
0x8e: {  	[smem:$0x3FB4] =	sst s2  }
0x8f: {  	_ = 	snop  }
0x90: {  	(tm) =	ssettm $0x1  }
0x91: {  	s17 =	sld [smem:$0x3FFB];
	_ =	sdelay $0x3  }
0x92: {  	_ =	strace s17  }
0x93: {  	s2 =	sld [smem:$0x3FFC];
	_ =	sdelay $0x3  }
0x94: {  	_ =	strace s2  }
0x95: {  	s2 =	sld [smem:$0x3FFD];
	_ =	sdelay $0x3  }
0x96: {  	_ =	strace s2  }
0x97: {  	_ =	strace $0x8FFFFFFF  }
0x98: {  	s18 =	sld [smem:$0x3FDB];
	_ =	sdelay $0x1  }
0x99: {  	s19 =	simm.s32 $_scs_section_size  }
0x9a: {  	s4 =	simm.s32 $_size__tile_overlayer_lowered;
	s5 =	simm.s32 $_tile_overlayer_lowered  }
0x9b: {  	s22 =	simm.s32 $0x1BFF;
	s21 =	sshll.u32 s5, $0x1;
	s2 =	sadd.s32 s19, s18  }
0x9c: {  	s6 =	simm.s32 $0x0;
	s20 =	sshll.u32 s4, $0x1;
	s4 =	sadd.s32 s21, s2  }
0x9d: {  	[timem:s6], [sflag:s22] =	dma.local [hbm:s4], s20  }
0x9e: {  	_ =	swait.ge [sflag:s22], s20  }
0x9f: {  	s3 =	ssub.s32 $0x0, s20;
	[sflag:s22] =	ssyncset.done $0x0  }
0xa0: {  	[sflag:s22] =	ssyncadd.s32 s3;
	_ =	sdelay $0x1  }
0xa1: {  	s23 =	simm.s32 $0x1B8B  }
0xa2: {  	_ =	swait.ge [sflag:s23], $0x1  }
0xa3: {  	[sflag:s23] =	ssyncset.done $0x0  }
0xa4: {  	s25 =	simm.s32 $0x1B8E;
	s24 =	sld [smem:$0x3FFE];
	[sflag:s23] =	ssyncadd.s32 $0xFFFFFFFF  }
0xa5: {  	s26 =	simm.s32 $execute0_lowered;
	[smem:$0x3FD2] =	sst s25  }
0xa6: {  	s4 =	sshll.u32 s26, $0x1;
	_ =	strace $0x80000046;
	[dreg:$0x1] =	wrdreg $0xFFFFFFFF  }
0xa7: {  	s28 =	simm.s32 $_size_execute0_lowered;
	s2 =	sadd.s32 s2, s4;
	[dreg:$0x0] =	wrdreg $0x0  }
0xa8: {  	s4 =	sshll.u32 s28, $0x1;
	[dreg:$0x2] =	wrdreg s2  }
0xa9: {  	[dreg:$0x3] =	wrdreg s4  }
0xaa: {  	[dreg:$0x4] =	wrdreg $0xC0  }
0xab: {  	_ =	task [dreg:s6], $0x5FFFF  }
0xac: {  	[dreg:$0x1] =	wrdreg $0xFFFFFFFF  }
0xad: {  	[dreg:$0x0] =	wrdreg $0x60  }
0xae: {  	[dreg:$0x2] =	wrdreg s24  }
0xaf: {  	[dreg:$0x3] =	wrdreg $0x15C400  }
0xb0: {  	[dreg:$0x4] =	wrdreg $0x9  }
0xb1: {  	_ =	task.clear_ibuf [dreg:s6], $0x5FFFF;
	_ =	strace $0x90000046  }
0xb2: {  	s29 =	simm.s32 $0x9;
	_ =	strace $0x80000048  }
0xb3: {  	_ =	swait.ge [sflag:s29], $0x1  }
0xb4: {  	[sflag:s29] =	ssyncadd.s32 $0xFFFFFFFF  }
0xb5: {  	_ =	strace $0x90000048  }
0xb6: {  	_ =	sfence  }
0xb7: {  	s30 =	sld [smem:$0x0];
	_ =	sdelay $0x2  }
0xb8: {  	s31 =	sshll.u32 s1, $0xD;
	s1 =	sshrl.u32 s1, $0x2  }
0xb9: {  	s3 =	sand.u32 $0x4000, s31;
	s1 =	sadd.s32 s1, s30  }
0xba: {  	s0 =	sor.u32 s3, s0;
	s1 =	sshll.u32 s1, $0x11  }
0xbb: {  	s0 =	sor.u32 s1, s0  }
0xbc: {  	s0 =	sadd.s32 $0x8F2B, s0  }
0xbd: {  	[sflag:s0] =	ssyncadd.remote.s32 $0x1  }
0xbe: {  	_ =	sfence.sel $0xFFFF  }
0xbf: {  	[dreg:$0x0] =	wrdreg $0xFFFFFFFF;
	(pc) =	sbr.abs _section_cstart, $3  }
0xc0: {  	[dreg:$0x1] =	wrdreg $0xFFFFFFFF  }
0xc1: {  	_ =	task.clear_ibuf [dreg:s6], $0x2FFFF;
	_ =	strace $0x9FFFFFFF  }
0xc2: {  	(tm) =	ssettm $0x7FFFFFFF  }
0xc3: {  	_ =	shalt  }
tec
execute0_lowered:
.L_overlay_start_1:
0x0: {  	(tag) =	ssettag $0x1  }
0x1: {  	s0 =	rddreg [dreg:$0x0]  }
0x2: {  	s2 =	rddreg [dreg:$0x1]  }
0x3: {  	s11 =	stileid.u32;
	s3 =	simm.s32 $0x0;
	s4 =	srdreg.scid  }
0x4: {  	s15 =	simm.s32 $0xD;
	s17 =	simm.s32 $0x11440;
	s18 =	simm.s32 $0x50  }
0x5: {  	s19 =	simm.s32 $0x9C40;
	s20 =	simm.s32 $0xB040;
	s22 =	simm.s32 $0xC440  }
0x6: {  	s28 =	simm.s32 $0x2;
	s31 =	simm.s32 $0xEC40;
	s29 =	simm.s32 $0x10040  }
0x7: {  	s30 =	simm.s32 $0x4;
	s21 =	simm.s32 $0x5;
	s1 =	smul.u32 $0x9C4, s11  }
0x8: {  	s16 =	simm.s32 $0xA;
	[smem:$0x7FF] =	sst s3;
	s6 =	smul.u32 $0xA000, s11  }
0x9: {  	s5 =	sand.u32 $0x1, s4;
	s8 =	sshll.u32 s11, $0x1;
	s11 =	smul.u32 $0x28000, s11  }
0xa: {  	s4 =	sadd.s32 $0x3A00, s0;
	_ =	strace $0x80000047;
	s7 =	smul.u32 $0xA0000, s5  }
0xb: {  	s8 =	sor.u32 s5, s8;
	s9 =	ssub.s32 $0x2, s5;
	s13 =	smul.u32 $0x2800, s5  }
0xc: {  	s5 =	simm.s32 $0x6;
	s1 =	sadd.s32 s1, s0;
	s10 =	sshrl.u32 s9, $0x1  }
0xd: {  	s8 =	smul.u32 $0x500, s8;
	s9 =	ssub.s32 s9, s10;
	s10 =	sadd.s32 $0x35800, s1  }
0xe: {  	s7 =	sadd.s32 s6, s7;
	s1 =	sadd.s32 $0x2BA00, s1;
	[dreg:$0x3] =	wrdreg s10  }
0xf: {  	s11 =	sshrl.u32 s11, $0x2;
	s7 =	sshrl.u32 s7, $0x3;
	[dreg:$0x4] =	wrdreg s1  }
0x10: {  	s1 =	sadd.s32 s11, s2;
	s14 =	smax.u32 s9, $0x1;
	s9 =	simm.s32 $0xC  }
0x11: {  	s10 =	simm.s32 $0x0;
	s12 =	sadd.s32 s7, s0;
	s23 =	sadd.s32 $0x2000, s1  }
0x12: {  	s0 =	sadd.s32 s8, s0;
	s24 =	sadd.s32 $0x4000, s1;
	[dreg:$0x5] =	wrdreg s23  }
0x13: {  	s7 =	sadd.s32 s6, s2;
	s25 =	sadd.s32 $0x6000, s1;
	[dreg:$0x6] =	wrdreg s24  }
0x14: {  	s1 =	sadd.s32 $0x8000, s1;
	s6 =	simm.s32 $0x9;
	[dreg:$0x7] =	wrdreg s25  }
0x15: {  	s8 =	simm.s32 $0xB;
	[dreg:$0x8] =	wrdreg s1;
	s26 =	sadd.s32 $0x3F600, s12  }
0x16: {  	s0 =	sadd.s32 $0x67600, s0;
	s23 =	simm.s32 $0x1;
	s25 =	simm.s32 $0xD840  }
0x17: {  	s24 =	simm.s32 $0x7;
	s1 =	simm.s32 $0x8;
	[dreg:$0x9] =	wrdreg s26  }
0x18: {  	v1 =	vimm.f32 $0.0e+00;
	v2 =	vimm.f32 $1.000000000e+00;
	v0 =	vmov s13;
	[dreg:$0xa] =	wrdreg s0;
	s26 =	simm.s32 $0x13440;
	s0 =	simm.s32 $0x3  }
.LBB2_1:
0x19: {  	s11 =	rddreg [dreg:$0x3]  }
0x1a: {  	[tilespmem:s3], [sflag:$0xD] =	stream.linear.gather [hbm4b:s11+s3], $0x4E20, $0x38;
	[tilespmem:$0x1FC40] =	vst v63  }
0x1b: {  	_ =	swait.ge [sflag:s15], $0x4E20  }
0x1c: {  	[sflag:s15] =	ssyncset.done $0x0  }
0x1d: {  	s12 =	simm.s32 $0x4E20;
	s13 =	rddreg [dreg:$0x4];
	[sflag:s15] =	ssyncadd.s32 $0xFFFFB1E0  }
0x1e: {  	[tilespmem:s12], [sflag:$0xD] =	stream.linear.gather [hbm4b:s13+s3], $0x4E20, $0x38;
	[tilespmem:$0x1FC40] =	vst v63  }
0x1f: {  	_ =	swait.ge [sflag:s15], $0x4E20  }
0x20: {  	[sflag:s15] =	ssyncset.done $0x0  }
0x21: {  	s11 =	simm.s32 $0x0;
	[sflag:s15] =	ssyncadd.s32 $0xFFFFB1E0  }
0x22: {  	v6 =	vld [tilespmem:s11+$0x0]  }
0x23: {  	v5 =	vld [tilespmem:s11+$0x10]  }
0x24: {  	v4 =	vld [tilespmem:s11+$0x20]  }
0x25: {  	s12 =	simm.s32 $0x140;
	v3 =	vld [tilespmem:s11+$0x30]  }
.LBB2_2:
0x26: {  	p0 =	sne.s32 s12, $0x13740;
	v7 =	vld [tilespmem:s11+$0x40]  }
0x27: {  	v6 =	vadd.s32 v0, v6  }
.Ltmp0:
0x28: {  	s13 =	sshra.s32 s12, $0x2;
	[tilespmem:s11+$0x0] =	vst v6;
	v5 =	vadd.s32 v0, v5;
	(pc) =	sbr.rel @p0 .LBB2_2-.Ltmp0, $4  }
0x29: {  	v6 =	vld [tilespmem:s13+$0x0];
	[tilespmem:s11+$0x10] =	vst v5;
	v4 =	vadd.s32 v0, v4  }
0x2a: {  	v5 =	vld [tilespmem:s13+$0x10];
	[tilespmem:s11+$0x20] =	vst v4;
	v3 =	vadd.s32 v0, v3  }
0x2b: {  	v4 =	vld [tilespmem:s13+$0x20];
	[tilespmem:s11+$0x30] =	vst v3;
	v7 =	vadd.s32 v0, v7  }
0x2c: {  	s12 =	sadd.s32 $0x140, s12;
	v3 =	vld [tilespmem:s13+$0x30];
	[tilespmem:s11+$0x40] =	vst v7;
	s11 =	smov.u32 s13  }
0x2d: {  	v7 =	vld [tilespmem:s11+$0x40]  }
0x2e: {  	v6 =	vadd.s32 v0, v6  }
0x2f: {  	[tilespmem:s11+$0x0] =	vst v6;
	v5 =	vadd.s32 v0, v5  }
0x30: {  	[tilespmem:s11+$0x10] =	vst v5;
	v4 =	vadd.s32 v0, v4  }
0x31: {  	[tilespmem:s11+$0x20] =	vst v4;
	v3 =	vadd.s32 v0, v3  }
0x32: {  	[tilespmem:s11+$0x30] =	vst v3;
	v3 =	vadd.s32 v0, v7  }
0x33: {  	s12 =	simm.s32 $0x0;
	[tilespmem:s11+$0x40] =	vst v3;
	s11 =	simm.s32 $0x40  }
.LBB2_4:
0x34: {  	p0 =	sne.s32 s11, $0x9FC0;
	[tilespmem:s12+$0x13440] =	vst v1;
	s12 =	smov.u32 s11;
	s11 =	sadd.s32 $0x40, s11  }
.Ltmp1:
0x35: {  	(pc) =	sbr.rel @p0 .LBB2_4-.Ltmp1, $2  }
0x36: {  	_ =	sdelay $0x2  }
0x37: {  	s12 =	sshra.s32 s12, $0x2  }
0x38: {  	[tilespmem:s12+$0x13440] =	vst v1;
	s12 =	simm.s32 $0x100;
	s11 =	simm.s32 $0x0  }
.LBB2_6:
0x39: {  	p0 =	sne.s32 s12, $0x7F00;
	[tilespmem:s11+$0x11470] =	vst v1;
	s13 =	smov.u32 s12;
	s12 =	sadd.s32 $0x100, s12  }
.Ltmp2:
0x3a: {  	[tilespmem:s11+$0x11460] =	vst v1;
	(pc) =	sbr.rel @p0 .LBB2_6-.Ltmp2, $3  }
0x3b: {  	[tilespmem:s11+$0x11440] =	vst v1  }
0x3c: {  	[tilespmem:s11+$0x11450] =	vst v1;
	_ =	sdelay $0x1  }
0x3d: {  	s11 =	sshra.s32 s13, $0x2  }
0x3e: {  	[tilespmem:s11+$0x11470] =	vst v1  }
0x3f: {  	[tilespmem:s11+$0x11460] =	vst v1  }
0x40: {  	[tilespmem:s11+$0x11440] =	vst v1  }
0x41: {  	[tilespmem:s11+$0x11450] =	vst v1  }
0x42: {  	[spmem:s7] =	stream.linear.scatter [tilespmem:s17], [sflag:$0xD], $0x2000, $0x38;
	[tilespmem:$0x1FC40] =	vst v63  }
0x43: {  	_ =	swait.ge [sflag:s15], $0x2000  }
0x44: {  	[sflag:s15] =	ssyncset.done $0x0  }
0x45: {  	s13 =	rddreg [dreg:$0x5];
	[sflag:s15] =	ssyncadd.s32 $0xFFFFE000  }
0x46: {  	[spmem:s13] =	stream.linear.scatter [tilespmem:s17], [sflag:$0xD], $0x2000, $0x38;
	[tilespmem:$0x1FC40] =	vst v63  }
0x47: {  	_ =	swait.ge [sflag:s15], $0x2000  }
0x48: {  	[sflag:s15] =	ssyncset.done $0x0  }
0x49: {  	s12 =	rddreg [dreg:$0x6];
	[sflag:s15] =	ssyncadd.s32 $0xFFFFE000  }
0x4a: {  	[spmem:s12] =	stream.linear.scatter [tilespmem:s17], [sflag:$0xD], $0x2000, $0x38;
	[tilespmem:$0x1FC40] =	vst v63  }
0x4b: {  	_ =	swait.ge [sflag:s15], $0x2000  }
0x4c: {  	[sflag:s15] =	ssyncset.done $0x0  }
0x4d: {  	s13 =	rddreg [dreg:$0x7];
	[sflag:s15] =	ssyncadd.s32 $0xFFFFE000  }
0x4e: {  	[spmem:s13] =	stream.linear.scatter [tilespmem:s17], [sflag:$0xD], $0x2000, $0x38;
	[tilespmem:$0x1FC40] =	vst v63  }
0x4f: {  	_ =	swait.ge [sflag:s15], $0x2000  }
0x50: {  	[sflag:s15] =	ssyncset.done $0x0  }
0x51: {  	s12 =	rddreg [dreg:$0x8];
	[sflag:s15] =	ssyncadd.s32 $0xFFFFE000  }
0x52: {  	[spmem:s12] =	stream.linear.scatter [tilespmem:s17], [sflag:$0xD], $0x2000, $0x38;
	[tilespmem:$0x1FC40] =	vst v63  }
0x53: {  	_ =	swait.ge [sflag:s15], $0x2000  }
0x54: {  	[sflag:s15] =	ssyncset.done $0x0  }
0x55: {  	[sflag:s15] =	ssyncadd.s32 $0xFFFFE000  }
0x56: {  	s11 =	simm.s32 $0x0;
	[bflag:$0x0] =	sbarrier.arrive $0xFFFF  }
0x57: {  	[tilespmem:s19], [sflag:$0x1] =	stream.indirect.gather [hbm4b:s4+s18], $0x40, s11, s18, $0xb8;
	[tilespmem:$0x1FC40] =	vst v63  }
0x58: {  	_ = 	snop  }
0x59: {  	[tilespmem:s20], [sflag:$0x2] =	stream.indirect.gather [hbm4b:s4+s18], $0x40, s18, s18, $0xb8;
	[tilespmem:$0x1FC40] =	vst v63  }
0x5a: {  	s12 =	simm.s32 $0xA0  }
0x5b: {  	[tilespmem:s22], [sflag:$0x3] =	stream.indirect.gather [hbm4b:s4+s18], $0x40, s12, s18, $0xb8;
	[tilespmem:$0x1FC40] =	vst v63  }
0x5c: {  	_ =	swait.ge [sflag:s23], $0x1400  }
0x5d: {  	[sflag:s23] =	ssyncset.done $0x0  }
0x5e: {  	s13 =	simm.s32 $0x4E20;
	[sflag:s23] =	ssyncadd.s32 $0xFFFFEC00  }
0x5f: {  	[spmem:s2] =	stream.indirect.scatter.add.f32 [tilespmem:s19], [sflag:$0x7], $0x40, s13, s18, $0xb8;
	[tilespmem:$0x1FC40] =	vst v63  }
0x60: {  	s13 =	simm.s32 $0xF0  }
0x61: {  	[tilespmem:s25], [sflag:$0x4] =	stream.indirect.gather [hbm4b:s4+s18], $0x40, s13, s18, $0xb8;
	[tilespmem:$0x1FC40] =	vst v63  }
0x62: {  	v3 =	vld [tilespmem:$0x4E20];
	_ =	sdelay $0x7  }
0x63: {  	[tilespmem:v3+s26+$0x0] =	vst.idx.add.f32.msk $0xffff, v2  }
0x64: {  	v3 =	vld [tilespmem:$0x4E30];
	_ =	sdelay $0x7  }
0x65: {  	[tilespmem:v3+s26+$0x0] =	vst.idx.add.f32.msk $0xffff, v2  }
0x66: {  	v3 =	vld [tilespmem:$0x4E40];
	_ =	sdelay $0x7  }
0x67: {  	[tilespmem:v3+s26+$0x0] =	vst.idx.add.f32.msk $0xffff, v2  }
0x68: {  	v3 =	vld [tilespmem:$0x4E50];
	_ =	sdelay $0x7  }
0x69: {  	[tilespmem:v3+s26+$0x0] =	vst.idx.add.f32.msk $0xffff, v2  }
0x6a: {  	v3 =	vld [tilespmem:$0x4E60];
	_ =	sdelay $0x7  }
0x6b: {  	[tilespmem:v3+s26+$0x0] =	vst.idx.add.f32.msk $0xffff, v2  }
0x6c: {  	_ =	swait.ge [sflag:s28], $0x1400  }
0x6d: {  	[sflag:s28] =	ssyncset.done $0x0  }
0x6e: {  	s13 =	simm.s32 $0x4E70;
	[sflag:s28] =	ssyncadd.s32 $0xFFFFEC00  }
0x6f: {  	[spmem:s2] =	stream.indirect.scatter.add.f32 [tilespmem:s20], [sflag:$0x8], $0x40, s13, s18, $0xb8;
	[tilespmem:$0x1FC40] =	vst v63  }
0x70: {  	s13 =	simm.s32 $0x140  }
0x71: {  	[tilespmem:s31], [sflag:$0x5] =	stream.indirect.gather [hbm4b:s4+s18], $0x40, s13, s18, $0xb8;
	[tilespmem:$0x1FC40] =	vst v63  }
0x72: {  	v3 =	vld [tilespmem:$0x4E70];
	_ =	sdelay $0x7  }
0x73: {  	[tilespmem:v3+s26+$0x0] =	vst.idx.add.f32.msk $0xffff, v2  }
0x74: {  	v3 =	vld [tilespmem:$0x4E80];
	_ =	sdelay $0x7  }
0x75: {  	[tilespmem:v3+s26+$0x0] =	vst.idx.add.f32.msk $0xffff, v2  }
0x76: {  	v3 =	vld [tilespmem:$0x4E90];
	_ =	sdelay $0x7  }
0x77: {  	[tilespmem:v3+s26+$0x0] =	vst.idx.add.f32.msk $0xffff, v2  }
0x78: {  	v3 =	vld [tilespmem:$0x4EA0];
	_ =	sdelay $0x7  }
0x79: {  	[tilespmem:v3+s26+$0x0] =	vst.idx.add.f32.msk $0xffff, v2  }
0x7a: {  	v3 =	vld [tilespmem:$0x4EB0];
	_ =	sdelay $0x7  }
0x7b: {  	[tilespmem:v3+s26+$0x0] =	vst.idx.add.f32.msk $0xffff, v2  }
0x7c: {  	_ =	swait.ge [sflag:s0], $0x1400  }
0x7d: {  	[sflag:s0] =	ssyncset.done $0x0  }
0x7e: {  	s13 =	simm.s32 $0x4EC0;
	[sflag:s0] =	ssyncadd.s32 $0xFFFFEC00  }
0x7f: {  	[spmem:s2] =	stream.indirect.scatter.add.f32 [tilespmem:s22], [sflag:$0x9], $0x40, s13, s18, $0xb8;
	[tilespmem:$0x1FC40] =	vst v63  }
0x80: {  	s13 =	simm.s32 $0x190  }
0x81: {  	[tilespmem:s29], [sflag:$0x6] =	stream.indirect.gather [hbm4b:s4+s18], $0x40, s13, s18, $0xb8;
	[tilespmem:$0x1FC40] =	vst v63  }
0x82: {  	v3 =	vld [tilespmem:$0x4EC0];
	_ =	sdelay $0x7  }
0x83: {  	[tilespmem:v3+s26+$0x0] =	vst.idx.add.f32.msk $0xffff, v2  }
0x84: {  	v3 =	vld [tilespmem:$0x4ED0];
	_ =	sdelay $0x7  }
0x85: {  	[tilespmem:v3+s26+$0x0] =	vst.idx.add.f32.msk $0xffff, v2  }
0x86: {  	v3 =	vld [tilespmem:$0x4EE0];
	_ =	sdelay $0x7  }
0x87: {  	[tilespmem:v3+s26+$0x0] =	vst.idx.add.f32.msk $0xffff, v2  }
0x88: {  	v3 =	vld [tilespmem:$0x4EF0];
	_ =	sdelay $0x7  }
0x89: {  	[tilespmem:v3+s26+$0x0] =	vst.idx.add.f32.msk $0xffff, v2  }
0x8a: {  	v3 =	vld [tilespmem:$0x4F00];
	_ =	sdelay $0x7  }
0x8b: {  	[tilespmem:v3+s26+$0x0] =	vst.idx.add.f32.msk $0xffff, v2  }
0x8c: {  	_ =	swait.ge [sflag:s30], $0x1400  }
0x8d: {  	[sflag:s30] =	ssyncset.done $0x0  }
0x8e: {  	s13 =	simm.s32 $0x4F10;
	[sflag:s30] =	ssyncadd.s32 $0xFFFFEC00  }
0x8f: {  	[spmem:s2] =	stream.indirect.scatter.add.f32 [tilespmem:s25], [sflag:$0xA], $0x40, s13, s18, $0xb8;
	[tilespmem:$0x1FC40] =	vst v63  }
0x90: {  	_ =	swait.ge [sflag:s24], $0x1400  }
0x91: {  	[sflag:s24] =	ssyncset.done $0x0  }
0x92: {  	s13 =	simm.s32 $0x1E0;
	[sflag:s24] =	ssyncadd.s32 $0xFFFFEC00  }
0x93: {  	[tilespmem:s19], [sflag:$0x1] =	stream.indirect.gather [hbm4b:s4+s18], $0x40, s13, s18, $0xb8;
	[tilespmem:$0x1FC40] =	vst v63  }
0x94: {  	v3 =	vld [tilespmem:$0x4F10];
	_ =	sdelay $0x7  }
0x95: {  	[tilespmem:v3+s26+$0x0] =	vst.idx.add.f32.msk $0xffff, v2  }
0x96: {  	v3 =	vld [tilespmem:$0x4F20];
	_ =	sdelay $0x7  }
0x97: {  	[tilespmem:v3+s26+$0x0] =	vst.idx.add.f32.msk $0xffff, v2  }
0x98: {  	v3 =	vld [tilespmem:$0x4F30];
	_ =	sdelay $0x7  }
0x99: {  	[tilespmem:v3+s26+$0x0] =	vst.idx.add.f32.msk $0xffff, v2  }
0x9a: {  	v3 =	vld [tilespmem:$0x4F40];
	_ =	sdelay $0x7  }
0x9b: {  	[tilespmem:v3+s26+$0x0] =	vst.idx.add.f32.msk $0xffff, v2  }
0x9c: {  	v3 =	vld [tilespmem:$0x4F50];
	_ =	sdelay $0x7  }
0x9d: {  	[tilespmem:v3+s26+$0x0] =	vst.idx.add.f32.msk $0xffff, v2  }
0x9e: {  	_ =	swait.ge [sflag:s21], $0x1400  }
0x9f: {  	[sflag:s21] =	ssyncset.done $0x0  }
0xa0: {  	s13 =	simm.s32 $0x4F60;
	[sflag:s21] =	ssyncadd.s32 $0xFFFFEC00  }
0xa1: {  	[spmem:s2] =	stream.indirect.scatter.add.f32 [tilespmem:s31], [sflag:$0xB], $0x40, s13, s18, $0xb8;
	[tilespmem:$0x1FC40] =	vst v63  }
0xa2: {  	_ =	swait.ge [sflag:s1], $0x1400  }
0xa3: {  	[sflag:s1] =	ssyncset.done $0x0  }
0xa4: {  	s13 =	simm.s32 $0x230;
	[sflag:s1] =	ssyncadd.s32 $0xFFFFEC00  }
0xa5: {  	[tilespmem:s20], [sflag:$0x2] =	stream.indirect.gather [hbm4b:s4+s18], $0x40, s13, s18, $0xb8;
	[tilespmem:$0x1FC40] =	vst v63  }
0xa6: {  	v3 =	vld [tilespmem:$0x4F60];
	_ =	sdelay $0x7  }
0xa7: {  	[tilespmem:v3+s26+$0x0] =	vst.idx.add.f32.msk $0xffff, v2  }
0xa8: {  	v3 =	vld [tilespmem:$0x4F70];
	_ =	sdelay $0x7  }
0xa9: {  	[tilespmem:v3+s26+$0x0] =	vst.idx.add.f32.msk $0xffff, v2  }
0xaa: {  	v3 =	vld [tilespmem:$0x4F80];
	_ =	sdelay $0x7  }
0xab: {  	[tilespmem:v3+s26+$0x0] =	vst.idx.add.f32.msk $0xffff, v2  }
0xac: {  	v3 =	vld [tilespmem:$0x4F90];
	_ =	sdelay $0x7  }
0xad: {  	[tilespmem:v3+s26+$0x0] =	vst.idx.add.f32.msk $0xffff, v2  }
0xae: {  	v3 =	vld [tilespmem:$0x4FA0];
	_ =	sdelay $0x7  }
0xaf: {  	[tilespmem:v3+s26+$0x0] =	vst.idx.add.f32.msk $0xffff, v2  }
0xb0: {  	_ =	swait.ge [sflag:s5], $0x1400  }
0xb1: {  	[sflag:s5] =	ssyncset.done $0x0  }
0xb2: {  	s13 =	simm.s32 $0x4FB0;
	[sflag:s5] =	ssyncadd.s32 $0xFFFFEC00  }
0xb3: {  	[spmem:s2] =	stream.indirect.scatter.add.f32 [tilespmem:s29], [sflag:$0xC], $0x40, s13, s18, $0xb8;
	[tilespmem:$0x1FC40] =	vst v63  }
0xb4: {  	_ =	swait.ge [sflag:s6], $0x1400  }
0xb5: {  	[sflag:s6] =	ssyncset.done $0x0  }
0xb6: {  	s13 =	simm.s32 $0x280;
	[sflag:s6] =	ssyncadd.s32 $0xFFFFEC00  }
0xb7: {  	[tilespmem:s22], [sflag:$0x3] =	stream.indirect.gather [hbm4b:s4+s18], $0x40, s13, s18, $0xb8;
	[tilespmem:$0x1FC40] =	vst v63  }
0xb8: {  	v3 =	vld [tilespmem:$0x4FB0];
	_ =	sdelay $0x7  }
0xb9: {  	[tilespmem:v3+s26+$0x0] =	vst.idx.add.f32.msk $0xffff, v2  }
0xba: {  	v3 =	vld [tilespmem:$0x4FC0];
	_ =	sdelay $0x7  }
0xbb: {  	[tilespmem:v3+s26+$0x0] =	vst.idx.add.f32.msk $0xffff, v2  }
0xbc: {  	v3 =	vld [tilespmem:$0x4FD0];
	_ =	sdelay $0x7  }
0xbd: {  	[tilespmem:v3+s26+$0x0] =	vst.idx.add.f32.msk $0xffff, v2  }
0xbe: {  	v3 =	vld [tilespmem:$0x4FE0];
	_ =	sdelay $0x7  }
0xbf: {  	[tilespmem:v3+s26+$0x0] =	vst.idx.add.f32.msk $0xffff, v2  }
0xc0: {  	v3 =	vld [tilespmem:$0x4FF0];
	_ =	sdelay $0x7  }
0xc1: {  	[tilespmem:v3+s26+$0x0] =	vst.idx.add.f32.msk $0xffff, v2  }
.LBB2_8:
0xc2: {  	_ =	swait.ge [sflag:s23], $0x1400  }
0xc3: {  	s12 =	sshra.s32 s11, $0x2;
	[sflag:s23] =	ssyncset.done $0x0  }
0xc4: {  	s13 =	sadd.s32 $0x5000, s12;
	[sflag:s23] =	ssyncadd.s32 $0xFFFFEC00  }
0xc5: {  	[spmem:s2] =	stream.indirect.scatter.add.f32 [tilespmem:s19], [sflag:$0x7], $0x40, s13, s18, $0xb8;
	[tilespmem:$0x1FC40] =	vst v63  }
0xc6: {  	_ =	swait.ge [sflag:s16], $0x1400  }
0xc7: {  	[sflag:s16] =	ssyncset.done $0x0  }
0xc8: {  	s13 =	sadd.s32 $0x2D0, s12;
	[sflag:s16] =	ssyncadd.s32 $0xFFFFEC00  }
0xc9: {  	[tilespmem:s25], [sflag:$0x4] =	stream.indirect.gather [hbm4b:s4+s18], $0x40, s13, s18, $0xb8;
	[tilespmem:$0x1FC40] =	vst v63  }
0xca: {  	v3 =	vld [tilespmem:s12+$0x5000];
	_ =	sdelay $0x7  }
0xcb: {  	[tilespmem:v3+s26+$0x0] =	vst.idx.add.f32.msk $0xffff, v2  }
0xcc: {  	v3 =	vld [tilespmem:s12+$0x5010];
	_ =	sdelay $0x7  }
0xcd: {  	[tilespmem:v3+s26+$0x0] =	vst.idx.add.f32.msk $0xffff, v2  }
0xce: {  	v3 =	vld [tilespmem:s12+$0x5020];
	_ =	sdelay $0x7  }
0xcf: {  	[tilespmem:v3+s26+$0x0] =	vst.idx.add.f32.msk $0xffff, v2  }
0xd0: {  	v3 =	vld [tilespmem:s12+$0x5030];
	_ =	sdelay $0x7  }
0xd1: {  	[tilespmem:v3+s26+$0x0] =	vst.idx.add.f32.msk $0xffff, v2  }
0xd2: {  	v3 =	vld [tilespmem:s12+$0x5040];
	_ =	sdelay $0x7  }
0xd3: {  	[tilespmem:v3+s26+$0x0] =	vst.idx.add.f32.msk $0xffff, v2  }
0xd4: {  	_ =	swait.ge [sflag:s28], $0x1400  }
0xd5: {  	[sflag:s28] =	ssyncset.done $0x0  }
0xd6: {  	s13 =	sadd.s32 $0x5050, s12;
	[sflag:s28] =	ssyncadd.s32 $0xFFFFEC00  }
0xd7: {  	[spmem:s2] =	stream.indirect.scatter.add.f32 [tilespmem:s20], [sflag:$0x8], $0x40, s13, s18, $0xb8;
	[tilespmem:$0x1FC40] =	vst v63  }
0xd8: {  	_ =	swait.ge [sflag:s8], $0x1400  }
0xd9: {  	[sflag:s8] =	ssyncset.done $0x0  }
0xda: {  	s13 =	sadd.s32 $0x320, s12;
	[sflag:s8] =	ssyncadd.s32 $0xFFFFEC00  }
0xdb: {  	[tilespmem:s31], [sflag:$0x5] =	stream.indirect.gather [hbm4b:s4+s18], $0x40, s13, s18, $0xb8;
	[tilespmem:$0x1FC40] =	vst v63  }
0xdc: {  	v3 =	vld [tilespmem:s12+$0x5050];
	_ =	sdelay $0x7  }
0xdd: {  	[tilespmem:v3+s26+$0x0] =	vst.idx.add.f32.msk $0xffff, v2  }
0xde: {  	v3 =	vld [tilespmem:s12+$0x5060];
	_ =	sdelay $0x7  }
0xdf: {  	[tilespmem:v3+s26+$0x0] =	vst.idx.add.f32.msk $0xffff, v2  }
0xe0: {  	v3 =	vld [tilespmem:s12+$0x5070];
	_ =	sdelay $0x7  }
0xe1: {  	[tilespmem:v3+s26+$0x0] =	vst.idx.add.f32.msk $0xffff, v2  }
0xe2: {  	v3 =	vld [tilespmem:s12+$0x5080];
	_ =	sdelay $0x7  }
0xe3: {  	[tilespmem:v3+s26+$0x0] =	vst.idx.add.f32.msk $0xffff, v2  }
0xe4: {  	v3 =	vld [tilespmem:s12+$0x5090];
	_ =	sdelay $0x7  }
0xe5: {  	[tilespmem:v3+s26+$0x0] =	vst.idx.add.f32.msk $0xffff, v2  }
0xe6: {  	_ =	swait.ge [sflag:s0], $0x1400  }
0xe7: {  	[sflag:s0] =	ssyncset.done $0x0  }
0xe8: {  	s13 =	sadd.s32 $0x50A0, s12;
	[sflag:s0] =	ssyncadd.s32 $0xFFFFEC00  }
0xe9: {  	[spmem:s2] =	stream.indirect.scatter.add.f32 [tilespmem:s22], [sflag:$0x9], $0x40, s13, s18, $0xb8;
	[tilespmem:$0x1FC40] =	vst v63  }
0xea: {  	_ =	swait.ge [sflag:s9], $0x1400  }
0xeb: {  	[sflag:s9] =	ssyncset.done $0x0  }
0xec: {  	s13 =	sadd.s32 $0x370, s12;
	[sflag:s9] =	ssyncadd.s32 $0xFFFFEC00  }
0xed: {  	[tilespmem:s29], [sflag:$0x6] =	stream.indirect.gather [hbm4b:s4+s18], $0x40, s13, s18, $0xb8;
	[tilespmem:$0x1FC40] =	vst v63  }
0xee: {  	v3 =	vld [tilespmem:s12+$0x50A0];
	_ =	sdelay $0x7  }
0xef: {  	[tilespmem:v3+s26+$0x0] =	vst.idx.add.f32.msk $0xffff, v2  }
0xf0: {  	v3 =	vld [tilespmem:s12+$0x50B0];
	_ =	sdelay $0x7  }
0xf1: {  	[tilespmem:v3+s26+$0x0] =	vst.idx.add.f32.msk $0xffff, v2  }
0xf2: {  	v3 =	vld [tilespmem:s12+$0x50C0];
	_ =	sdelay $0x7  }
0xf3: {  	[tilespmem:v3+s26+$0x0] =	vst.idx.add.f32.msk $0xffff, v2  }
0xf4: {  	v3 =	vld [tilespmem:s12+$0x50D0];
	_ =	sdelay $0x7  }
0xf5: {  	[tilespmem:v3+s26+$0x0] =	vst.idx.add.f32.msk $0xffff, v2  }
0xf6: {  	v3 =	vld [tilespmem:s12+$0x50E0];
	_ =	sdelay $0x7  }
0xf7: {  	[tilespmem:v3+s26+$0x0] =	vst.idx.add.f32.msk $0xffff, v2  }
0xf8: {  	_ =	swait.ge [sflag:s30], $0x1400  }
0xf9: {  	[sflag:s30] =	ssyncset.done $0x0  }
0xfa: {  	s13 =	sadd.s32 $0x50F0, s12;
	[sflag:s30] =	ssyncadd.s32 $0xFFFFEC00  }
0xfb: {  	[spmem:s2] =	stream.indirect.scatter.add.f32 [tilespmem:s25], [sflag:$0xA], $0x40, s13, s18, $0xb8;
	[tilespmem:$0x1FC40] =	vst v63  }
0xfc: {  	_ =	swait.ge [sflag:s24], $0x1400  }
0xfd: {  	[sflag:s24] =	ssyncset.done $0x0  }
0xfe: {  	s13 =	sadd.s32 $0x3C0, s12;
	[sflag:s24] =	ssyncadd.s32 $0xFFFFEC00  }
0xff: {  	[tilespmem:s19], [sflag:$0x1] =	stream.indirect.gather [hbm4b:s4+s18], $0x40, s13, s18, $0xb8;
	[tilespmem:$0x1FC40] =	vst v63  }
0x100: {  	v3 =	vld [tilespmem:s12+$0x50F0];
	_ =	sdelay $0x7  }
0x101: {  	[tilespmem:v3+s26+$0x0] =	vst.idx.add.f32.msk $0xffff, v2  }
0x102: {  	v3 =	vld [tilespmem:s12+$0x5100];
	_ =	sdelay $0x7  }
0x103: {  	[tilespmem:v3+s26+$0x0] =	vst.idx.add.f32.msk $0xffff, v2  }
0x104: {  	v3 =	vld [tilespmem:s12+$0x5110];
	_ =	sdelay $0x7  }
0x105: {  	[tilespmem:v3+s26+$0x0] =	vst.idx.add.f32.msk $0xffff, v2  }
0x106: {  	v3 =	vld [tilespmem:s12+$0x5120];
	_ =	sdelay $0x7  }
0x107: {  	[tilespmem:v3+s26+$0x0] =	vst.idx.add.f32.msk $0xffff, v2  }
0x108: {  	v3 =	vld [tilespmem:s12+$0x5130];
	_ =	sdelay $0x7  }
0x109: {  	[tilespmem:v3+s26+$0x0] =	vst.idx.add.f32.msk $0xffff, v2  }
0x10a: {  	_ =	swait.ge [sflag:s21], $0x1400  }
0x10b: {  	[sflag:s21] =	ssyncset.done $0x0  }
0x10c: {  	s13 =	sadd.s32 $0x5140, s12;
	[sflag:s21] =	ssyncadd.s32 $0xFFFFEC00  }
0x10d: {  	[spmem:s2] =	stream.indirect.scatter.add.f32 [tilespmem:s31], [sflag:$0xB], $0x40, s13, s18, $0xb8;
	[tilespmem:$0x1FC40] =	vst v63  }
0x10e: {  	_ =	swait.ge [sflag:s1], $0x1400  }
0x10f: {  	[sflag:s1] =	ssyncset.done $0x0  }
0x110: {  	s13 =	sadd.s32 $0x410, s12;
	[sflag:s1] =	ssyncadd.s32 $0xFFFFEC00  }
0x111: {  	[tilespmem:s20], [sflag:$0x2] =	stream.indirect.gather [hbm4b:s4+s18], $0x40, s13, s18, $0xb8;
	[tilespmem:$0x1FC40] =	vst v63  }
0x112: {  	v3 =	vld [tilespmem:s12+$0x5140];
	_ =	sdelay $0x7  }
0x113: {  	[tilespmem:v3+s26+$0x0] =	vst.idx.add.f32.msk $0xffff, v2  }
0x114: {  	v3 =	vld [tilespmem:s12+$0x5150];
	_ =	sdelay $0x7  }
0x115: {  	[tilespmem:v3+s26+$0x0] =	vst.idx.add.f32.msk $0xffff, v2  }
0x116: {  	v3 =	vld [tilespmem:s12+$0x5160];
	_ =	sdelay $0x7  }
0x117: {  	[tilespmem:v3+s26+$0x0] =	vst.idx.add.f32.msk $0xffff, v2  }
0x118: {  	v3 =	vld [tilespmem:s12+$0x5170];
	_ =	sdelay $0x7  }
0x119: {  	[tilespmem:v3+s26+$0x0] =	vst.idx.add.f32.msk $0xffff, v2  }
0x11a: {  	v3 =	vld [tilespmem:s12+$0x5180];
	_ =	sdelay $0x7  }
0x11b: {  	[tilespmem:v3+s26+$0x0] =	vst.idx.add.f32.msk $0xffff, v2  }
0x11c: {  	_ =	swait.ge [sflag:s5], $0x1400  }
0x11d: {  	[sflag:s5] =	ssyncset.done $0x0  }
0x11e: {  	s13 =	sadd.s32 $0x5190, s12;
	[sflag:s5] =	ssyncadd.s32 $0xFFFFEC00  }
0x11f: {  	[spmem:s2] =	stream.indirect.scatter.add.f32 [tilespmem:s29], [sflag:$0xC], $0x40, s13, s18, $0xb8;
	[tilespmem:$0x1FC40] =	vst v63  }
0x120: {  	_ =	swait.ge [sflag:s6], $0x1400  }
0x121: {  	[sflag:s6] =	ssyncset.done $0x0  }
0x122: {  	s13 =	sadd.s32 $0x460, s12;
	[sflag:s6] =	ssyncadd.s32 $0xFFFFEC00  }
0x123: {  	[tilespmem:s22], [sflag:$0x3] =	stream.indirect.gather [hbm4b:s4+s18], $0x40, s13, s18, $0xb8;
	[tilespmem:$0x1FC40] =	vst v63  }
0x124: {  	v3 =	vld [tilespmem:s12+$0x5190];
	_ =	sdelay $0x7  }
0x125: {  	[tilespmem:v3+s26+$0x0] =	vst.idx.add.f32.msk $0xffff, v2  }
0x126: {  	v3 =	vld [tilespmem:s12+$0x51A0];
	_ =	sdelay $0x7  }
0x127: {  	[tilespmem:v3+s26+$0x0] =	vst.idx.add.f32.msk $0xffff, v2  }
0x128: {  	v3 =	vld [tilespmem:s12+$0x51B0];
	_ =	sdelay $0x7  }
0x129: {  	[tilespmem:v3+s26+$0x0] =	vst.idx.add.f32.msk $0xffff, v2  }
0x12a: {  	v3 =	vld [tilespmem:s12+$0x51C0];
	_ =	sdelay $0x7  }
0x12b: {  	[tilespmem:v3+s26+$0x0] =	vst.idx.add.f32.msk $0xffff, v2  }
0x12c: {  	v3 =	vld [tilespmem:s12+$0x51D0];
	_ =	sdelay $0x2  }
0x12d: {  	p0 =	sne.s32 s11, $0x11D00  }
.Ltmp3:
0x12e: {  	_ = 	snop;
	(pc) =	sbr.rel @p0 .LBB2_8-.Ltmp3, $2  }
0x12f: {  	_ =	sdelay $0x2  }
0x130: {  	s11 =	sadd.s32 $0x780, s11;
	[tilespmem:v3+s26+$0x0] =	vst.idx.add.f32.msk $0xffff, v2  }
0x131: {  	_ =	swait.ge [sflag:s23], $0x1400  }
0x132: {  	[sflag:s23] =	ssyncset.done $0x0  }
0x133: {  	s11 =	simm.s32 $0x9920;
	[sflag:s23] =	ssyncadd.s32 $0xFFFFEC00  }
0x134: {  	[spmem:s2] =	stream.indirect.scatter.add.f32 [tilespmem:s19], [sflag:$0x7], $0x40, s11, s18, $0xb8;
	[tilespmem:$0x1FC40] =	vst v63  }
0x135: {  	_ =	swait.ge [sflag:s16], $0x1400  }
0x136: {  	[sflag:s16] =	ssyncset.done $0x0  }
0x137: {  	s12 =	simm.s32 $0x4BF0;
	[sflag:s16] =	ssyncadd.s32 $0xFFFFEC00  }
0x138: {  	[tilespmem:s25], [sflag:$0x4] =	stream.indirect.gather [hbm4b:s4+s18], $0x40, s12, s18, $0xb8;
	[tilespmem:$0x1FC40] =	vst v63  }
0x139: {  	v3 =	vld [tilespmem:$0x9920];
	_ =	sdelay $0x7  }
0x13a: {  	[tilespmem:v3+s26+$0x0] =	vst.idx.add.f32.msk $0xffff, v2  }
0x13b: {  	v3 =	vld [tilespmem:$0x9930];
	_ =	sdelay $0x7  }
0x13c: {  	[tilespmem:v3+s26+$0x0] =	vst.idx.add.f32.msk $0xffff, v2  }
0x13d: {  	v3 =	vld [tilespmem:$0x9940];
	_ =	sdelay $0x7  }
0x13e: {  	[tilespmem:v3+s26+$0x0] =	vst.idx.add.f32.msk $0xffff, v2  }
0x13f: {  	v3 =	vld [tilespmem:$0x9950];
	_ =	sdelay $0x7  }
0x140: {  	[tilespmem:v3+s26+$0x0] =	vst.idx.add.f32.msk $0xffff, v2  }
0x141: {  	v3 =	vld [tilespmem:$0x9960];
	_ =	sdelay $0x7  }
0x142: {  	[tilespmem:v3+s26+$0x0] =	vst.idx.add.f32.msk $0xffff, v2  }
0x143: {  	_ =	swait.ge [sflag:s28], $0x1400  }
0x144: {  	[sflag:s28] =	ssyncset.done $0x0  }
0x145: {  	s13 =	simm.s32 $0x9970;
	[sflag:s28] =	ssyncadd.s32 $0xFFFFEC00  }
0x146: {  	[spmem:s2] =	stream.indirect.scatter.add.f32 [tilespmem:s20], [sflag:$0x8], $0x40, s13, s18, $0xb8;
	[tilespmem:$0x1FC40] =	vst v63  }
0x147: {  	_ =	swait.ge [sflag:s8], $0x1400  }
0x148: {  	[sflag:s8] =	ssyncset.done $0x0  }
0x149: {  	s12 =	simm.s32 $0x4C40;
	[sflag:s8] =	ssyncadd.s32 $0xFFFFEC00  }
0x14a: {  	[tilespmem:s31], [sflag:$0x5] =	stream.indirect.gather [hbm4b:s4+s18], $0x40, s12, s18, $0xb8;
	[tilespmem:$0x1FC40] =	vst v63  }
0x14b: {  	v3 =	vld [tilespmem:$0x9970];
	_ =	sdelay $0x7  }
0x14c: {  	[tilespmem:v3+s26+$0x0] =	vst.idx.add.f32.msk $0xffff, v2  }
0x14d: {  	v3 =	vld [tilespmem:$0x9980];
	_ =	sdelay $0x7  }
0x14e: {  	[tilespmem:v3+s26+$0x0] =	vst.idx.add.f32.msk $0xffff, v2  }
0x14f: {  	v3 =	vld [tilespmem:$0x9990];
	_ =	sdelay $0x7  }
0x150: {  	[tilespmem:v3+s26+$0x0] =	vst.idx.add.f32.msk $0xffff, v2  }
0x151: {  	v3 =	vld [tilespmem:$0x99A0];
	_ =	sdelay $0x7  }
0x152: {  	[tilespmem:v3+s26+$0x0] =	vst.idx.add.f32.msk $0xffff, v2  }
0x153: {  	v3 =	vld [tilespmem:$0x99B0];
	_ =	sdelay $0x7  }
0x154: {  	[tilespmem:v3+s26+$0x0] =	vst.idx.add.f32.msk $0xffff, v2  }
0x155: {  	_ =	swait.ge [sflag:s0], $0x1400  }
0x156: {  	[sflag:s0] =	ssyncset.done $0x0  }
0x157: {  	s13 =	simm.s32 $0x99C0;
	[sflag:s0] =	ssyncadd.s32 $0xFFFFEC00  }
0x158: {  	[spmem:s2] =	stream.indirect.scatter.add.f32 [tilespmem:s22], [sflag:$0x9], $0x40, s13, s18, $0xb8;
	[tilespmem:$0x1FC40] =	vst v63  }
0x159: {  	_ =	swait.ge [sflag:s9], $0x1400  }
0x15a: {  	[sflag:s9] =	ssyncset.done $0x0  }
0x15b: {  	s12 =	simm.s32 $0x4C90;
	[sflag:s9] =	ssyncadd.s32 $0xFFFFEC00  }
0x15c: {  	[tilespmem:s29], [sflag:$0x6] =	stream.indirect.gather [hbm4b:s4+s18], $0x40, s12, s18, $0xb8;
	[tilespmem:$0x1FC40] =	vst v63  }
0x15d: {  	v3 =	vld [tilespmem:$0x99C0];
	_ =	sdelay $0x7  }
0x15e: {  	[tilespmem:v3+s26+$0x0] =	vst.idx.add.f32.msk $0xffff, v2  }
0x15f: {  	v3 =	vld [tilespmem:$0x99D0];
	_ =	sdelay $0x7  }
0x160: {  	[tilespmem:v3+s26+$0x0] =	vst.idx.add.f32.msk $0xffff, v2  }
0x161: {  	v3 =	vld [tilespmem:$0x99E0];
	_ =	sdelay $0x7  }
0x162: {  	[tilespmem:v3+s26+$0x0] =	vst.idx.add.f32.msk $0xffff, v2  }
0x163: {  	v3 =	vld [tilespmem:$0x99F0];
	_ =	sdelay $0x7  }
0x164: {  	[tilespmem:v3+s26+$0x0] =	vst.idx.add.f32.msk $0xffff, v2  }
0x165: {  	v3 =	vld [tilespmem:$0x9A00];
	_ =	sdelay $0x7  }
0x166: {  	[tilespmem:v3+s26+$0x0] =	vst.idx.add.f32.msk $0xffff, v2  }
0x167: {  	_ =	swait.ge [sflag:s30], $0x1400  }
0x168: {  	[sflag:s30] =	ssyncset.done $0x0  }
0x169: {  	s13 =	simm.s32 $0x9A10;
	[sflag:s30] =	ssyncadd.s32 $0xFFFFEC00  }
0x16a: {  	[spmem:s2] =	stream.indirect.scatter.add.f32 [tilespmem:s25], [sflag:$0xA], $0x40, s13, s18, $0xb8;
	[tilespmem:$0x1FC40] =	vst v63  }
0x16b: {  	_ =	swait.ge [sflag:s24], $0x1400  }
0x16c: {  	[sflag:s24] =	ssyncset.done $0x0  }
0x16d: {  	s12 =	simm.s32 $0x4CE0;
	[sflag:s24] =	ssyncadd.s32 $0xFFFFEC00  }
0x16e: {  	[tilespmem:s19], [sflag:$0x1] =	stream.indirect.gather [hbm4b:s4+s18], $0x40, s12, s18, $0xb8;
	[tilespmem:$0x1FC40] =	vst v63  }
0x16f: {  	v3 =	vld [tilespmem:$0x9A10];
	_ =	sdelay $0x7  }
0x170: {  	[tilespmem:v3+s26+$0x0] =	vst.idx.add.f32.msk $0xffff, v2  }
0x171: {  	v3 =	vld [tilespmem:$0x9A20];
	_ =	sdelay $0x7  }
0x172: {  	[tilespmem:v3+s26+$0x0] =	vst.idx.add.f32.msk $0xffff, v2  }
0x173: {  	v3 =	vld [tilespmem:$0x9A30];
	_ =	sdelay $0x7  }
0x174: {  	[tilespmem:v3+s26+$0x0] =	vst.idx.add.f32.msk $0xffff, v2  }
0x175: {  	v3 =	vld [tilespmem:$0x9A40];
	_ =	sdelay $0x7  }
0x176: {  	[tilespmem:v3+s26+$0x0] =	vst.idx.add.f32.msk $0xffff, v2  }
0x177: {  	v3 =	vld [tilespmem:$0x9A50];
	_ =	sdelay $0x7  }
0x178: {  	[tilespmem:v3+s26+$0x0] =	vst.idx.add.f32.msk $0xffff, v2  }
0x179: {  	_ =	swait.ge [sflag:s21], $0x1400  }
0x17a: {  	[sflag:s21] =	ssyncset.done $0x0  }
0x17b: {  	s13 =	simm.s32 $0x9A60;
	[sflag:s21] =	ssyncadd.s32 $0xFFFFEC00  }
0x17c: {  	[spmem:s2] =	stream.indirect.scatter.add.f32 [tilespmem:s31], [sflag:$0xB], $0x40, s13, s18, $0xb8;
	[tilespmem:$0x1FC40] =	vst v63  }
0x17d: {  	_ =	swait.ge [sflag:s1], $0x1400  }
0x17e: {  	[sflag:s1] =	ssyncset.done $0x0  }
0x17f: {  	s12 =	simm.s32 $0x4D30;
	[sflag:s1] =	ssyncadd.s32 $0xFFFFEC00  }
0x180: {  	[tilespmem:s20], [sflag:$0x2] =	stream.indirect.gather [hbm4b:s4+s18], $0x40, s12, s18, $0xb8;
	[tilespmem:$0x1FC40] =	vst v63  }
0x181: {  	v3 =	vld [tilespmem:$0x9A60];
	_ =	sdelay $0x7  }
0x182: {  	[tilespmem:v3+s26+$0x0] =	vst.idx.add.f32.msk $0xffff, v2  }
0x183: {  	v3 =	vld [tilespmem:$0x9A70];
	_ =	sdelay $0x7  }
0x184: {  	[tilespmem:v3+s26+$0x0] =	vst.idx.add.f32.msk $0xffff, v2  }
0x185: {  	v3 =	vld [tilespmem:$0x9A80];
	_ =	sdelay $0x7  }
0x186: {  	[tilespmem:v3+s26+$0x0] =	vst.idx.add.f32.msk $0xffff, v2  }
0x187: {  	v3 =	vld [tilespmem:$0x9A90];
	_ =	sdelay $0x7  }
0x188: {  	[tilespmem:v3+s26+$0x0] =	vst.idx.add.f32.msk $0xffff, v2  }
0x189: {  	v3 =	vld [tilespmem:$0x9AA0];
	_ =	sdelay $0x7  }
0x18a: {  	[tilespmem:v3+s26+$0x0] =	vst.idx.add.f32.msk $0xffff, v2  }
0x18b: {  	_ =	swait.ge [sflag:s5], $0x1400  }
0x18c: {  	[sflag:s5] =	ssyncset.done $0x0  }
0x18d: {  	s13 =	simm.s32 $0x9AB0;
	[sflag:s5] =	ssyncadd.s32 $0xFFFFEC00  }
0x18e: {  	[spmem:s2] =	stream.indirect.scatter.add.f32 [tilespmem:s29], [sflag:$0xC], $0x40, s13, s18, $0xb8;
	[tilespmem:$0x1FC40] =	vst v63  }
0x18f: {  	_ =	swait.ge [sflag:s6], $0x1400  }
0x190: {  	[sflag:s6] =	ssyncset.done $0x0  }
0x191: {  	s12 =	simm.s32 $0x4D80;
	[sflag:s6] =	ssyncadd.s32 $0xFFFFEC00  }
0x192: {  	[tilespmem:s22], [sflag:$0x3] =	stream.indirect.gather [hbm4b:s4+s18], $0x40, s12, s18, $0xb8;
	[tilespmem:$0x1FC40] =	vst v63  }
0x193: {  	v3 =	vld [tilespmem:$0x9AB0];
	_ =	sdelay $0x7  }
0x194: {  	[tilespmem:v3+s26+$0x0] =	vst.idx.add.f32.msk $0xffff, v2  }
0x195: {  	v3 =	vld [tilespmem:$0x9AC0];
	_ =	sdelay $0x7  }
0x196: {  	[tilespmem:v3+s26+$0x0] =	vst.idx.add.f32.msk $0xffff, v2  }
0x197: {  	v3 =	vld [tilespmem:$0x9AD0];
	_ =	sdelay $0x7  }
0x198: {  	[tilespmem:v3+s26+$0x0] =	vst.idx.add.f32.msk $0xffff, v2  }
0x199: {  	v3 =	vld [tilespmem:$0x9AE0];
	_ =	sdelay $0x7  }
0x19a: {  	[tilespmem:v3+s26+$0x0] =	vst.idx.add.f32.msk $0xffff, v2  }
0x19b: {  	v3 =	vld [tilespmem:$0x9AF0];
	_ =	sdelay $0x7  }
0x19c: {  	[tilespmem:v3+s26+$0x0] =	vst.idx.add.f32.msk $0xffff, v2  }
0x19d: {  	_ =	swait.ge [sflag:s23], $0x1400  }
0x19e: {  	[sflag:s23] =	ssyncset.done $0x0  }
0x19f: {  	s13 =	simm.s32 $0x9B00;
	[sflag:s23] =	ssyncadd.s32 $0xFFFFEC00  }
0x1a0: {  	[spmem:s2] =	stream.indirect.scatter.add.f32 [tilespmem:s19], [sflag:$0x7], $0x40, s13, s18, $0xb8;
	[tilespmem:$0x1FC40] =	vst v63  }
0x1a1: {  	_ =	swait.ge [sflag:s16], $0x1400  }
0x1a2: {  	[sflag:s16] =	ssyncset.done $0x0  }
0x1a3: {  	s12 =	simm.s32 $0x4DD0;
	[sflag:s16] =	ssyncadd.s32 $0xFFFFEC00  }
0x1a4: {  	[tilespmem:s25], [sflag:$0x4] =	stream.indirect.gather [hbm4b:s4+s18], $0x40, s12, s18, $0xb8;
	[tilespmem:$0x1FC40] =	vst v63  }
0x1a5: {  	v3 =	vld [tilespmem:$0x9B00];
	_ =	sdelay $0x7  }
0x1a6: {  	[tilespmem:v3+s26+$0x0] =	vst.idx.add.f32.msk $0xffff, v2  }
0x1a7: {  	v3 =	vld [tilespmem:$0x9B10];
	_ =	sdelay $0x7  }
0x1a8: {  	[tilespmem:v3+s26+$0x0] =	vst.idx.add.f32.msk $0xffff, v2  }
0x1a9: {  	v3 =	vld [tilespmem:$0x9B20];
	_ =	sdelay $0x7  }
0x1aa: {  	[tilespmem:v3+s26+$0x0] =	vst.idx.add.f32.msk $0xffff, v2  }
0x1ab: {  	v3 =	vld [tilespmem:$0x9B30];
	_ =	sdelay $0x7  }
0x1ac: {  	[tilespmem:v3+s26+$0x0] =	vst.idx.add.f32.msk $0xffff, v2  }
0x1ad: {  	v3 =	vld [tilespmem:$0x9B40];
	_ =	sdelay $0x7  }
0x1ae: {  	[tilespmem:v3+s26+$0x0] =	vst.idx.add.f32.msk $0xffff, v2  }
0x1af: {  	_ =	swait.ge [sflag:s28], $0x1400  }
0x1b0: {  	[sflag:s28] =	ssyncset.done $0x0  }
0x1b1: {  	s13 =	simm.s32 $0x9B50;
	[sflag:s28] =	ssyncadd.s32 $0xFFFFEC00  }
0x1b2: {  	[spmem:s2] =	stream.indirect.scatter.add.f32 [tilespmem:s20], [sflag:$0x8], $0x40, s13, s18, $0xb8;
	[tilespmem:$0x1FC40] =	vst v63  }
0x1b3: {  	_ =	swait.ge [sflag:s8], $0x1400  }
0x1b4: {  	[sflag:s8] =	ssyncset.done $0x0  }
0x1b5: {  	[sflag:s8] =	ssyncadd.s32 $0xFFFFEC00  }
0x1b6: {  	v3 =	vld [tilespmem:$0x9B50];
	_ =	sdelay $0x7  }
0x1b7: {  	[tilespmem:v3+s26+$0x0] =	vst.idx.add.f32.msk $0xffff, v2  }
0x1b8: {  	v3 =	vld [tilespmem:$0x9B60];
	_ =	sdelay $0x7  }
0x1b9: {  	[tilespmem:v3+s26+$0x0] =	vst.idx.add.f32.msk $0xffff, v2  }
0x1ba: {  	v3 =	vld [tilespmem:$0x9B70];
	_ =	sdelay $0x7  }
0x1bb: {  	[tilespmem:v3+s26+$0x0] =	vst.idx.add.f32.msk $0xffff, v2  }
0x1bc: {  	v3 =	vld [tilespmem:$0x9B80];
	_ =	sdelay $0x7  }
0x1bd: {  	[tilespmem:v3+s26+$0x0] =	vst.idx.add.f32.msk $0xffff, v2  }
0x1be: {  	v3 =	vld [tilespmem:$0x9B90];
	_ =	sdelay $0x7  }
0x1bf: {  	[tilespmem:v3+s26+$0x0] =	vst.idx.add.f32.msk $0xffff, v2  }
0x1c0: {  	_ =	swait.ge [sflag:s0], $0x1400  }
0x1c1: {  	[sflag:s0] =	ssyncset.done $0x0  }
0x1c2: {  	s12 =	simm.s32 $0x9BA0;
	[sflag:s0] =	ssyncadd.s32 $0xFFFFEC00  }
0x1c3: {  	[spmem:s2] =	stream.indirect.scatter.add.f32 [tilespmem:s22], [sflag:$0x9], $0x40, s12, s18, $0xb8;
	[tilespmem:$0x1FC40] =	vst v63  }
0x1c4: {  	_ =	swait.ge [sflag:s9], $0x1400  }
0x1c5: {  	[sflag:s9] =	ssyncset.done $0x0  }
0x1c6: {  	[sflag:s9] =	ssyncadd.s32 $0xFFFFEC00  }
0x1c7: {  	v3 =	vld [tilespmem:$0x9BA0];
	_ =	sdelay $0x7  }
0x1c8: {  	[tilespmem:v3+s26+$0x0] =	vst.idx.add.f32.msk $0xffff, v2  }
0x1c9: {  	v3 =	vld [tilespmem:$0x9BB0];
	_ =	sdelay $0x7  }
0x1ca: {  	[tilespmem:v3+s26+$0x0] =	vst.idx.add.f32.msk $0xffff, v2  }
0x1cb: {  	v3 =	vld [tilespmem:$0x9BC0];
	_ =	sdelay $0x7  }
0x1cc: {  	[tilespmem:v3+s26+$0x0] =	vst.idx.add.f32.msk $0xffff, v2  }
0x1cd: {  	v3 =	vld [tilespmem:$0x9BD0];
	_ =	sdelay $0x7  }
0x1ce: {  	[tilespmem:v3+s26+$0x0] =	vst.idx.add.f32.msk $0xffff, v2  }
0x1cf: {  	v3 =	vld [tilespmem:$0x9BE0];
	_ =	sdelay $0x7  }
0x1d0: {  	[tilespmem:v3+s26+$0x0] =	vst.idx.add.f32.msk $0xffff, v2  }
0x1d1: {  	_ =	swait.ge [sflag:s30], $0x1400  }
0x1d2: {  	[sflag:s30] =	ssyncset.done $0x0  }
0x1d3: {  	s13 =	simm.s32 $0x9BF0;
	[sflag:s30] =	ssyncadd.s32 $0xFFFFEC00  }
0x1d4: {  	[spmem:s2] =	stream.indirect.scatter.add.f32 [tilespmem:s25], [sflag:$0xA], $0x40, s13, s18, $0xb8;
	[tilespmem:$0x1FC40] =	vst v63  }
0x1d5: {  	_ =	swait.ge [sflag:s24], $0x1400  }
0x1d6: {  	[sflag:s24] =	ssyncset.done $0x0  }
0x1d7: {  	[sflag:s24] =	ssyncadd.s32 $0xFFFFEC00  }
0x1d8: {  	v3 =	vld [tilespmem:$0x9BF0];
	_ =	sdelay $0x7  }
0x1d9: {  	[tilespmem:v3+s26+$0x0] =	vst.idx.add.f32.msk $0xffff, v2  }
0x1da: {  	v3 =	vld [tilespmem:$0x9C00];
	_ =	sdelay $0x7  }
0x1db: {  	[tilespmem:v3+s26+$0x0] =	vst.idx.add.f32.msk $0xffff, v2  }
0x1dc: {  	v3 =	vld [tilespmem:$0x9C10];
	_ =	sdelay $0x7  }
0x1dd: {  	[tilespmem:v3+s26+$0x0] =	vst.idx.add.f32.msk $0xffff, v2  }
0x1de: {  	v3 =	vld [tilespmem:$0x9C20];
	_ =	sdelay $0x7  }
0x1df: {  	[tilespmem:v3+s26+$0x0] =	vst.idx.add.f32.msk $0xffff, v2  }
0x1e0: {  	v3 =	vld [tilespmem:$0x9C30];
	_ =	sdelay $0x7  }
0x1e1: {  	[tilespmem:v3+s26+$0x0] =	vst.idx.add.f32.msk $0xffff, v2  }
0x1e2: {  	_ =	swait.ge [sflag:s1], $0x1400  }
0x1e3: {  	[sflag:s1] =	ssyncset.done $0x0  }
0x1e4: {  	[sflag:s1] =	ssyncadd.s32 $0xFFFFEC00  }
0x1e5: {  	_ =	swait.ge [sflag:s6], $0x1400  }
0x1e6: {  	[sflag:s6] =	ssyncset.done $0x0  }
0x1e7: {  	[sflag:s6] =	ssyncadd.s32 $0xFFFFEC00  }
0x1e8: {  	_ =	swait.ge [sflag:s16], $0x1400  }
0x1e9: {  	[sflag:s16] =	ssyncset.done $0x0  }
0x1ea: {  	s12 =	stileid.u32;
	[sflag:s16] =	ssyncadd.s32 $0xFFFFEC00  }
0x1eb: {  	s11 =	sshll.u32 s12, $0x6;
	[bflag:$0x0] =	sbarrier.arrive $0xFFFF  }
0x1ec: {  	s12 =	sshrl.u32 s7, $0x3;
	s11 =	sor.u32 $0x1C0D, s11;
	s13 =	rddreg [dreg:$0x9]  }
0x1ed: {  	[hbm:s13], [sflag:s11] =	dma.local [spmem:s12], $0x1400  }
0x1ee: {  	s10 =	sadd.s32 $0x1, s10;
	_ =	swait.ge [sflag:s15], $0x1400  }
0x1ef: {  	p0 =	sne.s32 s10, s14;
	[sflag:s15] =	ssyncset.done $0x0  }
.Ltmp4:
0x1f0: {  	s13 =	rddreg [dreg:$0xa];
	[sflag:s15] =	ssyncadd.s32 $0xFFFFEC00;
	(pc) =	sbr.rel @p0 .LBB2_1-.Ltmp4, $4  }
0x1f1: {  	[hbm4b:s13+s3] =	stream.linear.scatter [tilespmem:s26], [sflag:$0xD], $0x2800, $0x38;
	[tilespmem:$0x1FC40] =	vst v63  }
0x1f2: {  	_ =	swait.ge [sflag:s15], $0x2800  }
0x1f3: {  	[sflag:s15] =	ssyncset.done $0x0  }
0x1f4: {  	[sflag:s15] =	ssyncadd.s32 $0xFFFFD800  }
0x1f5: {  	_ =	sfence.sel $0x180000  }
0x1f6: {  	[bflag:$0x0] =	sbarrier.arrive $0xFFFF  }
0x1f7: {  	_ =	strace $0x90000047  }
0x1f8: {  	s0 =	stileid.u32;
	[bflag:$0x2] =	sbarrier.arrive $0xFFFF  }
0x1f9: {  	p0 =	sne.s32 s0, $0x0;
	s0 =	rddreg [dreg:$0x2]  }
0x1fa: {  	s0 =	sadd.s32 @!p0 $0x100000, s0  }
0x1fb: {  	[sflag:s0] =	ssyncadd.tile.s32 @!p0 $0x1;
	_ =	shalt  }
.Lfunc_end2:
_tile_overlayer_lowered:
.L_overlay_start_2:
0x1fc: {  	(tag) =	ssettag $0x2  }
0x1fd: {  	s0 =	rddreg [dreg:$0x0];
	s2 =	stileid.u32  }
0x1fe: {  	s1 =	rddreg [dreg:$0x1];
	p0 =	sne.s32 s2, $0x0  }
0x1ff: {  	s3 =	rddreg [dreg:$0x2];
	[bflag:$0x3] =	sbarrier.arrive $0xFFFF;
	s2 =	simm.s32 @!p0 $0x1C0D  }
0x200: {  	[timem:s3], [sflag:s2] =	dma.local @!p0 [hbm:s0], s1  }
0x201: {  	s0 =	simm.s32 @!p0 $0xD  }
0x202: {  	_ =	swait.ge @!p0 [sflag:s0], s1  }
0x203: {  	s1 =	ssub.s32 @!p0 $0x0, s1;
	[sflag:s0] =	ssyncset.done @!p0 $0x0  }
0x204: {  	[sflag:s0] =	ssyncadd.s32 @!p0 s1  }
0x205: {  	[bflag:$0x3] =	sbarrier.arrive $0xFFFF  }
0x206: {  	_ =	shalt  }

// kernel: kernel.9.cloned.1.call-start
scs
__scs_entry_jumppad:
0x0: {  	(pc) =	sbr.rel $0x88, $3  }
0x1: {  	(tag) =	ssettag $0x0;
	lr =	simm.s32 $0x1  }
0x2: {  	[smem:$0x3F8D] =	sst lr;
	_ =	strace $0xD0000000  }
0x3: {  	_ = 	snop  }
0x4: {  	_ = 	snop  }
0x5: {  	_ = 	snop  }
0x6: {  	_ = 	snop  }
0x7: {  	_ = 	snop  }
__scs_overlays_trampoline_lowered:
0x8: {  	[smem:$0x3F9C] =	sst s0  }
0x9: {  	[smem:$0x3F9D] =	sst s1  }
0xa: {  	[smem:$0x3F9E] =	sst s2  }
0xb: {  	[smem:$0x3F9F] =	sst s3  }
0xc: {  	[smem:$0x3FA0] =	sst s4  }
0xd: {  	[smem:$0x3FA1] =	sst s5  }
0xe: {  	[smem:$0x3FA2] =	sst s6  }
0xf: {  	[smem:$0x3FA3] =	sst s7  }
0x10: {  	[smem:$0x3FA4] =	sst s8  }
0x11: {  	[smem:$0x3FA5] =	sst s9;
	s0 =	simm.s32 @!p0 $0x0  }
0x12: {  	s1 =	sld [smem:$0x3F8B];
	s0 =	simm.s32 @p0 $0x1  }
0x13: {  	[smem:$0x3FA6] =	sst s0;
	s0 =	simm.s32 @!p1 $0x0  }
0x14: {  	s2 =	sld [smem:$0x3F8A];
	s0 =	simm.s32 @p1 $0x1  }
0x15: {  	[smem:$0x3FA7] =	sst s0;
	s0 =	simm.s32 @!p2 $0x0  }
0x16: {  	s3 =	sld [smem:$0x3FDB];
	s0 =	simm.s32 @p2 $0x1  }
0x17: {  	s4 =	simm.s32 $0x1BF5;
	[smem:$0x3FA9] =	sst s0  }
0x18: {  	s0 =	sld [smem:$0x3F8C];
	_ =	swait.ge [sflag:s4], $0x0  }
0x19: {  	s7 =	sld [smem:$0x3F8D]  }
0x1a: {  	s8 =	sadd.s32 $0xFFFFE003, lr  }
0x1b: {  	s9 =	sadd.s32 $0xFFFFFEF7, lr;
	s5 =	simm.s32 $0xFFFFFFFF;
	p2 =	slt.u32 s8, $0xFFFFF086  }
0x1c: {  	p1 =	slt.u32 s9, $0xF7A;
	s5 =	simm.s32 @!p2 $0x0  }
0x1d: {  	s5 =	simm.s32 @p1 $0x1;
	p0 =	seq.s32 s7, s2  }
0x1e: {  	s7 =	smul.u32 @!p0 $0xF7A, s2;
	p2 =	seq.s32 @!p0 s5, $0x0  }
0x1f: {  	s9 =	smul.u32 $0xF7A, s1;
	s8 =	simm.s32 @!p0 $0x1BF5;
	p2 =	por !p2, p0  }
0x20: {  	[sflag:s8] =	ssyncset.s32 @!p0 $0xFFFFF086;
	s6 =	sadd.s32 @!p0 s3, s7;
	s7 =	simm.s32 @!p0 $0x108  }
0x21: {  	s3 =	sadd.s32 s3, s9;
	s6 =	sadd.s32 @!p0 $0x88, s6;
	s7 =	simm.s32 @p2 $0x1082  }
0x22: {  	[simem:s7], [sflag:s8] =	dma.local @!p0 [hbm:s6], $0xF7A  }
0x23: {  	s9 =	sor.u32 $0xD0000000, s2;
	s6 =	simm.s32 $0x108;
	_ =	swait.ge @!p0 [sflag:s8], $0x0  }
0x24: {  	s3 =	sadd.s32 $0x88, s3;
	s6 =	simm.s32 @!p1 $0x1082;
	[sflag:s4] =	ssyncset.s32 $0xFFFFF086  }
0x25: {  	[simem:s6], [sflag:s4] =	dma.local [hbm:s3], $0xF7A  }
0x26: {  	[smem:$0x3F8D] =	sst s1;
	(tag) =	ssettag s2;
	_ =	strace s9  }
0x27: {  	s1 =	sld [smem:$0x3F9D]  }
0x28: {  	s2 =	sld [smem:$0x3F9E]  }
0x29: {  	s4 =	sld [smem:$0x3FA0]  }
0x2a: {  	p0 =	seq.s32 s5, $0x0;
	s5 =	sld [smem:$0x3FA1]  }
0x2b: {  	s6 =	sld [smem:$0x3FA2]  }
0x2c: {  	s7 =	sld [smem:$0x3FA3]  }
0x2d: {  	s3 =	simm.s32 $0x108;
	s8 =	sld [smem:$0x3FA4]  }
0x2e: {  	s3 =	simm.s32 @!p0 $0x1082;
	s9 =	sld [smem:$0x3FA5]  }
0x2f: {  	lr =	sadd.s32 s0, s3;
	s0 =	sld [smem:$0x3F9C]  }
0x30: {  	s3 =	sld [smem:$0x3F9F]  }
0x31: {  	[smem:$0x3FA8] =	sst s10  }
0x32: {  	s10 =	sld [smem:$0x3FA6];
	_ =	sdelay $0x3  }
0x33: {  	p0 =	seq.s32 s10, $0x1;
	s10 =	sld [smem:$0x3FA8];
	_ =	sdelay $0x3  }
0x34: {  	[smem:$0x3FA8] =	sst s10  }
0x35: {  	s10 =	sld [smem:$0x3FA7];
	_ =	sdelay $0x3  }
0x36: {  	p1 =	seq.s32 s10, $0x1;
	s10 =	sld [smem:$0x3FA8];
	_ =	sdelay $0x3  }
0x37: {  	[smem:$0x3FA8] =	sst s10  }
0x38: {  	s10 =	sld [smem:$0x3FA9]  }
0x39: {  	_ = 	snop;
	(pc) =	sbr.ind lr, $3  }
0x3a: {  	_ = 	snop  }
0x3b: {  	_ = 	snop  }
0x3c: {  	p2 =	seq.s32 s10, $0x1;
	s10 =	sld [smem:$0x3FA8]  }
0x3d: {  	_ =	shalt  }
0x3e: {  	_ =	shalt  }
0x3f: {  	_ =	shalt  }
0x40: {  	_ =	shalt  }
0x41: {  	_ =	shalt  }
0x42: {  	_ =	shalt  }
0x43: {  	_ =	shalt  }
0x44: {  	_ =	shalt  }
0x45: {  	_ =	shalt  }
0x46: {  	_ =	shalt  }
0x47: {  	_ =	shalt  }
0x48: {  	_ =	shalt  }
0x49: {  	_ =	shalt  }
0x4a: {  	_ =	shalt  }
0x4b: {  	_ =	shalt  }
0x4c: {  	_ =	shalt  }
0x4d: {  	_ =	shalt  }
0x4e: {  	_ =	shalt  }
0x4f: {  	_ =	shalt  }
0x50: {  	_ =	shalt  }
0x51: {  	_ =	shalt  }
0x52: {  	_ =	shalt  }
0x53: {  	_ =	shalt  }
0x54: {  	_ =	shalt  }
0x55: {  	_ =	shalt  }
0x56: {  	_ =	shalt  }
0x57: {  	_ =	shalt  }
0x58: {  	_ =	shalt  }
0x59: {  	_ =	shalt  }
0x5a: {  	_ =	shalt  }
0x5b: {  	_ =	shalt  }
0x5c: {  	_ =	shalt  }
0x5d: {  	_ =	shalt  }
0x5e: {  	_ =	shalt  }
0x5f: {  	_ =	shalt  }
0x60: {  	_ =	shalt  }
0x61: {  	_ =	shalt  }
0x62: {  	_ =	shalt  }
0x63: {  	_ =	shalt  }
0x64: {  	_ =	shalt  }
0x65: {  	_ =	shalt  }
0x66: {  	_ =	shalt  }
0x67: {  	_ =	shalt  }
0x68: {  	_ =	shalt  }
0x69: {  	_ =	shalt  }
0x6a: {  	_ =	shalt  }
0x6b: {  	_ =	shalt  }
0x6c: {  	_ =	shalt  }
0x6d: {  	_ =	shalt  }
0x6e: {  	_ =	shalt  }
0x6f: {  	_ =	shalt  }
0x70: {  	_ =	shalt  }
0x71: {  	_ =	shalt  }
0x72: {  	_ =	shalt  }
0x73: {  	_ =	shalt  }
0x74: {  	_ =	shalt  }
0x75: {  	_ =	shalt  }
0x76: {  	_ =	shalt  }
0x77: {  	_ =	shalt  }
0x78: {  	_ =	shalt  }
0x79: {  	_ =	shalt  }
0x7a: {  	_ =	shalt  }
0x7b: {  	_ =	shalt  }
0x7c: {  	_ =	shalt  }
0x7d: {  	_ =	shalt  }
0x7e: {  	_ =	shalt  }
0x7f: {  	_ =	shalt  }
0x80: {  	_ =	shalt  }
0x81: {  	_ =	shalt  }
0x82: {  	_ =	shalt  }
0x83: {  	_ =	shalt  }
0x84: {  	_ =	shalt  }
0x85: {  	_ =	shalt  }
0x86: {  	_ =	shalt  }
0x87: {  	_ =	shalt  }
.Lfunc_end0:
.L_simem_size_0:
called_computation.1_lowered:
.L_overlay_start_0:
0x88: {  	s2 =	sld [smem:$0x3FD9]  }
0x89: {  	s3 =	sld [smem:$0x3FFE];
	_ =	sdelay $0x1  }
0x8a: {  	s1 =	srdreg.scid  }
0x8b: {  	s0 =	sand.u32 $0x1, s1  }
0x8c: {  	s16 =	sshll.u32 s0, $0xA;
	s2 =	sadd.s32 s3, s2  }
0x8d: {  	s2 =	sadd.s32 s2, s16  }
0x8e: {  	[smem:$0x3FB4] =	sst s2  }
0x8f: {  	_ = 	snop  }
0x90: {  	(tm) =	ssettm $0x1  }
0x91: {  	s17 =	sld [smem:$0x3FFB];
	_ =	sdelay $0x3  }
0x92: {  	_ =	strace s17  }
0x93: {  	s2 =	sld [smem:$0x3FFC];
	_ =	sdelay $0x3  }
0x94: {  	_ =	strace s2  }
0x95: {  	s2 =	sld [smem:$0x3FFD];
	_ =	sdelay $0x3  }
0x96: {  	_ =	strace s2  }
0x97: {  	_ =	strace $0x8FFFFFFF  }
0x98: {  	s18 =	sld [smem:$0x3FDB];
	_ =	sdelay $0x1  }
0x99: {  	s19 =	simm.s32 $_scs_section_size  }
0x9a: {  	s4 =	simm.s32 $_size__tile_overlayer_lowered;
	s5 =	simm.s32 $_tile_overlayer_lowered  }
0x9b: {  	s22 =	simm.s32 $0x1BFF;
	s21 =	sshll.u32 s5, $0x1;
	s2 =	sadd.s32 s19, s18  }
0x9c: {  	s6 =	simm.s32 $0x0;
	s20 =	sshll.u32 s4, $0x1;
	s4 =	sadd.s32 s21, s2  }
0x9d: {  	[timem:s6], [sflag:s22] =	dma.local [hbm:s4], s20  }
0x9e: {  	_ =	swait.ge [sflag:s22], s20  }
0x9f: {  	s3 =	ssub.s32 $0x0, s20;
	[sflag:s22] =	ssyncset.done $0x0  }
0xa0: {  	[sflag:s22] =	ssyncadd.s32 s3;
	_ =	sdelay $0x1  }
0xa1: {  	s23 =	simm.s32 $0x1B8B  }
0xa2: {  	_ =	swait.ge [sflag:s23], $0x1  }
0xa3: {  	[sflag:s23] =	ssyncset.done $0x0  }
0xa4: {  	s25 =	simm.s32 $0x1B8E;
	s24 =	sld [smem:$0x3FFE];
	[sflag:s23] =	ssyncadd.s32 $0xFFFFFFFF  }
0xa5: {  	s26 =	simm.s32 $execute0_lowered;
	[smem:$0x3FD2] =	sst s25  }
0xa6: {  	s4 =	sshll.u32 s26, $0x1;
	_ =	strace $0x80000049;
	[dreg:$0x1] =	wrdreg $0xFFFFFFFF  }
0xa7: {  	s28 =	simm.s32 $_size_execute0_lowered;
	s2 =	sadd.s32 s2, s4;
	[dreg:$0x0] =	wrdreg $0x0  }
0xa8: {  	s4 =	sshll.u32 s28, $0x1;
	[dreg:$0x2] =	wrdreg s2  }
0xa9: {  	[dreg:$0x3] =	wrdreg s4  }
0xaa: {  	[dreg:$0x4] =	wrdreg $0xC0  }
0xab: {  	_ =	task [dreg:s6], $0x5FFFF  }
0xac: {  	[dreg:$0x1] =	wrdreg $0xFFFFFFFF  }
0xad: {  	[dreg:$0x0] =	wrdreg $0x60  }
0xae: {  	[dreg:$0x2] =	wrdreg s24  }
0xaf: {  	[dreg:$0x3] =	wrdreg $0x11AE00  }
0xb0: {  	[dreg:$0x4] =	wrdreg $0x9  }
0xb1: {  	_ =	task.clear_ibuf [dreg:s6], $0x5FFFF;
	_ =	strace $0x90000049  }
0xb2: {  	s29 =	simm.s32 $0x9;
	_ =	strace $0x8000004B  }
0xb3: {  	_ =	swait.ge [sflag:s29], $0x1  }
0xb4: {  	[sflag:s29] =	ssyncadd.s32 $0xFFFFFFFF  }
0xb5: {  	_ =	strace $0x9000004B  }
0xb6: {  	_ =	sfence  }
0xb7: {  	s30 =	sld [smem:$0x0];
	_ =	sdelay $0x2  }
0xb8: {  	s31 =	sshll.u32 s1, $0xD;
	s1 =	sshrl.u32 s1, $0x2  }
0xb9: {  	s3 =	sand.u32 $0x4000, s31;
	s1 =	sadd.s32 s1, s30  }
0xba: {  	s0 =	sor.u32 s3, s0;
	s1 =	sshll.u32 s1, $0x11  }
0xbb: {  	s0 =	sor.u32 s1, s0  }
0xbc: {  	s0 =	sadd.s32 $0x8F2B, s0  }
0xbd: {  	[sflag:s0] =	ssyncadd.remote.s32 $0x1  }
0xbe: {  	_ =	sfence.sel $0xFFFF  }
0xbf: {  	[dreg:$0x0] =	wrdreg $0xFFFFFFFF;
	(pc) =	sbr.abs _section_cstart, $3  }
0xc0: {  	[dreg:$0x1] =	wrdreg $0xFFFFFFFF  }
0xc1: {  	_ =	task.clear_ibuf [dreg:s6], $0x2FFFF;
	_ =	strace $0x9FFFFFFF  }
0xc2: {  	(tm) =	ssettm $0x7FFFFFFF  }
0xc3: {  	_ =	shalt  }
tec
execute0_lowered:
.L_overlay_start_1:
0x0: {  	(tag) =	ssettag $0x1  }
0x1: {  	s0 =	rddreg [dreg:$0x0]  }
0x2: {  	s1 =	srdreg.scid;
	s13 =	stileid.u32  }
0x3: {  	s2 =	rddreg [dreg:$0x1];
	s3 =	simm.s32 $0x0;
	s29 =	simm.s32 $0x8A20  }
0x4: {  	s30 =	simm.s32 $0x2;
	s28 =	simm.s32 $0x4;
	s31 =	simm.s32 $0x7  }
0x5: {  	s14 =	simm.s32 $0xFA60;
	s15 =	simm.s32 $0xFAE0;
	s16 =	simm.s32 $0x0  }
0x6: {  	s1 =	sand.u32 $0x1, s1;
	s4 =	sshll.u32 s13, $0x1;
	[smem:$0x7FF] =	sst s3  }
0x7: {  	s7 =	sadd.s32 $0x3A00, s0;
	s17 =	sadd.s32 $0x71600, s0;
	s8 =	smul.u32 $0x28000, s13  }
0x8: {  	s9 =	sshll.u32 s13, $0xA;
	s24 =	sshll.u32 s13, $0x4;
	s5 =	sor.u32 s1, s4  }
0x9: {  	_ =	strace $0x8000004A;
	s4 =	sadd.s32 $0x3F600, s0;
	[dreg:$0x3] =	wrdreg s7  }
0xa: {  	s11 =	ssub.s32 $0x2, s1;
	s9 =	sadd.s32 s9, s0;
	s6 =	smul.u32 $0x4E2, s5  }
0xb: {  	s1 =	sshll.u32 s1, $0xE;
	s7 =	simm.s32 $0x8;
	s10 =	smul.u32 $0x280, s5  }
0xc: {  	s12 =	sshrl.u32 s11, $0x1;
	s8 =	sshrl.u32 s8, $0x2;
	s5 =	sshll.u32 s5, $0x3  }
0xd: {  	s1 =	sadd.s32 s1, s9;
	s9 =	simm.s32 $0x9;
	s18 =	ssub.s32 s11, s12  }
0xe: {  	s8 =	sadd.s32 s8, s2;
	s5 =	sadd.s32 s17, s5;
	s25 =	sadd.s32 $0x1CA00, s1  }
0xf: {  	s1 =	simm.s32 $0xB220;
	s11 =	simm.s32 $0xB;
	s12 =	simm.s32 $0xC  }
0x10: {  	s6 =	sadd.s32 s6, s0;
	s0 =	sadd.s32 s10, s0;
	[dreg:$0x4] =	wrdreg s8  }
0x11: {  	s20 =	sadd.s32 $0x2000, s8;
	s21 =	sadd.s32 $0x4000, s8;
	[dreg:$0xb] =	wrdreg s5  }
0x12: {  	s22 =	sadd.s32 $0x6000, s8;
	s23 =	sadd.s32 $0x8000, s8;
	[dreg:$0xe] =	wrdreg s25  }
0x13: {  	s26 =	smax.u32 s18, $0x1;
	s18 =	simm.s32 $0xD;
	[dreg:$0x7] =	wrdreg s20  }
0x14: {  	s25 =	simm.s32 $0x7620;
	s5 =	simm.s32 $0x5;
	[dreg:$0x8] =	wrdreg s21  }
0x15: {  	s8 =	simm.s32 $0x6;
	s10 =	simm.s32 $0xA;
	[dreg:$0x9] =	wrdreg s22  }
0x16: {  	s19 =	sadd.s32 $0x35800, s6;
	s6 =	sadd.s32 $0x2BA00, s6;
	[dreg:$0xa] =	wrdreg s23  }
0x17: {  	s0 =	sadd.s32 $0x24A00, s0;
	[dreg:$0xf] =	wrdreg s26;
	s20 =	simm.s32 $0xC620  }
0x18: {  	s21 =	simm.s32 $0x50;
	s22 =	simm.s32 $0x4E20;
	[dreg:$0x5] =	wrdreg s19  }
0x19: {  	s23 =	simm.s32 $0x6220;
	s26 =	simm.s32 $0x1;
	[dreg:$0x6] =	wrdreg s6  }
0x1a: {  	[dreg:$0xc] =	wrdreg s0;
	s0 =	sadd.s32 s17, s24;
	s24 =	simm.s32 $0x3  }
0x1b: {  	v0 =	vimm.f32 $0.0e+00;
	s19 =	simm.s32 $0xE660;
	[dreg:$0xd] =	wrdreg s0;
	s0 =	simm.s32 $0x9E20  }
.LBB2_1:
0x1c: {  	s6 =	rddreg [dreg:$0x5]  }
0x1d: {  	[tilespmem:s3], [sflag:$0xD] =	stream.linear.gather [hbm4b:s6+s3], $0x2710, $0x38;
	[tilespmem:$0x1BAE0] =	vst v63  }
0x1e: {  	_ =	swait.ge [sflag:s18], $0x2710  }
0x1f: {  	[sflag:s18] =	ssyncset.done $0x0  }
0x20: {  	s13 =	simm.s32 $0x2710;
	s17 =	rddreg [dreg:$0x6];
	[sflag:s18] =	ssyncadd.s32 $0xFFFFD8F0  }
0x21: {  	[tilespmem:s13], [sflag:$0xD] =	stream.linear.gather [hbm4b:s17+s3], $0x2710, $0x38;
	[tilespmem:$0x1BAE0] =	vst v63  }
0x22: {  	_ =	swait.ge [sflag:s18], $0x2710  }
0x23: {  	[sflag:s18] =	ssyncset.done $0x0  }
0x24: {  	s6 =	simm.s32 $0x0;
	s17 =	simm.s32 $0x100;
	[sflag:s18] =	ssyncadd.s32 $0xFFFFD8F0  }
.LBB2_2:
0x25: {  	p0 =	sne.s32 s17, $0x7F00;
	[tilespmem:s6+$0xC650] =	vst v0;
	s13 =	smov.u32 s17;
	s17 =	sadd.s32 $0x100, s17  }
.Ltmp0:
0x26: {  	[tilespmem:s6+$0xC640] =	vst v0;
	(pc) =	sbr.rel @p0 .LBB2_2-.Ltmp0, $3  }
0x27: {  	[tilespmem:s6+$0xC620] =	vst v0  }
0x28: {  	[tilespmem:s6+$0xC630] =	vst v0;
	_ =	sdelay $0x1  }
0x29: {  	s6 =	sshra.s32 s13, $0x2  }
0x2a: {  	[tilespmem:s6+$0xC650] =	vst v0  }
0x2b: {  	[tilespmem:s6+$0xC640] =	vst v0  }
0x2c: {  	[tilespmem:s6+$0xC620] =	vst v0  }
0x2d: {  	[tilespmem:s6+$0xC630] =	vst v0;
	s13 =	rddreg [dreg:$0x4]  }
0x2e: {  	[spmem:s13] =	stream.linear.scatter [tilespmem:s20], [sflag:$0xD], $0x2000, $0x38;
	[tilespmem:$0x1BAE0] =	vst v63  }
0x2f: {  	_ =	swait.ge [sflag:s18], $0x2000  }
0x30: {  	[sflag:s18] =	ssyncset.done $0x0  }
0x31: {  	s17 =	rddreg [dreg:$0x7];
	[sflag:s18] =	ssyncadd.s32 $0xFFFFE000  }
0x32: {  	[spmem:s17] =	stream.linear.scatter [tilespmem:s20], [sflag:$0xD], $0x2000, $0x38;
	[tilespmem:$0x1BAE0] =	vst v63  }
0x33: {  	_ =	swait.ge [sflag:s18], $0x2000  }
0x34: {  	[sflag:s18] =	ssyncset.done $0x0  }
0x35: {  	s13 =	rddreg [dreg:$0x8];
	[sflag:s18] =	ssyncadd.s32 $0xFFFFE000  }
0x36: {  	[spmem:s13] =	stream.linear.scatter [tilespmem:s20], [sflag:$0xD], $0x2000, $0x38;
	[tilespmem:$0x1BAE0] =	vst v63  }
0x37: {  	_ =	swait.ge [sflag:s18], $0x2000  }
0x38: {  	[sflag:s18] =	ssyncset.done $0x0  }
0x39: {  	s17 =	rddreg [dreg:$0x9];
	[sflag:s18] =	ssyncadd.s32 $0xFFFFE000  }
0x3a: {  	[spmem:s17] =	stream.linear.scatter [tilespmem:s20], [sflag:$0xD], $0x2000, $0x38;
	[tilespmem:$0x1BAE0] =	vst v63  }
0x3b: {  	_ =	swait.ge [sflag:s18], $0x2000  }
0x3c: {  	[sflag:s18] =	ssyncset.done $0x0  }
0x3d: {  	s13 =	rddreg [dreg:$0xa];
	[sflag:s18] =	ssyncadd.s32 $0xFFFFE000  }
0x3e: {  	[spmem:s13] =	stream.linear.scatter [tilespmem:s20], [sflag:$0xD], $0x2000, $0x38;
	[tilespmem:$0x1BAE0] =	vst v63  }
0x3f: {  	_ =	swait.ge [sflag:s18], $0x2000  }
0x40: {  	[sflag:s18] =	ssyncset.done $0x0  }
0x41: {  	[sflag:s18] =	ssyncadd.s32 $0xFFFFE000  }
0x42: {  	s17 =	simm.s32 $0x0;
	[bflag:$0x0] =	sbarrier.arrive $0xFFFF  }
0x43: {  	[tilespmem:s22], [sflag:$0x1] =	stream.indirect.gather [hbm4b:s4+s21], $0x40, s17, s21, $0xb8;
	[tilespmem:$0x1BAE0] =	vst v63  }
0x44: {  	_ = 	snop  }
0x45: {  	[tilespmem:s23], [sflag:$0x2] =	stream.indirect.gather [hbm4b:s4+s21], $0x40, s21, s21, $0xb8;
	[tilespmem:$0x1BAE0] =	vst v63  }
0x46: {  	s13 =	simm.s32 $0xA0  }
0x47: {  	[tilespmem:s25], [sflag:$0x3] =	stream.indirect.gather [hbm4b:s4+s21], $0x40, s13, s21, $0xb8;
	[tilespmem:$0x1BAE0] =	vst v63  }
0x48: {  	_ =	swait.ge [sflag:s26], $0x1400  }
0x49: {  	[sflag:s26] =	ssyncset.done $0x0  }
0x4a: {  	s17 =	simm.s32 $0x2710;
	[sflag:s26] =	ssyncadd.s32 $0xFFFFEC00  }
0x4b: {  	[spmem:s2] =	stream.indirect.scatter.add.f32 [tilespmem:s22], [sflag:$0x7], $0x40, s17, s21, $0xb8;
	[tilespmem:$0x1BAE0] =	vst v63  }
0x4c: {  	s13 =	simm.s32 $0xF0  }
0x4d: {  	[tilespmem:s29], [sflag:$0x4] =	stream.indirect.gather [hbm4b:s4+s21], $0x40, s13, s21, $0xb8;
	[tilespmem:$0x1BAE0] =	vst v63  }
0x4e: {  	_ =	swait.ge [sflag:s30], $0x1400  }
0x4f: {  	[sflag:s30] =	ssyncset.done $0x0  }
0x50: {  	s17 =	simm.s32 $0x2760;
	[sflag:s30] =	ssyncadd.s32 $0xFFFFEC00  }
0x51: {  	[spmem:s2] =	stream.indirect.scatter.add.f32 [tilespmem:s23], [sflag:$0x8], $0x40, s17, s21, $0xb8;
	[tilespmem:$0x1BAE0] =	vst v63  }
0x52: {  	s13 =	simm.s32 $0x140  }
0x53: {  	[tilespmem:s0], [sflag:$0x5] =	stream.indirect.gather [hbm4b:s4+s21], $0x40, s13, s21, $0xb8;
	[tilespmem:$0x1BAE0] =	vst v63  }
0x54: {  	_ =	swait.ge [sflag:s24], $0x1400  }
0x55: {  	[sflag:s24] =	ssyncset.done $0x0  }
0x56: {  	s17 =	simm.s32 $0x27B0;
	[sflag:s24] =	ssyncadd.s32 $0xFFFFEC00  }
0x57: {  	[spmem:s2] =	stream.indirect.scatter.add.f32 [tilespmem:s25], [sflag:$0x9], $0x40, s17, s21, $0xb8;
	[tilespmem:$0x1BAE0] =	vst v63  }
0x58: {  	s13 =	simm.s32 $0x190  }
0x59: {  	[tilespmem:s1], [sflag:$0x6] =	stream.indirect.gather [hbm4b:s4+s21], $0x40, s13, s21, $0xb8;
	[tilespmem:$0x1BAE0] =	vst v63  }
0x5a: {  	_ =	swait.ge [sflag:s28], $0x1400  }
0x5b: {  	[sflag:s28] =	ssyncset.done $0x0  }
0x5c: {  	s17 =	simm.s32 $0x2800;
	[sflag:s28] =	ssyncadd.s32 $0xFFFFEC00  }
0x5d: {  	[spmem:s2] =	stream.indirect.scatter.add.f32 [tilespmem:s29], [sflag:$0xA], $0x40, s17, s21, $0xb8;
	[tilespmem:$0x1BAE0] =	vst v63  }
0x5e: {  	_ =	swait.ge [sflag:s31], $0x1400  }
0x5f: {  	[sflag:s31] =	ssyncset.done $0x0  }
0x60: {  	s13 =	simm.s32 $0x1E0;
	[sflag:s31] =	ssyncadd.s32 $0xFFFFEC00  }
0x61: {  	[tilespmem:s22], [sflag:$0x1] =	stream.indirect.gather [hbm4b:s4+s21], $0x40, s13, s21, $0xb8;
	[tilespmem:$0x1BAE0] =	vst v63  }
0x62: {  	_ =	swait.ge [sflag:s5], $0x1400  }
0x63: {  	[sflag:s5] =	ssyncset.done $0x0  }
0x64: {  	s17 =	simm.s32 $0x2850;
	[sflag:s5] =	ssyncadd.s32 $0xFFFFEC00  }
0x65: {  	[spmem:s2] =	stream.indirect.scatter.add.f32 [tilespmem:s0], [sflag:$0xB], $0x40, s17, s21, $0xb8;
	[tilespmem:$0x1BAE0] =	vst v63  }
0x66: {  	_ =	swait.ge [sflag:s7], $0x1400  }
0x67: {  	[sflag:s7] =	ssyncset.done $0x0  }
0x68: {  	s13 =	simm.s32 $0x230;
	[sflag:s7] =	ssyncadd.s32 $0xFFFFEC00  }
0x69: {  	[tilespmem:s23], [sflag:$0x2] =	stream.indirect.gather [hbm4b:s4+s21], $0x40, s13, s21, $0xb8;
	[tilespmem:$0x1BAE0] =	vst v63  }
0x6a: {  	_ =	swait.ge [sflag:s8], $0x1400  }
0x6b: {  	[sflag:s8] =	ssyncset.done $0x0  }
0x6c: {  	s17 =	simm.s32 $0x28A0;
	[sflag:s8] =	ssyncadd.s32 $0xFFFFEC00  }
0x6d: {  	[spmem:s2] =	stream.indirect.scatter.add.f32 [tilespmem:s1], [sflag:$0xC], $0x40, s17, s21, $0xb8;
	[tilespmem:$0x1BAE0] =	vst v63  }
0x6e: {  	_ =	swait.ge [sflag:s9], $0x1400  }
0x6f: {  	[sflag:s9] =	ssyncset.done $0x0  }
0x70: {  	s13 =	simm.s32 $0x280;
	[sflag:s9] =	ssyncadd.s32 $0xFFFFEC00  }
0x71: {  	[tilespmem:s25], [sflag:$0x3] =	stream.indirect.gather [hbm4b:s4+s21], $0x40, s13, s21, $0xb8;
	[tilespmem:$0x1BAE0] =	vst v63  }
0x72: {  	_ =	swait.ge [sflag:s26], $0x1400  }
0x73: {  	[sflag:s26] =	ssyncset.done $0x0  }
0x74: {  	s17 =	simm.s32 $0x28F0;
	[sflag:s26] =	ssyncadd.s32 $0xFFFFEC00  }
0x75: {  	[spmem:s2] =	stream.indirect.scatter.add.f32 [tilespmem:s22], [sflag:$0x7], $0x40, s17, s21, $0xb8;
	[tilespmem:$0x1BAE0] =	vst v63  }
0x76: {  	_ =	swait.ge [sflag:s10], $0x1400  }
0x77: {  	[sflag:s10] =	ssyncset.done $0x0  }
0x78: {  	s13 =	simm.s32 $0x2D0;
	[sflag:s10] =	ssyncadd.s32 $0xFFFFEC00  }
0x79: {  	[tilespmem:s29], [sflag:$0x4] =	stream.indirect.gather [hbm4b:s4+s21], $0x40, s13, s21, $0xb8;
	[tilespmem:$0x1BAE0] =	vst v63  }
0x7a: {  	_ =	swait.ge [sflag:s30], $0x1400  }
0x7b: {  	[sflag:s30] =	ssyncset.done $0x0  }
0x7c: {  	s17 =	simm.s32 $0x2940;
	[sflag:s30] =	ssyncadd.s32 $0xFFFFEC00  }
0x7d: {  	[spmem:s2] =	stream.indirect.scatter.add.f32 [tilespmem:s23], [sflag:$0x8], $0x40, s17, s21, $0xb8;
	[tilespmem:$0x1BAE0] =	vst v63  }
0x7e: {  	_ =	swait.ge [sflag:s11], $0x1400  }
0x7f: {  	[sflag:s11] =	ssyncset.done $0x0  }
0x80: {  	s13 =	simm.s32 $0x320;
	[sflag:s11] =	ssyncadd.s32 $0xFFFFEC00  }
0x81: {  	[tilespmem:s0], [sflag:$0x5] =	stream.indirect.gather [hbm4b:s4+s21], $0x40, s13, s21, $0xb8;
	[tilespmem:$0x1BAE0] =	vst v63  }
0x82: {  	_ =	swait.ge [sflag:s24], $0x1400  }
0x83: {  	[sflag:s24] =	ssyncset.done $0x0  }
0x84: {  	s17 =	simm.s32 $0x2990;
	[sflag:s24] =	ssyncadd.s32 $0xFFFFEC00  }
0x85: {  	[spmem:s2] =	stream.indirect.scatter.add.f32 [tilespmem:s25], [sflag:$0x9], $0x40, s17, s21, $0xb8;
	[tilespmem:$0x1BAE0] =	vst v63  }
0x86: {  	_ =	swait.ge [sflag:s12], $0x1400  }
0x87: {  	[sflag:s12] =	ssyncset.done $0x0  }
0x88: {  	s13 =	simm.s32 $0x370;
	[sflag:s12] =	ssyncadd.s32 $0xFFFFEC00  }
0x89: {  	[tilespmem:s1], [sflag:$0x6] =	stream.indirect.gather [hbm4b:s4+s21], $0x40, s13, s21, $0xb8;
	[tilespmem:$0x1BAE0] =	vst v63  }
0x8a: {  	_ =	swait.ge [sflag:s28], $0x1400  }
0x8b: {  	[sflag:s28] =	ssyncset.done $0x0  }
0x8c: {  	s17 =	simm.s32 $0x29E0;
	[sflag:s28] =	ssyncadd.s32 $0xFFFFEC00  }
0x8d: {  	[spmem:s2] =	stream.indirect.scatter.add.f32 [tilespmem:s29], [sflag:$0xA], $0x40, s17, s21, $0xb8;
	[tilespmem:$0x1BAE0] =	vst v63  }
0x8e: {  	_ =	swait.ge [sflag:s31], $0x1400  }
0x8f: {  	[sflag:s31] =	ssyncset.done $0x0  }
0x90: {  	s13 =	simm.s32 $0x3C0;
	[sflag:s31] =	ssyncadd.s32 $0xFFFFEC00  }
0x91: {  	[tilespmem:s22], [sflag:$0x1] =	stream.indirect.gather [hbm4b:s4+s21], $0x40, s13, s21, $0xb8;
	[tilespmem:$0x1BAE0] =	vst v63  }
0x92: {  	_ =	swait.ge [sflag:s5], $0x1400  }
0x93: {  	[sflag:s5] =	ssyncset.done $0x0  }
0x94: {  	s17 =	simm.s32 $0x2A30;
	[sflag:s5] =	ssyncadd.s32 $0xFFFFEC00  }
0x95: {  	[spmem:s2] =	stream.indirect.scatter.add.f32 [tilespmem:s0], [sflag:$0xB], $0x40, s17, s21, $0xb8;
	[tilespmem:$0x1BAE0] =	vst v63  }
0x96: {  	_ =	swait.ge [sflag:s7], $0x1400  }
0x97: {  	[sflag:s7] =	ssyncset.done $0x0  }
0x98: {  	s13 =	simm.s32 $0x410;
	[sflag:s7] =	ssyncadd.s32 $0xFFFFEC00  }
0x99: {  	[tilespmem:s23], [sflag:$0x2] =	stream.indirect.gather [hbm4b:s4+s21], $0x40, s13, s21, $0xb8;
	[tilespmem:$0x1BAE0] =	vst v63  }
0x9a: {  	_ =	swait.ge [sflag:s8], $0x1400  }
0x9b: {  	[sflag:s8] =	ssyncset.done $0x0  }
0x9c: {  	s17 =	simm.s32 $0x2A80;
	[sflag:s8] =	ssyncadd.s32 $0xFFFFEC00  }
0x9d: {  	[spmem:s2] =	stream.indirect.scatter.add.f32 [tilespmem:s1], [sflag:$0xC], $0x40, s17, s21, $0xb8;
	[tilespmem:$0x1BAE0] =	vst v63  }
0x9e: {  	_ =	swait.ge [sflag:s9], $0x1400  }
0x9f: {  	[sflag:s9] =	ssyncset.done $0x0  }
0xa0: {  	s6 =	simm.s32 $0x460;
	s17 =	simm.s32 $0x780;
	[sflag:s9] =	ssyncadd.s32 $0xFFFFEC00  }
.LBB2_4:
0xa1: {  	[tilespmem:s25], [sflag:$0x3] =	stream.indirect.gather [hbm4b:s4+s21], $0x40, s6, s21, $0xb8;
	[tilespmem:$0x1BAE0] =	vst v63  }
0xa2: {  	s6 =	smov.u32 s17  }
0xa3: {  	p0 =	sne.s32 s17, $0x7F80;
	s17 =	sadd.s32 $0x780, s17;
	_ =	swait.ge [sflag:s26], $0x1400  }
0xa4: {  	s6 =	sshra.s32 s6, $0x2;
	[sflag:s26] =	ssyncset.done $0x0  }
0xa5: {  	s13 =	sadd.s32 $0x28F0, s6;
	[sflag:s26] =	ssyncadd.s32 $0xFFFFEC00  }
0xa6: {  	[spmem:s2] =	stream.indirect.scatter.add.f32 [tilespmem:s22], [sflag:$0x7], $0x40, s13, s21, $0xb8;
	[tilespmem:$0x1BAE0] =	vst v63  }
0xa7: {  	_ =	swait.ge [sflag:s10], $0x1400  }
0xa8: {  	[sflag:s10] =	ssyncset.done $0x0  }
0xa9: {  	s13 =	sadd.s32 $0x2D0, s6;
	[sflag:s10] =	ssyncadd.s32 $0xFFFFEC00  }
0xaa: {  	[tilespmem:s29], [sflag:$0x4] =	stream.indirect.gather [hbm4b:s4+s21], $0x40, s13, s21, $0xb8;
	[tilespmem:$0x1BAE0] =	vst v63  }
0xab: {  	_ =	swait.ge [sflag:s30], $0x1400  }
0xac: {  	[sflag:s30] =	ssyncset.done $0x0  }
0xad: {  	s13 =	sadd.s32 $0x2940, s6;
	[sflag:s30] =	ssyncadd.s32 $0xFFFFEC00  }
0xae: {  	[spmem:s2] =	stream.indirect.scatter.add.f32 [tilespmem:s23], [sflag:$0x8], $0x40, s13, s21, $0xb8;
	[tilespmem:$0x1BAE0] =	vst v63  }
0xaf: {  	_ =	swait.ge [sflag:s11], $0x1400  }
0xb0: {  	[sflag:s11] =	ssyncset.done $0x0  }
0xb1: {  	s13 =	sadd.s32 $0x320, s6;
	[sflag:s11] =	ssyncadd.s32 $0xFFFFEC00  }
0xb2: {  	[tilespmem:s0], [sflag:$0x5] =	stream.indirect.gather [hbm4b:s4+s21], $0x40, s13, s21, $0xb8;
	[tilespmem:$0x1BAE0] =	vst v63  }
0xb3: {  	_ =	swait.ge [sflag:s24], $0x1400  }
0xb4: {  	[sflag:s24] =	ssyncset.done $0x0  }
0xb5: {  	s13 =	sadd.s32 $0x2990, s6;
	[sflag:s24] =	ssyncadd.s32 $0xFFFFEC00  }
0xb6: {  	[spmem:s2] =	stream.indirect.scatter.add.f32 [tilespmem:s25], [sflag:$0x9], $0x40, s13, s21, $0xb8;
	[tilespmem:$0x1BAE0] =	vst v63  }
0xb7: {  	_ =	swait.ge [sflag:s12], $0x1400  }
0xb8: {  	[sflag:s12] =	ssyncset.done $0x0  }
0xb9: {  	s13 =	sadd.s32 $0x370, s6;
	[sflag:s12] =	ssyncadd.s32 $0xFFFFEC00  }
0xba: {  	[tilespmem:s1], [sflag:$0x6] =	stream.indirect.gather [hbm4b:s4+s21], $0x40, s13, s21, $0xb8;
	[tilespmem:$0x1BAE0] =	vst v63  }
0xbb: {  	_ =	swait.ge [sflag:s28], $0x1400  }
0xbc: {  	[sflag:s28] =	ssyncset.done $0x0  }
0xbd: {  	s13 =	sadd.s32 $0x29E0, s6;
	[sflag:s28] =	ssyncadd.s32 $0xFFFFEC00  }
0xbe: {  	[spmem:s2] =	stream.indirect.scatter.add.f32 [tilespmem:s29], [sflag:$0xA], $0x40, s13, s21, $0xb8;
	[tilespmem:$0x1BAE0] =	vst v63  }
0xbf: {  	_ =	swait.ge [sflag:s31], $0x1400  }
0xc0: {  	[sflag:s31] =	ssyncset.done $0x0  }
0xc1: {  	s13 =	sadd.s32 $0x3C0, s6;
	[sflag:s31] =	ssyncadd.s32 $0xFFFFEC00  }
0xc2: {  	[tilespmem:s22], [sflag:$0x1] =	stream.indirect.gather [hbm4b:s4+s21], $0x40, s13, s21, $0xb8;
	[tilespmem:$0x1BAE0] =	vst v63  }
0xc3: {  	_ =	swait.ge [sflag:s5], $0x1400  }
0xc4: {  	[sflag:s5] =	ssyncset.done $0x0  }
0xc5: {  	s13 =	sadd.s32 $0x2A30, s6;
	[sflag:s5] =	ssyncadd.s32 $0xFFFFEC00  }
0xc6: {  	[spmem:s2] =	stream.indirect.scatter.add.f32 [tilespmem:s0], [sflag:$0xB], $0x40, s13, s21, $0xb8;
	[tilespmem:$0x1BAE0] =	vst v63  }
0xc7: {  	_ =	swait.ge [sflag:s7], $0x1400  }
0xc8: {  	[sflag:s7] =	ssyncset.done $0x0  }
0xc9: {  	s13 =	sadd.s32 $0x410, s6;
	[sflag:s7] =	ssyncadd.s32 $0xFFFFEC00  }
0xca: {  	[tilespmem:s23], [sflag:$0x2] =	stream.indirect.gather [hbm4b:s4+s21], $0x40, s13, s21, $0xb8;
	[tilespmem:$0x1BAE0] =	vst v63  }
0xcb: {  	_ =	swait.ge [sflag:s8], $0x1400  }
0xcc: {  	[sflag:s8] =	ssyncset.done $0x0  }
.Ltmp1:
0xcd: {  	s13 =	sadd.s32 $0x2A80, s6;
	[sflag:s8] =	ssyncadd.s32 $0xFFFFEC00;
	(pc) =	sbr.rel @p0 .LBB2_4-.Ltmp1, $4  }
0xce: {  	[spmem:s2] =	stream.indirect.scatter.add.f32 [tilespmem:s1], [sflag:$0xC], $0x40, s13, s21, $0xb8;
	[tilespmem:$0x1BAE0] =	vst v63  }
0xcf: {  	_ =	swait.ge [sflag:s9], $0x1400  }
0xd0: {  	[sflag:s9] =	ssyncset.done $0x0  }
0xd1: {  	s6 =	sadd.s32 $0x460, s6;
	[sflag:s9] =	ssyncadd.s32 $0xFFFFEC00  }
0xd2: {  	[tilespmem:s25], [sflag:$0x3] =	stream.indirect.gather [hbm4b:s4+s21], $0x40, s6, s21, $0xb8;
	[tilespmem:$0x1BAE0] =	vst v63  }
0xd3: {  	_ =	swait.ge [sflag:s26], $0x1400  }
0xd4: {  	[sflag:s26] =	ssyncset.done $0x0  }
0xd5: {  	s13 =	simm.s32 $0x4AB0;
	[sflag:s26] =	ssyncadd.s32 $0xFFFFEC00  }
0xd6: {  	[spmem:s2] =	stream.indirect.scatter.add.f32 [tilespmem:s22], [sflag:$0x7], $0x40, s13, s21, $0xb8;
	[tilespmem:$0x1BAE0] =	vst v63  }
0xd7: {  	_ =	swait.ge [sflag:s10], $0x1400  }
0xd8: {  	[sflag:s10] =	ssyncset.done $0x0  }
0xd9: {  	s17 =	simm.s32 $0x2490;
	[sflag:s10] =	ssyncadd.s32 $0xFFFFEC00  }
0xda: {  	[tilespmem:s29], [sflag:$0x4] =	stream.indirect.gather [hbm4b:s4+s21], $0x40, s17, s21, $0xb8;
	[tilespmem:$0x1BAE0] =	vst v63  }
0xdb: {  	_ =	swait.ge [sflag:s30], $0x1400  }
0xdc: {  	[sflag:s30] =	ssyncset.done $0x0  }
0xdd: {  	s13 =	simm.s32 $0x4B00;
	[sflag:s30] =	ssyncadd.s32 $0xFFFFEC00  }
0xde: {  	[spmem:s2] =	stream.indirect.scatter.add.f32 [tilespmem:s23], [sflag:$0x8], $0x40, s13, s21, $0xb8;
	[tilespmem:$0x1BAE0] =	vst v63  }
0xdf: {  	_ =	swait.ge [sflag:s11], $0x1400  }
0xe0: {  	[sflag:s11] =	ssyncset.done $0x0  }
0xe1: {  	s17 =	simm.s32 $0x24E0;
	[sflag:s11] =	ssyncadd.s32 $0xFFFFEC00  }
0xe2: {  	[tilespmem:s0], [sflag:$0x5] =	stream.indirect.gather [hbm4b:s4+s21], $0x40, s17, s21, $0xb8;
	[tilespmem:$0x1BAE0] =	vst v63  }
0xe3: {  	_ =	swait.ge [sflag:s24], $0x1400  }
0xe4: {  	[sflag:s24] =	ssyncset.done $0x0  }
0xe5: {  	s13 =	simm.s32 $0x4B50;
	[sflag:s24] =	ssyncadd.s32 $0xFFFFEC00  }
0xe6: {  	[spmem:s2] =	stream.indirect.scatter.add.f32 [tilespmem:s25], [sflag:$0x9], $0x40, s13, s21, $0xb8;
	[tilespmem:$0x1BAE0] =	vst v63  }
0xe7: {  	_ =	swait.ge [sflag:s12], $0x1400  }
0xe8: {  	[sflag:s12] =	ssyncset.done $0x0  }
0xe9: {  	s17 =	simm.s32 $0x2530;
	[sflag:s12] =	ssyncadd.s32 $0xFFFFEC00  }
0xea: {  	[tilespmem:s1], [sflag:$0x6] =	stream.indirect.gather [hbm4b:s4+s21], $0x40, s17, s21, $0xb8;
	[tilespmem:$0x1BAE0] =	vst v63  }
0xeb: {  	_ =	swait.ge [sflag:s28], $0x1400  }
0xec: {  	[sflag:s28] =	ssyncset.done $0x0  }
0xed: {  	s13 =	simm.s32 $0x4BA0;
	[sflag:s28] =	ssyncadd.s32 $0xFFFFEC00  }
0xee: {  	[spmem:s2] =	stream.indirect.scatter.add.f32 [tilespmem:s29], [sflag:$0xA], $0x40, s13, s21, $0xb8;
	[tilespmem:$0x1BAE0] =	vst v63  }
0xef: {  	_ =	swait.ge [sflag:s31], $0x1400  }
0xf0: {  	[sflag:s31] =	ssyncset.done $0x0  }
0xf1: {  	s17 =	simm.s32 $0x2580;
	[sflag:s31] =	ssyncadd.s32 $0xFFFFEC00  }
0xf2: {  	[tilespmem:s22], [sflag:$0x1] =	stream.indirect.gather [hbm4b:s4+s21], $0x40, s17, s21, $0xb8;
	[tilespmem:$0x1BAE0] =	vst v63  }
0xf3: {  	_ =	swait.ge [sflag:s5], $0x1400  }
0xf4: {  	[sflag:s5] =	ssyncset.done $0x0  }
0xf5: {  	s13 =	simm.s32 $0x4BF0;
	[sflag:s5] =	ssyncadd.s32 $0xFFFFEC00  }
0xf6: {  	[spmem:s2] =	stream.indirect.scatter.add.f32 [tilespmem:s0], [sflag:$0xB], $0x40, s13, s21, $0xb8;
	[tilespmem:$0x1BAE0] =	vst v63  }
0xf7: {  	_ =	swait.ge [sflag:s7], $0x1400  }
0xf8: {  	[sflag:s7] =	ssyncset.done $0x0  }
0xf9: {  	s17 =	simm.s32 $0x25D0;
	[sflag:s7] =	ssyncadd.s32 $0xFFFFEC00  }
0xfa: {  	[tilespmem:s23], [sflag:$0x2] =	stream.indirect.gather [hbm4b:s4+s21], $0x40, s17, s21, $0xb8;
	[tilespmem:$0x1BAE0] =	vst v63  }
0xfb: {  	_ =	swait.ge [sflag:s8], $0x1400  }
0xfc: {  	[sflag:s8] =	ssyncset.done $0x0  }
0xfd: {  	s13 =	simm.s32 $0x4C40;
	[sflag:s8] =	ssyncadd.s32 $0xFFFFEC00  }
0xfe: {  	[spmem:s2] =	stream.indirect.scatter.add.f32 [tilespmem:s1], [sflag:$0xC], $0x40, s13, s21, $0xb8;
	[tilespmem:$0x1BAE0] =	vst v63  }
0xff: {  	_ =	swait.ge [sflag:s9], $0x1400  }
0x100: {  	[sflag:s9] =	ssyncset.done $0x0  }
0x101: {  	s17 =	simm.s32 $0x2620;
	[sflag:s9] =	ssyncadd.s32 $0xFFFFEC00  }
0x102: {  	[tilespmem:s25], [sflag:$0x3] =	stream.indirect.gather [hbm4b:s4+s21], $0x40, s17, s21, $0xb8;
	[tilespmem:$0x1BAE0] =	vst v63  }
0x103: {  	_ =	swait.ge [sflag:s26], $0x1400  }
0x104: {  	[sflag:s26] =	ssyncset.done $0x0  }
0x105: {  	s13 =	simm.s32 $0x4C90;
	[sflag:s26] =	ssyncadd.s32 $0xFFFFEC00  }
0x106: {  	[spmem:s2] =	stream.indirect.scatter.add.f32 [tilespmem:s22], [sflag:$0x7], $0x40, s13, s21, $0xb8;
	[tilespmem:$0x1BAE0] =	vst v63  }
0x107: {  	_ =	swait.ge [sflag:s10], $0x1400  }
0x108: {  	[sflag:s10] =	ssyncset.done $0x0  }
0x109: {  	s17 =	simm.s32 $0x2670;
	[sflag:s10] =	ssyncadd.s32 $0xFFFFEC00  }
0x10a: {  	[tilespmem:s29], [sflag:$0x4] =	stream.indirect.gather [hbm4b:s4+s21], $0x40, s17, s21, $0xb8;
	[tilespmem:$0x1BAE0] =	vst v63  }
0x10b: {  	_ =	swait.ge [sflag:s30], $0x1400  }
0x10c: {  	[sflag:s30] =	ssyncset.done $0x0  }
0x10d: {  	s13 =	simm.s32 $0x4CE0;
	[sflag:s30] =	ssyncadd.s32 $0xFFFFEC00  }
0x10e: {  	[spmem:s2] =	stream.indirect.scatter.add.f32 [tilespmem:s23], [sflag:$0x8], $0x40, s13, s21, $0xb8;
	[tilespmem:$0x1BAE0] =	vst v63  }
0x10f: {  	_ =	swait.ge [sflag:s11], $0x1400  }
0x110: {  	[sflag:s11] =	ssyncset.done $0x0  }
0x111: {  	s17 =	simm.s32 $0x26C0;
	[sflag:s11] =	ssyncadd.s32 $0xFFFFEC00  }
0x112: {  	[tilespmem:s0], [sflag:$0x5] =	stream.indirect.gather [hbm4b:s4+s21], $0x40, s17, s21, $0xb8;
	[tilespmem:$0x1BAE0] =	vst v63  }
0x113: {  	_ =	swait.ge [sflag:s24], $0x1400  }
0x114: {  	[sflag:s24] =	ssyncset.done $0x0  }
0x115: {  	s13 =	simm.s32 $0x4D30;
	[sflag:s24] =	ssyncadd.s32 $0xFFFFEC00  }
0x116: {  	[spmem:s2] =	stream.indirect.scatter.add.f32 [tilespmem:s25], [sflag:$0x9], $0x40, s13, s21, $0xb8;
	[tilespmem:$0x1BAE0] =	vst v63  }
0x117: {  	_ =	swait.ge [sflag:s12], $0x1400  }
0x118: {  	[sflag:s12] =	ssyncset.done $0x0  }
0x119: {  	[sflag:s12] =	ssyncadd.s32 $0xFFFFEC00  }
0x11a: {  	_ =	swait.ge [sflag:s28], $0x1400  }
0x11b: {  	[sflag:s28] =	ssyncset.done $0x0  }
0x11c: {  	s17 =	simm.s32 $0x4D80;
	[sflag:s28] =	ssyncadd.s32 $0xFFFFEC00  }
0x11d: {  	[spmem:s2] =	stream.indirect.scatter.add.f32 [tilespmem:s29], [sflag:$0xA], $0x40, s17, s21, $0xb8;
	[tilespmem:$0x1BAE0] =	vst v63  }
0x11e: {  	_ =	swait.ge [sflag:s31], $0x1400  }
0x11f: {  	[sflag:s31] =	ssyncset.done $0x0  }
0x120: {  	[sflag:s31] =	ssyncadd.s32 $0xFFFFEC00  }
0x121: {  	_ =	swait.ge [sflag:s5], $0x1400  }
0x122: {  	[sflag:s5] =	ssyncset.done $0x0  }
0x123: {  	s13 =	simm.s32 $0x4DD0;
	[sflag:s5] =	ssyncadd.s32 $0xFFFFEC00  }
0x124: {  	[spmem:s2] =	stream.indirect.scatter.add.f32 [tilespmem:s0], [sflag:$0xB], $0x40, s13, s21, $0xb8;
	[tilespmem:$0x1BAE0] =	vst v63  }
0x125: {  	_ =	swait.ge [sflag:s7], $0x1400  }
0x126: {  	[sflag:s7] =	ssyncset.done $0x0  }
0x127: {  	[sflag:s7] =	ssyncadd.s32 $0xFFFFEC00  }
0x128: {  	_ =	swait.ge [sflag:s9], $0x1400  }
0x129: {  	[sflag:s9] =	ssyncset.done $0x0  }
0x12a: {  	[sflag:s9] =	ssyncadd.s32 $0xFFFFEC00  }
0x12b: {  	_ =	swait.ge [sflag:s10], $0x1400  }
0x12c: {  	[sflag:s10] =	ssyncset.done $0x0  }
0x12d: {  	[sflag:s10] =	ssyncadd.s32 $0xFFFFEC00  }
0x12e: {  	_ =	swait.ge [sflag:s11], $0x1400  }
0x12f: {  	[sflag:s11] =	ssyncset.done $0x0  }
0x130: {  	s13 =	simm.s32 $0xE620;
	s17 =	rddreg [dreg:$0xb];
	[sflag:s11] =	ssyncadd.s32 $0xFFFFEC00  }
0x131: {  	[tilespmem:s13], [sflag:$0xD] =	stream.linear.gather [hbm4b:s17+s3], $0x40, $0x38;
	[tilespmem:$0x1BAE0] =	vst v63  }
0x132: {  	_ =	swait.ge [sflag:s18], $0x40  }
0x133: {  	[sflag:s18] =	ssyncset.done $0x0  }
0x134: {  	s17 =	simm.s32 $0x40;
	s6 =	rddreg [dreg:$0x3];
	[sflag:s18] =	ssyncadd.s32 $0xFFFFFFC0  }
0x135: {  	[tilespmem:s19], [sflag:$0x1] =	stream.indirect.gather [hbm4b:s6+s17], $0x50, s13, s17, $0xb8;
	[tilespmem:$0x1BAE0] =	vst v63  }
0x136: {  	_ =	swait.ge [sflag:s26], $0x1400  }
0x137: {  	[sflag:s26] =	ssyncset.done $0x0  }
0x138: {  	s17 =	rddreg [dreg:$0xc];
	[sflag:s26] =	ssyncadd.s32 $0xFFFFEC00  }
0x139: {  	[hbm4b:s17+s3] =	stream.linear.scatter [tilespmem:s19], [sflag:$0xD], $0x1400, $0x38;
	[tilespmem:$0x1BAE0] =	vst v63  }
0x13a: {  	_ =	swait.ge [sflag:s18], $0x1400  }
0x13b: {  	[sflag:s18] =	ssyncset.done $0x0  }
0x13c: {  	[sflag:s18] =	ssyncadd.s32 $0xFFFFEC00  }
0x13d: {  	[bflag:$0x0] =	sbarrier.arrive $0xFFFF  }
0x13e: {  	s13 =	rddreg [dreg:$0xd]  }
0x13f: {  	[tilespmem:s14], [sflag:$0xD] =	stream.linear.gather [hbm4b:s13+s3], $0x80, $0x38;
	[tilespmem:$0x1BAE0] =	vst v63  }
0x140: {  	_ =	swait.ge [sflag:s18], $0x80  }
0x141: {  	[sflag:s18] =	ssyncset.done $0x0  }
0x142: {  	s17 =	simm.s32 $0x80;
	[sflag:s18] =	ssyncadd.s32 $0xFFFFFF80  }
0x143: {  	[tilespmem:s15], [sflag:$0x1] =	stream.indirect.gather [spmem:s2], $0x40, s14, s17, $0xb8;
	[tilespmem:$0x1BAE0] =	vst v63  }
0x144: {  	_ =	swait.ge [sflag:s26], $0x2000  }
0x145: {  	[sflag:s26] =	ssyncset.done $0x0  }
0x146: {  	s13 =	rddreg [dreg:$0xe];
	[sflag:s26] =	ssyncadd.s32 $0xFFFFE000  }
0x147: {  	[hbm4b:s13+s3] =	stream.linear.scatter [tilespmem:s15], [sflag:$0xD], $0x2000, $0x38;
	[tilespmem:$0x1BAE0] =	vst v63  }
0x148: {  	_ =	swait.ge [sflag:s18], $0x2000  }
0x149: {  	s16 =	sadd.s32 $0x1, s16;
	s17 =	rddreg [dreg:$0xf]  }
0x14a: {  	p0 =	sne.s32 s16, s17  }
.Ltmp2:
0x14b: {  	_ = 	snop;
	(pc) =	sbr.rel @p0 .LBB2_1-.Ltmp2, $3  }
0x14c: {  	_ =	sdelay $0x1  }
0x14d: {  	[sflag:s18] =	ssyncset.done $0x0  }
0x14e: {  	[sflag:s18] =	ssyncadd.s32 $0xFFFFE000  }
0x14f: {  	_ =	sfence.sel $0x180000  }
0x150: {  	[bflag:$0x0] =	sbarrier.arrive $0xFFFF  }
0x151: {  	_ =	strace $0x9000004A  }
0x152: {  	s0 =	stileid.u32;
	[bflag:$0x2] =	sbarrier.arrive $0xFFFF  }
0x153: {  	p0 =	sne.s32 s0, $0x0;
	s0 =	rddreg [dreg:$0x2]  }
0x154: {  	s0 =	sadd.s32 @!p0 $0x100000, s0  }
0x155: {  	[sflag:s0] =	ssyncadd.tile.s32 @!p0 $0x1;
	_ =	shalt  }
.Lfunc_end2:
_tile_overlayer_lowered:
.L_overlay_start_2:
0x156: {  	(tag) =	ssettag $0x2  }
0x157: {  	s0 =	rddreg [dreg:$0x0];
	s2 =	stileid.u32  }
0x158: {  	s1 =	rddreg [dreg:$0x1];
	p0 =	sne.s32 s2, $0x0  }
0x159: {  	s3 =	rddreg [dreg:$0x2];
	[bflag:$0x3] =	sbarrier.arrive $0xFFFF;
	s2 =	simm.s32 @!p0 $0x1C0D  }
0x15a: {  	[timem:s3], [sflag:s2] =	dma.local @!p0 [hbm:s0], s1  }
0x15b: {  	s0 =	simm.s32 @!p0 $0xD  }
0x15c: {  	_ =	swait.ge @!p0 [sflag:s0], s1  }
0x15d: {  	s1 =	ssub.s32 @!p0 $0x0, s1;
	[sflag:s0] =	ssyncset.done @!p0 $0x0  }
0x15e: {  	[sflag:s0] =	ssyncadd.s32 @!p0 s1  }
0x15f: {  	[bflag:$0x3] =	sbarrier.arrive $0xFFFF  }
0x160: {  	_ =	shalt  }

</sc_bundles>
